<compile_context>
chip_gen: v7x
topology: tpu7x:2x2x1
jax: 0.10.2.dev20260603
libtpu: 0.0.44.dev20260713+nightly
codegen_flags: <defaults>
</compile_context>

<pallas_src>
import functools

import jax
import jax.numpy as jnp
from jax import lax
from jax.experimental import pallas as pl
from jax.experimental.pallas import tpu as pltpu
from jax.experimental.pallas import tpu_sc as plsc

KNB = 20
EPS = 1e-5
SLOPE = 0.2


def _lrelu(x):
    return jnp.where(x >= 0, x, SLOPE * x)



def _knn_body(q_ref, t_ref, idx_ref, *, R, N, nk):
    b = pl.program_id(0)
    q = q_ref[0]
    t = t_ref[0]
    d = lax.dot_general(q, t, (((1,), (1,)), ((), ())),
                        preferred_element_type=jnp.float32)
    qn = jnp.sum(q * q, axis=1, keepdims=True)
    tn = jnp.sum(t * t, axis=1)[None, :]
    pd = 2.0 * d - qn - tn
    iota = lax.broadcasted_iota(jnp.int32, (R, N), 1)
    base = b * N
    for k in range(nk):
        m = jnp.max(pd, axis=1, keepdims=True)
        am = jnp.min(jnp.where(pd >= m, iota, N), axis=1)
        idx_ref[0, :, k] = am + base
        pd = jnp.where(iota == am[:, None], -jnp.inf, pd)


def _knn(xt, R=256):
    B, N, C = xt.shape
    return pl.pallas_call(
        functools.partial(_knn_body, R=R, N=N, nk=KNB),
        grid=(B, N // R),
        in_specs=[
            pl.BlockSpec((1, R, C), lambda b, r: (b, r, 0)),
            pl.BlockSpec((1, N, C), lambda b, r: (b, 0, 0)),
        ],
        out_specs=pl.BlockSpec((1, R, KNB), lambda b, r: (b, r, 0)),
        out_shape=jax.ShapeDtypeStruct((B, N, KNB), jnp.int32),
    )(xt, xt)



def _sc_gather(table, idx_flat):
    M = idx_flat.shape[0]
    D = table.shape[1]
    info = plsc.get_sparse_core_info()
    NW = info.num_cores * info.num_subcores
    CH = 128
    m_per = M // NW
    iters = m_per // CH
    mesh = plsc.VectorSubcoreMesh(core_axis_name="c", subcore_axis_name="s")

    @functools.partial(
        pl.kernel,
        mesh=mesh,
        compiler_params=pltpu.CompilerParams(use_tc_tiling_on_sc=False),
        out_type=jax.ShapeDtypeStruct((M, D), jnp.float32),
        scratch_types=[
            pltpu.VMEM((CH,), jnp.int32),
            pltpu.VMEM((CH, D), jnp.float32),
            pltpu.SemaphoreType.DMA,
        ],
    )
    def k(table_hbm, idx_hbm, out_hbm, idx_v, rows_v, sem):
        wid = lax.axis_index("s") * info.num_cores + lax.axis_index("c")
        base0 = wid * m_per

        def body(i, carry):
            base = base0 + i * CH
            pltpu.sync_copy(idx_hbm.at[pl.ds(base, CH)], idx_v)
            pltpu.async_copy(table_hbm.at[idx_v], rows_v, sem).wait()
            pltpu.sync_copy(rows_v, out_hbm.at[pl.ds(base, CH)])
            return carry

        lax.fori_loop(0, iters, body, 0)

    return k(table, idx_flat)



def _bact(y, st_ref, gb_ref):
    return _lrelu((y - st_ref[0, :]) / st_ref[1, :] * gb_ref[0, :]
                  + gb_ref[1, :])


def _acc_stats(stats_ref, part_ref, m0_ref, y, p, P, M):
    axes = tuple(range(y.ndim - 1))
    cnt = 1.0
    for d_ in y.shape[:-1]:
        cnt *= d_

    @pl.when(p == 0)
    def _():
        m0_ref[0, :] = jnp.sum(y, axis=axes) / cnt

    m0 = m0_ref[0, :]
    yc = y - m0
    part_ref[0, p, :] = jnp.sum(yc, axis=axes)
    part_ref[1, p, :] = jnp.sum(yc * yc, axis=axes)

    @pl.when(p == P - 1)
    def _():
        s = jnp.sum(part_ref[0], axis=0)
        sq = jnp.sum(part_ref[1], axis=0)
        dm = s / M
        var = jnp.maximum(sq / M - dm * dm, 0.0)
        stats_ref[0, :] = m0 + dm
        stats_ref[1, :] = jnp.sqrt(var + EPS)


def _edge_feat(g_ref, q_ref, C, R, nk):
    D = g_ref.shape[1]
    f = g_ref[...].reshape(R, nk, D)
    q = q_ref[...]
    fm = f - q[:, None, :]
    feat = jnp.concatenate(
        [fm[:, :, :C], jnp.broadcast_to(q[:, None, :C], (R, nk, C))], axis=2)
    return feat.reshape(R * nk, 2 * C)


def _edge_stats1_body(g_ref, q_ref, w1_ref, stats_ref, part_ref, m0_ref, *,
                      C, R, nk, M, P):
    p = pl.program_id(0)
    y1 = lax.dot_general(_edge_feat(g_ref, q_ref, C, R, nk), w1_ref[...],
                         (((1,), (1,)), ((), ())),
                         preferred_element_type=jnp.float32)
    _acc_stats(stats_ref, part_ref, m0_ref, y1, p, P, M)


def _edge_stats2_body(g_ref, q_ref, w1_ref, st1_ref, gb1_ref, w2_ref,
                      stats_ref, part_ref, m0_ref, *, C, R, nk, M, P):
    p = pl.program_id(0)
    y1 = lax.dot_general(_edge_feat(g_ref, q_ref, C, R, nk), w1_ref[...],
                         (((1,), (1,)), ((), ())),
                         preferred_element_type=jnp.float32)
    z1 = _bact(y1, st1_ref, gb1_ref)
    y2 = lax.dot_general(z1, w2_ref[...], (((1,), (1,)), ((), ())),
                         preferred_element_type=jnp.float32)
    _acc_stats(stats_ref, part_ref, m0_ref, y2, p, P, M)


def _edge_final2_body(g_ref, q_ref, w1_ref, st1_ref, gb1_ref, st2_ref,
                      gb2_ref, w2_ref, out_ref, *, C, R, nk):
    y1 = lax.dot_general(_edge_feat(g_ref, q_ref, C, R, nk), w1_ref[...],
                         (((1,), (1,)), ((), ())),
                         preferred_element_type=jnp.float32)
    z1 = _bact(y1, st1_ref, gb1_ref)
    y2 = lax.dot_general(z1, w2_ref[...], (((1,), (1,)), ((), ())),
                         preferred_element_type=jnp.float32)
    z2 = _bact(y2, st2_ref, gb2_ref).reshape(R, nk, -1)
    out_ref[...] = jnp.max(z2, axis=1)


def _edge_final1_body(g_ref, q_ref, w1_ref, st1_ref, gb1_ref, out_ref, *,
                      C, R, nk):
    y1 = lax.dot_general(_edge_feat(g_ref, q_ref, C, R, nk), w1_ref[...],
                         (((1,), (1,)), ((), ())),
                         preferred_element_type=jnp.float32)
    z1 = _bact(y1, st1_ref, gb1_ref).reshape(R, nk, -1)
    out_ref[...] = jnp.max(z1, axis=1)


def _edge_stage(G, q_flat, C, w1, gb1, w2, gb2, R=512):
    BN, D = q_flat.shape
    P = BN // R
    M = float(BN * KNB)
    grid = (P,)
    g_spec = pl.BlockSpec((R * KNB, D), lambda p: (p, 0))
    q_spec = pl.BlockSpec((R, D), lambda p: (p, 0))
    st_spec = pl.BlockSpec((2, 64), lambda p: (0, 0))
    w1_spec = pl.BlockSpec(w1.shape, lambda p: (0, 0))
    w2_spec = pl.BlockSpec(w2.shape, lambda p: (0, 0))
    st_shape = jax.ShapeDtypeStruct((2, 64), jnp.float32)
    scr = [pltpu.VMEM((2, P, 64), jnp.float32), pltpu.VMEM((1, 64), jnp.float32)]

    st1 = pl.pallas_call(
        functools.partial(_edge_stats1_body, C=C, R=R, nk=KNB, M=M, P=P),
        grid=grid,
        in_specs=[g_spec, q_spec, w1_spec],
        out_specs=st_spec,
        out_shape=st_shape,
        scratch_shapes=scr,
    )(G, q_flat, w1)

    st2 = pl.pallas_call(
        functools.partial(_edge_stats2_body, C=C, R=R, nk=KNB, M=M, P=P),
        grid=grid,
        in_specs=[g_spec, q_spec, w1_spec, st_spec, st_spec, w2_spec],
        out_specs=st_spec,
        out_shape=st_shape,
        scratch_shapes=scr,
    )(G, q_flat, w1, st1, gb1, w2)

    x = pl.pallas_call(
        functools.partial(_edge_final2_body, C=C, R=R, nk=KNB),
        grid=grid,
        in_specs=[g_spec, q_spec, w1_spec, st_spec, st_spec, st_spec,
                  st_spec, w2_spec],
        out_specs=pl.BlockSpec((R, 64), lambda p: (p, 0)),
        out_shape=jax.ShapeDtypeStruct((BN, 64), jnp.float32),
    )(G, q_flat, w1, st1, gb1, st2, gb2, w2)
    return x


def _edge_stage1conv(G, q_flat, C, w1, gb1, R=512):
    BN, D = q_flat.shape
    P = BN // R
    M = float(BN * KNB)
    grid = (P,)
    g_spec = pl.BlockSpec((R * KNB, D), lambda p: (p, 0))
    q_spec = pl.BlockSpec((R, D), lambda p: (p, 0))
    st_spec = pl.BlockSpec((2, 64), lambda p: (0, 0))
    w1_spec = pl.BlockSpec(w1.shape, lambda p: (0, 0))
    st_shape = jax.ShapeDtypeStruct((2, 64), jnp.float32)
    scr = [pltpu.VMEM((2, P, 64), jnp.float32), pltpu.VMEM((1, 64), jnp.float32)]

    st1 = pl.pallas_call(
        functools.partial(_edge_stats1_body, C=C, R=R, nk=KNB, M=M, P=P),
        grid=grid,
        in_specs=[g_spec, q_spec, w1_spec],
        out_specs=st_spec,
        out_shape=st_shape,
        scratch_shapes=scr,
    )(G, q_flat, w1)

    x = pl.pallas_call(
        functools.partial(_edge_final1_body, C=C, R=R, nk=KNB),
        grid=grid,
        in_specs=[g_spec, q_spec, w1_spec, st_spec, st_spec],
        out_specs=pl.BlockSpec((R, 64), lambda p: (p, 0)),
        out_shape=jax.ShapeDtypeStruct((BN, 64), jnp.float32),
    )(G, q_flat, w1, st1, gb1)
    return x



def _tail_stats6_body(x1_ref, x2_ref, x3_ref, w6_ref, stats_ref,
                      part_ref, m0_ref, *, M, P):
    p = pl.program_id(0)
    h = jnp.concatenate([x1_ref[...], x2_ref[...], x3_ref[...]], axis=1)
    y = lax.dot_general(h, w6_ref[...], (((1,), (1,)), ((), ())),
                        preferred_element_type=jnp.float32)
    _acc_stats(stats_ref, part_ref, m0_ref, y, p, P, M)


def _tail_max6_body(x1_ref, x2_ref, x3_ref, w6_ref, st_ref, gb_ref,
                    out_ref, *, PR):
    r = pl.program_id(1)
    h = jnp.concatenate([x1_ref[...], x2_ref[...], x3_ref[...]], axis=1)
    y = lax.dot_general(h, w6_ref[...], (((1,), (1,)), ((), ())),
                        preferred_element_type=jnp.float32)
    z = _bact(y, st_ref, gb_ref)

    @pl.when(r == 0)
    def _():
        out_ref[...] = jnp.full_like(out_ref, -jnp.inf)

    out_ref[0, 0, :] = jnp.maximum(out_ref[0, 0, :], jnp.max(z, axis=0))


def _tail_y7(x1_ref, x2_ref, x3_ref, g_ref, w7g_ref, w7x_ref):
    h = jnp.concatenate([x1_ref[...], x2_ref[...], x3_ref[...]], axis=1)
    t = lax.dot_general(g_ref[0], w7g_ref[...], (((1,), (1,)), ((), ())),
                        preferred_element_type=jnp.float32)
    return lax.dot_general(h, w7x_ref[...], (((1,), (1,)), ((), ())),
                           preferred_element_type=jnp.float32) + t


def _tail_stats7_body(x1_ref, x2_ref, x3_ref, g_ref, w7g_ref, w7x_ref,
                      stats_ref, part_ref, m0_ref, *, M, P):
    p = pl.program_id(0)
    y = _tail_y7(x1_ref, x2_ref, x3_ref, g_ref, w7g_ref, w7x_ref)
    _acc_stats(stats_ref, part_ref, m0_ref, y, p, P, M)


def _tail_stats8_body(x1_ref, x2_ref, x3_ref, g_ref, w7g_ref, w7x_ref,
                      st7_ref, gb7_ref, w8_ref, stats_ref, part_ref,
                      m0_ref, *, M, P):
    p = pl.program_id(0)
    y7 = _tail_y7(x1_ref, x2_ref, x3_ref, g_ref, w7g_ref, w7x_ref)
    z7 = _bact(y7, st7_ref, gb7_ref)
    y8 = lax.dot_general(z7, w8_ref[...], (((1,), (1,)), ((), ())),
                         preferred_element_type=jnp.float32)
    _acc_stats(stats_ref, part_ref, m0_ref, y8, p, P, M)


def _tail_out_body(x1_ref, x2_ref, x3_ref, g_ref, w7g_ref, w7x_ref,
                   st7_ref, gb7_ref, w8_ref, st8_ref, gb8_ref, w9_ref,
                   out_ref):
    y7 = _tail_y7(x1_ref, x2_ref, x3_ref, g_ref, w7g_ref, w7x_ref)
    z7 = _bact(y7, st7_ref, gb7_ref)
    y8 = lax.dot_general(z7, w8_ref[...], (((1,), (1,)), ((), ())),
                         preferred_element_type=jnp.float32)
    z8 = _bact(y8, st8_ref, gb8_ref)
    out_ref[...] = lax.dot_general(z8, w9_ref[...], (((1,), (1,)), ((), ())),
                                   preferred_element_type=jnp.float32)


def kernel(x, params):
    p = params
    B, C, N = x.shape
    BN = B * N
    xt = jnp.swapaxes(x, 1, 2)

    def gb(i):
        return jnp.stack([p['g' + i], p['b' + i]])

    xt_p = jnp.pad(xt, ((0, 0), (0, 0), (0, 16 - C))).reshape(BN, 16)
    idx = _knn(xt)
    G = _sc_gather(xt_p, idx.reshape(BN * KNB))
    x1 = _edge_stage(G, xt_p, C, p['W1'], gb('1'), p['W2'], gb('2'))

    idx = _knn(x1.reshape(B, N, 64))
    G = _sc_gather(x1, idx.reshape(BN * KNB))
    x2 = _edge_stage(G, x1, 64, p['W3'], gb('3'), p['W4'], gb('4'))

    idx = _knn(x2.reshape(B, N, 64))
    G = _sc_gather(x2, idx.reshape(BN * KNB))
    x3 = _edge_stage1conv(G, x2, 64, p['W5'], gb('5'))

    out = _tail(x1, x2, x3, p, B, N)
    return out.reshape(B, N, 9)


def _tail(x1, x2, x3, p, B, N):
    BN = B * N

    def gb(i):
        return jnp.stack([p['g' + i], p['b' + i]])

    RT = 1024
    P = BN // RT
    xs_spec = pl.BlockSpec((RT, 64), lambda q: (q, 0))
    Mt = float(BN)

    st6 = pl.pallas_call(
        functools.partial(_tail_stats6_body, M=Mt, P=P),
        grid=(P,),
        in_specs=[xs_spec, xs_spec, xs_spec,
                  pl.BlockSpec((1024, 192), lambda q: (0, 0))],
        out_specs=pl.BlockSpec((2, 1024), lambda q: (0, 0)),
        out_shape=jax.ShapeDtypeStruct((2, 1024), jnp.float32),
        scratch_shapes=[pltpu.VMEM((2, P, 1024), jnp.float32),
                        pltpu.VMEM((1, 1024), jnp.float32)],
    )(x1, x2, x3, p['W6'])

    PR = N // RT
    xs_spec_b = pl.BlockSpec((RT, 64), lambda b, r: (b * PR + r, 0))
    g = pl.pallas_call(
        functools.partial(_tail_max6_body, PR=PR),
        grid=(B, PR),
        in_specs=[xs_spec_b, xs_spec_b, xs_spec_b,
                  pl.BlockSpec((1024, 192), lambda b, r: (0, 0)),
                  pl.BlockSpec((2, 1024), lambda b, r: (0, 0)),
                  pl.BlockSpec((2, 1024), lambda b, r: (0, 0))],
        out_specs=pl.BlockSpec((1, 1, 1024), lambda b, r: (b, 0, 0)),
        out_shape=jax.ShapeDtypeStruct((B, 1, 1024), jnp.float32),
    )(x1, x2, x3, p['W6'], st6, gb('6'))

    w7g = p['W7'][:, :1024]
    w7x = p['W7'][:, 1024:]
    g_spec = pl.BlockSpec((1, 1, 1024), lambda q: (q // PR, 0, 0))
    w7g_spec = pl.BlockSpec((512, 1024), lambda q: (0, 0))
    w7x_spec = pl.BlockSpec((512, 192), lambda q: (0, 0))
    st7_spec = pl.BlockSpec((2, 512), lambda q: (0, 0))
    st8_spec = pl.BlockSpec((2, 256), lambda q: (0, 0))

    st7 = pl.pallas_call(
        functools.partial(_tail_stats7_body, M=Mt, P=P),
        grid=(P,),
        in_specs=[xs_spec, xs_spec, xs_spec, g_spec, w7g_spec, w7x_spec],
        out_specs=st7_spec,
        out_shape=jax.ShapeDtypeStruct((2, 512), jnp.float32),
        scratch_shapes=[pltpu.VMEM((2, P, 512), jnp.float32),
                        pltpu.VMEM((1, 512), jnp.float32)],
    )(x1, x2, x3, g, w7g, w7x)

    st8 = pl.pallas_call(
        functools.partial(_tail_stats8_body, M=Mt, P=P),
        grid=(P,),
        in_specs=[xs_spec, xs_spec, xs_spec, g_spec, w7g_spec, w7x_spec,
                  st7_spec, st7_spec,
                  pl.BlockSpec((256, 512), lambda q: (0, 0))],
        out_specs=st8_spec,
        out_shape=jax.ShapeDtypeStruct((2, 256), jnp.float32),
        scratch_shapes=[pltpu.VMEM((2, P, 256), jnp.float32),
                        pltpu.VMEM((1, 256), jnp.float32)],
    )(x1, x2, x3, g, w7g, w7x, st7, gb('7'), p['W8'])

    out = pl.pallas_call(
        _tail_out_body,
        grid=(P,),
        in_specs=[xs_spec, xs_spec, xs_spec, g_spec, w7g_spec, w7x_spec,
                  st7_spec, st7_spec,
                  pl.BlockSpec((256, 512), lambda q: (0, 0)),
                  st8_spec, st8_spec,
                  pl.BlockSpec((9, 256), lambda q: (0, 0))],
        out_specs=pl.BlockSpec((RT, 9), lambda q: (q, 0)),
        out_shape=jax.ShapeDtypeStruct((BN, 9), jnp.float32),
    )(x1, x2, x3, g, w7g, w7x, st7, gb('7'), p['W8'], st8, gb('8'), p['W9'])

    return out

# --- scband reference (transcript-rebuilt; emitter-appended) ---
"""Pipeline reference for scband-dgcnn-35218731827840 (READ-ONLY COPY).

The authoritative reference and input builder live on the scoring server;
editing this copy changes nothing except your own understanding.
"""

import jax, jax.numpy as jnp
import numpy as np

K = 20
EPS = 1e-5

def knn_idx(x, k):
    xT = jnp.swapaxes(x, 1, 2)
    inner = -2.0 * jnp.matmul(xT, x)
    xx = jnp.sum(x * x, axis=1, keepdims=True)
    pd = -xx - inner - jnp.swapaxes(xx, 1, 2)
    return jax.lax.top_k(jax.lax.stop_gradient(pd), k)[1]

def get_graph_feature(x, k):
    B, C, N = x.shape
    idx = knn_idx(x, k)
    xt = jnp.swapaxes(x, 1, 2)
    idx_f = (idx + jnp.arange(B).reshape(-1, 1, 1) * N).reshape(-1)
    feature = xt.reshape(B * N, C)[idx_f].reshape(B, N, k, C)
    xr = jnp.broadcast_to(xt[:, :, None, :], (B, N, k, C))
    feat = jnp.concatenate([feature - xr, xr], axis=3)
    return jnp.transpose(feat, (0, 3, 1, 2))

def bn(x, g, b, axes):
    m = jnp.mean(x, axis=axes, keepdims=True)
    v = jnp.var(x, axis=axes, keepdims=True)
    sh = [1] * x.ndim
    sh[1] = -1
    return (x - m) / jnp.sqrt(v + EPS) * g.reshape(sh) + b.reshape(sh)

def cbr2(x, W, g, b):
    y = jnp.einsum('oc,bcnk->bonk', W, x)
    return jax.nn.leaky_relu(bn(y, g, b, (0, 2, 3)), 0.2)

def cbr1(x, W, g, b):
    y = jnp.einsum('oc,bcn->bon', W, x)
    return jax.nn.leaky_relu(bn(y, g, b, (0, 2)), 0.2)

def forward(x, params):
    p = params
    N = x.shape[2]
    h = get_graph_feature(x, K)
    h = cbr2(h, p['W1'], p['g1'], p['b1'])
    h = cbr2(h, p['W2'], p['g2'], p['b2'])
    x1 = jnp.max(h, axis=-1)
    h = get_graph_feature(x1, K)
    h = cbr2(h, p['W3'], p['g3'], p['b3'])
    h = cbr2(h, p['W4'], p['g4'], p['b4'])
    x2 = jnp.max(h, axis=-1)
    h = get_graph_feature(x2, K)
    h = cbr2(h, p['W5'], p['g5'], p['b5'])
    x3 = jnp.max(h, axis=-1)
    h = jnp.concatenate([x1, x2, x3], axis=1)
    h = cbr1(h, p['W6'], p['g6'], p['b6'])
    h = jnp.max(h, axis=-1, keepdims=True)
    h = jnp.tile(h, (1, 1, N))
    h = jnp.concatenate([h, x1, x2, x3], axis=1)
    h = cbr1(h, p['W7'], p['g7'], p['b7'])
    h = cbr1(h, p['W8'], p['g8'], p['b8'])
    h = jnp.einsum('oc,bcn->bon', p['W9'], h)
    return jnp.swapaxes(h, 2, 1)

def setup_inputs(seed: int = 0):
    key = jax.random.key(seed)
    ks = jax.random.split(key, 12)
    x = jax.random.normal(ks[0], (4, 3, 4096), dtype=jnp.float32)
    dims = {'W1': (64, 6), 'W2': (64, 64), 'W3': (64, 128), 'W4': (64, 64), 'W5': (64, 128), 'W6': (1024, 192), 'W7': (512, 1216), 'W8': (256, 512), 'W9': (9, 256)}
    params = {}
    for i, name in enumerate(sorted(dims.keys())):
        sh = dims[name]
        params[name] = jax.random.normal(ks[i + 1], sh, dtype=jnp.float32) * (1.0 / np.sqrt(sh[1]))
    bnc = {'1': 64, '2': 64, '3': 64, '4': 64, '5': 64, '6': 1024, '7': 512, '8': 256}
    for s, c in bnc.items():
        params['g' + s] = jnp.ones((c,), dtype=jnp.float32)
        params['b' + s] = jnp.zeros((c,), dtype=jnp.float32)
    return {'x': x, 'params': params}

def reference(x, params):
    return forward(x, params)

if __name__ == "__main__":
    import jax
    _d = setup_inputs()
    print(jax.jit(kernel)(*tuple(_d.values())))

</pallas_src>

<mosaic_0001>
#map = affine_map<(d0, d1) -> (0, 0)>
#map1 = affine_map<(d0, d1) -> (0)>
module attributes {stable_mosaic.version = 14 : i64} {
  func.func @k(%arg0: i32, %arg1: i32, %arg2: memref<16384x16xf32, #tpu.memory_space<hbm>>, %arg3: memref<327680xi32, #tpu.memory_space<hbm>>, %arg4: memref<327680x16xf32, #tpu.memory_space<hbm>>, %arg5: memref<128xi32, #tpu.memory_space<vmem>>, %arg6: memref<128x16xf32, #tpu.memory_space<vmem>>, %arg7: memref<!tpu.dma_semaphore, #tpu.memory_space<semaphore_mem>>) attributes {dimension_semantics = [#tpu.dimension_semantics<core_parallel>, #tpu.dimension_semantics<subcore_parallel>], iteration_bounds = array<i64: 2, 16>, scalar_prefetch = 0 : i64, scratch_operands = 3 : i64, tpu.core_type = #tpu.core_type<sc_vector_subcore>, window_params = [{transform_indices = #map}, {transform_indices = #map1}, {transform_indices = #map}]} {
    %mul3A = arith.constant 2 : i32
    %mul3A_0 = arith.muli %arg1, %mul3A : i32
    %add3A = arith.addi %mul3A_0, %arg0 : i32
    %mul3A_1 = arith.constant 10240 : i32
    %mul3A_2 = arith.muli %add3A, %mul3A_1 : i32
    %scan3A = arith.constant 0 : i32
    %scan3A_3 = arith.constant 0 : i32
    %scan3A_4 = arith.constant 80 : i32
    %scan3A_5 = arith.addi %scan3A_3, %scan3A_4 : i32
    %scan3A_6 = arith.constant 1 : i32
    scf.for %scan3A_8 = %scan3A_3 to %scan3A_5 step %scan3A_6  : i32 {
      %mul3A_9 = arith.constant 128 : i32
      %mul3A_10 = arith.muli %scan3A_8, %mul3A_9 : i32
      %add3A_11 = arith.addi %mul3A_2, %mul3A_10 : i32
      "tpu.region"() ({
        %run_scoped3A = tpu.sem_alloc : memref<!tpu.dma_semaphore, #tpu.memory_space<semaphore_mem>>
        %dma_start3A_16 = tpu.memref_slice %arg3[%add3A_11] : memref<327680xi32, #tpu.memory_space<hbm>> -> memref<128xi32, #tpu.memory_space<hbm>>
        %dma_start3A_17 = tpu.memref_slice %arg3[%add3A_11] : memref<327680xi32, #tpu.memory_space<hbm>> -> memref<128xi32, #tpu.memory_space<hbm>>
        tpu.enqueue_dma source(%dma_start3A_17 : memref<128xi32, #tpu.memory_space<hbm>>) target(%arg5 : memref<128xi32, #tpu.memory_space<vmem>>) target_semaphore(%run_scoped3A : memref<!tpu.dma_semaphore, #tpu.memory_space<semaphore_mem>>)
        %dma_wait3A_18 = tpu.memref_slice %arg3[%add3A_11] : memref<327680xi32, #tpu.memory_space<hbm>> -> memref<128xi32, #tpu.memory_space<hbm>>
        %dma_wait3A_19 = tpu.memref_slice %arg3[%add3A_11] : memref<327680xi32, #tpu.memory_space<hbm>> -> memref<128xi32, #tpu.memory_space<hbm>>
        tpu.wait_dma2 semaphore(%run_scoped3A : memref<!tpu.dma_semaphore, #tpu.memory_space<semaphore_mem>>) src(%dma_wait3A_19 : memref<128xi32, #tpu.memory_space<hbm>>) dst(%arg5 : memref<128xi32, #tpu.memory_space<vmem>>)
        tpu.yield
      }) : () -> ()
      %dma_start3A = arith.constant 0 : i32
      %dma_start3A_12 = arith.constant 0 : i32
      %dma_start3A_13 = tpu.memref_slice %arg2[%dma_start3A, %dma_start3A_12] : memref<16384x16xf32, #tpu.memory_space<hbm>> -> memref<16384x16xf32, #tpu.memory_space<hbm>>
      tpu.enqueue_indirect_dma source(%dma_start3A_13 : memref<16384x16xf32, #tpu.memory_space<hbm>>) target(%arg6 : memref<128x16xf32, #tpu.memory_space<vmem>>) offsets(%arg5 : memref<128xi32, #tpu.memory_space<vmem>>) semaphore(%arg7 : memref<!tpu.dma_semaphore, #tpu.memory_space<semaphore_mem>>)
      %dma_wait3A = arith.constant 0 : i32
      %dma_wait3A_14 = arith.constant 0 : i32
      %dma_wait3A_15 = tpu.memref_slice %arg2[%dma_wait3A, %dma_wait3A_14] : memref<16384x16xf32, #tpu.memory_space<hbm>> -> memref<16384x16xf32, #tpu.memory_space<hbm>>
      tpu.wait_indirect_dma semaphore(%arg7 : memref<!tpu.dma_semaphore, #tpu.memory_space<semaphore_mem>>) src(%dma_wait3A_15 : memref<16384x16xf32, #tpu.memory_space<hbm>>) dst(%arg6 : memref<128x16xf32, #tpu.memory_space<vmem>>)
      "tpu.region"() ({
        %run_scoped3A = tpu.sem_alloc : memref<!tpu.dma_semaphore, #tpu.memory_space<semaphore_mem>>
        %dma_start3A_16 = arith.constant 0 : i32
        %dma_start3A_17 = tpu.memref_slice %arg4[%add3A_11, %dma_start3A_16] : memref<327680x16xf32, #tpu.memory_space<hbm>> -> memref<128x16xf32, #tpu.memory_space<hbm>>
        %dma_start3A_18 = arith.constant 0 : i32
        %dma_start3A_19 = tpu.memref_slice %arg4[%add3A_11, %dma_start3A_18] : memref<327680x16xf32, #tpu.memory_space<hbm>> -> memref<128x16xf32, #tpu.memory_space<hbm>>
        tpu.enqueue_dma source(%arg6 : memref<128x16xf32, #tpu.memory_space<vmem>>) target(%dma_start3A_19 : memref<128x16xf32, #tpu.memory_space<hbm>>) target_semaphore(%run_scoped3A : memref<!tpu.dma_semaphore, #tpu.memory_space<semaphore_mem>>)
        %dma_wait3A_20 = arith.constant 0 : i32
        %dma_wait3A_21 = tpu.memref_slice %arg4[%add3A_11, %dma_wait3A_20] : memref<327680x16xf32, #tpu.memory_space<hbm>> -> memref<128x16xf32, #tpu.memory_space<hbm>>
        %dma_wait3A_22 = arith.constant 0 : i32
        %dma_wait3A_23 = tpu.memref_slice %arg4[%add3A_11, %dma_wait3A_22] : memref<327680x16xf32, #tpu.memory_space<hbm>> -> memref<128x16xf32, #tpu.memory_space<hbm>>
        tpu.wait_dma2 semaphore(%run_scoped3A : memref<!tpu.dma_semaphore, #tpu.memory_space<semaphore_mem>>) src(%arg6 : memref<128x16xf32, #tpu.memory_space<vmem>>) dst(%dma_wait3A_23 : memref<128x16xf32, #tpu.memory_space<hbm>>)
        tpu.yield
      }) : () -> ()
    }
    %scan3A_7 = arith.constant 80 : i32
    return
  }
}

#map = affine_map<(d0, d1) -> (0, 0)>
#map1 = affine_map<(d0, d1) -> (0)>
module attributes {stable_mosaic.version = 14 : i64} {
  func.func @k(%arg0: i32, %arg1: i32, %arg2: memref<16384x64xf32, #tpu.memory_space<hbm>>, %arg3: memref<327680xi32, #tpu.memory_space<hbm>>, %arg4: memref<327680x64xf32, #tpu.memory_space<hbm>>, %arg5: memref<128xi32, #tpu.memory_space<vmem>>, %arg6: memref<128x64xf32, #tpu.memory_space<vmem>>, %arg7: memref<!tpu.dma_semaphore, #tpu.memory_space<semaphore_mem>>) attributes {dimension_semantics = [#tpu.dimension_semantics<core_parallel>, #tpu.dimension_semantics<subcore_parallel>], iteration_bounds = array<i64: 2, 16>, scalar_prefetch = 0 : i64, scratch_operands = 3 : i64, tpu.core_type = #tpu.core_type<sc_vector_subcore>, window_params = [{transform_indices = #map}, {transform_indices = #map1}, {transform_indices = #map}]} {
    %mul3A = arith.constant 2 : i32
    %mul3A_0 = arith.muli %arg1, %mul3A : i32
    %add3A = arith.addi %mul3A_0, %arg0 : i32
    %mul3A_1 = arith.constant 10240 : i32
    %mul3A_2 = arith.muli %add3A, %mul3A_1 : i32
    %scan3A = arith.constant 0 : i32
    %scan3A_3 = arith.constant 0 : i32
    %scan3A_4 = arith.constant 80 : i32
    %scan3A_5 = arith.addi %scan3A_3, %scan3A_4 : i32
    %scan3A_6 = arith.constant 1 : i32
    scf.for %scan3A_8 = %scan3A_3 to %scan3A_5 step %scan3A_6  : i32 {
      %mul3A_9 = arith.constant 128 : i32
      %mul3A_10 = arith.muli %scan3A_8, %mul3A_9 : i32
      %add3A_11 = arith.addi %mul3A_2, %mul3A_10 : i32
      "tpu.region"() ({
        %run_scoped3A = tpu.sem_alloc : memref<!tpu.dma_semaphore, #tpu.memory_space<semaphore_mem>>
        %dma_start3A_16 = tpu.memref_slice %arg3[%add3A_11] : memref<327680xi32, #tpu.memory_space<hbm>> -> memref<128xi32, #tpu.memory_space<hbm>>
        %dma_start3A_17 = tpu.memref_slice %arg3[%add3A_11] : memref<327680xi32, #tpu.memory_space<hbm>> -> memref<128xi32, #tpu.memory_space<hbm>>
        tpu.enqueue_dma source(%dma_start3A_17 : memref<128xi32, #tpu.memory_space<hbm>>) target(%arg5 : memref<128xi32, #tpu.memory_space<vmem>>) target_semaphore(%run_scoped3A : memref<!tpu.dma_semaphore, #tpu.memory_space<semaphore_mem>>)
        %dma_wait3A_18 = tpu.memref_slice %arg3[%add3A_11] : memref<327680xi32, #tpu.memory_space<hbm>> -> memref<128xi32, #tpu.memory_space<hbm>>
        %dma_wait3A_19 = tpu.memref_slice %arg3[%add3A_11] : memref<327680xi32, #tpu.memory_space<hbm>> -> memref<128xi32, #tpu.memory_space<hbm>>
        tpu.wait_dma2 semaphore(%run_scoped3A : memref<!tpu.dma_semaphore, #tpu.memory_space<semaphore_mem>>) src(%dma_wait3A_19 : memref<128xi32, #tpu.memory_space<hbm>>) dst(%arg5 : memref<128xi32, #tpu.memory_space<vmem>>)
        tpu.yield
      }) : () -> ()
      %dma_start3A = arith.constant 0 : i32
      %dma_start3A_12 = arith.constant 0 : i32
      %dma_start3A_13 = tpu.memref_slice %arg2[%dma_start3A, %dma_start3A_12] : memref<16384x64xf32, #tpu.memory_space<hbm>> -> memref<16384x64xf32, #tpu.memory_space<hbm>>
      tpu.enqueue_indirect_dma source(%dma_start3A_13 : memref<16384x64xf32, #tpu.memory_space<hbm>>) target(%arg6 : memref<128x64xf32, #tpu.memory_space<vmem>>) offsets(%arg5 : memref<128xi32, #tpu.memory_space<vmem>>) semaphore(%arg7 : memref<!tpu.dma_semaphore, #tpu.memory_space<semaphore_mem>>)
      %dma_wait3A = arith.constant 0 : i32
      %dma_wait3A_14 = arith.constant 0 : i32
      %dma_wait3A_15 = tpu.memref_slice %arg2[%dma_wait3A, %dma_wait3A_14] : memref<16384x64xf32, #tpu.memory_space<hbm>> -> memref<16384x64xf32, #tpu.memory_space<hbm>>
      tpu.wait_indirect_dma semaphore(%arg7 : memref<!tpu.dma_semaphore, #tpu.memory_space<semaphore_mem>>) src(%dma_wait3A_15 : memref<16384x64xf32, #tpu.memory_space<hbm>>) dst(%arg6 : memref<128x64xf32, #tpu.memory_space<vmem>>)
      "tpu.region"() ({
        %run_scoped3A = tpu.sem_alloc : memref<!tpu.dma_semaphore, #tpu.memory_space<semaphore_mem>>
        %dma_start3A_16 = arith.constant 0 : i32
        %dma_start3A_17 = tpu.memref_slice %arg4[%add3A_11, %dma_start3A_16] : memref<327680x64xf32, #tpu.memory_space<hbm>> -> memref<128x64xf32, #tpu.memory_space<hbm>>
        %dma_start3A_18 = arith.constant 0 : i32
        %dma_start3A_19 = tpu.memref_slice %arg4[%add3A_11, %dma_start3A_18] : memref<327680x64xf32, #tpu.memory_space<hbm>> -> memref<128x64xf32, #tpu.memory_space<hbm>>
        tpu.enqueue_dma source(%arg6 : memref<128x64xf32, #tpu.memory_space<vmem>>) target(%dma_start3A_19 : memref<128x64xf32, #tpu.memory_space<hbm>>) target_semaphore(%run_scoped3A : memref<!tpu.dma_semaphore, #tpu.memory_space<semaphore_mem>>)
        %dma_wait3A_20 = arith.constant 0 : i32
        %dma_wait3A_21 = tpu.memref_slice %arg4[%add3A_11, %dma_wait3A_20] : memref<327680x64xf32, #tpu.memory_space<hbm>> -> memref<128x64xf32, #tpu.memory_space<hbm>>
        %dma_wait3A_22 = arith.constant 0 : i32
        %dma_wait3A_23 = tpu.memref_slice %arg4[%add3A_11, %dma_wait3A_22] : memref<327680x64xf32, #tpu.memory_space<hbm>> -> memref<128x64xf32, #tpu.memory_space<hbm>>
        tpu.wait_dma2 semaphore(%run_scoped3A : memref<!tpu.dma_semaphore, #tpu.memory_space<semaphore_mem>>) src(%arg6 : memref<128x64xf32, #tpu.memory_space<vmem>>) dst(%dma_wait3A_23 : memref<128x64xf32, #tpu.memory_space<hbm>>)
        tpu.yield
      }) : () -> ()
    }
    %scan3A_7 = arith.constant 80 : i32
    return
  }
}

#map = affine_map<(d0, d1) -> (0, 0)>
#map1 = affine_map<(d0, d1) -> (0)>
module attributes {stable_mosaic.version = 14 : i64} {
  func.func @k(%arg0: i32, %arg1: i32, %arg2: memref<16384x64xf32, #tpu.memory_space<hbm>>, %arg3: memref<327680xi32, #tpu.memory_space<hbm>>, %arg4: memref<327680x64xf32, #tpu.memory_space<hbm>>, %arg5: memref<128xi32, #tpu.memory_space<vmem>>, %arg6: memref<128x64xf32, #tpu.memory_space<vmem>>, %arg7: memref<!tpu.dma_semaphore, #tpu.memory_space<semaphore_mem>>) attributes {dimension_semantics = [#tpu.dimension_semantics<core_parallel>, #tpu.dimension_semantics<subcore_parallel>], iteration_bounds = array<i64: 2, 16>, scalar_prefetch = 0 : i64, scratch_operands = 3 : i64, tpu.core_type = #tpu.core_type<sc_vector_subcore>, window_params = [{transform_indices = #map}, {transform_indices = #map1}, {transform_indices = #map}]} {
    %mul3A = arith.constant 2 : i32
    %mul3A_0 = arith.muli %arg1, %mul3A : i32
    %add3A = arith.addi %mul3A_0, %arg0 : i32
    %mul3A_1 = arith.constant 10240 : i32
    %mul3A_2 = arith.muli %add3A, %mul3A_1 : i32
    %scan3A = arith.constant 0 : i32
    %scan3A_3 = arith.constant 0 : i32
    %scan3A_4 = arith.constant 80 : i32
    %scan3A_5 = arith.addi %scan3A_3, %scan3A_4 : i32
    %scan3A_6 = arith.constant 1 : i32
    scf.for %scan3A_8 = %scan3A_3 to %scan3A_5 step %scan3A_6  : i32 {
      %mul3A_9 = arith.constant 128 : i32
      %mul3A_10 = arith.muli %scan3A_8, %mul3A_9 : i32
      %add3A_11 = arith.addi %mul3A_2, %mul3A_10 : i32
      "tpu.region"() ({
        %run_scoped3A = tpu.sem_alloc : memref<!tpu.dma_semaphore, #tpu.memory_space<semaphore_mem>>
        %dma_start3A_16 = tpu.memref_slice %arg3[%add3A_11] : memref<327680xi32, #tpu.memory_space<hbm>> -> memref<128xi32, #tpu.memory_space<hbm>>
        %dma_start3A_17 = tpu.memref_slice %arg3[%add3A_11] : memref<327680xi32, #tpu.memory_space<hbm>> -> memref<128xi32, #tpu.memory_space<hbm>>
        tpu.enqueue_dma source(%dma_start3A_17 : memref<128xi32, #tpu.memory_space<hbm>>) target(%arg5 : memref<128xi32, #tpu.memory_space<vmem>>) target_semaphore(%run_scoped3A : memref<!tpu.dma_semaphore, #tpu.memory_space<semaphore_mem>>)
        %dma_wait3A_18 = tpu.memref_slice %arg3[%add3A_11] : memref<327680xi32, #tpu.memory_space<hbm>> -> memref<128xi32, #tpu.memory_space<hbm>>
        %dma_wait3A_19 = tpu.memref_slice %arg3[%add3A_11] : memref<327680xi32, #tpu.memory_space<hbm>> -> memref<128xi32, #tpu.memory_space<hbm>>
        tpu.wait_dma2 semaphore(%run_scoped3A : memref<!tpu.dma_semaphore, #tpu.memory_space<semaphore_mem>>) src(%dma_wait3A_19 : memref<128xi32, #tpu.memory_space<hbm>>) dst(%arg5 : memref<128xi32, #tpu.memory_space<vmem>>)
        tpu.yield
      }) : () -> ()
      %dma_start3A = arith.constant 0 : i32
      %dma_start3A_12 = arith.constant 0 : i32
      %dma_start3A_13 = tpu.memref_slice %arg2[%dma_start3A, %dma_start3A_12] : memref<16384x64xf32, #tpu.memory_space<hbm>> -> memref<16384x64xf32, #tpu.memory_space<hbm>>
      tpu.enqueue_indirect_dma source(%dma_start3A_13 : memref<16384x64xf32, #tpu.memory_space<hbm>>) target(%arg6 : memref<128x64xf32, #tpu.memory_space<vmem>>) offsets(%arg5 : memref<128xi32, #tpu.memory_space<vmem>>) semaphore(%arg7 : memref<!tpu.dma_semaphore, #tpu.memory_space<semaphore_mem>>)
      %dma_wait3A = arith.constant 0 : i32
      %dma_wait3A_14 = arith.constant 0 : i32
      %dma_wait3A_15 = tpu.memref_slice %arg2[%dma_wait3A, %dma_wait3A_14] : memref<16384x64xf32, #tpu.memory_space<hbm>> -> memref<16384x64xf32, #tpu.memory_space<hbm>>
      tpu.wait_indirect_dma semaphore(%arg7 : memref<!tpu.dma_semaphore, #tpu.memory_space<semaphore_mem>>) src(%dma_wait3A_15 : memref<16384x64xf32, #tpu.memory_space<hbm>>) dst(%arg6 : memref<128x64xf32, #tpu.memory_space<vmem>>)
      "tpu.region"() ({
        %run_scoped3A = tpu.sem_alloc : memref<!tpu.dma_semaphore, #tpu.memory_space<semaphore_mem>>
        %dma_start3A_16 = arith.constant 0 : i32
        %dma_start3A_17 = tpu.memref_slice %arg4[%add3A_11, %dma_start3A_16] : memref<327680x64xf32, #tpu.memory_space<hbm>> -> memref<128x64xf32, #tpu.memory_space<hbm>>
        %dma_start3A_18 = arith.constant 0 : i32
        %dma_start3A_19 = tpu.memref_slice %arg4[%add3A_11, %dma_start3A_18] : memref<327680x64xf32, #tpu.memory_space<hbm>> -> memref<128x64xf32, #tpu.memory_space<hbm>>
        tpu.enqueue_dma source(%arg6 : memref<128x64xf32, #tpu.memory_space<vmem>>) target(%dma_start3A_19 : memref<128x64xf32, #tpu.memory_space<hbm>>) target_semaphore(%run_scoped3A : memref<!tpu.dma_semaphore, #tpu.memory_space<semaphore_mem>>)
        %dma_wait3A_20 = arith.constant 0 : i32
        %dma_wait3A_21 = tpu.memref_slice %arg4[%add3A_11, %dma_wait3A_20] : memref<327680x64xf32, #tpu.memory_space<hbm>> -> memref<128x64xf32, #tpu.memory_space<hbm>>
        %dma_wait3A_22 = arith.constant 0 : i32
        %dma_wait3A_23 = tpu.memref_slice %arg4[%add3A_11, %dma_wait3A_22] : memref<327680x64xf32, #tpu.memory_space<hbm>> -> memref<128x64xf32, #tpu.memory_space<hbm>>
        tpu.wait_dma2 semaphore(%run_scoped3A : memref<!tpu.dma_semaphore, #tpu.memory_space<semaphore_mem>>) src(%arg6 : memref<128x64xf32, #tpu.memory_space<vmem>>) dst(%dma_wait3A_23 : memref<128x64xf32, #tpu.memory_space<hbm>>)
        tpu.yield
      }) : () -> ()
    }
    %scan3A_7 = arith.constant 80 : i32
    return
  }
}

module attributes {stable_mosaic.version = 14 : i64} {
  func.func @_knn_body(%arg0: i32, %arg1: i32, %arg2: memref<1x256x3xf32, #tpu.memory_space<vmem>>, %arg3: memref<1x4096x3xf32, #tpu.memory_space<vmem>>, %arg4: memref<1x256x20xi32, #tpu.memory_space<vmem>>) attributes {dimension_semantics = [#tpu.dimension_semantics<arbitrary>, #tpu.dimension_semantics<arbitrary>], iteration_bounds = array<i64: 4, 16>, scalar_prefetch = 0 : i64, scratch_operands = 0 : i64, tpu.core_type = #tpu.core_type<tc>, window_params = [{transform_indices = @transform_0, window_bounds = array<i64: 1, 256, 3>}, {transform_indices = @transform_1, window_bounds = array<i64: 1, 4096, 3>}, {transform_indices = @transform_2, window_bounds = array<i64: 1, 256, 20>}]} {
    %get3A = arith.constant 0 : index
    %get3A_0 = arith.constant 0 : index
    %get3A_1 = arith.constant 0 : index
    %get3A_2 = vector.load %arg2[%get3A, %get3A_0, %get3A_1] : memref<1x256x3xf32, #tpu.memory_space<vmem>>, vector<1x256x3xf32>
    %get3A_3 = vector.shape_cast %get3A_2 : vector<1x256x3xf32> to vector<256x3xf32>
    %get3A_4 = arith.constant 0 : index
    %get3A_5 = arith.constant 0 : index
    %get3A_6 = arith.constant 0 : index
    %get3A_7 = vector.load %arg3[%get3A_4, %get3A_5, %get3A_6] : memref<1x4096x3xf32, #tpu.memory_space<vmem>>, vector<1x4096x3xf32>
    %get3A_8 = vector.shape_cast %get3A_7 : vector<1x4096x3xf32> to vector<4096x3xf32>
    %dot_general3A = arith.constant dense<0.000000e+00> : vector<256x4096xf32>
    %dot_general3A_9 = tpu.matmul %get3A_3, %get3A_8, %dot_general3A {dimension_numbers = #tpu.dot_dimension_numbers<[1], [1], [0], [0], [0, 0, 1, 0], [], []>, transpose_lhs_hint = false} : vector<256x3xf32>, vector<4096x3xf32>, vector<256x4096xf32> -> vector<256x4096xf32>
    %mul3A = arith.mulf %get3A_3, %get3A_3 : vector<256x3xf32>
    %reduce_sum3A = arith.constant dense<0.000000e+00> : vector<256xf32>
    %reduce_sum3A_10 = vector.multi_reduction <add>, %mul3A, %reduce_sum3A [1] : vector<256x3xf32> to vector<256xf32>
    %broadcast_in_dim3A = vector.shape_cast %reduce_sum3A_10 : vector<256xf32> to vector<256x1xf32>
    %mul3A_11 = arith.mulf %get3A_8, %get3A_8 : vector<4096x3xf32>
    %reduce_sum3A_12 = arith.constant dense<0.000000e+00> : vector<4096xf32>
    %reduce_sum3A_13 = vector.multi_reduction <add>, %mul3A_11, %reduce_sum3A_12 [1] : vector<4096x3xf32> to vector<4096xf32>
    %broadcast_in_dim3A_14 = vector.shape_cast %reduce_sum3A_13 : vector<4096xf32> to vector<1x4096xf32>
    %mul3A_15 = arith.constant 2.000000e+00 : f32
    %mul3A_16 = vector.broadcast %mul3A_15 : f32 to vector<256x4096xf32>
    %mul3A_17 = arith.mulf %mul3A_16, %dot_general3A_9 : vector<256x4096xf32>
    %sub3A = vector.broadcast %broadcast_in_dim3A : vector<256x1xf32> to vector<256x4096xf32>
    %sub3A_18 = arith.subf %mul3A_17, %sub3A : vector<256x4096xf32>
    %sub3A_19 = vector.broadcast %broadcast_in_dim3A_14 : vector<1x4096xf32> to vector<256x4096xf32>
    %sub3A_20 = arith.subf %sub3A_18, %sub3A_19 : vector<256x4096xf32>
    %iota3A = tpu.iota {dimensions = array<i32: 1>} : vector<256x4096xi32>
    %mul3A_21 = arith.constant 4096 : i32
    %mul3A_22 = arith.muli %arg0, %mul3A_21 : i32
    %reduce_max3A = arith.constant dense<0xFF800000> : vector<256xf32>
    %reduce_max3A_23 = vector.multi_reduction <maximumf>, %sub3A_20, %reduce_max3A [1] : vector<256x4096xf32> to vector<256xf32>
    %broadcast_in_dim3A_24 = vector.shape_cast %reduce_max3A_23 : vector<256xf32> to vector<256x1xf32>
    %ge3A = vector.broadcast %broadcast_in_dim3A_24 : vector<256x1xf32> to vector<256x4096xf32>
    %ge3A_25 = arith.cmpf oge, %sub3A_20, %ge3A : vector<256x4096xf32>
    %jit3A = arith.constant 4096 : i32
    %broadcast_in_dim3A_26 = vector.broadcast %jit3A : i32 to vector<256x4096xi32>
    %select_n3A = arith.select %ge3A_25, %iota3A, %broadcast_in_dim3A_26 : vector<256x4096xi1>, vector<256x4096xi32>
    %reduce_min3A = arith.constant dense<2147483647> : vector<256xi32>
    %reduce_min3A_27 = vector.multi_reduction <minsi>, %select_n3A, %reduce_min3A [1] : vector<256x4096xi32> to vector<256xi32>
    %add3A = vector.broadcast %mul3A_22 : i32 to vector<256xi32>
    %add3A_28 = arith.addi %reduce_min3A_27, %add3A : vector<256xi32>
    %swap3A = arith.constant 0 : index
    %swap3A_29 = arith.constant 0 : index
    %swap3A_30 = arith.constant 0 : index
    %swap3A_31 = vector.load %arg4[%swap3A, %swap3A_29, %swap3A_30] : memref<1x256x20xi32, #tpu.memory_space<vmem>>, vector<1x256x1xi32>
    %swap3A_32 = vector.shape_cast %swap3A_31 : vector<1x256x1xi32> to vector<256xi32>
    %swap3A_33 = vector.shape_cast %add3A_28 : vector<256xi32> to vector<1x256x1xi32>
    tpu.vector_store %arg4[%swap3A, %swap3A_29, %swap3A_30], %swap3A_33 {strides = array<i32>} : memref<1x256x20xi32, #tpu.memory_space<vmem>>, vector<1x256x1xi32>,
    %broadcast_in_dim3A_34 = vector.shape_cast %reduce_min3A_27 : vector<256xi32> to vector<256x1xi32>
    %eq3A = vector.broadcast %broadcast_in_dim3A_34 : vector<256x1xi32> to vector<256x4096xi32>
    %eq3A_35 = arith.cmpi eq, %iota3A, %eq3A : vector<256x4096xi32>
    %jit3A_36 = arith.constant 0xFF800000 : f32
    %broadcast_in_dim3A_37 = vector.broadcast %jit3A_36 : f32 to vector<256x4096xf32>
    %select_n3A_38 = arith.select %eq3A_35, %broadcast_in_dim3A_37, %sub3A_20 : vector<256x4096xi1>, vector<256x4096xf32>
    %reduce_max3A_39 = arith.constant dense<0xFF800000> : vector<256xf32>
    %reduce_max3A_40 = vector.multi_reduction <maximumf>, %select_n3A_38, %reduce_max3A_39 [1] : vector<256x4096xf32> to vector<256xf32>
    %broadcast_in_dim3A_41 = vector.shape_cast %reduce_max3A_40 : vector<256xf32> to vector<256x1xf32>
    %ge3A_42 = vector.broadcast %broadcast_in_dim3A_41 : vector<256x1xf32> to vector<256x4096xf32>
    %ge3A_43 = arith.cmpf oge, %select_n3A_38, %ge3A_42 : vector<256x4096xf32>
    %jit3A_44 = arith.constant 4096 : i32
    %broadcast_in_dim3A_45 = vector.broadcast %jit3A_44 : i32 to vector<256x4096xi32>
    %select_n3A_46 = arith.select %ge3A_43, %iota3A, %broadcast_in_dim3A_45 : vector<256x4096xi1>, vector<256x4096xi32>
    %reduce_min3A_47 = arith.constant dense<2147483647> : vector<256xi32>
    %reduce_min3A_48 = vector.multi_reduction <minsi>, %select_n3A_46, %reduce_min3A_47 [1] : vector<256x4096xi32> to vector<256xi32>
    %add3A_49 = vector.broadcast %mul3A_22 : i32 to vector<256xi32>
    %add3A_50 = arith.addi %reduce_min3A_48, %add3A_49 : vector<256xi32>
    %swap3A_51 = arith.constant 0 : index
    %swap3A_52 = arith.constant 0 : index
    %swap3A_53 = arith.constant 1 : index
    %swap3A_54 = vector.load %arg4[%swap3A_51, %swap3A_52, %swap3A_53] : memref<1x256x20xi32, #tpu.memory_space<vmem>>, vector<1x256x1xi32>
    %swap3A_55 = vector.shape_cast %swap3A_54 : vector<1x256x1xi32> to vector<256xi32>
    %swap3A_56 = vector.shape_cast %add3A_50 : vector<256xi32> to vector<1x256x1xi32>
    tpu.vector_store %arg4[%swap3A_51, %swap3A_52, %swap3A_53], %swap3A_56 {strides = array<i32>} : memref<1x256x20xi32, #tpu.memory_space<vmem>>, vector<1x256x1xi32>,
    %broadcast_in_dim3A_57 = vector.shape_cast %reduce_min3A_48 : vector<256xi32> to vector<256x1xi32>
    %eq3A_58 = vector.broadcast %broadcast_in_dim3A_57 : vector<256x1xi32> to vector<256x4096xi32>
    %eq3A_59 = arith.cmpi eq, %iota3A, %eq3A_58 : vector<256x4096xi32>
    %jit3A_60 = arith.constant 0xFF800000 : f32
    %broadcast_in_dim3A_61 = vector.broadcast %jit3A_60 : f32 to vector<256x4096xf32>
    %select_n3A_62 = arith.select %eq3A_59, %broadcast_in_dim3A_61, %select_n3A_38 : vector<256x4096xi1>, vector<256x4096xf32>
    %reduce_max3A_63 = arith.constant dense<0xFF800000> : vector<256xf32>
    %reduce_max3A_64 = vector.multi_reduction <maximumf>, %select_n3A_62, %reduce_max3A_63 [1] : vector<256x4096xf32> to vector<256xf32>
    %broadcast_in_dim3A_65 = vector.shape_cast %reduce_max3A_64 : vector<256xf32> to vector<256x1xf32>
    %ge3A_66 = vector.broadcast %broadcast_in_dim3A_65 : vector<256x1xf32> to vector<256x4096xf32>
    %ge3A_67 = arith.cmpf oge, %select_n3A_62, %ge3A_66 : vector<256x4096xf32>
    %jit3A_68 = arith.constant 4096 : i32
    %broadcast_in_dim3A_69 = vector.broadcast %jit3A_68 : i32 to vector<256x4096xi32>
    %select_n3A_70 = arith.select %ge3A_67, %iota3A, %broadcast_in_dim3A_69 : vector<256x4096xi1>, vector<256x4096xi32>
    %reduce_min3A_71 = arith.constant dense<2147483647> : vector<256xi32>
    %reduce_min3A_72 = vector.multi_reduction <minsi>, %select_n3A_70, %reduce_min3A_71 [1] : vector<256x4096xi32> to vector<256xi32>
    %add3A_73 = vector.broadcast %mul3A_22 : i32 to vector<256xi32>
    %add3A_74 = arith.addi %reduce_min3A_72, %add3A_73 : vector<256xi32>
    %swap3A_75 = arith.constant 0 : index
    %swap3A_76 = arith.constant 0 : index
    %swap3A_77 = arith.constant 2 : index
    %swap3A_78 = vector.load %arg4[%swap3A_75, %swap3A_76, %swap3A_77] : memref<1x256x20xi32, #tpu.memory_space<vmem>>, vector<1x256x1xi32>
    %swap3A_79 = vector.shape_cast %swap3A_78 : vector<1x256x1xi32> to vector<256xi32>
    %swap3A_80 = vector.shape_cast %add3A_74 : vector<256xi32> to vector<1x256x1xi32>
    tpu.vector_store %arg4[%swap3A_75, %swap3A_76, %swap3A_77], %swap3A_80 {strides = array<i32>} : memref<1x256x20xi32, #tpu.memory_space<vmem>>, vector<1x256x1xi32>,
    %broadcast_in_dim3A_81 = vector.shape_cast %reduce_min3A_72 : vector<256xi32> to vector<256x1xi32>
    %eq3A_82 = vector.broadcast %broadcast_in_dim3A_81 : vector<256x1xi32> to vector<256x4096xi32>
    %eq3A_83 = arith.cmpi eq, %iota3A, %eq3A_82 : vector<256x4096xi32>
    %jit3A_84 = arith.constant 0xFF800000 : f32
    %broadcast_in_dim3A_85 = vector.broadcast %jit3A_84 : f32 to vector<256x4096xf32>
    %select_n3A_86 = arith.select %eq3A_83, %broadcast_in_dim3A_85, %select_n3A_62 : vector<256x4096xi1>, vector<256x4096xf32>
    %reduce_max3A_87 = arith.constant dense<0xFF800000> : vector<256xf32>
    %reduce_max3A_88 = vector.multi_reduction <maximumf>, %select_n3A_86, %reduce_max3A_87 [1] : vector<256x4096xf32> to vector<256xf32>
    %broadcast_in_dim3A_89 = vector.shape_cast %reduce_max3A_88 : vector<256xf32> to vector<256x1xf32>
    %ge3A_90 = vector.broadcast %broadcast_in_dim3A_89 : vector<256x1xf32> to vector<256x4096xf32>
    %ge3A_91 = arith.cmpf oge, %select_n3A_86, %ge3A_90 : vector<256x4096xf32>
    %jit3A_92 = arith.constant 4096 : i32
    %broadcast_in_dim3A_93 = vector.broadcast %jit3A_92 : i32 to vector<256x4096xi32>
    %select_n3A_94 = arith.select %ge3A_91, %iota3A, %broadcast_in_dim3A_93 : vector<256x4096xi1>, vector<256x4096xi32>
    %reduce_min3A_95 = arith.constant dense<2147483647> : vector<256xi32>
    %reduce_min3A_96 = vector.multi_reduction <minsi>, %select_n3A_94, %reduce_min3A_95 [1] : vector<256x4096xi32> to vector<256xi32>
    %add3A_97 = vector.broadcast %mul3A_22 : i32 to vector<256xi32>
    %add3A_98 = arith.addi %reduce_min3A_96, %add3A_97 : vector<256xi32>
    %swap3A_99 = arith.constant 0 : index
    %swap3A_100 = arith.constant 0 : index
    %swap3A_101 = arith.constant 3 : index
    %swap3A_102 = vector.load %arg4[%swap3A_99, %swap3A_100, %swap3A_101] : memref<1x256x20xi32, #tpu.memory_space<vmem>>, vector<1x256x1xi32>
    %swap3A_103 = vector.shape_cast %swap3A_102 : vector<1x256x1xi32> to vector<256xi32>
    %swap3A_104 = vector.shape_cast %add3A_98 : vector<256xi32> to vector<1x256x1xi32>
    tpu.vector_store %arg4[%swap3A_99, %swap3A_100, %swap3A_101], %swap3A_104 {strides = array<i32>} : memref<1x256x20xi32, #tpu.memory_space<vmem>>, vector<1x256x1xi32>,
    %broadcast_in_dim3A_105 = vector.shape_cast %reduce_min3A_96 : vector<256xi32> to vector<256x1xi32>
    %eq3A_106 = vector.broadcast %broadcast_in_dim3A_105 : vector<256x1xi32> to vector<256x4096xi32>
    %eq3A_107 = arith.cmpi eq, %iota3A, %eq3A_106 : vector<256x4096xi32>
    %jit3A_108 = arith.constant 0xFF800000 : f32
    %broadcast_in_dim3A_109 = vector.broadcast %jit3A_108 : f32 to vector<256x4096xf32>
    %select_n3A_110 = arith.select %eq3A_107, %broadcast_in_dim3A_109, %select_n3A_86 : vector<256x4096xi1>, vector<256x4096xf32>
    %reduce_max3A_111 = arith.constant dense<0xFF800000> : vector<256xf32>
    %reduce_max3A_112 = vector.multi_reduction <maximumf>, %select_n3A_110, %reduce_max3A_111 [1] : vector<256x4096xf32> to vector<256xf32>
    %broadcast_in_dim3A_113 = vector.shape_cast %reduce_max3A_112 : vector<256xf32> to vector<256x1xf32>
    %ge3A_114 = vector.broadcast %broadcast_in_dim3A_113 : vector<256x1xf32> to vector<256x4096xf32>
    %ge3A_115 = arith.cmpf oge, %select_n3A_110, %ge3A_114 : vector<256x4096xf32>
    %jit3A_116 = arith.constant 4096 : i32
    %broadcast_in_dim3A_117 = vector.broadcast %jit3A_116 : i32 to vector<256x4096xi32>
    %select_n3A_118 = arith.select %ge3A_115, %iota3A, %broadcast_in_dim3A_117 : vector<256x4096xi1>, vector<256x4096xi32>
    %reduce_min3A_119 = arith.constant dense<2147483647> : vector<256xi32>
    %reduce_min3A_120 = vector.multi_reduction <minsi>, %select_n3A_118, %reduce_min3A_119 [1] : vector<256x4096xi32> to vector<256xi32>
    %add3A_121 = vector.broadcast %mul3A_22 : i32 to vector<256xi32>
    %add3A_122 = arith.addi %reduce_min3A_120, %add3A_121 : vector<256xi32>
    %swap3A_123 = arith.constant 0 : index
    %swap3A_124 = arith.constant 0 : index
    %swap3A_125 = arith.constant 4 : index
    %swap3A_126 = vector.load %arg4[%swap3A_123, %swap3A_124, %swap3A_125] : memref<1x256x20xi32, #tpu.memory_space<vmem>>, vector<1x256x1xi32>
    %swap3A_127 = vector.shape_cast %swap3A_126 : vector<1x256x1xi32> to vector<256xi32>
    %swap3A_128 = vector.shape_cast %add3A_122 : vector<256xi32> to vector<1x256x1xi32>
    tpu.vector_store %arg4[%swap3A_123, %swap3A_124, %swap3A_125], %swap3A_128 {strides = array<i32>} : memref<1x256x20xi32, #tpu.memory_space<vmem>>, vector<1x256x1xi32>,
    %broadcast_in_dim3A_129 = vector.shape_cast %reduce_min3A_120 : vector<256xi32> to vector<256x1xi32>
    %eq3A_130 = vector.broadcast %broadcast_in_dim3A_129 : vector<256x1xi32> to vector<256x4096xi32>
    %eq3A_131 = arith.cmpi eq, %iota3A, %eq3A_130 : vector<256x4096xi32>
    %jit3A_132 = arith.constant 0xFF800000 : f32
    %broadcast_in_dim3A_133 = vector.broadcast %jit3A_132 : f32 to vector<256x4096xf32>
    %select_n3A_134 = arith.select %eq3A_131, %broadcast_in_dim3A_133, %select_n3A_110 : vector<256x4096xi1>, vector<256x4096xf32>
    %reduce_max3A_135 = arith.constant dense<0xFF800000> : vector<256xf32>
    %reduce_max3A_136 = vector.multi_reduction <maximumf>, %select_n3A_134, %reduce_max3A_135 [1] : vector<256x4096xf32> to vector<256xf32>
    %broadcast_in_dim3A_137 = vector.shape_cast %reduce_max3A_136 : vector<256xf32> to vector<256x1xf32>
    %ge3A_138 = vector.broadcast %broadcast_in_dim3A_137 : vector<256x1xf32> to vector<256x4096xf32>
    %ge3A_139 = arith.cmpf oge, %select_n3A_134, %ge3A_138 : vector<256x4096xf32>
    %jit3A_140 = arith.constant 4096 : i32
    %broadcast_in_dim3A_141 = vector.broadcast %jit3A_140 : i32 to vector<256x4096xi32>
    %select_n3A_142 = arith.select %ge3A_139, %iota3A, %broadcast_in_dim3A_141 : vector<256x4096xi1>, vector<256x4096xi32>
    %reduce_min3A_143 = arith.constant dense<2147483647> : vector<256xi32>
    %reduce_min3A_144 = vector.multi_reduction <minsi>, %select_n3A_142, %reduce_min3A_143 [1] : vector<256x4096xi32> to vector<256xi32>
    %add3A_145 = vector.broadcast %mul3A_22 : i32 to vector<256xi32>
    %add3A_146 = arith.addi %reduce_min3A_144, %add3A_145 : vector<256xi32>
    %swap3A_147 = arith.constant 0 : index
    %swap3A_148 = arith.constant 0 : index
    %swap3A_149 = arith.constant 5 : index
    %swap3A_150 = vector.load %arg4[%swap3A_147, %swap3A_148, %swap3A_149] : memref<1x256x20xi32, #tpu.memory_space<vmem>>, vector<1x256x1xi32>
    %swap3A_151 = vector.shape_cast %swap3A_150 : vector<1x256x1xi32> to vector<256xi32>
    %swap3A_152 = vector.shape_cast %add3A_146 : vector<256xi32> to vector<1x256x1xi32>
    tpu.vector_store %arg4[%swap3A_147, %swap3A_148, %swap3A_149], %swap3A_152 {strides = array<i32>} : memref<1x256x20xi32, #tpu.memory_space<vmem>>, vector<1x256x1xi32>,
    %broadcast_in_dim3A_153 = vector.shape_cast %reduce_min3A_144 : vector<256xi32> to vector<256x1xi32>
    %eq3A_154 = vector.broadcast %broadcast_in_dim3A_153 : vector<256x1xi32> to vector<256x4096xi32>
    %eq3A_155 = arith.cmpi eq, %iota3A, %eq3A_154 : vector<256x4096xi32>
    %jit3A_156 = arith.constant 0xFF800000 : f32
    %broadcast_in_dim3A_157 = vector.broadcast %jit3A_156 : f32 to vector<256x4096xf32>
    %select_n3A_158 = arith.select %eq3A_155, %broadcast_in_dim3A_157, %select_n3A_134 : vector<256x4096xi1>, vector<256x4096xf32>
    %reduce_max3A_159 = arith.constant dense<0xFF800000> : vector<256xf32>
    %reduce_max3A_160 = vector.multi_reduction <maximumf>, %select_n3A_158, %reduce_max3A_159 [1] : vector<256x4096xf32> to vector<256xf32>
    %broadcast_in_dim3A_161 = vector.shape_cast %reduce_max3A_160 : vector<256xf32> to vector<256x1xf32>
    %ge3A_162 = vector.broadcast %broadcast_in_dim3A_161 : vector<256x1xf32> to vector<256x4096xf32>
    %ge3A_163 = arith.cmpf oge, %select_n3A_158, %ge3A_162 : vector<256x4096xf32>
    %jit3A_164 = arith.constant 4096 : i32
    %broadcast_in_dim3A_165 = vector.broadcast %jit3A_164 : i32 to vector<256x4096xi32>
    %select_n3A_166 = arith.select %ge3A_163, %iota3A, %broadcast_in_dim3A_165 : vector<256x4096xi1>, vector<256x4096xi32>
    %reduce_min3A_167 = arith.constant dense<2147483647> : vector<256xi32>
    %reduce_min3A_168 = vector.multi_reduction <minsi>, %select_n3A_166, %reduce_min3A_167 [1] : vector<256x4096xi32> to vector<256xi32>
    %add3A_169 = vector.broadcast %mul3A_22 : i32 to vector<256xi32>
    %add3A_170 = arith.addi %reduce_min3A_168, %add3A_169 : vector<256xi32>
    %swap3A_171 = arith.constant 0 : index
    %swap3A_172 = arith.constant 0 : index
    %swap3A_173 = arith.constant 6 : index
    %swap3A_174 = vector.load %arg4[%swap3A_171, %swap3A_172, %swap3A_173] : memref<1x256x20xi32, #tpu.memory_space<vmem>>, vector<1x256x1xi32>
    %swap3A_175 = vector.shape_cast %swap3A_174 : vector<1x256x1xi32> to vector<256xi32>
    %swap3A_176 = vector.shape_cast %add3A_170 : vector<256xi32> to vector<1x256x1xi32>
    tpu.vector_store %arg4[%swap3A_171, %swap3A_172, %swap3A_173], %swap3A_176 {strides = array<i32>} : memref<1x256x20xi32, #tpu.memory_space<vmem>>, vector<1x256x1xi32>,
    %broadcast_in_dim3A_177 = vector.shape_cast %reduce_min3A_168 : vector<256xi32> to vector<256x1xi32>
    %eq3A_178 = vector.broadcast %broadcast_in_dim3A_177 : vector<256x1xi32> to vector<256x4096xi32>
    %eq3A_179 = arith.cmpi eq, %iota3A, %eq3A_178 : vector<256x4096xi32>
    %jit3A_180 = arith.constant 0xFF800000 : f32
    %broadcast_in_dim3A_181 = vector.broadcast %jit3A_180 : f32 to vector<256x4096xf32>
    %select_n3A_182 = arith.select %eq3A_179, %broadcast_in_dim3A_181, %select_n3A_158 : vector<256x4096xi1>, vector<256x4096xf32>
    %reduce_max3A_183 = arith.constant dense<0xFF800000> : vector<256xf32>
    %reduce_max3A_184 = vector.multi_reduction <maximumf>, %select_n3A_182, %reduce_max3A_183 [1] : vector<256x4096xf32> to vector<256xf32>
    %broadcast_in_dim3A_185 = vector.shape_cast %reduce_max3A_184 : vector<256xf32> to vector<256x1xf32>
    %ge3A_186 = vector.broadcast %broadcast_in_dim3A_185 : vector<256x1xf32> to vector<256x4096xf32>
    %ge3A_187 = arith.cmpf oge, %select_n3A_182, %ge3A_186 : vector<256x4096xf32>
    %jit3A_188 = arith.constant 4096 : i32
    %broadcast_in_dim3A_189 = vector.broadcast %jit3A_188 : i32 to vector<256x4096xi32>
    %select_n3A_190 = arith.select %ge3A_187, %iota3A, %broadcast_in_dim3A_189 : vector<256x4096xi1>, vector<256x4096xi32>
    %reduce_min3A_191 = arith.constant dense<2147483647> : vector<256xi32>
    %reduce_min3A_192 = vector.multi_reduction <minsi>, %select_n3A_190, %reduce_min3A_191 [1] : vector<256x4096xi32> to vector<256xi32>
    %add3A_193 = vector.broadcast %mul3A_22 : i32 to vector<256xi32>
    %add3A_194 = arith.addi %reduce_min3A_192, %add3A_193 : vector<256xi32>
    %swap3A_195 = arith.constant 0 : index
    %swap3A_196 = arith.constant 0 : index
    %swap3A_197 = arith.constant 7 : index
    %swap3A_198 = vector.load %arg4[%swap3A_195, %swap3A_196, %swap3A_197] : memref<1x256x20xi32, #tpu.memory_space<vmem>>, vector<1x256x1xi32>
    %swap3A_199 = vector.shape_cast %swap3A_198 : vector<1x256x1xi32> to vector<256xi32>
    %swap3A_200 = vector.shape_cast %add3A_194 : vector<256xi32> to vector<1x256x1xi32>
    tpu.vector_store %arg4[%swap3A_195, %swap3A_196, %swap3A_197], %swap3A_200 {strides = array<i32>} : memref<1x256x20xi32, #tpu.memory_space<vmem>>, vector<1x256x1xi32>,
    %broadcast_in_dim3A_201 = vector.shape_cast %reduce_min3A_192 : vector<256xi32> to vector<256x1xi32>
    %eq3A_202 = vector.broadcast %broadcast_in_dim3A_201 : vector<256x1xi32> to vector<256x4096xi32>
    %eq3A_203 = arith.cmpi eq, %iota3A, %eq3A_202 : vector<256x4096xi32>
    %jit3A_204 = arith.constant 0xFF800000 : f32
    %broadcast_in_dim3A_205 = vector.broadcast %jit3A_204 : f32 to vector<256x4096xf32>
    %select_n3A_206 = arith.select %eq3A_203, %broadcast_in_dim3A_205, %select_n3A_182 : vector<256x4096xi1>, vector<256x4096xf32>
    %reduce_max3A_207 = arith.constant dense<0xFF800000> : vector<256xf32>
    %reduce_max3A_208 = vector.multi_reduction <maximumf>, %select_n3A_206, %reduce_max3A_207 [1] : vector<256x4096xf32> to vector<256xf32>
    %broadcast_in_dim3A_209 = vector.shape_cast %reduce_max3A_208 : vector<256xf32> to vector<256x1xf32>
    %ge3A_210 = vector.broadcast %broadcast_in_dim3A_209 : vector<256x1xf32> to vector<256x4096xf32>
    %ge3A_211 = arith.cmpf oge, %select_n3A_206, %ge3A_210 : vector<256x4096xf32>
    %jit3A_212 = arith.constant 4096 : i32
    %broadcast_in_dim3A_213 = vector.broadcast %jit3A_212 : i32 to vector<256x4096xi32>
    %select_n3A_214 = arith.select %ge3A_211, %iota3A, %broadcast_in_dim3A_213 : vector<256x4096xi1>, vector<256x4096xi32>
    %reduce_min3A_215 = arith.constant dense<2147483647> : vector<256xi32>
    %reduce_min3A_216 = vector.multi_reduction <minsi>, %select_n3A_214, %reduce_min3A_215 [1] : vector<256x4096xi32> to vector<256xi32>
    %add3A_217 = vector.broadcast %mul3A_22 : i32 to vector<256xi32>
    %add3A_218 = arith.addi %reduce_min3A_216, %add3A_217 : vector<256xi32>
    %swap3A_219 = arith.constant 0 : index
    %swap3A_220 = arith.constant 0 : index
    %swap3A_221 = arith.constant 8 : index
    %swap3A_222 = vector.load %arg4[%swap3A_219, %swap3A_220, %swap3A_221] : memref<1x256x20xi32, #tpu.memory_space<vmem>>, vector<1x256x1xi32>
    %swap3A_223 = vector.shape_cast %swap3A_222 : vector<1x256x1xi32> to vector<256xi32>
    %swap3A_224 = vector.shape_cast %add3A_218 : vector<256xi32> to vector<1x256x1xi32>
    tpu.vector_store %arg4[%swap3A_219, %swap3A_220, %swap3A_221], %swap3A_224 {strides = array<i32>} : memref<1x256x20xi32, #tpu.memory_space<vmem>>, vector<1x256x1xi32>,
    %broadcast_in_dim3A_225 = vector.shape_cast %reduce_min3A_216 : vector<256xi32> to vector<256x1xi32>
    %eq3A_226 = vector.broadcast %broadcast_in_dim3A_225 : vector<256x1xi32> to vector<256x4096xi32>
    %eq3A_227 = arith.cmpi eq, %iota3A, %eq3A_226 : vector<256x4096xi32>
    %jit3A_228 = arith.constant 0xFF800000 : f32
    %broadcast_in_dim3A_229 = vector.broadcast %jit3A_228 : f32 to vector<256x4096xf32>
    %select_n3A_230 = arith.select %eq3A_227, %broadcast_in_dim3A_229, %select_n3A_206 : vector<256x4096xi1>, vector<256x4096xf32>
    %reduce_max3A_231 = arith.constant dense<0xFF800000> : vector<256xf32>
    %reduce_max3A_232 = vector.multi_reduction <maximumf>, %select_n3A_230, %reduce_max3A_231 [1] : vector<256x4096xf32> to vector<256xf32>
    %broadcast_in_dim3A_233 = vector.shape_cast %reduce_max3A_232 : vector<256xf32> to vector<256x1xf32>
    %ge3A_234 = vector.broadcast %broadcast_in_dim3A_233 : vector<256x1xf32> to vector<256x4096xf32>
    %ge3A_235 = arith.cmpf oge, %select_n3A_230, %ge3A_234 : vector<256x4096xf32>
    %jit3A_236 = arith.constant 4096 : i32
    %broadcast_in_dim3A_237 = vector.broadcast %jit3A_236 : i32 to vector<256x4096xi32>
    %select_n3A_238 = arith.select %ge3A_235, %iota3A, %broadcast_in_dim3A_237 : vector<256x4096xi1>, vector<256x4096xi32>
    %reduce_min3A_239 = arith.constant dense<2147483647> : vector<256xi32>
    %reduce_min3A_240 = vector.multi_reduction <minsi>, %select_n3A_238, %reduce_min3A_239 [1] : vector<256x4096xi32> to vector<256xi32>
    %add3A_241 = vector.broadcast %mul3A_22 : i32 to vector<256xi32>
    %add3A_242 = arith.addi %reduce_min3A_240, %add3A_241 : vector<256xi32>
    %swap3A_243 = arith.constant 0 : index
    %swap3A_244 = arith.constant 0 : index
    %swap3A_245 = arith.constant 9 : index
    %swap3A_246 = vector.load %arg4[%swap3A_243, %swap3A_244, %swap3A_245] : memref<1x256x20xi32, #tpu.memory_space<vmem>>, vector<1x256x1xi32>
    %swap3A_247 = vector.shape_cast %swap3A_246 : vector<1x256x1xi32> to vector<256xi32>
    %swap3A_248 = vector.shape_cast %add3A_242 : vector<256xi32> to vector<1x256x1xi32>
    tpu.vector_store %arg4[%swap3A_243, %swap3A_244, %swap3A_245], %swap3A_248 {strides = array<i32>} : memref<1x256x20xi32, #tpu.memory_space<vmem>>, vector<1x256x1xi32>,
    %broadcast_in_dim3A_249 = vector.shape_cast %reduce_min3A_240 : vector<256xi32> to vector<256x1xi32>
    %eq3A_250 = vector.broadcast %broadcast_in_dim3A_249 : vector<256x1xi32> to vector<256x4096xi32>
    %eq3A_251 = arith.cmpi eq, %iota3A, %eq3A_250 : vector<256x4096xi32>
    %jit3A_252 = arith.constant 0xFF800000 : f32
    %broadcast_in_dim3A_253 = vector.broadcast %jit3A_252 : f32 to vector<256x4096xf32>
    %select_n3A_254 = arith.select %eq3A_251, %broadcast_in_dim3A_253, %select_n3A_230 : vector<256x4096xi1>, vector<256x4096xf32>
    %reduce_max3A_255 = arith.constant dense<0xFF800000> : vector<256xf32>
    %reduce_max3A_256 = vector.multi_reduction <maximumf>, %select_n3A_254, %reduce_max3A_255 [1] : vector<256x4096xf32> to vector<256xf32>
    %broadcast_in_dim3A_257 = vector.shape_cast %reduce_max3A_256 : vector<256xf32> to vector<256x1xf32>
    %ge3A_258 = vector.broadcast %broadcast_in_dim3A_257 : vector<256x1xf32> to vector<256x4096xf32>
    %ge3A_259 = arith.cmpf oge, %select_n3A_254, %ge3A_258 : vector<256x4096xf32>
    %jit3A_260 = arith.constant 4096 : i32
    %broadcast_in_dim3A_261 = vector.broadcast %jit3A_260 : i32 to vector<256x4096xi32>
    %select_n3A_262 = arith.select %ge3A_259, %iota3A, %broadcast_in_dim3A_261 : vector<256x4096xi1>, vector<256x4096xi32>
    %reduce_min3A_263 = arith.constant dense<2147483647> : vector<256xi32>
    %reduce_min3A_264 = vector.multi_reduction <minsi>, %select_n3A_262, %reduce_min3A_263 [1] : vector<256x4096xi32> to vector<256xi32>
    %add3A_265 = vector.broadcast %mul3A_22 : i32 to vector<256xi32>
    %add3A_266 = arith.addi %reduce_min3A_264, %add3A_265 : vector<256xi32>
    %swap3A_267 = arith.constant 0 : index
    %swap3A_268 = arith.constant 0 : index
    %swap3A_269 = arith.constant 10 : index
    %swap3A_270 = vector.load %arg4[%swap3A_267, %swap3A_268, %swap3A_269] : memref<1x256x20xi32, #tpu.memory_space<vmem>>, vector<1x256x1xi32>
    %swap3A_271 = vector.shape_cast %swap3A_270 : vector<1x256x1xi32> to vector<256xi32>
    %swap3A_272 = vector.shape_cast %add3A_266 : vector<256xi32> to vector<1x256x1xi32>
    tpu.vector_store %arg4[%swap3A_267, %swap3A_268, %swap3A_269], %swap3A_272 {strides = array<i32>} : memref<1x256x20xi32, #tpu.memory_space<vmem>>, vector<1x256x1xi32>,
    %broadcast_in_dim3A_273 = vector.shape_cast %reduce_min3A_264 : vector<256xi32> to vector<256x1xi32>
    %eq3A_274 = vector.broadcast %broadcast_in_dim3A_273 : vector<256x1xi32> to vector<256x4096xi32>
    %eq3A_275 = arith.cmpi eq, %iota3A, %eq3A_274 : vector<256x4096xi32>
    %jit3A_276 = arith.constant 0xFF800000 : f32
    %broadcast_in_dim3A_277 = vector.broadcast %jit3A_276 : f32 to vector<256x4096xf32>
    %select_n3A_278 = arith.select %eq3A_275, %broadcast_in_dim3A_277, %select_n3A_254 : vector<256x4096xi1>, vector<256x4096xf32>
    %reduce_max3A_279 = arith.constant dense<0xFF800000> : vector<256xf32>
    %reduce_max3A_280 = vector.multi_reduction <maximumf>, %select_n3A_278, %reduce_max3A_279 [1] : vector<256x4096xf32> to vector<256xf32>
    %broadcast_in_dim3A_281 = vector.shape_cast %reduce_max3A_280 : vector<256xf32> to vector<256x1xf32>
    %ge3A_282 = vector.broadcast %broadcast_in_dim3A_281 : vector<256x1xf32> to vector<256x4096xf32>
    %ge3A_283 = arith.cmpf oge, %select_n3A_278, %ge3A_282 : vector<256x4096xf32>
    %jit3A_284 = arith.constant 4096 : i32
    %broadcast_in_dim3A_285 = vector.broadcast %jit3A_284 : i32 to vector<256x4096xi32>
    %select_n3A_286 = arith.select %ge3A_283, %iota3A, %broadcast_in_dim3A_285 : vector<256x4096xi1>, vector<256x4096xi32>
    %reduce_min3A_287 = arith.constant dense<2147483647> : vector<256xi32>
    %reduce_min3A_288 = vector.multi_reduction <minsi>, %select_n3A_286, %reduce_min3A_287 [1] : vector<256x4096xi32> to vector<256xi32>
    %add3A_289 = vector.broadcast %mul3A_22 : i32 to vector<256xi32>
    %add3A_290 = arith.addi %reduce_min3A_288, %add3A_289 : vector<256xi32>
    %swap3A_291 = arith.constant 0 : index
    %swap3A_292 = arith.constant 0 : index
    %swap3A_293 = arith.constant 11 : index
    %swap3A_294 = vector.load %arg4[%swap3A_291, %swap3A_292, %swap3A_293] : memref<1x256x20xi32, #tpu.memory_space<vmem>>, vector<1x256x1xi32>
    %swap3A_295 = vector.shape_cast %swap3A_294 : vector<1x256x1xi32> to vector<256xi32>
    %swap3A_296 = vector.shape_cast %add3A_290 : vector<256xi32> to vector<1x256x1xi32>
    tpu.vector_store %arg4[%swap3A_291, %swap3A_292, %swap3A_293], %swap3A_296 {strides = array<i32>} : memref<1x256x20xi32, #tpu.memory_space<vmem>>, vector<1x256x1xi32>,
    %broadcast_in_dim3A_297 = vector.shape_cast %reduce_min3A_288 : vector<256xi32> to vector<256x1xi32>
    %eq3A_298 = vector.broadcast %broadcast_in_dim3A_297 : vector<256x1xi32> to vector<256x4096xi32>
    %eq3A_299 = arith.cmpi eq, %iota3A, %eq3A_298 : vector<256x4096xi32>
    %jit3A_300 = arith.constant 0xFF800000 : f32
    %broadcast_in_dim3A_301 = vector.broadcast %jit3A_300 : f32 to vector<256x4096xf32>
    %select_n3A_302 = arith.select %eq3A_299, %broadcast_in_dim3A_301, %select_n3A_278 : vector<256x4096xi1>, vector<256x4096xf32>
    %reduce_max3A_303 = arith.constant dense<0xFF800000> : vector<256xf32>
    %reduce_max3A_304 = vector.multi_reduction <maximumf>, %select_n3A_302, %reduce_max3A_303 [1] : vector<256x4096xf32> to vector<256xf32>
    %broadcast_in_dim3A_305 = vector.shape_cast %reduce_max3A_304 : vector<256xf32> to vector<256x1xf32>
    %ge3A_306 = vector.broadcast %broadcast_in_dim3A_305 : vector<256x1xf32> to vector<256x4096xf32>
    %ge3A_307 = arith.cmpf oge, %select_n3A_302, %ge3A_306 : vector<256x4096xf32>
    %jit3A_308 = arith.constant 4096 : i32
    %broadcast_in_dim3A_309 = vector.broadcast %jit3A_308 : i32 to vector<256x4096xi32>
    %select_n3A_310 = arith.select %ge3A_307, %iota3A, %broadcast_in_dim3A_309 : vector<256x4096xi1>, vector<256x4096xi32>
    %reduce_min3A_311 = arith.constant dense<2147483647> : vector<256xi32>
    %reduce_min3A_312 = vector.multi_reduction <minsi>, %select_n3A_310, %reduce_min3A_311 [1] : vector<256x4096xi32> to vector<256xi32>
    %add3A_313 = vector.broadcast %mul3A_22 : i32 to vector<256xi32>
    %add3A_314 = arith.addi %reduce_min3A_312, %add3A_313 : vector<256xi32>
    %swap3A_315 = arith.constant 0 : index
    %swap3A_316 = arith.constant 0 : index
    %swap3A_317 = arith.constant 12 : index
    %swap3A_318 = vector.load %arg4[%swap3A_315, %swap3A_316, %swap3A_317] : memref<1x256x20xi32, #tpu.memory_space<vmem>>, vector<1x256x1xi32>
    %swap3A_319 = vector.shape_cast %swap3A_318 : vector<1x256x1xi32> to vector<256xi32>
    %swap3A_320 = vector.shape_cast %add3A_314 : vector<256xi32> to vector<1x256x1xi32>
    tpu.vector_store %arg4[%swap3A_315, %swap3A_316, %swap3A_317], %swap3A_320 {strides = array<i32>} : memref<1x256x20xi32, #tpu.memory_space<vmem>>, vector<1x256x1xi32>,
    %broadcast_in_dim3A_321 = vector.shape_cast %reduce_min3A_312 : vector<256xi32> to vector<256x1xi32>
    %eq3A_322 = vector.broadcast %broadcast_in_dim3A_321 : vector<256x1xi32> to vector<256x4096xi32>
    %eq3A_323 = arith.cmpi eq, %iota3A, %eq3A_322 : vector<256x4096xi32>
    %jit3A_324 = arith.constant 0xFF800000 : f32
    %broadcast_in_dim3A_325 = vector.broadcast %jit3A_324 : f32 to vector<256x4096xf32>
    %select_n3A_326 = arith.select %eq3A_323, %broadcast_in_dim3A_325, %select_n3A_302 : vector<256x4096xi1>, vector<256x4096xf32>
    %reduce_max3A_327 = arith.constant dense<0xFF800000> : vector<256xf32>
    %reduce_max3A_328 = vector.multi_reduction <maximumf>, %select_n3A_326, %reduce_max3A_327 [1] : vector<256x4096xf32> to vector<256xf32>
    %broadcast_in_dim3A_329 = vector.shape_cast %reduce_max3A_328 : vector<256xf32> to vector<256x1xf32>
    %ge3A_330 = vector.broadcast %broadcast_in_dim3A_329 : vector<256x1xf32> to vector<256x4096xf32>
    %ge3A_331 = arith.cmpf oge, %select_n3A_326, %ge3A_330 : vector<256x4096xf32>
    %jit3A_332 = arith.constant 4096 : i32
    %broadcast_in_dim3A_333 = vector.broadcast %jit3A_332 : i32 to vector<256x4096xi32>
    %select_n3A_334 = arith.select %ge3A_331, %iota3A, %broadcast_in_dim3A_333 : vector<256x4096xi1>, vector<256x4096xi32>
    %reduce_min3A_335 = arith.constant dense<2147483647> : vector<256xi32>
    %reduce_min3A_336 = vector.multi_reduction <minsi>, %select_n3A_334, %reduce_min3A_335 [1] : vector<256x4096xi32> to vector<256xi32>
    %add3A_337 = vector.broadcast %mul3A_22 : i32 to vector<256xi32>
    %add3A_338 = arith.addi %reduce_min3A_336, %add3A_337 : vector<256xi32>
    %swap3A_339 = arith.constant 0 : index
    %swap3A_340 = arith.constant 0 : index
    %swap3A_341 = arith.constant 13 : index
    %swap3A_342 = vector.load %arg4[%swap3A_339, %swap3A_340, %swap3A_341] : memref<1x256x20xi32, #tpu.memory_space<vmem>>, vector<1x256x1xi32>
    %swap3A_343 = vector.shape_cast %swap3A_342 : vector<1x256x1xi32> to vector<256xi32>
    %swap3A_344 = vector.shape_cast %add3A_338 : vector<256xi32> to vector<1x256x1xi32>
    tpu.vector_store %arg4[%swap3A_339, %swap3A_340, %swap3A_341], %swap3A_344 {strides = array<i32>} : memref<1x256x20xi32, #tpu.memory_space<vmem>>, vector<1x256x1xi32>,
    %broadcast_in_dim3A_345 = vector.shape_cast %reduce_min3A_336 : vector<256xi32> to vector<256x1xi32>
    %eq3A_346 = vector.broadcast %broadcast_in_dim3A_345 : vector<256x1xi32> to vector<256x4096xi32>
    %eq3A_347 = arith.cmpi eq, %iota3A, %eq3A_346 : vector<256x4096xi32>
    %jit3A_348 = arith.constant 0xFF800000 : f32
    %broadcast_in_dim3A_349 = vector.broadcast %jit3A_348 : f32 to vector<256x4096xf32>
    %select_n3A_350 = arith.select %eq3A_347, %broadcast_in_dim3A_349, %select_n3A_326 : vector<256x4096xi1>, vector<256x4096xf32>
    %reduce_max3A_351 = arith.constant dense<0xFF800000> : vector<256xf32>
    %reduce_max3A_352 = vector.multi_reduction <maximumf>, %select_n3A_350, %reduce_max3A_351 [1] : vector<256x4096xf32> to vector<256xf32>
    %broadcast_in_dim3A_353 = vector.shape_cast %reduce_max3A_352 : vector<256xf32> to vector<256x1xf32>
    %ge3A_354 = vector.broadcast %broadcast_in_dim3A_353 : vector<256x1xf32> to vector<256x4096xf32>
    %ge3A_355 = arith.cmpf oge, %select_n3A_350, %ge3A_354 : vector<256x4096xf32>
    %jit3A_356 = arith.constant 4096 : i32
    %broadcast_in_dim3A_357 = vector.broadcast %jit3A_356 : i32 to vector<256x4096xi32>
    %select_n3A_358 = arith.select %ge3A_355, %iota3A, %broadcast_in_dim3A_357 : vector<256x4096xi1>, vector<256x4096xi32>
    %reduce_min3A_359 = arith.constant dense<2147483647> : vector<256xi32>
    %reduce_min3A_360 = vector.multi_reduction <minsi>, %select_n3A_358, %reduce_min3A_359 [1] : vector<256x4096xi32> to vector<256xi32>
    %add3A_361 = vector.broadcast %mul3A_22 : i32 to vector<256xi32>
    %add3A_362 = arith.addi %reduce_min3A_360, %add3A_361 : vector<256xi32>
    %swap3A_363 = arith.constant 0 : index
    %swap3A_364 = arith.constant 0 : index
    %swap3A_365 = arith.constant 14 : index
    %swap3A_366 = vector.load %arg4[%swap3A_363, %swap3A_364, %swap3A_365] : memref<1x256x20xi32, #tpu.memory_space<vmem>>, vector<1x256x1xi32>
    %swap3A_367 = vector.shape_cast %swap3A_366 : vector<1x256x1xi32> to vector<256xi32>
    %swap3A_368 = vector.shape_cast %add3A_362 : vector<256xi32> to vector<1x256x1xi32>
    tpu.vector_store %arg4[%swap3A_363, %swap3A_364, %swap3A_365], %swap3A_368 {strides = array<i32>} : memref<1x256x20xi32, #tpu.memory_space<vmem>>, vector<1x256x1xi32>,
    %broadcast_in_dim3A_369 = vector.shape_cast %reduce_min3A_360 : vector<256xi32> to vector<256x1xi32>
    %eq3A_370 = vector.broadcast %broadcast_in_dim3A_369 : vector<256x1xi32> to vector<256x4096xi32>
    %eq3A_371 = arith.cmpi eq, %iota3A, %eq3A_370 : vector<256x4096xi32>
    %jit3A_372 = arith.constant 0xFF800000 : f32
    %broadcast_in_dim3A_373 = vector.broadcast %jit3A_372 : f32 to vector<256x4096xf32>
    %select_n3A_374 = arith.select %eq3A_371, %broadcast_in_dim3A_373, %select_n3A_350 : vector<256x4096xi1>, vector<256x4096xf32>
    %reduce_max3A_375 = arith.constant dense<0xFF800000> : vector<256xf32>
    %reduce_max3A_376 = vector.multi_reduction <maximumf>, %select_n3A_374, %reduce_max3A_375 [1] : vector<256x4096xf32> to vector<256xf32>
    %broadcast_in_dim3A_377 = vector.shape_cast %reduce_max3A_376 : vector<256xf32> to vector<256x1xf32>
    %ge3A_378 = vector.broadcast %broadcast_in_dim3A_377 : vector<256x1xf32> to vector<256x4096xf32>
    %ge3A_379 = arith.cmpf oge, %select_n3A_374, %ge3A_378 : vector<256x4096xf32>
    %jit3A_380 = arith.constant 4096 : i32
    %broadcast_in_dim3A_381 = vector.broadcast %jit3A_380 : i32 to vector<256x4096xi32>
    %select_n3A_382 = arith.select %ge3A_379, %iota3A, %broadcast_in_dim3A_381 : vector<256x4096xi1>, vector<256x4096xi32>
    %reduce_min3A_383 = arith.constant dense<2147483647> : vector<256xi32>
    %reduce_min3A_384 = vector.multi_reduction <minsi>, %select_n3A_382, %reduce_min3A_383 [1] : vector<256x4096xi32> to vector<256xi32>
    %add3A_385 = vector.broadcast %mul3A_22 : i32 to vector<256xi32>
    %add3A_386 = arith.addi %reduce_min3A_384, %add3A_385 : vector<256xi32>
    %swap3A_387 = arith.constant 0 : index
    %swap3A_388 = arith.constant 0 : index
    %swap3A_389 = arith.constant 15 : index
    %swap3A_390 = vector.load %arg4[%swap3A_387, %swap3A_388, %swap3A_389] : memref<1x256x20xi32, #tpu.memory_space<vmem>>, vector<1x256x1xi32>
    %swap3A_391 = vector.shape_cast %swap3A_390 : vector<1x256x1xi32> to vector<256xi32>
    %swap3A_392 = vector.shape_cast %add3A_386 : vector<256xi32> to vector<1x256x1xi32>
    tpu.vector_store %arg4[%swap3A_387, %swap3A_388, %swap3A_389], %swap3A_392 {strides = array<i32>} : memref<1x256x20xi32, #tpu.memory_space<vmem>>, vector<1x256x1xi32>,
    %broadcast_in_dim3A_393 = vector.shape_cast %reduce_min3A_384 : vector<256xi32> to vector<256x1xi32>
    %eq3A_394 = vector.broadcast %broadcast_in_dim3A_393 : vector<256x1xi32> to vector<256x4096xi32>
    %eq3A_395 = arith.cmpi eq, %iota3A, %eq3A_394 : vector<256x4096xi32>
    %jit3A_396 = arith.constant 0xFF800000 : f32
    %broadcast_in_dim3A_397 = vector.broadcast %jit3A_396 : f32 to vector<256x4096xf32>
    %select_n3A_398 = arith.select %eq3A_395, %broadcast_in_dim3A_397, %select_n3A_374 : vector<256x4096xi1>, vector<256x4096xf32>
    %reduce_max3A_399 = arith.constant dense<0xFF800000> : vector<256xf32>
    %reduce_max3A_400 = vector.multi_reduction <maximumf>, %select_n3A_398, %reduce_max3A_399 [1] : vector<256x4096xf32> to vector<256xf32>
    %broadcast_in_dim3A_401 = vector.shape_cast %reduce_max3A_400 : vector<256xf32> to vector<256x1xf32>
    %ge3A_402 = vector.broadcast %broadcast_in_dim3A_401 : vector<256x1xf32> to vector<256x4096xf32>
    %ge3A_403 = arith.cmpf oge, %select_n3A_398, %ge3A_402 : vector<256x4096xf32>
    %jit3A_404 = arith.constant 4096 : i32
    %broadcast_in_dim3A_405 = vector.broadcast %jit3A_404 : i32 to vector<256x4096xi32>
    %select_n3A_406 = arith.select %ge3A_403, %iota3A, %broadcast_in_dim3A_405 : vector<256x4096xi1>, vector<256x4096xi32>
    %reduce_min3A_407 = arith.constant dense<2147483647> : vector<256xi32>
    %reduce_min3A_408 = vector.multi_reduction <minsi>, %select_n3A_406, %reduce_min3A_407 [1] : vector<256x4096xi32> to vector<256xi32>
    %add3A_409 = vector.broadcast %mul3A_22 : i32 to vector<256xi32>
    %add3A_410 = arith.addi %reduce_min3A_408, %add3A_409 : vector<256xi32>
    %swap3A_411 = arith.constant 0 : index
    %swap3A_412 = arith.constant 0 : index
    %swap3A_413 = arith.constant 16 : index
    %swap3A_414 = vector.load %arg4[%swap3A_411, %swap3A_412, %swap3A_413] : memref<1x256x20xi32, #tpu.memory_space<vmem>>, vector<1x256x1xi32>
    %swap3A_415 = vector.shape_cast %swap3A_414 : vector<1x256x1xi32> to vector<256xi32>
    %swap3A_416 = vector.shape_cast %add3A_410 : vector<256xi32> to vector<1x256x1xi32>
    tpu.vector_store %arg4[%swap3A_411, %swap3A_412, %swap3A_413], %swap3A_416 {strides = array<i32>} : memref<1x256x20xi32, #tpu.memory_space<vmem>>, vector<1x256x1xi32>,
    %broadcast_in_dim3A_417 = vector.shape_cast %reduce_min3A_408 : vector<256xi32> to vector<256x1xi32>
    %eq3A_418 = vector.broadcast %broadcast_in_dim3A_417 : vector<256x1xi32> to vector<256x4096xi32>
    %eq3A_419 = arith.cmpi eq, %iota3A, %eq3A_418 : vector<256x4096xi32>
    %jit3A_420 = arith.constant 0xFF800000 : f32
    %broadcast_in_dim3A_421 = vector.broadcast %jit3A_420 : f32 to vector<256x4096xf32>
    %select_n3A_422 = arith.select %eq3A_419, %broadcast_in_dim3A_421, %select_n3A_398 : vector<256x4096xi1>, vector<256x4096xf32>
    %reduce_max3A_423 = arith.constant dense<0xFF800000> : vector<256xf32>
    %reduce_max3A_424 = vector.multi_reduction <maximumf>, %select_n3A_422, %reduce_max3A_423 [1] : vector<256x4096xf32> to vector<256xf32>
    %broadcast_in_dim3A_425 = vector.shape_cast %reduce_max3A_424 : vector<256xf32> to vector<256x1xf32>
    %ge3A_426 = vector.broadcast %broadcast_in_dim3A_425 : vector<256x1xf32> to vector<256x4096xf32>
    %ge3A_427 = arith.cmpf oge, %select_n3A_422, %ge3A_426 : vector<256x4096xf32>
    %jit3A_428 = arith.constant 4096 : i32
    %broadcast_in_dim3A_429 = vector.broadcast %jit3A_428 : i32 to vector<256x4096xi32>
    %select_n3A_430 = arith.select %ge3A_427, %iota3A, %broadcast_in_dim3A_429 : vector<256x4096xi1>, vector<256x4096xi32>
    %reduce_min3A_431 = arith.constant dense<2147483647> : vector<256xi32>
    %reduce_min3A_432 = vector.multi_reduction <minsi>, %select_n3A_430, %reduce_min3A_431 [1] : vector<256x4096xi32> to vector<256xi32>
    %add3A_433 = vector.broadcast %mul3A_22 : i32 to vector<256xi32>
    %add3A_434 = arith.addi %reduce_min3A_432, %add3A_433 : vector<256xi32>
    %swap3A_435 = arith.constant 0 : index
    %swap3A_436 = arith.constant 0 : index
    %swap3A_437 = arith.constant 17 : index
    %swap3A_438 = vector.load %arg4[%swap3A_435, %swap3A_436, %swap3A_437] : memref<1x256x20xi32, #tpu.memory_space<vmem>>, vector<1x256x1xi32>
    %swap3A_439 = vector.shape_cast %swap3A_438 : vector<1x256x1xi32> to vector<256xi32>
    %swap3A_440 = vector.shape_cast %add3A_434 : vector<256xi32> to vector<1x256x1xi32>
    tpu.vector_store %arg4[%swap3A_435, %swap3A_436, %swap3A_437], %swap3A_440 {strides = array<i32>} : memref<1x256x20xi32, #tpu.memory_space<vmem>>, vector<1x256x1xi32>,
    %broadcast_in_dim3A_441 = vector.shape_cast %reduce_min3A_432 : vector<256xi32> to vector<256x1xi32>
    %eq3A_442 = vector.broadcast %broadcast_in_dim3A_441 : vector<256x1xi32> to vector<256x4096xi32>
    %eq3A_443 = arith.cmpi eq, %iota3A, %eq3A_442 : vector<256x4096xi32>
    %jit3A_444 = arith.constant 0xFF800000 : f32
    %broadcast_in_dim3A_445 = vector.broadcast %jit3A_444 : f32 to vector<256x4096xf32>
    %select_n3A_446 = arith.select %eq3A_443, %broadcast_in_dim3A_445, %select_n3A_422 : vector<256x4096xi1>, vector<256x4096xf32>
    %reduce_max3A_447 = arith.constant dense<0xFF800000> : vector<256xf32>
    %reduce_max3A_448 = vector.multi_reduction <maximumf>, %select_n3A_446, %reduce_max3A_447 [1] : vector<256x4096xf32> to vector<256xf32>
    %broadcast_in_dim3A_449 = vector.shape_cast %reduce_max3A_448 : vector<256xf32> to vector<256x1xf32>
    %ge3A_450 = vector.broadcast %broadcast_in_dim3A_449 : vector<256x1xf32> to vector<256x4096xf32>
    %ge3A_451 = arith.cmpf oge, %select_n3A_446, %ge3A_450 : vector<256x4096xf32>
    %jit3A_452 = arith.constant 4096 : i32
    %broadcast_in_dim3A_453 = vector.broadcast %jit3A_452 : i32 to vector<256x4096xi32>
    %select_n3A_454 = arith.select %ge3A_451, %iota3A, %broadcast_in_dim3A_453 : vector<256x4096xi1>, vector<256x4096xi32>
    %reduce_min3A_455 = arith.constant dense<2147483647> : vector<256xi32>
    %reduce_min3A_456 = vector.multi_reduction <minsi>, %select_n3A_454, %reduce_min3A_455 [1] : vector<256x4096xi32> to vector<256xi32>
    %add3A_457 = vector.broadcast %mul3A_22 : i32 to vector<256xi32>
    %add3A_458 = arith.addi %reduce_min3A_456, %add3A_457 : vector<256xi32>
    %swap3A_459 = arith.constant 0 : index
    %swap3A_460 = arith.constant 0 : index
    %swap3A_461 = arith.constant 18 : index
    %swap3A_462 = vector.load %arg4[%swap3A_459, %swap3A_460, %swap3A_461] : memref<1x256x20xi32, #tpu.memory_space<vmem>>, vector<1x256x1xi32>
    %swap3A_463 = vector.shape_cast %swap3A_462 : vector<1x256x1xi32> to vector<256xi32>
    %swap3A_464 = vector.shape_cast %add3A_458 : vector<256xi32> to vector<1x256x1xi32>
    tpu.vector_store %arg4[%swap3A_459, %swap3A_460, %swap3A_461], %swap3A_464 {strides = array<i32>} : memref<1x256x20xi32, #tpu.memory_space<vmem>>, vector<1x256x1xi32>,
    %broadcast_in_dim3A_465 = vector.shape_cast %reduce_min3A_456 : vector<256xi32> to vector<256x1xi32>
    %eq3A_466 = vector.broadcast %broadcast_in_dim3A_465 : vector<256x1xi32> to vector<256x4096xi32>
    %eq3A_467 = arith.cmpi eq, %iota3A, %eq3A_466 : vector<256x4096xi32>
    %jit3A_468 = arith.constant 0xFF800000 : f32
    %broadcast_in_dim3A_469 = vector.broadcast %jit3A_468 : f32 to vector<256x4096xf32>
    %select_n3A_470 = arith.select %eq3A_467, %broadcast_in_dim3A_469, %select_n3A_446 : vector<256x4096xi1>, vector<256x4096xf32>
    %reduce_max3A_471 = arith.constant dense<0xFF800000> : vector<256xf32>
    %reduce_max3A_472 = vector.multi_reduction <maximumf>, %select_n3A_470, %reduce_max3A_471 [1] : vector<256x4096xf32> to vector<256xf32>
    %broadcast_in_dim3A_473 = vector.shape_cast %reduce_max3A_472 : vector<256xf32> to vector<256x1xf32>
    %ge3A_474 = vector.broadcast %broadcast_in_dim3A_473 : vector<256x1xf32> to vector<256x4096xf32>
    %ge3A_475 = arith.cmpf oge, %select_n3A_470, %ge3A_474 : vector<256x4096xf32>
    %jit3A_476 = arith.constant 4096 : i32
    %broadcast_in_dim3A_477 = vector.broadcast %jit3A_476 : i32 to vector<256x4096xi32>
    %select_n3A_478 = arith.select %ge3A_475, %iota3A, %broadcast_in_dim3A_477 : vector<256x4096xi1>, vector<256x4096xi32>
    %reduce_min3A_479 = arith.constant dense<2147483647> : vector<256xi32>
    %reduce_min3A_480 = vector.multi_reduction <minsi>, %select_n3A_478, %reduce_min3A_479 [1] : vector<256x4096xi32> to vector<256xi32>
    %add3A_481 = vector.broadcast %mul3A_22 : i32 to vector<256xi32>
    %add3A_482 = arith.addi %reduce_min3A_480, %add3A_481 : vector<256xi32>
    %swap3A_483 = arith.constant 0 : index
    %swap3A_484 = arith.constant 0 : index
    %swap3A_485 = arith.constant 19 : index
    %swap3A_486 = vector.load %arg4[%swap3A_483, %swap3A_484, %swap3A_485] : memref<1x256x20xi32, #tpu.memory_space<vmem>>, vector<1x256x1xi32>
    %swap3A_487 = vector.shape_cast %swap3A_486 : vector<1x256x1xi32> to vector<256xi32>
    %swap3A_488 = vector.shape_cast %add3A_482 : vector<256xi32> to vector<1x256x1xi32>
    tpu.vector_store %arg4[%swap3A_483, %swap3A_484, %swap3A_485], %swap3A_488 {strides = array<i32>} : memref<1x256x20xi32, #tpu.memory_space<vmem>>, vector<1x256x1xi32>,
    return
  }
  func.func @transform_0(%arg0: i32, %arg1: i32) -> (i32, i32, i32) {
    %c0_i32 = arith.constant 0 : i32
    %c0_i32_0 = arith.constant 0 : i32
    return %arg0, %arg1, %c0_i32 : i32, i32, i32
  }
  func.func @transform_1(%arg0: i32, %arg1: i32) -> (i32, i32, i32) {
    %c0_i32 = arith.constant 0 : i32
    %c0_i32_0 = arith.constant 0 : i32
    %c0_i32_1 = arith.constant 0 : i32
    return %arg0, %c0_i32, %c0_i32_0 : i32, i32, i32
  }
  func.func @transform_2(%arg0: i32, %arg1: i32) -> (i32, i32, i32) {
    %c0_i32 = arith.constant 0 : i32
    %c0_i32_0 = arith.constant 0 : i32
    return %arg0, %arg1, %c0_i32 : i32, i32, i32
  }
}

module attributes {stable_mosaic.version = 14 : i64} {
  func.func @_edge_stats1_body(%arg0: i32, %arg1: memref<10240x16xf32, #tpu.memory_space<vmem>>, %arg2: memref<512x16xf32, #tpu.memory_space<vmem>>, %arg3: memref<64x6xf32, #tpu.memory_space<vmem>>, %arg4: memref<2x64xf32, #tpu.memory_space<vmem>>, %arg5: memref<2x32x64xf32, #tpu.memory_space<vmem>>, %arg6: memref<1x64xf32, #tpu.memory_space<vmem>>) attributes {dimension_semantics = [#tpu.dimension_semantics<arbitrary>], iteration_bounds = array<i64: 32>, scalar_prefetch = 0 : i64, scratch_operands = 2 : i64, tpu.core_type = #tpu.core_type<tc>, window_params = [{transform_indices = @transform_0, window_bounds = array<i64: 10240, 16>}, {transform_indices = @transform_1, window_bounds = array<i64: 512, 16>}, {pipeline_mode = #tpu.pipeline_mode<synchronous>, transform_indices = @transform_2, window_bounds = array<i64: 64, 6>}, {pipeline_mode = #tpu.pipeline_mode<synchronous>, transform_indices = @transform_3, window_bounds = array<i64: 2, 64>}]} {
    %get3A = arith.constant 0 : index
    %get3A_0 = arith.constant 0 : index
    %get3A_1 = vector.load %arg1[%get3A, %get3A_0] : memref<10240x16xf32, #tpu.memory_space<vmem>>, vector<10240x16xf32>
    %reshape3A = vector.shape_cast %get3A_1 : vector<10240x16xf32> to vector<512x20x16xf32>
    %get3A_2 = arith.constant 0 : index
    %get3A_3 = arith.constant 0 : index
    %get3A_4 = vector.load %arg2[%get3A_2, %get3A_3] : memref<512x16xf32, #tpu.memory_space<vmem>>, vector<512x16xf32>
    %broadcast_in_dim3A = vector.shape_cast %get3A_4 : vector<512x16xf32> to vector<512x1x16xf32>
    %sub3A = vector.broadcast %broadcast_in_dim3A : vector<512x1x16xf32> to vector<512x20x16xf32>
    %sub3A_5 = arith.subf %reshape3A, %sub3A : vector<512x20x16xf32>
    %slice3A = vector.extract_strided_slice %sub3A_5 {offsets = [0, 0, 0], sizes = [512, 20, 3], strides = [1, 1, 1]} : vector<512x20x16xf32> to vector<512x20x3xf32>
    %slice3A_6 = vector.extract_strided_slice %get3A_4 {offsets = [0, 0], sizes = [512, 3], strides = [1, 1]} : vector<512x16xf32> to vector<512x3xf32>
    %broadcast_in_dim3A_7 = vector.shape_cast %slice3A_6 : vector<512x3xf32> to vector<512x1x3xf32>
    %broadcast_in_dim3A_8 = vector.shape_cast %broadcast_in_dim3A_7 : vector<512x1x3xf32> to vector<512x1x3xf32>
    %broadcast_in_dim3A_9 = vector.broadcast %broadcast_in_dim3A_8 : vector<512x1x3xf32> to vector<512x20x3xf32>
    %concatenate3A = tpu.concatenate %slice3A, %broadcast_in_dim3A_9 in 2 : vector<512x20x3xf32>, vector<512x20x3xf32> -> vector<512x20x6xf32>
    %reshape3A_10 = vector.shape_cast %concatenate3A : vector<512x20x6xf32> to vector<10240x6xf32>
    %get3A_11 = arith.constant 0 : index
    %get3A_12 = arith.constant 0 : index
    %get3A_13 = vector.load %arg3[%get3A_11, %get3A_12] : memref<64x6xf32, #tpu.memory_space<vmem>>, vector<64x6xf32>
    %dot_general3A = arith.constant dense<0.000000e+00> : vector<10240x64xf32>
    %dot_general3A_14 = tpu.matmul %reshape3A_10, %get3A_13, %dot_general3A {dimension_numbers = #tpu.dot_dimension_numbers<[1], [1], [0], [0], [0, 0, 1, 0], [], []>, transpose_lhs_hint = false} : vector<10240x6xf32>, vector<64x6xf32>, vector<10240x64xf32> -> vector<10240x64xf32>
    %eq3A = arith.constant 0 : i32
    %eq3A_15 = arith.cmpi eq, %arg0, %eq3A : i32
    %convert_element_type3A = arith.extui %eq3A_15 : i1 to i32
    %cond3A = arith.constant 0 : i32
    %cond3A_16 = arith.cmpi ne, %convert_element_type3A, %cond3A : i32
    scf.if %cond3A_16 {
      %reduce_sum3A_43 = arith.constant dense<0.000000e+00> : vector<64xf32>
      %reduce_sum3A_44 = vector.multi_reduction <add>, %dot_general3A_14, %reduce_sum3A_43 [0] : vector<10240x64xf32> to vector<64xf32>
      %div3A = arith.constant 1.024000e+04 : f32
      %div3A_45 = vector.broadcast %div3A : f32 to vector<64xf32>
      %div3A_46 = arith.divf %reduce_sum3A_44, %div3A_45 : vector<64xf32>
      %swap3A_47 = arith.constant 0 : index
      %swap3A_48 = arith.constant 0 : index
      %swap3A_49 = vector.load %arg6[%swap3A_47, %swap3A_48] : memref<1x64xf32, #tpu.memory_space<vmem>>, vector<1x64xf32>
      %swap3A_50 = vector.shape_cast %swap3A_49 : vector<1x64xf32> to vector<64xf32>
      %swap3A_51 = vector.shape_cast %div3A_46 : vector<64xf32> to vector<1x64xf32>
      tpu.vector_store %arg6[%swap3A_47, %swap3A_48], %swap3A_51 {strides = array<i32>} : memref<1x64xf32, #tpu.memory_space<vmem>>, vector<1x64xf32>,
    } else {
    }
    %get3A_17 = arith.constant 0 : index
    %get3A_18 = arith.constant 0 : index
    %get3A_19 = vector.load %arg6[%get3A_17, %get3A_18] : memref<1x64xf32, #tpu.memory_space<vmem>>, vector<1x64xf32>
    %get3A_20 = vector.shape_cast %get3A_19 : vector<1x64xf32> to vector<64xf32>
    %broadcast_in_dim3A_21 = vector.shape_cast %get3A_20 : vector<64xf32> to vector<1x64xf32>
    %sub3A_22 = vector.broadcast %broadcast_in_dim3A_21 : vector<1x64xf32> to vector<10240x64xf32>
    %sub3A_23 = arith.subf %dot_general3A_14, %sub3A_22 : vector<10240x64xf32>
    %reduce_sum3A = arith.constant dense<0.000000e+00> : vector<64xf32>
    %reduce_sum3A_24 = vector.multi_reduction <add>, %sub3A_23, %reduce_sum3A [0] : vector<10240x64xf32> to vector<64xf32>
    %swap3A = arith.constant 0 : index
    %swap3A_25 = arith.index_cast %arg0 : i32 to index
    %swap3A_26 = arith.constant 0 : index
    %swap3A_27 = vector.load %arg5[%swap3A, %swap3A_25, %swap3A_26] : memref<2x32x64xf32, #tpu.memory_space<vmem>>, vector<1x1x64xf32>
    %swap3A_28 = vector.shape_cast %swap3A_27 : vector<1x1x64xf32> to vector<64xf32>
    %swap3A_29 = vector.shape_cast %reduce_sum3A_24 : vector<64xf32> to vector<1x1x64xf32>
    tpu.vector_store %arg5[%swap3A, %swap3A_25, %swap3A_26], %swap3A_29 {strides = array<i32>} : memref<2x32x64xf32, #tpu.memory_space<vmem>>, vector<1x1x64xf32>,
    %mul3A = arith.mulf %sub3A_23, %sub3A_23 : vector<10240x64xf32>
    %reduce_sum3A_30 = arith.constant dense<0.000000e+00> : vector<64xf32>
    %reduce_sum3A_31 = vector.multi_reduction <add>, %mul3A, %reduce_sum3A_30 [0] : vector<10240x64xf32> to vector<64xf32>
    %swap3A_32 = arith.constant 1 : index
    %swap3A_33 = arith.index_cast %arg0 : i32 to index
    %swap3A_34 = arith.constant 0 : index
    %swap3A_35 = vector.load %arg5[%swap3A_32, %swap3A_33, %swap3A_34] : memref<2x32x64xf32, #tpu.memory_space<vmem>>, vector<1x1x64xf32>
    %swap3A_36 = vector.shape_cast %swap3A_35 : vector<1x1x64xf32> to vector<64xf32>
    %swap3A_37 = vector.shape_cast %reduce_sum3A_31 : vector<64xf32> to vector<1x1x64xf32>
    tpu.vector_store %arg5[%swap3A_32, %swap3A_33, %swap3A_34], %swap3A_37 {strides = array<i32>} : memref<2x32x64xf32, #tpu.memory_space<vmem>>, vector<1x1x64xf32>,
    %eq3A_38 = arith.constant 31 : i32
    %eq3A_39 = arith.cmpi eq, %arg0, %eq3A_38 : i32
    %convert_element_type3A_40 = arith.extui %eq3A_39 : i1 to i32
    %cond3A_41 = arith.constant 0 : i32
    %cond3A_42 = arith.cmpi ne, %convert_element_type3A_40, %cond3A_41 : i32
    scf.if %cond3A_42 {
      %get3A_43 = arith.constant 0 : index
      %get3A_44 = arith.constant 0 : index
      %get3A_45 = arith.constant 0 : index
      %get3A_46 = vector.load %arg5[%get3A_43, %get3A_44, %get3A_45] : memref<2x32x64xf32, #tpu.memory_space<vmem>>, vector<1x32x64xf32>
      %get3A_47 = vector.shape_cast %get3A_46 : vector<1x32x64xf32> to vector<32x64xf32>
      %reduce_sum3A_48 = arith.constant dense<0.000000e+00> : vector<64xf32>
      %reduce_sum3A_49 = vector.multi_reduction <add>, %get3A_47, %reduce_sum3A_48 [0] : vector<32x64xf32> to vector<64xf32>
      %get3A_50 = arith.constant 1 : index
      %get3A_51 = arith.constant 0 : index
      %get3A_52 = arith.constant 0 : index
      %get3A_53 = vector.load %arg5[%get3A_50, %get3A_51, %get3A_52] : memref<2x32x64xf32, #tpu.memory_space<vmem>>, vector<1x32x64xf32>
      %get3A_54 = vector.shape_cast %get3A_53 : vector<1x32x64xf32> to vector<32x64xf32>
      %reduce_sum3A_55 = arith.constant dense<0.000000e+00> : vector<64xf32>
      %reduce_sum3A_56 = vector.multi_reduction <add>, %get3A_54, %reduce_sum3A_55 [0] : vector<32x64xf32> to vector<64xf32>
      %div3A = arith.constant 3.276800e+05 : f32
      %div3A_57 = vector.broadcast %div3A : f32 to vector<64xf32>
      %div3A_58 = arith.divf %reduce_sum3A_49, %div3A_57 : vector<64xf32>
      %div3A_59 = arith.constant 3.276800e+05 : f32
      %div3A_60 = vector.broadcast %div3A_59 : f32 to vector<64xf32>
      %div3A_61 = arith.divf %reduce_sum3A_56, %div3A_60 : vector<64xf32>
      %mul3A_62 = arith.mulf %div3A_58, %div3A_58 : vector<64xf32>
      %sub3A_63 = arith.subf %div3A_61, %mul3A_62 : vector<64xf32>
      %max3A = arith.constant 0.000000e+00 : f32
      %max3A_64 = vector.broadcast %max3A : f32 to vector<64xf32>
      %max3A_65 = arith.maximumf %sub3A_63, %max3A_64 : vector<64xf32>
      %add3A = arith.addf %get3A_20, %div3A_58 : vector<64xf32>
      %swap3A_66 = arith.constant 0 : index
      %swap3A_67 = arith.constant 0 : index
      %swap3A_68 = vector.load %arg4[%swap3A_66, %swap3A_67] : memref<2x64xf32, #tpu.memory_space<vmem>>, vector<1x64xf32>
      %swap3A_69 = vector.shape_cast %swap3A_68 : vector<1x64xf32> to vector<64xf32>
      %swap3A_70 = vector.shape_cast %add3A : vector<64xf32> to vector<1x64xf32>
      tpu.vector_store %arg4[%swap3A_66, %swap3A_67], %swap3A_70 {strides = array<i32>} : memref<2x64xf32, #tpu.memory_space<vmem>>, vector<1x64xf32>,
      %add3A_71 = arith.constant 9.99999974E-6 : f32
      %add3A_72 = vector.broadcast %add3A_71 : f32 to vector<64xf32>
      %add3A_73 = arith.addf %max3A_65, %add3A_72 : vector<64xf32>
      %sqrt3A = math.sqrt %add3A_73 : vector<64xf32>
      %swap3A_74 = arith.constant 1 : index
      %swap3A_75 = arith.constant 0 : index
      %swap3A_76 = vector.load %arg4[%swap3A_74, %swap3A_75] : memref<2x64xf32, #tpu.memory_space<vmem>>, vector<1x64xf32>
      %swap3A_77 = vector.shape_cast %swap3A_76 : vector<1x64xf32> to vector<64xf32>
      %swap3A_78 = vector.shape_cast %sqrt3A : vector<64xf32> to vector<1x64xf32>
      tpu.vector_store %arg4[%swap3A_74, %swap3A_75], %swap3A_78 {strides = array<i32>} : memref<2x64xf32, #tpu.memory_space<vmem>>, vector<1x64xf32>,
    } else {
    }
    return
  }
  func.func @transform_0(%arg0: i32) -> (i32, i32) {
    %c0_i32 = arith.constant 0 : i32
    %c0_i32_0 = arith.constant 0 : i32
    return %arg0, %c0_i32 : i32, i32
  }
  func.func @transform_1(%arg0: i32) -> (i32, i32) {
    %c0_i32 = arith.constant 0 : i32
    %c0_i32_0 = arith.constant 0 : i32
    return %arg0, %c0_i32 : i32, i32
  }
  func.func @transform_2(%arg0: i32) -> (i32, i32) {
    %c0_i32 = arith.constant 0 : i32
    %c0_i32_0 = arith.constant 0 : i32
    %c0_i32_1 = arith.constant 0 : i32
    return %c0_i32, %c0_i32_0 : i32, i32
  }
  func.func @transform_3(%arg0: i32) -> (i32, i32) {
    %c0_i32 = arith.constant 0 : i32
    %c0_i32_0 = arith.constant 0 : i32
    %c0_i32_1 = arith.constant 0 : i32
    return %c0_i32, %c0_i32_0 : i32, i32
  }
}

module attributes {stable_mosaic.version = 14 : i64} {
  func.func @_edge_stats2_body(%arg0: i32, %arg1: memref<10240x16xf32, #tpu.memory_space<vmem>>, %arg2: memref<512x16xf32, #tpu.memory_space<vmem>>, %arg3: memref<64x6xf32, #tpu.memory_space<vmem>>, %arg4: memref<2x64xf32, #tpu.memory_space<vmem>>, %arg5: memref<2x64xf32, #tpu.memory_space<vmem>>, %arg6: memref<64x64xf32, #tpu.memory_space<vmem>>, %arg7: memref<2x64xf32, #tpu.memory_space<vmem>>, %arg8: memref<2x32x64xf32, #tpu.memory_space<vmem>>, %arg9: memref<1x64xf32, #tpu.memory_space<vmem>>) attributes {dimension_semantics = [#tpu.dimension_semantics<arbitrary>], iteration_bounds = array<i64: 32>, scalar_prefetch = 0 : i64, scratch_operands = 2 : i64, tpu.core_type = #tpu.core_type<tc>, window_params = [{transform_indices = @transform_0, window_bounds = array<i64: 10240, 16>}, {transform_indices = @transform_1, window_bounds = array<i64: 512, 16>}, {pipeline_mode = #tpu.pipeline_mode<synchronous>, transform_indices = @transform_2, window_bounds = array<i64: 64, 6>}, {pipeline_mode = #tpu.pipeline_mode<synchronous>, transform_indices = @transform_3, window_bounds = array<i64: 2, 64>}, {pipeline_mode = #tpu.pipeline_mode<synchronous>, transform_indices = @transform_4, window_bounds = array<i64: 2, 64>}, {pipeline_mode = #tpu.pipeline_mode<synchronous>, transform_indices = @transform_5, window_bounds = array<i64: 64, 64>}, {pipeline_mode = #tpu.pipeline_mode<synchronous>, transform_indices = @transform_6, window_bounds = array<i64: 2, 64>}]} {
    %get3A = arith.constant 0 : index
    %get3A_0 = arith.constant 0 : index
    %get3A_1 = vector.load %arg1[%get3A, %get3A_0] : memref<10240x16xf32, #tpu.memory_space<vmem>>, vector<10240x16xf32>
    %reshape3A = vector.shape_cast %get3A_1 : vector<10240x16xf32> to vector<512x20x16xf32>
    %get3A_2 = arith.constant 0 : index
    %get3A_3 = arith.constant 0 : index
    %get3A_4 = vector.load %arg2[%get3A_2, %get3A_3] : memref<512x16xf32, #tpu.memory_space<vmem>>, vector<512x16xf32>
    %broadcast_in_dim3A = vector.shape_cast %get3A_4 : vector<512x16xf32> to vector<512x1x16xf32>
    %sub3A = vector.broadcast %broadcast_in_dim3A : vector<512x1x16xf32> to vector<512x20x16xf32>
    %sub3A_5 = arith.subf %reshape3A, %sub3A : vector<512x20x16xf32>
    %slice3A = vector.extract_strided_slice %sub3A_5 {offsets = [0, 0, 0], sizes = [512, 20, 3], strides = [1, 1, 1]} : vector<512x20x16xf32> to vector<512x20x3xf32>
    %slice3A_6 = vector.extract_strided_slice %get3A_4 {offsets = [0, 0], sizes = [512, 3], strides = [1, 1]} : vector<512x16xf32> to vector<512x3xf32>
    %broadcast_in_dim3A_7 = vector.shape_cast %slice3A_6 : vector<512x3xf32> to vector<512x1x3xf32>
    %broadcast_in_dim3A_8 = vector.shape_cast %broadcast_in_dim3A_7 : vector<512x1x3xf32> to vector<512x1x3xf32>
    %broadcast_in_dim3A_9 = vector.broadcast %broadcast_in_dim3A_8 : vector<512x1x3xf32> to vector<512x20x3xf32>
    %concatenate3A = tpu.concatenate %slice3A, %broadcast_in_dim3A_9 in 2 : vector<512x20x3xf32>, vector<512x20x3xf32> -> vector<512x20x6xf32>
    %reshape3A_10 = vector.shape_cast %concatenate3A : vector<512x20x6xf32> to vector<10240x6xf32>
    %get3A_11 = arith.constant 0 : index
    %get3A_12 = arith.constant 0 : index
    %get3A_13 = vector.load %arg3[%get3A_11, %get3A_12] : memref<64x6xf32, #tpu.memory_space<vmem>>, vector<64x6xf32>
    %dot_general3A = arith.constant dense<0.000000e+00> : vector<10240x64xf32>
    %dot_general3A_14 = tpu.matmul %reshape3A_10, %get3A_13, %dot_general3A {dimension_numbers = #tpu.dot_dimension_numbers<[1], [1], [0], [0], [0, 0, 1, 0], [], []>, transpose_lhs_hint = false} : vector<10240x6xf32>, vector<64x6xf32>, vector<10240x64xf32> -> vector<10240x64xf32>
    %get3A_15 = arith.constant 0 : index
    %get3A_16 = arith.constant 0 : index
    %get3A_17 = vector.load %arg4[%get3A_15, %get3A_16] : memref<2x64xf32, #tpu.memory_space<vmem>>, vector<1x64xf32>
    %get3A_18 = vector.shape_cast %get3A_17 : vector<1x64xf32> to vector<64xf32>
    %broadcast_in_dim3A_19 = vector.shape_cast %get3A_18 : vector<64xf32> to vector<1x64xf32>
    %sub3A_20 = vector.broadcast %broadcast_in_dim3A_19 : vector<1x64xf32> to vector<10240x64xf32>
    %sub3A_21 = arith.subf %dot_general3A_14, %sub3A_20 : vector<10240x64xf32>
    %get3A_22 = arith.constant 1 : index
    %get3A_23 = arith.constant 0 : index
    %get3A_24 = vector.load %arg4[%get3A_22, %get3A_23] : memref<2x64xf32, #tpu.memory_space<vmem>>, vector<1x64xf32>
    %get3A_25 = vector.shape_cast %get3A_24 : vector<1x64xf32> to vector<64xf32>
    %broadcast_in_dim3A_26 = vector.shape_cast %get3A_25 : vector<64xf32> to vector<1x64xf32>
    %div3A = vector.broadcast %broadcast_in_dim3A_26 : vector<1x64xf32> to vector<10240x64xf32>
    %div3A_27 = arith.divf %sub3A_21, %div3A : vector<10240x64xf32>
    %get3A_28 = arith.constant 0 : index
    %get3A_29 = arith.constant 0 : index
    %get3A_30 = vector.load %arg5[%get3A_28, %get3A_29] : memref<2x64xf32, #tpu.memory_space<vmem>>, vector<1x64xf32>
    %get3A_31 = vector.shape_cast %get3A_30 : vector<1x64xf32> to vector<64xf32>
    %broadcast_in_dim3A_32 = vector.shape_cast %get3A_31 : vector<64xf32> to vector<1x64xf32>
    %mul3A = vector.broadcast %broadcast_in_dim3A_32 : vector<1x64xf32> to vector<10240x64xf32>
    %mul3A_33 = arith.mulf %div3A_27, %mul3A : vector<10240x64xf32>
    %get3A_34 = arith.constant 1 : index
    %get3A_35 = arith.constant 0 : index
    %get3A_36 = vector.load %arg5[%get3A_34, %get3A_35] : memref<2x64xf32, #tpu.memory_space<vmem>>, vector<1x64xf32>
    %get3A_37 = vector.shape_cast %get3A_36 : vector<1x64xf32> to vector<64xf32>
    %broadcast_in_dim3A_38 = vector.shape_cast %get3A_37 : vector<64xf32> to vector<1x64xf32>
    %add3A = vector.broadcast %broadcast_in_dim3A_38 : vector<1x64xf32> to vector<10240x64xf32>
    %add3A_39 = arith.addf %mul3A_33, %add3A : vector<10240x64xf32>
    %ge3A = arith.constant 0.000000e+00 : f32
    %ge3A_40 = vector.broadcast %ge3A : f32 to vector<10240x64xf32>
    %ge3A_41 = arith.cmpf oge, %add3A_39, %ge3A_40 : vector<10240x64xf32>
    %mul3A_42 = arith.constant 2.000000e-01 : f32
    %mul3A_43 = vector.broadcast %mul3A_42 : f32 to vector<10240x64xf32>
    %mul3A_44 = arith.mulf %mul3A_43, %add3A_39 : vector<10240x64xf32>
    %select_n3A = arith.select %ge3A_41, %add3A_39, %mul3A_44 : vector<10240x64xi1>, vector<10240x64xf32>
    %get3A_45 = arith.constant 0 : index
    %get3A_46 = arith.constant 0 : index
    %get3A_47 = vector.load %arg6[%get3A_45, %get3A_46] : memref<64x64xf32, #tpu.memory_space<vmem>>, vector<64x64xf32>
    %dot_general3A_48 = arith.constant dense<0.000000e+00> : vector<10240x64xf32>
    %dot_general3A_49 = tpu.matmul %select_n3A, %get3A_47, %dot_general3A_48 {dimension_numbers = #tpu.dot_dimension_numbers<[1], [1], [0], [0], [0, 0, 1, 0], [], []>, transpose_lhs_hint = false} : vector<10240x64xf32>, vector<64x64xf32>, vector<10240x64xf32> -> vector<10240x64xf32>
    %eq3A = arith.constant 0 : i32
    %eq3A_50 = arith.cmpi eq, %arg0, %eq3A : i32
    %convert_element_type3A = arith.extui %eq3A_50 : i1 to i32
    %cond3A = arith.constant 0 : i32
    %cond3A_51 = arith.cmpi ne, %convert_element_type3A, %cond3A : i32
    scf.if %cond3A_51 {
      %reduce_sum3A_79 = arith.constant dense<0.000000e+00> : vector<64xf32>
      %reduce_sum3A_80 = vector.multi_reduction <add>, %dot_general3A_49, %reduce_sum3A_79 [0] : vector<10240x64xf32> to vector<64xf32>
      %div3A_81 = arith.constant 1.024000e+04 : f32
      %div3A_82 = vector.broadcast %div3A_81 : f32 to vector<64xf32>
      %div3A_83 = arith.divf %reduce_sum3A_80, %div3A_82 : vector<64xf32>
      %swap3A_84 = arith.constant 0 : index
      %swap3A_85 = arith.constant 0 : index
      %swap3A_86 = vector.load %arg9[%swap3A_84, %swap3A_85] : memref<1x64xf32, #tpu.memory_space<vmem>>, vector<1x64xf32>
      %swap3A_87 = vector.shape_cast %swap3A_86 : vector<1x64xf32> to vector<64xf32>
      %swap3A_88 = vector.shape_cast %div3A_83 : vector<64xf32> to vector<1x64xf32>
      tpu.vector_store %arg9[%swap3A_84, %swap3A_85], %swap3A_88 {strides = array<i32>} : memref<1x64xf32, #tpu.memory_space<vmem>>, vector<1x64xf32>,
    } else {
    }
    %get3A_52 = arith.constant 0 : index
    %get3A_53 = arith.constant 0 : index
    %get3A_54 = vector.load %arg9[%get3A_52, %get3A_53] : memref<1x64xf32, #tpu.memory_space<vmem>>, vector<1x64xf32>
    %get3A_55 = vector.shape_cast %get3A_54 : vector<1x64xf32> to vector<64xf32>
    %broadcast_in_dim3A_56 = vector.shape_cast %get3A_55 : vector<64xf32> to vector<1x64xf32>
    %sub3A_57 = vector.broadcast %broadcast_in_dim3A_56 : vector<1x64xf32> to vector<10240x64xf32>
    %sub3A_58 = arith.subf %dot_general3A_49, %sub3A_57 : vector<10240x64xf32>
    %reduce_sum3A = arith.constant dense<0.000000e+00> : vector<64xf32>
    %reduce_sum3A_59 = vector.multi_reduction <add>, %sub3A_58, %reduce_sum3A [0] : vector<10240x64xf32> to vector<64xf32>
    %swap3A = arith.constant 0 : index
    %swap3A_60 = arith.index_cast %arg0 : i32 to index
    %swap3A_61 = arith.constant 0 : index
    %swap3A_62 = vector.load %arg8[%swap3A, %swap3A_60, %swap3A_61] : memref<2x32x64xf32, #tpu.memory_space<vmem>>, vector<1x1x64xf32>
    %swap3A_63 = vector.shape_cast %swap3A_62 : vector<1x1x64xf32> to vector<64xf32>
    %swap3A_64 = vector.shape_cast %reduce_sum3A_59 : vector<64xf32> to vector<1x1x64xf32>
    tpu.vector_store %arg8[%swap3A, %swap3A_60, %swap3A_61], %swap3A_64 {strides = array<i32>} : memref<2x32x64xf32, #tpu.memory_space<vmem>>, vector<1x1x64xf32>,
    %mul3A_65 = arith.mulf %sub3A_58, %sub3A_58 : vector<10240x64xf32>
    %reduce_sum3A_66 = arith.constant dense<0.000000e+00> : vector<64xf32>
    %reduce_sum3A_67 = vector.multi_reduction <add>, %mul3A_65, %reduce_sum3A_66 [0] : vector<10240x64xf32> to vector<64xf32>
    %swap3A_68 = arith.constant 1 : index
    %swap3A_69 = arith.index_cast %arg0 : i32 to index
    %swap3A_70 = arith.constant 0 : index
    %swap3A_71 = vector.load %arg8[%swap3A_68, %swap3A_69, %swap3A_70] : memref<2x32x64xf32, #tpu.memory_space<vmem>>, vector<1x1x64xf32>
    %swap3A_72 = vector.shape_cast %swap3A_71 : vector<1x1x64xf32> to vector<64xf32>
    %swap3A_73 = vector.shape_cast %reduce_sum3A_67 : vector<64xf32> to vector<1x1x64xf32>
    tpu.vector_store %arg8[%swap3A_68, %swap3A_69, %swap3A_70], %swap3A_73 {strides = array<i32>} : memref<2x32x64xf32, #tpu.memory_space<vmem>>, vector<1x1x64xf32>,
    %eq3A_74 = arith.constant 31 : i32
    %eq3A_75 = arith.cmpi eq, %arg0, %eq3A_74 : i32
    %convert_element_type3A_76 = arith.extui %eq3A_75 : i1 to i32
    %cond3A_77 = arith.constant 0 : i32
    %cond3A_78 = arith.cmpi ne, %convert_element_type3A_76, %cond3A_77 : i32
    scf.if %cond3A_78 {
      %get3A_79 = arith.constant 0 : index
      %get3A_80 = arith.constant 0 : index
      %get3A_81 = arith.constant 0 : index
      %get3A_82 = vector.load %arg8[%get3A_79, %get3A_80, %get3A_81] : memref<2x32x64xf32, #tpu.memory_space<vmem>>, vector<1x32x64xf32>
      %get3A_83 = vector.shape_cast %get3A_82 : vector<1x32x64xf32> to vector<32x64xf32>
      %reduce_sum3A_84 = arith.constant dense<0.000000e+00> : vector<64xf32>
      %reduce_sum3A_85 = vector.multi_reduction <add>, %get3A_83, %reduce_sum3A_84 [0] : vector<32x64xf32> to vector<64xf32>
      %get3A_86 = arith.constant 1 : index
      %get3A_87 = arith.constant 0 : index
      %get3A_88 = arith.constant 0 : index
      %get3A_89 = vector.load %arg8[%get3A_86, %get3A_87, %get3A_88] : memref<2x32x64xf32, #tpu.memory_space<vmem>>, vector<1x32x64xf32>
      %get3A_90 = vector.shape_cast %get3A_89 : vector<1x32x64xf32> to vector<32x64xf32>
      %reduce_sum3A_91 = arith.constant dense<0.000000e+00> : vector<64xf32>
      %reduce_sum3A_92 = vector.multi_reduction <add>, %get3A_90, %reduce_sum3A_91 [0] : vector<32x64xf32> to vector<64xf32>
      %div3A_93 = arith.constant 3.276800e+05 : f32
      %div3A_94 = vector.broadcast %div3A_93 : f32 to vector<64xf32>
      %div3A_95 = arith.divf %reduce_sum3A_85, %div3A_94 : vector<64xf32>
      %div3A_96 = arith.constant 3.276800e+05 : f32
      %div3A_97 = vector.broadcast %div3A_96 : f32 to vector<64xf32>
      %div3A_98 = arith.divf %reduce_sum3A_92, %div3A_97 : vector<64xf32>
      %mul3A_99 = arith.mulf %div3A_95, %div3A_95 : vector<64xf32>
      %sub3A_100 = arith.subf %div3A_98, %mul3A_99 : vector<64xf32>
      %max3A = arith.constant 0.000000e+00 : f32
      %max3A_101 = vector.broadcast %max3A : f32 to vector<64xf32>
      %max3A_102 = arith.maximumf %sub3A_100, %max3A_101 : vector<64xf32>
      %add3A_103 = arith.addf %get3A_55, %div3A_95 : vector<64xf32>
      %swap3A_104 = arith.constant 0 : index
      %swap3A_105 = arith.constant 0 : index
      %swap3A_106 = vector.load %arg7[%swap3A_104, %swap3A_105] : memref<2x64xf32, #tpu.memory_space<vmem>>, vector<1x64xf32>
      %swap3A_107 = vector.shape_cast %swap3A_106 : vector<1x64xf32> to vector<64xf32>
      %swap3A_108 = vector.shape_cast %add3A_103 : vector<64xf32> to vector<1x64xf32>
      tpu.vector_store %arg7[%swap3A_104, %swap3A_105], %swap3A_108 {strides = array<i32>} : memref<2x64xf32, #tpu.memory_space<vmem>>, vector<1x64xf32>,
      %add3A_109 = arith.constant 9.99999974E-6 : f32
      %add3A_110 = vector.broadcast %add3A_109 : f32 to vector<64xf32>
      %add3A_111 = arith.addf %max3A_102, %add3A_110 : vector<64xf32>
      %sqrt3A = math.sqrt %add3A_111 : vector<64xf32>
      %swap3A_112 = arith.constant 1 : index
      %swap3A_113 = arith.constant 0 : index
      %swap3A_114 = vector.load %arg7[%swap3A_112, %swap3A_113] : memref<2x64xf32, #tpu.memory_space<vmem>>, vector<1x64xf32>
      %swap3A_115 = vector.shape_cast %swap3A_114 : vector<1x64xf32> to vector<64xf32>
      %swap3A_116 = vector.shape_cast %sqrt3A : vector<64xf32> to vector<1x64xf32>
      tpu.vector_store %arg7[%swap3A_112, %swap3A_113], %swap3A_116 {strides = array<i32>} : memref<2x64xf32, #tpu.memory_space<vmem>>, vector<1x64xf32>,
    } else {
    }
    return
  }
  func.func @transform_0(%arg0: i32) -> (i32, i32) {
    %c0_i32 = arith.constant 0 : i32
    %c0_i32_0 = arith.constant 0 : i32
    return %arg0, %c0_i32 : i32, i32
  }
  func.func @transform_1(%arg0: i32) -> (i32, i32) {
    %c0_i32 = arith.constant 0 : i32
    %c0_i32_0 = arith.constant 0 : i32
    return %arg0, %c0_i32 : i32, i32
  }
  func.func @transform_2(%arg0: i32) -> (i32, i32) {
    %c0_i32 = arith.constant 0 : i32
    %c0_i32_0 = arith.constant 0 : i32
    %c0_i32_1 = arith.constant 0 : i32
    return %c0_i32, %c0_i32_0 : i32, i32
  }
  func.func @transform_3(%arg0: i32) -> (i32, i32) {
    %c0_i32 = arith.constant 0 : i32
    %c0_i32_0 = arith.constant 0 : i32
    %c0_i32_1 = arith.constant 0 : i32
    return %c0_i32, %c0_i32_0 : i32, i32
  }
  func.func @transform_4(%arg0: i32) -> (i32, i32) {
    %c0_i32 = arith.constant 0 : i32
    %c0_i32_0 = arith.constant 0 : i32
    %c0_i32_1 = arith.constant 0 : i32
    return %c0_i32, %c0_i32_0 : i32, i32
  }
  func.func @transform_5(%arg0: i32) -> (i32, i32) {
    %c0_i32 = arith.constant 0 : i32
    %c0_i32_0 = arith.constant 0 : i32
    %c0_i32_1 = arith.constant 0 : i32
    return %c0_i32, %c0_i32_0 : i32, i32
  }
  func.func @transform_6(%arg0: i32) -> (i32, i32) {
    %c0_i32 = arith.constant 0 : i32
    %c0_i32_0 = arith.constant 0 : i32
    %c0_i32_1 = arith.constant 0 : i32
    return %c0_i32, %c0_i32_0 : i32, i32
  }
}

module attributes {stable_mosaic.version = 14 : i64} {
  func.func @_edge_final2_body(%arg0: i32, %arg1: memref<10240x16xf32, #tpu.memory_space<vmem>>, %arg2: memref<512x16xf32, #tpu.memory_space<vmem>>, %arg3: memref<64x6xf32, #tpu.memory_space<vmem>>, %arg4: memref<2x64xf32, #tpu.memory_space<vmem>>, %arg5: memref<2x64xf32, #tpu.memory_space<vmem>>, %arg6: memref<2x64xf32, #tpu.memory_space<vmem>>, %arg7: memref<2x64xf32, #tpu.memory_space<vmem>>, %arg8: memref<64x64xf32, #tpu.memory_space<vmem>>, %arg9: memref<512x64xf32, #tpu.memory_space<vmem>>) attributes {dimension_semantics = [#tpu.dimension_semantics<arbitrary>], iteration_bounds = array<i64: 32>, scalar_prefetch = 0 : i64, scratch_operands = 0 : i64, tpu.core_type = #tpu.core_type<tc>, window_params = [{transform_indices = @transform_0, window_bounds = array<i64: 10240, 16>}, {transform_indices = @transform_1, window_bounds = array<i64: 512, 16>}, {pipeline_mode = #tpu.pipeline_mode<synchronous>, transform_indices = @transform_2, window_bounds = array<i64: 64, 6>}, {pipeline_mode = #tpu.pipeline_mode<synchronous>, transform_indices = @transform_3, window_bounds = array<i64: 2, 64>}, {pipeline_mode = #tpu.pipeline_mode<synchronous>, transform_indices = @transform_4, window_bounds = array<i64: 2, 64>}, {pipeline_mode = #tpu.pipeline_mode<synchronous>, transform_indices = @transform_5, window_bounds = array<i64: 2, 64>}, {pipeline_mode = #tpu.pipeline_mode<synchronous>, transform_indices = @transform_6, window_bounds = array<i64: 2, 64>}, {pipeline_mode = #tpu.pipeline_mode<synchronous>, transform_indices = @transform_7, window_bounds = array<i64: 64, 64>}, {transform_indices = @transform_8, window_bounds = array<i64: 512, 64>}]} {
    %get3A = arith.constant 0 : index
    %get3A_0 = arith.constant 0 : index
    %get3A_1 = vector.load %arg1[%get3A, %get3A_0] : memref<10240x16xf32, #tpu.memory_space<vmem>>, vector<10240x16xf32>
    %reshape3A = vector.shape_cast %get3A_1 : vector<10240x16xf32> to vector<512x20x16xf32>
    %get3A_2 = arith.constant 0 : index
    %get3A_3 = arith.constant 0 : index
    %get3A_4 = vector.load %arg2[%get3A_2, %get3A_3] : memref<512x16xf32, #tpu.memory_space<vmem>>, vector<512x16xf32>
    %broadcast_in_dim3A = vector.shape_cast %get3A_4 : vector<512x16xf32> to vector<512x1x16xf32>
    %sub3A = vector.broadcast %broadcast_in_dim3A : vector<512x1x16xf32> to vector<512x20x16xf32>
    %sub3A_5 = arith.subf %reshape3A, %sub3A : vector<512x20x16xf32>
    %slice3A = vector.extract_strided_slice %sub3A_5 {offsets = [0, 0, 0], sizes = [512, 20, 3], strides = [1, 1, 1]} : vector<512x20x16xf32> to vector<512x20x3xf32>
    %slice3A_6 = vector.extract_strided_slice %get3A_4 {offsets = [0, 0], sizes = [512, 3], strides = [1, 1]} : vector<512x16xf32> to vector<512x3xf32>
    %broadcast_in_dim3A_7 = vector.shape_cast %slice3A_6 : vector<512x3xf32> to vector<512x1x3xf32>
    %broadcast_in_dim3A_8 = vector.shape_cast %broadcast_in_dim3A_7 : vector<512x1x3xf32> to vector<512x1x3xf32>
    %broadcast_in_dim3A_9 = vector.broadcast %broadcast_in_dim3A_8 : vector<512x1x3xf32> to vector<512x20x3xf32>
    %concatenate3A = tpu.concatenate %slice3A, %broadcast_in_dim3A_9 in 2 : vector<512x20x3xf32>, vector<512x20x3xf32> -> vector<512x20x6xf32>
    %reshape3A_10 = vector.shape_cast %concatenate3A : vector<512x20x6xf32> to vector<10240x6xf32>
    %get3A_11 = arith.constant 0 : index
    %get3A_12 = arith.constant 0 : index
    %get3A_13 = vector.load %arg3[%get3A_11, %get3A_12] : memref<64x6xf32, #tpu.memory_space<vmem>>, vector<64x6xf32>
    %dot_general3A = arith.constant dense<0.000000e+00> : vector<10240x64xf32>
    %dot_general3A_14 = tpu.matmul %reshape3A_10, %get3A_13, %dot_general3A {dimension_numbers = #tpu.dot_dimension_numbers<[1], [1], [0], [0], [0, 0, 1, 0], [], []>, transpose_lhs_hint = false} : vector<10240x6xf32>, vector<64x6xf32>, vector<10240x64xf32> -> vector<10240x64xf32>
    %get3A_15 = arith.constant 0 : index
    %get3A_16 = arith.constant 0 : index
    %get3A_17 = vector.load %arg4[%get3A_15, %get3A_16] : memref<2x64xf32, #tpu.memory_space<vmem>>, vector<1x64xf32>
    %get3A_18 = vector.shape_cast %get3A_17 : vector<1x64xf32> to vector<64xf32>
    %broadcast_in_dim3A_19 = vector.shape_cast %get3A_18 : vector<64xf32> to vector<1x64xf32>
    %sub3A_20 = vector.broadcast %broadcast_in_dim3A_19 : vector<1x64xf32> to vector<10240x64xf32>
    %sub3A_21 = arith.subf %dot_general3A_14, %sub3A_20 : vector<10240x64xf32>
    %get3A_22 = arith.constant 1 : index
    %get3A_23 = arith.constant 0 : index
    %get3A_24 = vector.load %arg4[%get3A_22, %get3A_23] : memref<2x64xf32, #tpu.memory_space<vmem>>, vector<1x64xf32>
    %get3A_25 = vector.shape_cast %get3A_24 : vector<1x64xf32> to vector<64xf32>
    %broadcast_in_dim3A_26 = vector.shape_cast %get3A_25 : vector<64xf32> to vector<1x64xf32>
    %div3A = vector.broadcast %broadcast_in_dim3A_26 : vector<1x64xf32> to vector<10240x64xf32>
    %div3A_27 = arith.divf %sub3A_21, %div3A : vector<10240x64xf32>
    %get3A_28 = arith.constant 0 : index
    %get3A_29 = arith.constant 0 : index
    %get3A_30 = vector.load %arg5[%get3A_28, %get3A_29] : memref<2x64xf32, #tpu.memory_space<vmem>>, vector<1x64xf32>
    %get3A_31 = vector.shape_cast %get3A_30 : vector<1x64xf32> to vector<64xf32>
    %broadcast_in_dim3A_32 = vector.shape_cast %get3A_31 : vector<64xf32> to vector<1x64xf32>
    %mul3A = vector.broadcast %broadcast_in_dim3A_32 : vector<1x64xf32> to vector<10240x64xf32>
    %mul3A_33 = arith.mulf %div3A_27, %mul3A : vector<10240x64xf32>
    %get3A_34 = arith.constant 1 : index
    %get3A_35 = arith.constant 0 : index
    %get3A_36 = vector.load %arg5[%get3A_34, %get3A_35] : memref<2x64xf32, #tpu.memory_space<vmem>>, vector<1x64xf32>
    %get3A_37 = vector.shape_cast %get3A_36 : vector<1x64xf32> to vector<64xf32>
    %broadcast_in_dim3A_38 = vector.shape_cast %get3A_37 : vector<64xf32> to vector<1x64xf32>
    %add3A = vector.broadcast %broadcast_in_dim3A_38 : vector<1x64xf32> to vector<10240x64xf32>
    %add3A_39 = arith.addf %mul3A_33, %add3A : vector<10240x64xf32>
    %ge3A = arith.constant 0.000000e+00 : f32
    %ge3A_40 = vector.broadcast %ge3A : f32 to vector<10240x64xf32>
    %ge3A_41 = arith.cmpf oge, %add3A_39, %ge3A_40 : vector<10240x64xf32>
    %mul3A_42 = arith.constant 2.000000e-01 : f32
    %mul3A_43 = vector.broadcast %mul3A_42 : f32 to vector<10240x64xf32>
    %mul3A_44 = arith.mulf %mul3A_43, %add3A_39 : vector<10240x64xf32>
    %select_n3A = arith.select %ge3A_41, %add3A_39, %mul3A_44 : vector<10240x64xi1>, vector<10240x64xf32>
    %get3A_45 = arith.constant 0 : index
    %get3A_46 = arith.constant 0 : index
    %get3A_47 = vector.load %arg8[%get3A_45, %get3A_46] : memref<64x64xf32, #tpu.memory_space<vmem>>, vector<64x64xf32>
    %dot_general3A_48 = arith.constant dense<0.000000e+00> : vector<10240x64xf32>
    %dot_general3A_49 = tpu.matmul %select_n3A, %get3A_47, %dot_general3A_48 {dimension_numbers = #tpu.dot_dimension_numbers<[1], [1], [0], [0], [0, 0, 1, 0], [], []>, transpose_lhs_hint = false} : vector<10240x64xf32>, vector<64x64xf32>, vector<10240x64xf32> -> vector<10240x64xf32>
    %get3A_50 = arith.constant 0 : index
    %get3A_51 = arith.constant 0 : index
    %get3A_52 = vector.load %arg6[%get3A_50, %get3A_51] : memref<2x64xf32, #tpu.memory_space<vmem>>, vector<1x64xf32>
    %get3A_53 = vector.shape_cast %get3A_52 : vector<1x64xf32> to vector<64xf32>
    %broadcast_in_dim3A_54 = vector.shape_cast %get3A_53 : vector<64xf32> to vector<1x64xf32>
    %sub3A_55 = vector.broadcast %broadcast_in_dim3A_54 : vector<1x64xf32> to vector<10240x64xf32>
    %sub3A_56 = arith.subf %dot_general3A_49, %sub3A_55 : vector<10240x64xf32>
    %get3A_57 = arith.constant 1 : index
    %get3A_58 = arith.constant 0 : index
    %get3A_59 = vector.load %arg6[%get3A_57, %get3A_58] : memref<2x64xf32, #tpu.memory_space<vmem>>, vector<1x64xf32>
    %get3A_60 = vector.shape_cast %get3A_59 : vector<1x64xf32> to vector<64xf32>
    %broadcast_in_dim3A_61 = vector.shape_cast %get3A_60 : vector<64xf32> to vector<1x64xf32>
    %div3A_62 = vector.broadcast %broadcast_in_dim3A_61 : vector<1x64xf32> to vector<10240x64xf32>
    %div3A_63 = arith.divf %sub3A_56, %div3A_62 : vector<10240x64xf32>
    %get3A_64 = arith.constant 0 : index
    %get3A_65 = arith.constant 0 : index
    %get3A_66 = vector.load %arg7[%get3A_64, %get3A_65] : memref<2x64xf32, #tpu.memory_space<vmem>>, vector<1x64xf32>
    %get3A_67 = vector.shape_cast %get3A_66 : vector<1x64xf32> to vector<64xf32>
    %broadcast_in_dim3A_68 = vector.shape_cast %get3A_67 : vector<64xf32> to vector<1x64xf32>
    %mul3A_69 = vector.broadcast %broadcast_in_dim3A_68 : vector<1x64xf32> to vector<10240x64xf32>
    %mul3A_70 = arith.mulf %div3A_63, %mul3A_69 : vector<10240x64xf32>
    %get3A_71 = arith.constant 1 : index
    %get3A_72 = arith.constant 0 : index
    %get3A_73 = vector.load %arg7[%get3A_71, %get3A_72] : memref<2x64xf32, #tpu.memory_space<vmem>>, vector<1x64xf32>
    %get3A_74 = vector.shape_cast %get3A_73 : vector<1x64xf32> to vector<64xf32>
    %broadcast_in_dim3A_75 = vector.shape_cast %get3A_74 : vector<64xf32> to vector<1x64xf32>
    %add3A_76 = vector.broadcast %broadcast_in_dim3A_75 : vector<1x64xf32> to vector<10240x64xf32>
    %add3A_77 = arith.addf %mul3A_70, %add3A_76 : vector<10240x64xf32>
    %ge3A_78 = arith.constant 0.000000e+00 : f32
    %ge3A_79 = vector.broadcast %ge3A_78 : f32 to vector<10240x64xf32>
    %ge3A_80 = arith.cmpf oge, %add3A_77, %ge3A_79 : vector<10240x64xf32>
    %mul3A_81 = arith.constant 2.000000e-01 : f32
    %mul3A_82 = vector.broadcast %mul3A_81 : f32 to vector<10240x64xf32>
    %mul3A_83 = arith.mulf %mul3A_82, %add3A_77 : vector<10240x64xf32>
    %select_n3A_84 = arith.select %ge3A_80, %add3A_77, %mul3A_83 : vector<10240x64xi1>, vector<10240x64xf32>
    %reshape3A_85 = vector.shape_cast %select_n3A_84 : vector<10240x64xf32> to vector<512x20x64xf32>
    %reduce_max3A = arith.constant dense<0xFF800000> : vector<512x64xf32>
    %reduce_max3A_86 = vector.multi_reduction <maximumf>, %reshape3A_85, %reduce_max3A [1] : vector<512x20x64xf32> to vector<512x64xf32>
    %swap3A = arith.constant 0 : index
    %swap3A_87 = arith.constant 0 : index
    %swap3A_88 = vector.load %arg9[%swap3A, %swap3A_87] : memref<512x64xf32, #tpu.memory_space<vmem>>, vector<512x64xf32>
    tpu.vector_store %arg9[%swap3A, %swap3A_87], %reduce_max3A_86 {strides = array<i32>} : memref<512x64xf32, #tpu.memory_space<vmem>>, vector<512x64xf32>,
    return
  }
  func.func @transform_0(%arg0: i32) -> (i32, i32) {
    %c0_i32 = arith.constant 0 : i32
    %c0_i32_0 = arith.constant 0 : i32
    return %arg0, %c0_i32 : i32, i32
  }
  func.func @transform_1(%arg0: i32) -> (i32, i32) {
    %c0_i32 = arith.constant 0 : i32
    %c0_i32_0 = arith.constant 0 : i32
    return %arg0, %c0_i32 : i32, i32
  }
  func.func @transform_2(%arg0: i32) -> (i32, i32) {
    %c0_i32 = arith.constant 0 : i32
    %c0_i32_0 = arith.constant 0 : i32
    %c0_i32_1 = arith.constant 0 : i32
    return %c0_i32, %c0_i32_0 : i32, i32
  }
  func.func @transform_3(%arg0: i32) -> (i32, i32) {
    %c0_i32 = arith.constant 0 : i32
    %c0_i32_0 = arith.constant 0 : i32
    %c0_i32_1 = arith.constant 0 : i32
    return %c0_i32, %c0_i32_0 : i32, i32
  }
  func.func @transform_4(%arg0: i32) -> (i32, i32) {
    %c0_i32 = arith.constant 0 : i32
    %c0_i32_0 = arith.constant 0 : i32
    %c0_i32_1 = arith.constant 0 : i32
    return %c0_i32, %c0_i32_0 : i32, i32
  }
  func.func @transform_5(%arg0: i32) -> (i32, i32) {
    %c0_i32 = arith.constant 0 : i32
    %c0_i32_0 = arith.constant 0 : i32
    %c0_i32_1 = arith.constant 0 : i32
    return %c0_i32, %c0_i32_0 : i32, i32
  }
  func.func @transform_6(%arg0: i32) -> (i32, i32) {
    %c0_i32 = arith.constant 0 : i32
    %c0_i32_0 = arith.constant 0 : i32
    %c0_i32_1 = arith.constant 0 : i32
    return %c0_i32, %c0_i32_0 : i32, i32
  }
  func.func @transform_7(%arg0: i32) -> (i32, i32) {
    %c0_i32 = arith.constant 0 : i32
    %c0_i32_0 = arith.constant 0 : i32
    %c0_i32_1 = arith.constant 0 : i32
    return %c0_i32, %c0_i32_0 : i32, i32
  }
  func.func @transform_8(%arg0: i32) -> (i32, i32) {
    %c0_i32 = arith.constant 0 : i32
    %c0_i32_0 = arith.constant 0 : i32
    return %arg0, %c0_i32 : i32, i32
  }
}

module attributes {stable_mosaic.version = 14 : i64} {
  func.func @_knn_body(%arg0: i32, %arg1: i32, %arg2: memref<1x256x64xf32, #tpu.memory_space<vmem>>, %arg3: memref<1x4096x64xf32, #tpu.memory_space<vmem>>, %arg4: memref<1x256x20xi32, #tpu.memory_space<vmem>>) attributes {dimension_semantics = [#tpu.dimension_semantics<arbitrary>, #tpu.dimension_semantics<arbitrary>], iteration_bounds = array<i64: 4, 16>, scalar_prefetch = 0 : i64, scratch_operands = 0 : i64, tpu.core_type = #tpu.core_type<tc>, window_params = [{transform_indices = @transform_0, window_bounds = array<i64: 1, 256, 64>}, {transform_indices = @transform_1, window_bounds = array<i64: 1, 4096, 64>}, {transform_indices = @transform_2, window_bounds = array<i64: 1, 256, 20>}]} {
    %get3A = arith.constant 0 : index
    %get3A_0 = arith.constant 0 : index
    %get3A_1 = arith.constant 0 : index
    %get3A_2 = vector.load %arg2[%get3A, %get3A_0, %get3A_1] : memref<1x256x64xf32, #tpu.memory_space<vmem>>, vector<1x256x64xf32>
    %get3A_3 = vector.shape_cast %get3A_2 : vector<1x256x64xf32> to vector<256x64xf32>
    %get3A_4 = arith.constant 0 : index
    %get3A_5 = arith.constant 0 : index
    %get3A_6 = arith.constant 0 : index
    %get3A_7 = vector.load %arg3[%get3A_4, %get3A_5, %get3A_6] : memref<1x4096x64xf32, #tpu.memory_space<vmem>>, vector<1x4096x64xf32>
    %get3A_8 = vector.shape_cast %get3A_7 : vector<1x4096x64xf32> to vector<4096x64xf32>
    %dot_general3A = arith.constant dense<0.000000e+00> : vector<256x4096xf32>
    %dot_general3A_9 = tpu.matmul %get3A_3, %get3A_8, %dot_general3A {dimension_numbers = #tpu.dot_dimension_numbers<[1], [1], [0], [0], [0, 0, 1, 0], [], []>, transpose_lhs_hint = false} : vector<256x64xf32>, vector<4096x64xf32>, vector<256x4096xf32> -> vector<256x4096xf32>
    %mul3A = arith.mulf %get3A_3, %get3A_3 : vector<256x64xf32>
    %reduce_sum3A = arith.constant dense<0.000000e+00> : vector<256xf32>
    %reduce_sum3A_10 = vector.multi_reduction <add>, %mul3A, %reduce_sum3A [1] : vector<256x64xf32> to vector<256xf32>
    %broadcast_in_dim3A = vector.shape_cast %reduce_sum3A_10 : vector<256xf32> to vector<256x1xf32>
    %mul3A_11 = arith.mulf %get3A_8, %get3A_8 : vector<4096x64xf32>
    %reduce_sum3A_12 = arith.constant dense<0.000000e+00> : vector<4096xf32>
    %reduce_sum3A_13 = vector.multi_reduction <add>, %mul3A_11, %reduce_sum3A_12 [1] : vector<4096x64xf32> to vector<4096xf32>
    %broadcast_in_dim3A_14 = vector.shape_cast %reduce_sum3A_13 : vector<4096xf32> to vector<1x4096xf32>
    %mul3A_15 = arith.constant 2.000000e+00 : f32
    %mul3A_16 = vector.broadcast %mul3A_15 : f32 to vector<256x4096xf32>
    %mul3A_17 = arith.mulf %mul3A_16, %dot_general3A_9 : vector<256x4096xf32>
    %sub3A = vector.broadcast %broadcast_in_dim3A : vector<256x1xf32> to vector<256x4096xf32>
    %sub3A_18 = arith.subf %mul3A_17, %sub3A : vector<256x4096xf32>
    %sub3A_19 = vector.broadcast %broadcast_in_dim3A_14 : vector<1x4096xf32> to vector<256x4096xf32>
    %sub3A_20 = arith.subf %sub3A_18, %sub3A_19 : vector<256x4096xf32>
    %iota3A = tpu.iota {dimensions = array<i32: 1>} : vector<256x4096xi32>
    %mul3A_21 = arith.constant 4096 : i32
    %mul3A_22 = arith.muli %arg0, %mul3A_21 : i32
    %reduce_max3A = arith.constant dense<0xFF800000> : vector<256xf32>
    %reduce_max3A_23 = vector.multi_reduction <maximumf>, %sub3A_20, %reduce_max3A [1] : vector<256x4096xf32> to vector<256xf32>
    %broadcast_in_dim3A_24 = vector.shape_cast %reduce_max3A_23 : vector<256xf32> to vector<256x1xf32>
    %ge3A = vector.broadcast %broadcast_in_dim3A_24 : vector<256x1xf32> to vector<256x4096xf32>
    %ge3A_25 = arith.cmpf oge, %sub3A_20, %ge3A : vector<256x4096xf32>
    %jit3A = arith.constant 4096 : i32
    %broadcast_in_dim3A_26 = vector.broadcast %jit3A : i32 to vector<256x4096xi32>
    %select_n3A = arith.select %ge3A_25, %iota3A, %broadcast_in_dim3A_26 : vector<256x4096xi1>, vector<256x4096xi32>
    %reduce_min3A = arith.constant dense<2147483647> : vector<256xi32>
    %reduce_min3A_27 = vector.multi_reduction <minsi>, %select_n3A, %reduce_min3A [1] : vector<256x4096xi32> to vector<256xi32>
    %add3A = vector.broadcast %mul3A_22 : i32 to vector<256xi32>
    %add3A_28 = arith.addi %reduce_min3A_27, %add3A : vector<256xi32>
    %swap3A = arith.constant 0 : index
    %swap3A_29 = arith.constant 0 : index
    %swap3A_30 = arith.constant 0 : index
    %swap3A_31 = vector.load %arg4[%swap3A, %swap3A_29, %swap3A_30] : memref<1x256x20xi32, #tpu.memory_space<vmem>>, vector<1x256x1xi32>
    %swap3A_32 = vector.shape_cast %swap3A_31 : vector<1x256x1xi32> to vector<256xi32>
    %swap3A_33 = vector.shape_cast %add3A_28 : vector<256xi32> to vector<1x256x1xi32>
    tpu.vector_store %arg4[%swap3A, %swap3A_29, %swap3A_30], %swap3A_33 {strides = array<i32>} : memref<1x256x20xi32, #tpu.memory_space<vmem>>, vector<1x256x1xi32>,
    %broadcast_in_dim3A_34 = vector.shape_cast %reduce_min3A_27 : vector<256xi32> to vector<256x1xi32>
    %eq3A = vector.broadcast %broadcast_in_dim3A_34 : vector<256x1xi32> to vector<256x4096xi32>
    %eq3A_35 = arith.cmpi eq, %iota3A, %eq3A : vector<256x4096xi32>
    %jit3A_36 = arith.constant 0xFF800000 : f32
    %broadcast_in_dim3A_37 = vector.broadcast %jit3A_36 : f32 to vector<256x4096xf32>
    %select_n3A_38 = arith.select %eq3A_35, %broadcast_in_dim3A_37, %sub3A_20 : vector<256x4096xi1>, vector<256x4096xf32>
    %reduce_max3A_39 = arith.constant dense<0xFF800000> : vector<256xf32>
    %reduce_max3A_40 = vector.multi_reduction <maximumf>, %select_n3A_38, %reduce_max3A_39 [1] : vector<256x4096xf32> to vector<256xf32>
    %broadcast_in_dim3A_41 = vector.shape_cast %reduce_max3A_40 : vector<256xf32> to vector<256x1xf32>
    %ge3A_42 = vector.broadcast %broadcast_in_dim3A_41 : vector<256x1xf32> to vector<256x4096xf32>
    %ge3A_43 = arith.cmpf oge, %select_n3A_38, %ge3A_42 : vector<256x4096xf32>
    %jit3A_44 = arith.constant 4096 : i32
    %broadcast_in_dim3A_45 = vector.broadcast %jit3A_44 : i32 to vector<256x4096xi32>
    %select_n3A_46 = arith.select %ge3A_43, %iota3A, %broadcast_in_dim3A_45 : vector<256x4096xi1>, vector<256x4096xi32>
    %reduce_min3A_47 = arith.constant dense<2147483647> : vector<256xi32>
    %reduce_min3A_48 = vector.multi_reduction <minsi>, %select_n3A_46, %reduce_min3A_47 [1] : vector<256x4096xi32> to vector<256xi32>
    %add3A_49 = vector.broadcast %mul3A_22 : i32 to vector<256xi32>
    %add3A_50 = arith.addi %reduce_min3A_48, %add3A_49 : vector<256xi32>
    %swap3A_51 = arith.constant 0 : index
    %swap3A_52 = arith.constant 0 : index
    %swap3A_53 = arith.constant 1 : index
    %swap3A_54 = vector.load %arg4[%swap3A_51, %swap3A_52, %swap3A_53] : memref<1x256x20xi32, #tpu.memory_space<vmem>>, vector<1x256x1xi32>
    %swap3A_55 = vector.shape_cast %swap3A_54 : vector<1x256x1xi32> to vector<256xi32>
    %swap3A_56 = vector.shape_cast %add3A_50 : vector<256xi32> to vector<1x256x1xi32>
    tpu.vector_store %arg4[%swap3A_51, %swap3A_52, %swap3A_53], %swap3A_56 {strides = array<i32>} : memref<1x256x20xi32, #tpu.memory_space<vmem>>, vector<1x256x1xi32>,
    %broadcast_in_dim3A_57 = vector.shape_cast %reduce_min3A_48 : vector<256xi32> to vector<256x1xi32>
    %eq3A_58 = vector.broadcast %broadcast_in_dim3A_57 : vector<256x1xi32> to vector<256x4096xi32>
    %eq3A_59 = arith.cmpi eq, %iota3A, %eq3A_58 : vector<256x4096xi32>
    %jit3A_60 = arith.constant 0xFF800000 : f32
    %broadcast_in_dim3A_61 = vector.broadcast %jit3A_60 : f32 to vector<256x4096xf32>
    %select_n3A_62 = arith.select %eq3A_59, %broadcast_in_dim3A_61, %select_n3A_38 : vector<256x4096xi1>, vector<256x4096xf32>
    %reduce_max3A_63 = arith.constant dense<0xFF800000> : vector<256xf32>
    %reduce_max3A_64 = vector.multi_reduction <maximumf>, %select_n3A_62, %reduce_max3A_63 [1] : vector<256x4096xf32> to vector<256xf32>
    %broadcast_in_dim3A_65 = vector.shape_cast %reduce_max3A_64 : vector<256xf32> to vector<256x1xf32>
    %ge3A_66 = vector.broadcast %broadcast_in_dim3A_65 : vector<256x1xf32> to vector<256x4096xf32>
    %ge3A_67 = arith.cmpf oge, %select_n3A_62, %ge3A_66 : vector<256x4096xf32>
    %jit3A_68 = arith.constant 4096 : i32
    %broadcast_in_dim3A_69 = vector.broadcast %jit3A_68 : i32 to vector<256x4096xi32>
    %select_n3A_70 = arith.select %ge3A_67, %iota3A, %broadcast_in_dim3A_69 : vector<256x4096xi1>, vector<256x4096xi32>
    %reduce_min3A_71 = arith.constant dense<2147483647> : vector<256xi32>
    %reduce_min3A_72 = vector.multi_reduction <minsi>, %select_n3A_70, %reduce_min3A_71 [1] : vector<256x4096xi32> to vector<256xi32>
    %add3A_73 = vector.broadcast %mul3A_22 : i32 to vector<256xi32>
    %add3A_74 = arith.addi %reduce_min3A_72, %add3A_73 : vector<256xi32>
    %swap3A_75 = arith.constant 0 : index
    %swap3A_76 = arith.constant 0 : index
    %swap3A_77 = arith.constant 2 : index
    %swap3A_78 = vector.load %arg4[%swap3A_75, %swap3A_76, %swap3A_77] : memref<1x256x20xi32, #tpu.memory_space<vmem>>, vector<1x256x1xi32>
    %swap3A_79 = vector.shape_cast %swap3A_78 : vector<1x256x1xi32> to vector<256xi32>
    %swap3A_80 = vector.shape_cast %add3A_74 : vector<256xi32> to vector<1x256x1xi32>
    tpu.vector_store %arg4[%swap3A_75, %swap3A_76, %swap3A_77], %swap3A_80 {strides = array<i32>} : memref<1x256x20xi32, #tpu.memory_space<vmem>>, vector<1x256x1xi32>,
    %broadcast_in_dim3A_81 = vector.shape_cast %reduce_min3A_72 : vector<256xi32> to vector<256x1xi32>
    %eq3A_82 = vector.broadcast %broadcast_in_dim3A_81 : vector<256x1xi32> to vector<256x4096xi32>
    %eq3A_83 = arith.cmpi eq, %iota3A, %eq3A_82 : vector<256x4096xi32>
    %jit3A_84 = arith.constant 0xFF800000 : f32
    %broadcast_in_dim3A_85 = vector.broadcast %jit3A_84 : f32 to vector<256x4096xf32>
    %select_n3A_86 = arith.select %eq3A_83, %broadcast_in_dim3A_85, %select_n3A_62 : vector<256x4096xi1>, vector<256x4096xf32>
    %reduce_max3A_87 = arith.constant dense<0xFF800000> : vector<256xf32>
    %reduce_max3A_88 = vector.multi_reduction <maximumf>, %select_n3A_86, %reduce_max3A_87 [1] : vector<256x4096xf32> to vector<256xf32>
    %broadcast_in_dim3A_89 = vector.shape_cast %reduce_max3A_88 : vector<256xf32> to vector<256x1xf32>
    %ge3A_90 = vector.broadcast %broadcast_in_dim3A_89 : vector<256x1xf32> to vector<256x4096xf32>
    %ge3A_91 = arith.cmpf oge, %select_n3A_86, %ge3A_90 : vector<256x4096xf32>
    %jit3A_92 = arith.constant 4096 : i32
    %broadcast_in_dim3A_93 = vector.broadcast %jit3A_92 : i32 to vector<256x4096xi32>
    %select_n3A_94 = arith.select %ge3A_91, %iota3A, %broadcast_in_dim3A_93 : vector<256x4096xi1>, vector<256x4096xi32>
    %reduce_min3A_95 = arith.constant dense<2147483647> : vector<256xi32>
    %reduce_min3A_96 = vector.multi_reduction <minsi>, %select_n3A_94, %reduce_min3A_95 [1] : vector<256x4096xi32> to vector<256xi32>
    %add3A_97 = vector.broadcast %mul3A_22 : i32 to vector<256xi32>
    %add3A_98 = arith.addi %reduce_min3A_96, %add3A_97 : vector<256xi32>
    %swap3A_99 = arith.constant 0 : index
    %swap3A_100 = arith.constant 0 : index
    %swap3A_101 = arith.constant 3 : index
    %swap3A_102 = vector.load %arg4[%swap3A_99, %swap3A_100, %swap3A_101] : memref<1x256x20xi32, #tpu.memory_space<vmem>>, vector<1x256x1xi32>
    %swap3A_103 = vector.shape_cast %swap3A_102 : vector<1x256x1xi32> to vector<256xi32>
    %swap3A_104 = vector.shape_cast %add3A_98 : vector<256xi32> to vector<1x256x1xi32>
    tpu.vector_store %arg4[%swap3A_99, %swap3A_100, %swap3A_101], %swap3A_104 {strides = array<i32>} : memref<1x256x20xi32, #tpu.memory_space<vmem>>, vector<1x256x1xi32>,
    %broadcast_in_dim3A_105 = vector.shape_cast %reduce_min3A_96 : vector<256xi32> to vector<256x1xi32>
    %eq3A_106 = vector.broadcast %broadcast_in_dim3A_105 : vector<256x1xi32> to vector<256x4096xi32>
    %eq3A_107 = arith.cmpi eq, %iota3A, %eq3A_106 : vector<256x4096xi32>
    %jit3A_108 = arith.constant 0xFF800000 : f32
    %broadcast_in_dim3A_109 = vector.broadcast %jit3A_108 : f32 to vector<256x4096xf32>
    %select_n3A_110 = arith.select %eq3A_107, %broadcast_in_dim3A_109, %select_n3A_86 : vector<256x4096xi1>, vector<256x4096xf32>
    %reduce_max3A_111 = arith.constant dense<0xFF800000> : vector<256xf32>
    %reduce_max3A_112 = vector.multi_reduction <maximumf>, %select_n3A_110, %reduce_max3A_111 [1] : vector<256x4096xf32> to vector<256xf32>
    %broadcast_in_dim3A_113 = vector.shape_cast %reduce_max3A_112 : vector<256xf32> to vector<256x1xf32>
    %ge3A_114 = vector.broadcast %broadcast_in_dim3A_113 : vector<256x1xf32> to vector<256x4096xf32>
    %ge3A_115 = arith.cmpf oge, %select_n3A_110, %ge3A_114 : vector<256x4096xf32>
    %jit3A_116 = arith.constant 4096 : i32
    %broadcast_in_dim3A_117 = vector.broadcast %jit3A_116 : i32 to vector<256x4096xi32>
    %select_n3A_118 = arith.select %ge3A_115, %iota3A, %broadcast_in_dim3A_117 : vector<256x4096xi1>, vector<256x4096xi32>
    %reduce_min3A_119 = arith.constant dense<2147483647> : vector<256xi32>
    %reduce_min3A_120 = vector.multi_reduction <minsi>, %select_n3A_118, %reduce_min3A_119 [1] : vector<256x4096xi32> to vector<256xi32>
    %add3A_121 = vector.broadcast %mul3A_22 : i32 to vector<256xi32>
    %add3A_122 = arith.addi %reduce_min3A_120, %add3A_121 : vector<256xi32>
    %swap3A_123 = arith.constant 0 : index
    %swap3A_124 = arith.constant 0 : index
    %swap3A_125 = arith.constant 4 : index
    %swap3A_126 = vector.load %arg4[%swap3A_123, %swap3A_124, %swap3A_125] : memref<1x256x20xi32, #tpu.memory_space<vmem>>, vector<1x256x1xi32>
    %swap3A_127 = vector.shape_cast %swap3A_126 : vector<1x256x1xi32> to vector<256xi32>
    %swap3A_128 = vector.shape_cast %add3A_122 : vector<256xi32> to vector<1x256x1xi32>
    tpu.vector_store %arg4[%swap3A_123, %swap3A_124, %swap3A_125], %swap3A_128 {strides = array<i32>} : memref<1x256x20xi32, #tpu.memory_space<vmem>>, vector<1x256x1xi32>,
    %broadcast_in_dim3A_129 = vector.shape_cast %reduce_min3A_120 : vector<256xi32> to vector<256x1xi32>
    %eq3A_130 = vector.broadcast %broadcast_in_dim3A_129 : vector<256x1xi32> to vector<256x4096xi32>
    %eq3A_131 = arith.cmpi eq, %iota3A, %eq3A_130 : vector<256x4096xi32>
    %jit3A_132 = arith.constant 0xFF800000 : f32
    %broadcast_in_dim3A_133 = vector.broadcast %jit3A_132 : f32 to vector<256x4096xf32>
    %select_n3A_134 = arith.select %eq3A_131, %broadcast_in_dim3A_133, %select_n3A_110 : vector<256x4096xi1>, vector<256x4096xf32>
    %reduce_max3A_135 = arith.constant dense<0xFF800000> : vector<256xf32>
    %reduce_max3A_136 = vector.multi_reduction <maximumf>, %select_n3A_134, %reduce_max3A_135 [1] : vector<256x4096xf32> to vector<256xf32>
    %broadcast_in_dim3A_137 = vector.shape_cast %reduce_max3A_136 : vector<256xf32> to vector<256x1xf32>
    %ge3A_138 = vector.broadcast %broadcast_in_dim3A_137 : vector<256x1xf32> to vector<256x4096xf32>
    %ge3A_139 = arith.cmpf oge, %select_n3A_134, %ge3A_138 : vector<256x4096xf32>
    %jit3A_140 = arith.constant 4096 : i32
    %broadcast_in_dim3A_141 = vector.broadcast %jit3A_140 : i32 to vector<256x4096xi32>
    %select_n3A_142 = arith.select %ge3A_139, %iota3A, %broadcast_in_dim3A_141 : vector<256x4096xi1>, vector<256x4096xi32>
    %reduce_min3A_143 = arith.constant dense<2147483647> : vector<256xi32>
    %reduce_min3A_144 = vector.multi_reduction <minsi>, %select_n3A_142, %reduce_min3A_143 [1] : vector<256x4096xi32> to vector<256xi32>
    %add3A_145 = vector.broadcast %mul3A_22 : i32 to vector<256xi32>
    %add3A_146 = arith.addi %reduce_min3A_144, %add3A_145 : vector<256xi32>
    %swap3A_147 = arith.constant 0 : index
    %swap3A_148 = arith.constant 0 : index
    %swap3A_149 = arith.constant 5 : index
    %swap3A_150 = vector.load %arg4[%swap3A_147, %swap3A_148, %swap3A_149] : memref<1x256x20xi32, #tpu.memory_space<vmem>>, vector<1x256x1xi32>
    %swap3A_151 = vector.shape_cast %swap3A_150 : vector<1x256x1xi32> to vector<256xi32>
    %swap3A_152 = vector.shape_cast %add3A_146 : vector<256xi32> to vector<1x256x1xi32>
    tpu.vector_store %arg4[%swap3A_147, %swap3A_148, %swap3A_149], %swap3A_152 {strides = array<i32>} : memref<1x256x20xi32, #tpu.memory_space<vmem>>, vector<1x256x1xi32>,
    %broadcast_in_dim3A_153 = vector.shape_cast %reduce_min3A_144 : vector<256xi32> to vector<256x1xi32>
    %eq3A_154 = vector.broadcast %broadcast_in_dim3A_153 : vector<256x1xi32> to vector<256x4096xi32>
    %eq3A_155 = arith.cmpi eq, %iota3A, %eq3A_154 : vector<256x4096xi32>
    %jit3A_156 = arith.constant 0xFF800000 : f32
    %broadcast_in_dim3A_157 = vector.broadcast %jit3A_156 : f32 to vector<256x4096xf32>
    %select_n3A_158 = arith.select %eq3A_155, %broadcast_in_dim3A_157, %select_n3A_134 : vector<256x4096xi1>, vector<256x4096xf32>
    %reduce_max3A_159 = arith.constant dense<0xFF800000> : vector<256xf32>
    %reduce_max3A_160 = vector.multi_reduction <maximumf>, %select_n3A_158, %reduce_max3A_159 [1] : vector<256x4096xf32> to vector<256xf32>
    %broadcast_in_dim3A_161 = vector.shape_cast %reduce_max3A_160 : vector<256xf32> to vector<256x1xf32>
    %ge3A_162 = vector.broadcast %broadcast_in_dim3A_161 : vector<256x1xf32> to vector<256x4096xf32>
    %ge3A_163 = arith.cmpf oge, %select_n3A_158, %ge3A_162 : vector<256x4096xf32>
    %jit3A_164 = arith.constant 4096 : i32
    %broadcast_in_dim3A_165 = vector.broadcast %jit3A_164 : i32 to vector<256x4096xi32>
    %select_n3A_166 = arith.select %ge3A_163, %iota3A, %broadcast_in_dim3A_165 : vector<256x4096xi1>, vector<256x4096xi32>
    %reduce_min3A_167 = arith.constant dense<2147483647> : vector<256xi32>
    %reduce_min3A_168 = vector.multi_reduction <minsi>, %select_n3A_166, %reduce_min3A_167 [1] : vector<256x4096xi32> to vector<256xi32>
    %add3A_169 = vector.broadcast %mul3A_22 : i32 to vector<256xi32>
    %add3A_170 = arith.addi %reduce_min3A_168, %add3A_169 : vector<256xi32>
    %swap3A_171 = arith.constant 0 : index
    %swap3A_172 = arith.constant 0 : index
    %swap3A_173 = arith.constant 6 : index
    %swap3A_174 = vector.load %arg4[%swap3A_171, %swap3A_172, %swap3A_173] : memref<1x256x20xi32, #tpu.memory_space<vmem>>, vector<1x256x1xi32>
    %swap3A_175 = vector.shape_cast %swap3A_174 : vector<1x256x1xi32> to vector<256xi32>
    %swap3A_176 = vector.shape_cast %add3A_170 : vector<256xi32> to vector<1x256x1xi32>
    tpu.vector_store %arg4[%swap3A_171, %swap3A_172, %swap3A_173], %swap3A_176 {strides = array<i32>} : memref<1x256x20xi32, #tpu.memory_space<vmem>>, vector<1x256x1xi32>,
    %broadcast_in_dim3A_177 = vector.shape_cast %reduce_min3A_168 : vector<256xi32> to vector<256x1xi32>
    %eq3A_178 = vector.broadcast %broadcast_in_dim3A_177 : vector<256x1xi32> to vector<256x4096xi32>
    %eq3A_179 = arith.cmpi eq, %iota3A, %eq3A_178 : vector<256x4096xi32>
    %jit3A_180 = arith.constant 0xFF800000 : f32
    %broadcast_in_dim3A_181 = vector.broadcast %jit3A_180 : f32 to vector<256x4096xf32>
    %select_n3A_182 = arith.select %eq3A_179, %broadcast_in_dim3A_181, %select_n3A_158 : vector<256x4096xi1>, vector<256x4096xf32>
    %reduce_max3A_183 = arith.constant dense<0xFF800000> : vector<256xf32>
    %reduce_max3A_184 = vector.multi_reduction <maximumf>, %select_n3A_182, %reduce_max3A_183 [1] : vector<256x4096xf32> to vector<256xf32>
    %broadcast_in_dim3A_185 = vector.shape_cast %reduce_max3A_184 : vector<256xf32> to vector<256x1xf32>
    %ge3A_186 = vector.broadcast %broadcast_in_dim3A_185 : vector<256x1xf32> to vector<256x4096xf32>
    %ge3A_187 = arith.cmpf oge, %select_n3A_182, %ge3A_186 : vector<256x4096xf32>
    %jit3A_188 = arith.constant 4096 : i32
    %broadcast_in_dim3A_189 = vector.broadcast %jit3A_188 : i32 to vector<256x4096xi32>
    %select_n3A_190 = arith.select %ge3A_187, %iota3A, %broadcast_in_dim3A_189 : vector<256x4096xi1>, vector<256x4096xi32>
    %reduce_min3A_191 = arith.constant dense<2147483647> : vector<256xi32>
    %reduce_min3A_192 = vector.multi_reduction <minsi>, %select_n3A_190, %reduce_min3A_191 [1] : vector<256x4096xi32> to vector<256xi32>
    %add3A_193 = vector.broadcast %mul3A_22 : i32 to vector<256xi32>
    %add3A_194 = arith.addi %reduce_min3A_192, %add3A_193 : vector<256xi32>
    %swap3A_195 = arith.constant 0 : index
    %swap3A_196 = arith.constant 0 : index
    %swap3A_197 = arith.constant 7 : index
    %swap3A_198 = vector.load %arg4[%swap3A_195, %swap3A_196, %swap3A_197] : memref<1x256x20xi32, #tpu.memory_space<vmem>>, vector<1x256x1xi32>
    %swap3A_199 = vector.shape_cast %swap3A_198 : vector<1x256x1xi32> to vector<256xi32>
    %swap3A_200 = vector.shape_cast %add3A_194 : vector<256xi32> to vector<1x256x1xi32>
    tpu.vector_store %arg4[%swap3A_195, %swap3A_196, %swap3A_197], %swap3A_200 {strides = array<i32>} : memref<1x256x20xi32, #tpu.memory_space<vmem>>, vector<1x256x1xi32>,
    %broadcast_in_dim3A_201 = vector.shape_cast %reduce_min3A_192 : vector<256xi32> to vector<256x1xi32>
    %eq3A_202 = vector.broadcast %broadcast_in_dim3A_201 : vector<256x1xi32> to vector<256x4096xi32>
    %eq3A_203 = arith.cmpi eq, %iota3A, %eq3A_202 : vector<256x4096xi32>
    %jit3A_204 = arith.constant 0xFF800000 : f32
    %broadcast_in_dim3A_205 = vector.broadcast %jit3A_204 : f32 to vector<256x4096xf32>
    %select_n3A_206 = arith.select %eq3A_203, %broadcast_in_dim3A_205, %select_n3A_182 : vector<256x4096xi1>, vector<256x4096xf32>
    %reduce_max3A_207 = arith.constant dense<0xFF800000> : vector<256xf32>
    %reduce_max3A_208 = vector.multi_reduction <maximumf>, %select_n3A_206, %reduce_max3A_207 [1] : vector<256x4096xf32> to vector<256xf32>
    %broadcast_in_dim3A_209 = vector.shape_cast %reduce_max3A_208 : vector<256xf32> to vector<256x1xf32>
    %ge3A_210 = vector.broadcast %broadcast_in_dim3A_209 : vector<256x1xf32> to vector<256x4096xf32>
    %ge3A_211 = arith.cmpf oge, %select_n3A_206, %ge3A_210 : vector<256x4096xf32>
    %jit3A_212 = arith.constant 4096 : i32
    %broadcast_in_dim3A_213 = vector.broadcast %jit3A_212 : i32 to vector<256x4096xi32>
    %select_n3A_214 = arith.select %ge3A_211, %iota3A, %broadcast_in_dim3A_213 : vector<256x4096xi1>, vector<256x4096xi32>
    %reduce_min3A_215 = arith.constant dense<2147483647> : vector<256xi32>
    %reduce_min3A_216 = vector.multi_reduction <minsi>, %select_n3A_214, %reduce_min3A_215 [1] : vector<256x4096xi32> to vector<256xi32>
    %add3A_217 = vector.broadcast %mul3A_22 : i32 to vector<256xi32>
    %add3A_218 = arith.addi %reduce_min3A_216, %add3A_217 : vector<256xi32>
    %swap3A_219 = arith.constant 0 : index
    %swap3A_220 = arith.constant 0 : index
    %swap3A_221 = arith.constant 8 : index
    %swap3A_222 = vector.load %arg4[%swap3A_219, %swap3A_220, %swap3A_221] : memref<1x256x20xi32, #tpu.memory_space<vmem>>, vector<1x256x1xi32>
    %swap3A_223 = vector.shape_cast %swap3A_222 : vector<1x256x1xi32> to vector<256xi32>
    %swap3A_224 = vector.shape_cast %add3A_218 : vector<256xi32> to vector<1x256x1xi32>
    tpu.vector_store %arg4[%swap3A_219, %swap3A_220, %swap3A_221], %swap3A_224 {strides = array<i32>} : memref<1x256x20xi32, #tpu.memory_space<vmem>>, vector<1x256x1xi32>,
    %broadcast_in_dim3A_225 = vector.shape_cast %reduce_min3A_216 : vector<256xi32> to vector<256x1xi32>
    %eq3A_226 = vector.broadcast %broadcast_in_dim3A_225 : vector<256x1xi32> to vector<256x4096xi32>
    %eq3A_227 = arith.cmpi eq, %iota3A, %eq3A_226 : vector<256x4096xi32>
    %jit3A_228 = arith.constant 0xFF800000 : f32
    %broadcast_in_dim3A_229 = vector.broadcast %jit3A_228 : f32 to vector<256x4096xf32>
    %select_n3A_230 = arith.select %eq3A_227, %broadcast_in_dim3A_229, %select_n3A_206 : vector<256x4096xi1>, vector<256x4096xf32>
    %reduce_max3A_231 = arith.constant dense<0xFF800000> : vector<256xf32>
    %reduce_max3A_232 = vector.multi_reduction <maximumf>, %select_n3A_230, %reduce_max3A_231 [1] : vector<256x4096xf32> to vector<256xf32>
    %broadcast_in_dim3A_233 = vector.shape_cast %reduce_max3A_232 : vector<256xf32> to vector<256x1xf32>
    %ge3A_234 = vector.broadcast %broadcast_in_dim3A_233 : vector<256x1xf32> to vector<256x4096xf32>
    %ge3A_235 = arith.cmpf oge, %select_n3A_230, %ge3A_234 : vector<256x4096xf32>
    %jit3A_236 = arith.constant 4096 : i32
    %broadcast_in_dim3A_237 = vector.broadcast %jit3A_236 : i32 to vector<256x4096xi32>
    %select_n3A_238 = arith.select %ge3A_235, %iota3A, %broadcast_in_dim3A_237 : vector<256x4096xi1>, vector<256x4096xi32>
    %reduce_min3A_239 = arith.constant dense<2147483647> : vector<256xi32>
    %reduce_min3A_240 = vector.multi_reduction <minsi>, %select_n3A_238, %reduce_min3A_239 [1] : vector<256x4096xi32> to vector<256xi32>
    %add3A_241 = vector.broadcast %mul3A_22 : i32 to vector<256xi32>
    %add3A_242 = arith.addi %reduce_min3A_240, %add3A_241 : vector<256xi32>
    %swap3A_243 = arith.constant 0 : index
    %swap3A_244 = arith.constant 0 : index
    %swap3A_245 = arith.constant 9 : index
    %swap3A_246 = vector.load %arg4[%swap3A_243, %swap3A_244, %swap3A_245] : memref<1x256x20xi32, #tpu.memory_space<vmem>>, vector<1x256x1xi32>
    %swap3A_247 = vector.shape_cast %swap3A_246 : vector<1x256x1xi32> to vector<256xi32>
    %swap3A_248 = vector.shape_cast %add3A_242 : vector<256xi32> to vector<1x256x1xi32>
    tpu.vector_store %arg4[%swap3A_243, %swap3A_244, %swap3A_245], %swap3A_248 {strides = array<i32>} : memref<1x256x20xi32, #tpu.memory_space<vmem>>, vector<1x256x1xi32>,
    %broadcast_in_dim3A_249 = vector.shape_cast %reduce_min3A_240 : vector<256xi32> to vector<256x1xi32>
    %eq3A_250 = vector.broadcast %broadcast_in_dim3A_249 : vector<256x1xi32> to vector<256x4096xi32>
    %eq3A_251 = arith.cmpi eq, %iota3A, %eq3A_250 : vector<256x4096xi32>
    %jit3A_252 = arith.constant 0xFF800000 : f32
    %broadcast_in_dim3A_253 = vector.broadcast %jit3A_252 : f32 to vector<256x4096xf32>
    %select_n3A_254 = arith.select %eq3A_251, %broadcast_in_dim3A_253, %select_n3A_230 : vector<256x4096xi1>, vector<256x4096xf32>
    %reduce_max3A_255 = arith.constant dense<0xFF800000> : vector<256xf32>
    %reduce_max3A_256 = vector.multi_reduction <maximumf>, %select_n3A_254, %reduce_max3A_255 [1] : vector<256x4096xf32> to vector<256xf32>
    %broadcast_in_dim3A_257 = vector.shape_cast %reduce_max3A_256 : vector<256xf32> to vector<256x1xf32>
    %ge3A_258 = vector.broadcast %broadcast_in_dim3A_257 : vector<256x1xf32> to vector<256x4096xf32>
    %ge3A_259 = arith.cmpf oge, %select_n3A_254, %ge3A_258 : vector<256x4096xf32>
    %jit3A_260 = arith.constant 4096 : i32
    %broadcast_in_dim3A_261 = vector.broadcast %jit3A_260 : i32 to vector<256x4096xi32>
    %select_n3A_262 = arith.select %ge3A_259, %iota3A, %broadcast_in_dim3A_261 : vector<256x4096xi1>, vector<256x4096xi32>
    %reduce_min3A_263 = arith.constant dense<2147483647> : vector<256xi32>
    %reduce_min3A_264 = vector.multi_reduction <minsi>, %select_n3A_262, %reduce_min3A_263 [1] : vector<256x4096xi32> to vector<256xi32>
    %add3A_265 = vector.broadcast %mul3A_22 : i32 to vector<256xi32>
    %add3A_266 = arith.addi %reduce_min3A_264, %add3A_265 : vector<256xi32>
    %swap3A_267 = arith.constant 0 : index
    %swap3A_268 = arith.constant 0 : index
    %swap3A_269 = arith.constant 10 : index
    %swap3A_270 = vector.load %arg4[%swap3A_267, %swap3A_268, %swap3A_269] : memref<1x256x20xi32, #tpu.memory_space<vmem>>, vector<1x256x1xi32>
    %swap3A_271 = vector.shape_cast %swap3A_270 : vector<1x256x1xi32> to vector<256xi32>
    %swap3A_272 = vector.shape_cast %add3A_266 : vector<256xi32> to vector<1x256x1xi32>
    tpu.vector_store %arg4[%swap3A_267, %swap3A_268, %swap3A_269], %swap3A_272 {strides = array<i32>} : memref<1x256x20xi32, #tpu.memory_space<vmem>>, vector<1x256x1xi32>,
    %broadcast_in_dim3A_273 = vector.shape_cast %reduce_min3A_264 : vector<256xi32> to vector<256x1xi32>
    %eq3A_274 = vector.broadcast %broadcast_in_dim3A_273 : vector<256x1xi32> to vector<256x4096xi32>
    %eq3A_275 = arith.cmpi eq, %iota3A, %eq3A_274 : vector<256x4096xi32>
    %jit3A_276 = arith.constant 0xFF800000 : f32
    %broadcast_in_dim3A_277 = vector.broadcast %jit3A_276 : f32 to vector<256x4096xf32>
    %select_n3A_278 = arith.select %eq3A_275, %broadcast_in_dim3A_277, %select_n3A_254 : vector<256x4096xi1>, vector<256x4096xf32>
    %reduce_max3A_279 = arith.constant dense<0xFF800000> : vector<256xf32>
    %reduce_max3A_280 = vector.multi_reduction <maximumf>, %select_n3A_278, %reduce_max3A_279 [1] : vector<256x4096xf32> to vector<256xf32>
    %broadcast_in_dim3A_281 = vector.shape_cast %reduce_max3A_280 : vector<256xf32> to vector<256x1xf32>
    %ge3A_282 = vector.broadcast %broadcast_in_dim3A_281 : vector<256x1xf32> to vector<256x4096xf32>
    %ge3A_283 = arith.cmpf oge, %select_n3A_278, %ge3A_282 : vector<256x4096xf32>
    %jit3A_284 = arith.constant 4096 : i32
    %broadcast_in_dim3A_285 = vector.broadcast %jit3A_284 : i32 to vector<256x4096xi32>
    %select_n3A_286 = arith.select %ge3A_283, %iota3A, %broadcast_in_dim3A_285 : vector<256x4096xi1>, vector<256x4096xi32>
    %reduce_min3A_287 = arith.constant dense<2147483647> : vector<256xi32>
    %reduce_min3A_288 = vector.multi_reduction <minsi>, %select_n3A_286, %reduce_min3A_287 [1] : vector<256x4096xi32> to vector<256xi32>
    %add3A_289 = vector.broadcast %mul3A_22 : i32 to vector<256xi32>
    %add3A_290 = arith.addi %reduce_min3A_288, %add3A_289 : vector<256xi32>
    %swap3A_291 = arith.constant 0 : index
    %swap3A_292 = arith.constant 0 : index
    %swap3A_293 = arith.constant 11 : index
    %swap3A_294 = vector.load %arg4[%swap3A_291, %swap3A_292, %swap3A_293] : memref<1x256x20xi32, #tpu.memory_space<vmem>>, vector<1x256x1xi32>
    %swap3A_295 = vector.shape_cast %swap3A_294 : vector<1x256x1xi32> to vector<256xi32>
    %swap3A_296 = vector.shape_cast %add3A_290 : vector<256xi32> to vector<1x256x1xi32>
    tpu.vector_store %arg4[%swap3A_291, %swap3A_292, %swap3A_293], %swap3A_296 {strides = array<i32>} : memref<1x256x20xi32, #tpu.memory_space<vmem>>, vector<1x256x1xi32>,
    %broadcast_in_dim3A_297 = vector.shape_cast %reduce_min3A_288 : vector<256xi32> to vector<256x1xi32>
    %eq3A_298 = vector.broadcast %broadcast_in_dim3A_297 : vector<256x1xi32> to vector<256x4096xi32>
    %eq3A_299 = arith.cmpi eq, %iota3A, %eq3A_298 : vector<256x4096xi32>
    %jit3A_300 = arith.constant 0xFF800000 : f32
    %broadcast_in_dim3A_301 = vector.broadcast %jit3A_300 : f32 to vector<256x4096xf32>
    %select_n3A_302 = arith.select %eq3A_299, %broadcast_in_dim3A_301, %select_n3A_278 : vector<256x4096xi1>, vector<256x4096xf32>
    %reduce_max3A_303 = arith.constant dense<0xFF800000> : vector<256xf32>
    %reduce_max3A_304 = vector.multi_reduction <maximumf>, %select_n3A_302, %reduce_max3A_303 [1] : vector<256x4096xf32> to vector<256xf32>
    %broadcast_in_dim3A_305 = vector.shape_cast %reduce_max3A_304 : vector<256xf32> to vector<256x1xf32>
    %ge3A_306 = vector.broadcast %broadcast_in_dim3A_305 : vector<256x1xf32> to vector<256x4096xf32>
    %ge3A_307 = arith.cmpf oge, %select_n3A_302, %ge3A_306 : vector<256x4096xf32>
    %jit3A_308 = arith.constant 4096 : i32
    %broadcast_in_dim3A_309 = vector.broadcast %jit3A_308 : i32 to vector<256x4096xi32>
    %select_n3A_310 = arith.select %ge3A_307, %iota3A, %broadcast_in_dim3A_309 : vector<256x4096xi1>, vector<256x4096xi32>
    %reduce_min3A_311 = arith.constant dense<2147483647> : vector<256xi32>
    %reduce_min3A_312 = vector.multi_reduction <minsi>, %select_n3A_310, %reduce_min3A_311 [1] : vector<256x4096xi32> to vector<256xi32>
    %add3A_313 = vector.broadcast %mul3A_22 : i32 to vector<256xi32>
    %add3A_314 = arith.addi %reduce_min3A_312, %add3A_313 : vector<256xi32>
    %swap3A_315 = arith.constant 0 : index
    %swap3A_316 = arith.constant 0 : index
    %swap3A_317 = arith.constant 12 : index
    %swap3A_318 = vector.load %arg4[%swap3A_315, %swap3A_316, %swap3A_317] : memref<1x256x20xi32, #tpu.memory_space<vmem>>, vector<1x256x1xi32>
    %swap3A_319 = vector.shape_cast %swap3A_318 : vector<1x256x1xi32> to vector<256xi32>
    %swap3A_320 = vector.shape_cast %add3A_314 : vector<256xi32> to vector<1x256x1xi32>
    tpu.vector_store %arg4[%swap3A_315, %swap3A_316, %swap3A_317], %swap3A_320 {strides = array<i32>} : memref<1x256x20xi32, #tpu.memory_space<vmem>>, vector<1x256x1xi32>,
    %broadcast_in_dim3A_321 = vector.shape_cast %reduce_min3A_312 : vector<256xi32> to vector<256x1xi32>
    %eq3A_322 = vector.broadcast %broadcast_in_dim3A_321 : vector<256x1xi32> to vector<256x4096xi32>
    %eq3A_323 = arith.cmpi eq, %iota3A, %eq3A_322 : vector<256x4096xi32>
    %jit3A_324 = arith.constant 0xFF800000 : f32
    %broadcast_in_dim3A_325 = vector.broadcast %jit3A_324 : f32 to vector<256x4096xf32>
    %select_n3A_326 = arith.select %eq3A_323, %broadcast_in_dim3A_325, %select_n3A_302 : vector<256x4096xi1>, vector<256x4096xf32>
    %reduce_max3A_327 = arith.constant dense<0xFF800000> : vector<256xf32>
    %reduce_max3A_328 = vector.multi_reduction <maximumf>, %select_n3A_326, %reduce_max3A_327 [1] : vector<256x4096xf32> to vector<256xf32>
    %broadcast_in_dim3A_329 = vector.shape_cast %reduce_max3A_328 : vector<256xf32> to vector<256x1xf32>
    %ge3A_330 = vector.broadcast %broadcast_in_dim3A_329 : vector<256x1xf32> to vector<256x4096xf32>
    %ge3A_331 = arith.cmpf oge, %select_n3A_326, %ge3A_330 : vector<256x4096xf32>
    %jit3A_332 = arith.constant 4096 : i32
    %broadcast_in_dim3A_333 = vector.broadcast %jit3A_332 : i32 to vector<256x4096xi32>
    %select_n3A_334 = arith.select %ge3A_331, %iota3A, %broadcast_in_dim3A_333 : vector<256x4096xi1>, vector<256x4096xi32>
    %reduce_min3A_335 = arith.constant dense<2147483647> : vector<256xi32>
    %reduce_min3A_336 = vector.multi_reduction <minsi>, %select_n3A_334, %reduce_min3A_335 [1] : vector<256x4096xi32> to vector<256xi32>
    %add3A_337 = vector.broadcast %mul3A_22 : i32 to vector<256xi32>
    %add3A_338 = arith.addi %reduce_min3A_336, %add3A_337 : vector<256xi32>
    %swap3A_339 = arith.constant 0 : index
    %swap3A_340 = arith.constant 0 : index
    %swap3A_341 = arith.constant 13 : index
    %swap3A_342 = vector.load %arg4[%swap3A_339, %swap3A_340, %swap3A_341] : memref<1x256x20xi32, #tpu.memory_space<vmem>>, vector<1x256x1xi32>
    %swap3A_343 = vector.shape_cast %swap3A_342 : vector<1x256x1xi32> to vector<256xi32>
    %swap3A_344 = vector.shape_cast %add3A_338 : vector<256xi32> to vector<1x256x1xi32>
    tpu.vector_store %arg4[%swap3A_339, %swap3A_340, %swap3A_341], %swap3A_344 {strides = array<i32>} : memref<1x256x20xi32, #tpu.memory_space<vmem>>, vector<1x256x1xi32>,
    %broadcast_in_dim3A_345 = vector.shape_cast %reduce_min3A_336 : vector<256xi32> to vector<256x1xi32>
    %eq3A_346 = vector.broadcast %broadcast_in_dim3A_345 : vector<256x1xi32> to vector<256x4096xi32>
    %eq3A_347 = arith.cmpi eq, %iota3A, %eq3A_346 : vector<256x4096xi32>
    %jit3A_348 = arith.constant 0xFF800000 : f32
    %broadcast_in_dim3A_349 = vector.broadcast %jit3A_348 : f32 to vector<256x4096xf32>
    %select_n3A_350 = arith.select %eq3A_347, %broadcast_in_dim3A_349, %select_n3A_326 : vector<256x4096xi1>, vector<256x4096xf32>
    %reduce_max3A_351 = arith.constant dense<0xFF800000> : vector<256xf32>
    %reduce_max3A_352 = vector.multi_reduction <maximumf>, %select_n3A_350, %reduce_max3A_351 [1] : vector<256x4096xf32> to vector<256xf32>
    %broadcast_in_dim3A_353 = vector.shape_cast %reduce_max3A_352 : vector<256xf32> to vector<256x1xf32>
    %ge3A_354 = vector.broadcast %broadcast_in_dim3A_353 : vector<256x1xf32> to vector<256x4096xf32>
    %ge3A_355 = arith.cmpf oge, %select_n3A_350, %ge3A_354 : vector<256x4096xf32>
    %jit3A_356 = arith.constant 4096 : i32
    %broadcast_in_dim3A_357 = vector.broadcast %jit3A_356 : i32 to vector<256x4096xi32>
    %select_n3A_358 = arith.select %ge3A_355, %iota3A, %broadcast_in_dim3A_357 : vector<256x4096xi1>, vector<256x4096xi32>
    %reduce_min3A_359 = arith.constant dense<2147483647> : vector<256xi32>
    %reduce_min3A_360 = vector.multi_reduction <minsi>, %select_n3A_358, %reduce_min3A_359 [1] : vector<256x4096xi32> to vector<256xi32>
    %add3A_361 = vector.broadcast %mul3A_22 : i32 to vector<256xi32>
    %add3A_362 = arith.addi %reduce_min3A_360, %add3A_361 : vector<256xi32>
    %swap3A_363 = arith.constant 0 : index
    %swap3A_364 = arith.constant 0 : index
    %swap3A_365 = arith.constant 14 : index
    %swap3A_366 = vector.load %arg4[%swap3A_363, %swap3A_364, %swap3A_365] : memref<1x256x20xi32, #tpu.memory_space<vmem>>, vector<1x256x1xi32>
    %swap3A_367 = vector.shape_cast %swap3A_366 : vector<1x256x1xi32> to vector<256xi32>
    %swap3A_368 = vector.shape_cast %add3A_362 : vector<256xi32> to vector<1x256x1xi32>
    tpu.vector_store %arg4[%swap3A_363, %swap3A_364, %swap3A_365], %swap3A_368 {strides = array<i32>} : memref<1x256x20xi32, #tpu.memory_space<vmem>>, vector<1x256x1xi32>,
    %broadcast_in_dim3A_369 = vector.shape_cast %reduce_min3A_360 : vector<256xi32> to vector<256x1xi32>
    %eq3A_370 = vector.broadcast %broadcast_in_dim3A_369 : vector<256x1xi32> to vector<256x4096xi32>
    %eq3A_371 = arith.cmpi eq, %iota3A, %eq3A_370 : vector<256x4096xi32>
    %jit3A_372 = arith.constant 0xFF800000 : f32
    %broadcast_in_dim3A_373 = vector.broadcast %jit3A_372 : f32 to vector<256x4096xf32>
    %select_n3A_374 = arith.select %eq3A_371, %broadcast_in_dim3A_373, %select_n3A_350 : vector<256x4096xi1>, vector<256x4096xf32>
    %reduce_max3A_375 = arith.constant dense<0xFF800000> : vector<256xf32>
    %reduce_max3A_376 = vector.multi_reduction <maximumf>, %select_n3A_374, %reduce_max3A_375 [1] : vector<256x4096xf32> to vector<256xf32>
    %broadcast_in_dim3A_377 = vector.shape_cast %reduce_max3A_376 : vector<256xf32> to vector<256x1xf32>
    %ge3A_378 = vector.broadcast %broadcast_in_dim3A_377 : vector<256x1xf32> to vector<256x4096xf32>
    %ge3A_379 = arith.cmpf oge, %select_n3A_374, %ge3A_378 : vector<256x4096xf32>
    %jit3A_380 = arith.constant 4096 : i32
    %broadcast_in_dim3A_381 = vector.broadcast %jit3A_380 : i32 to vector<256x4096xi32>
    %select_n3A_382 = arith.select %ge3A_379, %iota3A, %broadcast_in_dim3A_381 : vector<256x4096xi1>, vector<256x4096xi32>
    %reduce_min3A_383 = arith.constant dense<2147483647> : vector<256xi32>
    %reduce_min3A_384 = vector.multi_reduction <minsi>, %select_n3A_382, %reduce_min3A_383 [1] : vector<256x4096xi32> to vector<256xi32>
    %add3A_385 = vector.broadcast %mul3A_22 : i32 to vector<256xi32>
    %add3A_386 = arith.addi %reduce_min3A_384, %add3A_385 : vector<256xi32>
    %swap3A_387 = arith.constant 0 : index
    %swap3A_388 = arith.constant 0 : index
    %swap3A_389 = arith.constant 15 : index
    %swap3A_390 = vector.load %arg4[%swap3A_387, %swap3A_388, %swap3A_389] : memref<1x256x20xi32, #tpu.memory_space<vmem>>, vector<1x256x1xi32>
    %swap3A_391 = vector.shape_cast %swap3A_390 : vector<1x256x1xi32> to vector<256xi32>
    %swap3A_392 = vector.shape_cast %add3A_386 : vector<256xi32> to vector<1x256x1xi32>
    tpu.vector_store %arg4[%swap3A_387, %swap3A_388, %swap3A_389], %swap3A_392 {strides = array<i32>} : memref<1x256x20xi32, #tpu.memory_space<vmem>>, vector<1x256x1xi32>,
    %broadcast_in_dim3A_393 = vector.shape_cast %reduce_min3A_384 : vector<256xi32> to vector<256x1xi32>
    %eq3A_394 = vector.broadcast %broadcast_in_dim3A_393 : vector<256x1xi32> to vector<256x4096xi32>
    %eq3A_395 = arith.cmpi eq, %iota3A, %eq3A_394 : vector<256x4096xi32>
    %jit3A_396 = arith.constant 0xFF800000 : f32
    %broadcast_in_dim3A_397 = vector.broadcast %jit3A_396 : f32 to vector<256x4096xf32>
    %select_n3A_398 = arith.select %eq3A_395, %broadcast_in_dim3A_397, %select_n3A_374 : vector<256x4096xi1>, vector<256x4096xf32>
    %reduce_max3A_399 = arith.constant dense<0xFF800000> : vector<256xf32>
    %reduce_max3A_400 = vector.multi_reduction <maximumf>, %select_n3A_398, %reduce_max3A_399 [1] : vector<256x4096xf32> to vector<256xf32>
    %broadcast_in_dim3A_401 = vector.shape_cast %reduce_max3A_400 : vector<256xf32> to vector<256x1xf32>
    %ge3A_402 = vector.broadcast %broadcast_in_dim3A_401 : vector<256x1xf32> to vector<256x4096xf32>
    %ge3A_403 = arith.cmpf oge, %select_n3A_398, %ge3A_402 : vector<256x4096xf32>
    %jit3A_404 = arith.constant 4096 : i32
    %broadcast_in_dim3A_405 = vector.broadcast %jit3A_404 : i32 to vector<256x4096xi32>
    %select_n3A_406 = arith.select %ge3A_403, %iota3A, %broadcast_in_dim3A_405 : vector<256x4096xi1>, vector<256x4096xi32>
    %reduce_min3A_407 = arith.constant dense<2147483647> : vector<256xi32>
    %reduce_min3A_408 = vector.multi_reduction <minsi>, %select_n3A_406, %reduce_min3A_407 [1] : vector<256x4096xi32> to vector<256xi32>
    %add3A_409 = vector.broadcast %mul3A_22 : i32 to vector<256xi32>
    %add3A_410 = arith.addi %reduce_min3A_408, %add3A_409 : vector<256xi32>
    %swap3A_411 = arith.constant 0 : index
    %swap3A_412 = arith.constant 0 : index
    %swap3A_413 = arith.constant 16 : index
    %swap3A_414 = vector.load %arg4[%swap3A_411, %swap3A_412, %swap3A_413] : memref<1x256x20xi32, #tpu.memory_space<vmem>>, vector<1x256x1xi32>
    %swap3A_415 = vector.shape_cast %swap3A_414 : vector<1x256x1xi32> to vector<256xi32>
    %swap3A_416 = vector.shape_cast %add3A_410 : vector<256xi32> to vector<1x256x1xi32>
    tpu.vector_store %arg4[%swap3A_411, %swap3A_412, %swap3A_413], %swap3A_416 {strides = array<i32>} : memref<1x256x20xi32, #tpu.memory_space<vmem>>, vector<1x256x1xi32>,
    %broadcast_in_dim3A_417 = vector.shape_cast %reduce_min3A_408 : vector<256xi32> to vector<256x1xi32>
    %eq3A_418 = vector.broadcast %broadcast_in_dim3A_417 : vector<256x1xi32> to vector<256x4096xi32>
    %eq3A_419 = arith.cmpi eq, %iota3A, %eq3A_418 : vector<256x4096xi32>
    %jit3A_420 = arith.constant 0xFF800000 : f32
    %broadcast_in_dim3A_421 = vector.broadcast %jit3A_420 : f32 to vector<256x4096xf32>
    %select_n3A_422 = arith.select %eq3A_419, %broadcast_in_dim3A_421, %select_n3A_398 : vector<256x4096xi1>, vector<256x4096xf32>
    %reduce_max3A_423 = arith.constant dense<0xFF800000> : vector<256xf32>
    %reduce_max3A_424 = vector.multi_reduction <maximumf>, %select_n3A_422, %reduce_max3A_423 [1] : vector<256x4096xf32> to vector<256xf32>
    %broadcast_in_dim3A_425 = vector.shape_cast %reduce_max3A_424 : vector<256xf32> to vector<256x1xf32>
    %ge3A_426 = vector.broadcast %broadcast_in_dim3A_425 : vector<256x1xf32> to vector<256x4096xf32>
    %ge3A_427 = arith.cmpf oge, %select_n3A_422, %ge3A_426 : vector<256x4096xf32>
    %jit3A_428 = arith.constant 4096 : i32
    %broadcast_in_dim3A_429 = vector.broadcast %jit3A_428 : i32 to vector<256x4096xi32>
    %select_n3A_430 = arith.select %ge3A_427, %iota3A, %broadcast_in_dim3A_429 : vector<256x4096xi1>, vector<256x4096xi32>
    %reduce_min3A_431 = arith.constant dense<2147483647> : vector<256xi32>
    %reduce_min3A_432 = vector.multi_reduction <minsi>, %select_n3A_430, %reduce_min3A_431 [1] : vector<256x4096xi32> to vector<256xi32>
    %add3A_433 = vector.broadcast %mul3A_22 : i32 to vector<256xi32>
    %add3A_434 = arith.addi %reduce_min3A_432, %add3A_433 : vector<256xi32>
    %swap3A_435 = arith.constant 0 : index
    %swap3A_436 = arith.constant 0 : index
    %swap3A_437 = arith.constant 17 : index
    %swap3A_438 = vector.load %arg4[%swap3A_435, %swap3A_436, %swap3A_437] : memref<1x256x20xi32, #tpu.memory_space<vmem>>, vector<1x256x1xi32>
    %swap3A_439 = vector.shape_cast %swap3A_438 : vector<1x256x1xi32> to vector<256xi32>
    %swap3A_440 = vector.shape_cast %add3A_434 : vector<256xi32> to vector<1x256x1xi32>
    tpu.vector_store %arg4[%swap3A_435, %swap3A_436, %swap3A_437], %swap3A_440 {strides = array<i32>} : memref<1x256x20xi32, #tpu.memory_space<vmem>>, vector<1x256x1xi32>,
    %broadcast_in_dim3A_441 = vector.shape_cast %reduce_min3A_432 : vector<256xi32> to vector<256x1xi32>
    %eq3A_442 = vector.broadcast %broadcast_in_dim3A_441 : vector<256x1xi32> to vector<256x4096xi32>
    %eq3A_443 = arith.cmpi eq, %iota3A, %eq3A_442 : vector<256x4096xi32>
    %jit3A_444 = arith.constant 0xFF800000 : f32
    %broadcast_in_dim3A_445 = vector.broadcast %jit3A_444 : f32 to vector<256x4096xf32>
    %select_n3A_446 = arith.select %eq3A_443, %broadcast_in_dim3A_445, %select_n3A_422 : vector<256x4096xi1>, vector<256x4096xf32>
    %reduce_max3A_447 = arith.constant dense<0xFF800000> : vector<256xf32>
    %reduce_max3A_448 = vector.multi_reduction <maximumf>, %select_n3A_446, %reduce_max3A_447 [1] : vector<256x4096xf32> to vector<256xf32>
    %broadcast_in_dim3A_449 = vector.shape_cast %reduce_max3A_448 : vector<256xf32> to vector<256x1xf32>
    %ge3A_450 = vector.broadcast %broadcast_in_dim3A_449 : vector<256x1xf32> to vector<256x4096xf32>
    %ge3A_451 = arith.cmpf oge, %select_n3A_446, %ge3A_450 : vector<256x4096xf32>
    %jit3A_452 = arith.constant 4096 : i32
    %broadcast_in_dim3A_453 = vector.broadcast %jit3A_452 : i32 to vector<256x4096xi32>
    %select_n3A_454 = arith.select %ge3A_451, %iota3A, %broadcast_in_dim3A_453 : vector<256x4096xi1>, vector<256x4096xi32>
    %reduce_min3A_455 = arith.constant dense<2147483647> : vector<256xi32>
    %reduce_min3A_456 = vector.multi_reduction <minsi>, %select_n3A_454, %reduce_min3A_455 [1] : vector<256x4096xi32> to vector<256xi32>
    %add3A_457 = vector.broadcast %mul3A_22 : i32 to vector<256xi32>
    %add3A_458 = arith.addi %reduce_min3A_456, %add3A_457 : vector<256xi32>
    %swap3A_459 = arith.constant 0 : index
    %swap3A_460 = arith.constant 0 : index
    %swap3A_461 = arith.constant 18 : index
    %swap3A_462 = vector.load %arg4[%swap3A_459, %swap3A_460, %swap3A_461] : memref<1x256x20xi32, #tpu.memory_space<vmem>>, vector<1x256x1xi32>
    %swap3A_463 = vector.shape_cast %swap3A_462 : vector<1x256x1xi32> to vector<256xi32>
    %swap3A_464 = vector.shape_cast %add3A_458 : vector<256xi32> to vector<1x256x1xi32>
    tpu.vector_store %arg4[%swap3A_459, %swap3A_460, %swap3A_461], %swap3A_464 {strides = array<i32>} : memref<1x256x20xi32, #tpu.memory_space<vmem>>, vector<1x256x1xi32>,
    %broadcast_in_dim3A_465 = vector.shape_cast %reduce_min3A_456 : vector<256xi32> to vector<256x1xi32>
    %eq3A_466 = vector.broadcast %broadcast_in_dim3A_465 : vector<256x1xi32> to vector<256x4096xi32>
    %eq3A_467 = arith.cmpi eq, %iota3A, %eq3A_466 : vector<256x4096xi32>
    %jit3A_468 = arith.constant 0xFF800000 : f32
    %broadcast_in_dim3A_469 = vector.broadcast %jit3A_468 : f32 to vector<256x4096xf32>
    %select_n3A_470 = arith.select %eq3A_467, %broadcast_in_dim3A_469, %select_n3A_446 : vector<256x4096xi1>, vector<256x4096xf32>
    %reduce_max3A_471 = arith.constant dense<0xFF800000> : vector<256xf32>
    %reduce_max3A_472 = vector.multi_reduction <maximumf>, %select_n3A_470, %reduce_max3A_471 [1] : vector<256x4096xf32> to vector<256xf32>
    %broadcast_in_dim3A_473 = vector.shape_cast %reduce_max3A_472 : vector<256xf32> to vector<256x1xf32>
    %ge3A_474 = vector.broadcast %broadcast_in_dim3A_473 : vector<256x1xf32> to vector<256x4096xf32>
    %ge3A_475 = arith.cmpf oge, %select_n3A_470, %ge3A_474 : vector<256x4096xf32>
    %jit3A_476 = arith.constant 4096 : i32
    %broadcast_in_dim3A_477 = vector.broadcast %jit3A_476 : i32 to vector<256x4096xi32>
    %select_n3A_478 = arith.select %ge3A_475, %iota3A, %broadcast_in_dim3A_477 : vector<256x4096xi1>, vector<256x4096xi32>
    %reduce_min3A_479 = arith.constant dense<2147483647> : vector<256xi32>
    %reduce_min3A_480 = vector.multi_reduction <minsi>, %select_n3A_478, %reduce_min3A_479 [1] : vector<256x4096xi32> to vector<256xi32>
    %add3A_481 = vector.broadcast %mul3A_22 : i32 to vector<256xi32>
    %add3A_482 = arith.addi %reduce_min3A_480, %add3A_481 : vector<256xi32>
    %swap3A_483 = arith.constant 0 : index
    %swap3A_484 = arith.constant 0 : index
    %swap3A_485 = arith.constant 19 : index
    %swap3A_486 = vector.load %arg4[%swap3A_483, %swap3A_484, %swap3A_485] : memref<1x256x20xi32, #tpu.memory_space<vmem>>, vector<1x256x1xi32>
    %swap3A_487 = vector.shape_cast %swap3A_486 : vector<1x256x1xi32> to vector<256xi32>
    %swap3A_488 = vector.shape_cast %add3A_482 : vector<256xi32> to vector<1x256x1xi32>
    tpu.vector_store %arg4[%swap3A_483, %swap3A_484, %swap3A_485], %swap3A_488 {strides = array<i32>} : memref<1x256x20xi32, #tpu.memory_space<vmem>>, vector<1x256x1xi32>,
    return
  }
  func.func @transform_0(%arg0: i32, %arg1: i32) -> (i32, i32, i32) {
    %c0_i32 = arith.constant 0 : i32
    %c0_i32_0 = arith.constant 0 : i32
    return %arg0, %arg1, %c0_i32 : i32, i32, i32
  }
  func.func @transform_1(%arg0: i32, %arg1: i32) -> (i32, i32, i32) {
    %c0_i32 = arith.constant 0 : i32
    %c0_i32_0 = arith.constant 0 : i32
    %c0_i32_1 = arith.constant 0 : i32
    return %arg0, %c0_i32, %c0_i32_0 : i32, i32, i32
  }
  func.func @transform_2(%arg0: i32, %arg1: i32) -> (i32, i32, i32) {
    %c0_i32 = arith.constant 0 : i32
    %c0_i32_0 = arith.constant 0 : i32
    return %arg0, %arg1, %c0_i32 : i32, i32, i32
  }
}

module attributes {stable_mosaic.version = 14 : i64} {
  func.func @_edge_stats1_body(%arg0: i32, %arg1: memref<10240x64xf32, #tpu.memory_space<vmem>>, %arg2: memref<512x64xf32, #tpu.memory_space<vmem>>, %arg3: memref<64x128xf32, #tpu.memory_space<vmem>>, %arg4: memref<2x64xf32, #tpu.memory_space<vmem>>, %arg5: memref<2x32x64xf32, #tpu.memory_space<vmem>>, %arg6: memref<1x64xf32, #tpu.memory_space<vmem>>) attributes {dimension_semantics = [#tpu.dimension_semantics<arbitrary>], iteration_bounds = array<i64: 32>, scalar_prefetch = 0 : i64, scratch_operands = 2 : i64, tpu.core_type = #tpu.core_type<tc>, window_params = [{transform_indices = @transform_0, window_bounds = array<i64: 10240, 64>}, {transform_indices = @transform_1, window_bounds = array<i64: 512, 64>}, {pipeline_mode = #tpu.pipeline_mode<synchronous>, transform_indices = @transform_2, window_bounds = array<i64: 64, 128>}, {pipeline_mode = #tpu.pipeline_mode<synchronous>, transform_indices = @transform_3, window_bounds = array<i64: 2, 64>}]} {
    %get3A = arith.constant 0 : index
    %get3A_0 = arith.constant 0 : index
    %get3A_1 = vector.load %arg1[%get3A, %get3A_0] : memref<10240x64xf32, #tpu.memory_space<vmem>>, vector<10240x64xf32>
    %reshape3A = vector.shape_cast %get3A_1 : vector<10240x64xf32> to vector<512x20x64xf32>
    %get3A_2 = arith.constant 0 : index
    %get3A_3 = arith.constant 0 : index
    %get3A_4 = vector.load %arg2[%get3A_2, %get3A_3] : memref<512x64xf32, #tpu.memory_space<vmem>>, vector<512x64xf32>
    %broadcast_in_dim3A = vector.shape_cast %get3A_4 : vector<512x64xf32> to vector<512x1x64xf32>
    %sub3A = vector.broadcast %broadcast_in_dim3A : vector<512x1x64xf32> to vector<512x20x64xf32>
    %sub3A_5 = arith.subf %reshape3A, %sub3A : vector<512x20x64xf32>
    %broadcast_in_dim3A_6 = vector.shape_cast %get3A_4 : vector<512x64xf32> to vector<512x1x64xf32>
    %broadcast_in_dim3A_7 = vector.shape_cast %broadcast_in_dim3A_6 : vector<512x1x64xf32> to vector<512x1x64xf32>
    %broadcast_in_dim3A_8 = vector.broadcast %broadcast_in_dim3A_7 : vector<512x1x64xf32> to vector<512x20x64xf32>
    %concatenate3A = tpu.concatenate %sub3A_5, %broadcast_in_dim3A_8 in 2 : vector<512x20x64xf32>, vector<512x20x64xf32> -> vector<512x20x128xf32>
    %reshape3A_9 = vector.shape_cast %concatenate3A : vector<512x20x128xf32> to vector<10240x128xf32>
    %get3A_10 = arith.constant 0 : index
    %get3A_11 = arith.constant 0 : index
    %get3A_12 = vector.load %arg3[%get3A_10, %get3A_11] : memref<64x128xf32, #tpu.memory_space<vmem>>, vector<64x128xf32>
    %dot_general3A = arith.constant dense<0.000000e+00> : vector<10240x64xf32>
    %dot_general3A_13 = tpu.matmul %reshape3A_9, %get3A_12, %dot_general3A {dimension_numbers = #tpu.dot_dimension_numbers<[1], [1], [0], [0], [0, 0, 1, 0], [], []>, transpose_lhs_hint = false} : vector<10240x128xf32>, vector<64x128xf32>, vector<10240x64xf32> -> vector<10240x64xf32>
    %eq3A = arith.constant 0 : i32
    %eq3A_14 = arith.cmpi eq, %arg0, %eq3A : i32
    %convert_element_type3A = arith.extui %eq3A_14 : i1 to i32
    %cond3A = arith.constant 0 : i32
    %cond3A_15 = arith.cmpi ne, %convert_element_type3A, %cond3A : i32
    scf.if %cond3A_15 {
      %reduce_sum3A_42 = arith.constant dense<0.000000e+00> : vector<64xf32>
      %reduce_sum3A_43 = vector.multi_reduction <add>, %dot_general3A_13, %reduce_sum3A_42 [0] : vector<10240x64xf32> to vector<64xf32>
      %div3A = arith.constant 1.024000e+04 : f32
      %div3A_44 = vector.broadcast %div3A : f32 to vector<64xf32>
      %div3A_45 = arith.divf %reduce_sum3A_43, %div3A_44 : vector<64xf32>
      %swap3A_46 = arith.constant 0 : index
      %swap3A_47 = arith.constant 0 : index
      %swap3A_48 = vector.load %arg6[%swap3A_46, %swap3A_47] : memref<1x64xf32, #tpu.memory_space<vmem>>, vector<1x64xf32>
      %swap3A_49 = vector.shape_cast %swap3A_48 : vector<1x64xf32> to vector<64xf32>
      %swap3A_50 = vector.shape_cast %div3A_45 : vector<64xf32> to vector<1x64xf32>
      tpu.vector_store %arg6[%swap3A_46, %swap3A_47], %swap3A_50 {strides = array<i32>} : memref<1x64xf32, #tpu.memory_space<vmem>>, vector<1x64xf32>,
    } else {
    }
    %get3A_16 = arith.constant 0 : index
    %get3A_17 = arith.constant 0 : index
    %get3A_18 = vector.load %arg6[%get3A_16, %get3A_17] : memref<1x64xf32, #tpu.memory_space<vmem>>, vector<1x64xf32>
    %get3A_19 = vector.shape_cast %get3A_18 : vector<1x64xf32> to vector<64xf32>
    %broadcast_in_dim3A_20 = vector.shape_cast %get3A_19 : vector<64xf32> to vector<1x64xf32>
    %sub3A_21 = vector.broadcast %broadcast_in_dim3A_20 : vector<1x64xf32> to vector<10240x64xf32>
    %sub3A_22 = arith.subf %dot_general3A_13, %sub3A_21 : vector<10240x64xf32>
    %reduce_sum3A = arith.constant dense<0.000000e+00> : vector<64xf32>
    %reduce_sum3A_23 = vector.multi_reduction <add>, %sub3A_22, %reduce_sum3A [0] : vector<10240x64xf32> to vector<64xf32>
    %swap3A = arith.constant 0 : index
    %swap3A_24 = arith.index_cast %arg0 : i32 to index
    %swap3A_25 = arith.constant 0 : index
    %swap3A_26 = vector.load %arg5[%swap3A, %swap3A_24, %swap3A_25] : memref<2x32x64xf32, #tpu.memory_space<vmem>>, vector<1x1x64xf32>
    %swap3A_27 = vector.shape_cast %swap3A_26 : vector<1x1x64xf32> to vector<64xf32>
    %swap3A_28 = vector.shape_cast %reduce_sum3A_23 : vector<64xf32> to vector<1x1x64xf32>
    tpu.vector_store %arg5[%swap3A, %swap3A_24, %swap3A_25], %swap3A_28 {strides = array<i32>} : memref<2x32x64xf32, #tpu.memory_space<vmem>>, vector<1x1x64xf32>,
    %mul3A = arith.mulf %sub3A_22, %sub3A_22 : vector<10240x64xf32>
    %reduce_sum3A_29 = arith.constant dense<0.000000e+00> : vector<64xf32>
    %reduce_sum3A_30 = vector.multi_reduction <add>, %mul3A, %reduce_sum3A_29 [0] : vector<10240x64xf32> to vector<64xf32>
    %swap3A_31 = arith.constant 1 : index
    %swap3A_32 = arith.index_cast %arg0 : i32 to index
    %swap3A_33 = arith.constant 0 : index
    %swap3A_34 = vector.load %arg5[%swap3A_31, %swap3A_32, %swap3A_33] : memref<2x32x64xf32, #tpu.memory_space<vmem>>, vector<1x1x64xf32>
    %swap3A_35 = vector.shape_cast %swap3A_34 : vector<1x1x64xf32> to vector<64xf32>
    %swap3A_36 = vector.shape_cast %reduce_sum3A_30 : vector<64xf32> to vector<1x1x64xf32>
    tpu.vector_store %arg5[%swap3A_31, %swap3A_32, %swap3A_33], %swap3A_36 {strides = array<i32>} : memref<2x32x64xf32, #tpu.memory_space<vmem>>, vector<1x1x64xf32>,
    %eq3A_37 = arith.constant 31 : i32
    %eq3A_38 = arith.cmpi eq, %arg0, %eq3A_37 : i32
    %convert_element_type3A_39 = arith.extui %eq3A_38 : i1 to i32
    %cond3A_40 = arith.constant 0 : i32
    %cond3A_41 = arith.cmpi ne, %convert_element_type3A_39, %cond3A_40 : i32
    scf.if %cond3A_41 {
      %get3A_42 = arith.constant 0 : index
      %get3A_43 = arith.constant 0 : index
      %get3A_44 = arith.constant 0 : index
      %get3A_45 = vector.load %arg5[%get3A_42, %get3A_43, %get3A_44] : memref<2x32x64xf32, #tpu.memory_space<vmem>>, vector<1x32x64xf32>
      %get3A_46 = vector.shape_cast %get3A_45 : vector<1x32x64xf32> to vector<32x64xf32>
      %reduce_sum3A_47 = arith.constant dense<0.000000e+00> : vector<64xf32>
      %reduce_sum3A_48 = vector.multi_reduction <add>, %get3A_46, %reduce_sum3A_47 [0] : vector<32x64xf32> to vector<64xf32>
      %get3A_49 = arith.constant 1 : index
      %get3A_50 = arith.constant 0 : index
      %get3A_51 = arith.constant 0 : index
      %get3A_52 = vector.load %arg5[%get3A_49, %get3A_50, %get3A_51] : memref<2x32x64xf32, #tpu.memory_space<vmem>>, vector<1x32x64xf32>
      %get3A_53 = vector.shape_cast %get3A_52 : vector<1x32x64xf32> to vector<32x64xf32>
      %reduce_sum3A_54 = arith.constant dense<0.000000e+00> : vector<64xf32>
      %reduce_sum3A_55 = vector.multi_reduction <add>, %get3A_53, %reduce_sum3A_54 [0] : vector<32x64xf32> to vector<64xf32>
      %div3A = arith.constant 3.276800e+05 : f32
      %div3A_56 = vector.broadcast %div3A : f32 to vector<64xf32>
      %div3A_57 = arith.divf %reduce_sum3A_48, %div3A_56 : vector<64xf32>
      %div3A_58 = arith.constant 3.276800e+05 : f32
      %div3A_59 = vector.broadcast %div3A_58 : f32 to vector<64xf32>
      %div3A_60 = arith.divf %reduce_sum3A_55, %div3A_59 : vector<64xf32>
      %mul3A_61 = arith.mulf %div3A_57, %div3A_57 : vector<64xf32>
      %sub3A_62 = arith.subf %div3A_60, %mul3A_61 : vector<64xf32>
      %max3A = arith.constant 0.000000e+00 : f32
      %max3A_63 = vector.broadcast %max3A : f32 to vector<64xf32>
      %max3A_64 = arith.maximumf %sub3A_62, %max3A_63 : vector<64xf32>
      %add3A = arith.addf %get3A_19, %div3A_57 : vector<64xf32>
      %swap3A_65 = arith.constant 0 : index
      %swap3A_66 = arith.constant 0 : index
      %swap3A_67 = vector.load %arg4[%swap3A_65, %swap3A_66] : memref<2x64xf32, #tpu.memory_space<vmem>>, vector<1x64xf32>
      %swap3A_68 = vector.shape_cast %swap3A_67 : vector<1x64xf32> to vector<64xf32>
      %swap3A_69 = vector.shape_cast %add3A : vector<64xf32> to vector<1x64xf32>
      tpu.vector_store %arg4[%swap3A_65, %swap3A_66], %swap3A_69 {strides = array<i32>} : memref<2x64xf32, #tpu.memory_space<vmem>>, vector<1x64xf32>,
      %add3A_70 = arith.constant 9.99999974E-6 : f32
      %add3A_71 = vector.broadcast %add3A_70 : f32 to vector<64xf32>
      %add3A_72 = arith.addf %max3A_64, %add3A_71 : vector<64xf32>
      %sqrt3A = math.sqrt %add3A_72 : vector<64xf32>
      %swap3A_73 = arith.constant 1 : index
      %swap3A_74 = arith.constant 0 : index
      %swap3A_75 = vector.load %arg4[%swap3A_73, %swap3A_74] : memref<2x64xf32, #tpu.memory_space<vmem>>, vector<1x64xf32>
      %swap3A_76 = vector.shape_cast %swap3A_75 : vector<1x64xf32> to vector<64xf32>
      %swap3A_77 = vector.shape_cast %sqrt3A : vector<64xf32> to vector<1x64xf32>
      tpu.vector_store %arg4[%swap3A_73, %swap3A_74], %swap3A_77 {strides = array<i32>} : memref<2x64xf32, #tpu.memory_space<vmem>>, vector<1x64xf32>,
    } else {
    }
    return
  }
  func.func @transform_0(%arg0: i32) -> (i32, i32) {
    %c0_i32 = arith.constant 0 : i32
    %c0_i32_0 = arith.constant 0 : i32
    return %arg0, %c0_i32 : i32, i32
  }
  func.func @transform_1(%arg0: i32) -> (i32, i32) {
    %c0_i32 = arith.constant 0 : i32
    %c0_i32_0 = arith.constant 0 : i32
    return %arg0, %c0_i32 : i32, i32
  }
  func.func @transform_2(%arg0: i32) -> (i32, i32) {
    %c0_i32 = arith.constant 0 : i32
    %c0_i32_0 = arith.constant 0 : i32
    %c0_i32_1 = arith.constant 0 : i32
    return %c0_i32, %c0_i32_0 : i32, i32
  }
  func.func @transform_3(%arg0: i32) -> (i32, i32) {
    %c0_i32 = arith.constant 0 : i32
    %c0_i32_0 = arith.constant 0 : i32
    %c0_i32_1 = arith.constant 0 : i32
    return %c0_i32, %c0_i32_0 : i32, i32
  }
}

module attributes {stable_mosaic.version = 14 : i64} {
  func.func @_edge_stats2_body(%arg0: i32, %arg1: memref<10240x64xf32, #tpu.memory_space<vmem>>, %arg2: memref<512x64xf32, #tpu.memory_space<vmem>>, %arg3: memref<64x128xf32, #tpu.memory_space<vmem>>, %arg4: memref<2x64xf32, #tpu.memory_space<vmem>>, %arg5: memref<2x64xf32, #tpu.memory_space<vmem>>, %arg6: memref<64x64xf32, #tpu.memory_space<vmem>>, %arg7: memref<2x64xf32, #tpu.memory_space<vmem>>, %arg8: memref<2x32x64xf32, #tpu.memory_space<vmem>>, %arg9: memref<1x64xf32, #tpu.memory_space<vmem>>) attributes {dimension_semantics = [#tpu.dimension_semantics<arbitrary>], iteration_bounds = array<i64: 32>, scalar_prefetch = 0 : i64, scratch_operands = 2 : i64, tpu.core_type = #tpu.core_type<tc>, window_params = [{transform_indices = @transform_0, window_bounds = array<i64: 10240, 64>}, {transform_indices = @transform_1, window_bounds = array<i64: 512, 64>}, {pipeline_mode = #tpu.pipeline_mode<synchronous>, transform_indices = @transform_2, window_bounds = array<i64: 64, 128>}, {pipeline_mode = #tpu.pipeline_mode<synchronous>, transform_indices = @transform_3, window_bounds = array<i64: 2, 64>}, {pipeline_mode = #tpu.pipeline_mode<synchronous>, transform_indices = @transform_4, window_bounds = array<i64: 2, 64>}, {pipeline_mode = #tpu.pipeline_mode<synchronous>, transform_indices = @transform_5, window_bounds = array<i64: 64, 64>}, {pipeline_mode = #tpu.pipeline_mode<synchronous>, transform_indices = @transform_6, window_bounds = array<i64: 2, 64>}]} {
    %get3A = arith.constant 0 : index
    %get3A_0 = arith.constant 0 : index
    %get3A_1 = vector.load %arg1[%get3A, %get3A_0] : memref<10240x64xf32, #tpu.memory_space<vmem>>, vector<10240x64xf32>
    %reshape3A = vector.shape_cast %get3A_1 : vector<10240x64xf32> to vector<512x20x64xf32>
    %get3A_2 = arith.constant 0 : index
    %get3A_3 = arith.constant 0 : index
    %get3A_4 = vector.load %arg2[%get3A_2, %get3A_3] : memref<512x64xf32, #tpu.memory_space<vmem>>, vector<512x64xf32>
    %broadcast_in_dim3A = vector.shape_cast %get3A_4 : vector<512x64xf32> to vector<512x1x64xf32>
    %sub3A = vector.broadcast %broadcast_in_dim3A : vector<512x1x64xf32> to vector<512x20x64xf32>
    %sub3A_5 = arith.subf %reshape3A, %sub3A : vector<512x20x64xf32>
    %broadcast_in_dim3A_6 = vector.shape_cast %get3A_4 : vector<512x64xf32> to vector<512x1x64xf32>
    %broadcast_in_dim3A_7 = vector.shape_cast %broadcast_in_dim3A_6 : vector<512x1x64xf32> to vector<512x1x64xf32>
    %broadcast_in_dim3A_8 = vector.broadcast %broadcast_in_dim3A_7 : vector<512x1x64xf32> to vector<512x20x64xf32>
    %concatenate3A = tpu.concatenate %sub3A_5, %broadcast_in_dim3A_8 in 2 : vector<512x20x64xf32>, vector<512x20x64xf32> -> vector<512x20x128xf32>
    %reshape3A_9 = vector.shape_cast %concatenate3A : vector<512x20x128xf32> to vector<10240x128xf32>
    %get3A_10 = arith.constant 0 : index
    %get3A_11 = arith.constant 0 : index
    %get3A_12 = vector.load %arg3[%get3A_10, %get3A_11] : memref<64x128xf32, #tpu.memory_space<vmem>>, vector<64x128xf32>
    %dot_general3A = arith.constant dense<0.000000e+00> : vector<10240x64xf32>
    %dot_general3A_13 = tpu.matmul %reshape3A_9, %get3A_12, %dot_general3A {dimension_numbers = #tpu.dot_dimension_numbers<[1], [1], [0], [0], [0, 0, 1, 0], [], []>, transpose_lhs_hint = false} : vector<10240x128xf32>, vector<64x128xf32>, vector<10240x64xf32> -> vector<10240x64xf32>
    %get3A_14 = arith.constant 0 : index
    %get3A_15 = arith.constant 0 : index
    %get3A_16 = vector.load %arg4[%get3A_14, %get3A_15] : memref<2x64xf32, #tpu.memory_space<vmem>>, vector<1x64xf32>
    %get3A_17 = vector.shape_cast %get3A_16 : vector<1x64xf32> to vector<64xf32>
    %broadcast_in_dim3A_18 = vector.shape_cast %get3A_17 : vector<64xf32> to vector<1x64xf32>
    %sub3A_19 = vector.broadcast %broadcast_in_dim3A_18 : vector<1x64xf32> to vector<10240x64xf32>
    %sub3A_20 = arith.subf %dot_general3A_13, %sub3A_19 : vector<10240x64xf32>
    %get3A_21 = arith.constant 1 : index
    %get3A_22 = arith.constant 0 : index
    %get3A_23 = vector.load %arg4[%get3A_21, %get3A_22] : memref<2x64xf32, #tpu.memory_space<vmem>>, vector<1x64xf32>
    %get3A_24 = vector.shape_cast %get3A_23 : vector<1x64xf32> to vector<64xf32>
    %broadcast_in_dim3A_25 = vector.shape_cast %get3A_24 : vector<64xf32> to vector<1x64xf32>
    %div3A = vector.broadcast %broadcast_in_dim3A_25 : vector<1x64xf32> to vector<10240x64xf32>
    %div3A_26 = arith.divf %sub3A_20, %div3A : vector<10240x64xf32>
    %get3A_27 = arith.constant 0 : index
    %get3A_28 = arith.constant 0 : index
    %get3A_29 = vector.load %arg5[%get3A_27, %get3A_28] : memref<2x64xf32, #tpu.memory_space<vmem>>, vector<1x64xf32>
    %get3A_30 = vector.shape_cast %get3A_29 : vector<1x64xf32> to vector<64xf32>
    %broadcast_in_dim3A_31 = vector.shape_cast %get3A_30 : vector<64xf32> to vector<1x64xf32>
    %mul3A = vector.broadcast %broadcast_in_dim3A_31 : vector<1x64xf32> to vector<10240x64xf32>
    %mul3A_32 = arith.mulf %div3A_26, %mul3A : vector<10240x64xf32>
    %get3A_33 = arith.constant 1 : index
    %get3A_34 = arith.constant 0 : index
    %get3A_35 = vector.load %arg5[%get3A_33, %get3A_34] : memref<2x64xf32, #tpu.memory_space<vmem>>, vector<1x64xf32>
    %get3A_36 = vector.shape_cast %get3A_35 : vector<1x64xf32> to vector<64xf32>
    %broadcast_in_dim3A_37 = vector.shape_cast %get3A_36 : vector<64xf32> to vector<1x64xf32>
    %add3A = vector.broadcast %broadcast_in_dim3A_37 : vector<1x64xf32> to vector<10240x64xf32>
    %add3A_38 = arith.addf %mul3A_32, %add3A : vector<10240x64xf32>
    %ge3A = arith.constant 0.000000e+00 : f32
    %ge3A_39 = vector.broadcast %ge3A : f32 to vector<10240x64xf32>
    %ge3A_40 = arith.cmpf oge, %add3A_38, %ge3A_39 : vector<10240x64xf32>
    %mul3A_41 = arith.constant 2.000000e-01 : f32
    %mul3A_42 = vector.broadcast %mul3A_41 : f32 to vector<10240x64xf32>
    %mul3A_43 = arith.mulf %mul3A_42, %add3A_38 : vector<10240x64xf32>
    %select_n3A = arith.select %ge3A_40, %add3A_38, %mul3A_43 : vector<10240x64xi1>, vector<10240x64xf32>
    %get3A_44 = arith.constant 0 : index
    %get3A_45 = arith.constant 0 : index
    %get3A_46 = vector.load %arg6[%get3A_44, %get3A_45] : memref<64x64xf32, #tpu.memory_space<vmem>>, vector<64x64xf32>
    %dot_general3A_47 = arith.constant dense<0.000000e+00> : vector<10240x64xf32>
    %dot_general3A_48 = tpu.matmul %select_n3A, %get3A_46, %dot_general3A_47 {dimension_numbers = #tpu.dot_dimension_numbers<[1], [1], [0], [0], [0, 0, 1, 0], [], []>, transpose_lhs_hint = false} : vector<10240x64xf32>, vector<64x64xf32>, vector<10240x64xf32> -> vector<10240x64xf32>
    %eq3A = arith.constant 0 : i32
    %eq3A_49 = arith.cmpi eq, %arg0, %eq3A : i32
    %convert_element_type3A = arith.extui %eq3A_49 : i1 to i32
    %cond3A = arith.constant 0 : i32
    %cond3A_50 = arith.cmpi ne, %convert_element_type3A, %cond3A : i32
    scf.if %cond3A_50 {
      %reduce_sum3A_78 = arith.constant dense<0.000000e+00> : vector<64xf32>
      %reduce_sum3A_79 = vector.multi_reduction <add>, %dot_general3A_48, %reduce_sum3A_78 [0] : vector<10240x64xf32> to vector<64xf32>
      %div3A_80 = arith.constant 1.024000e+04 : f32
      %div3A_81 = vector.broadcast %div3A_80 : f32 to vector<64xf32>
      %div3A_82 = arith.divf %reduce_sum3A_79, %div3A_81 : vector<64xf32>
      %swap3A_83 = arith.constant 0 : index
      %swap3A_84 = arith.constant 0 : index
      %swap3A_85 = vector.load %arg9[%swap3A_83, %swap3A_84] : memref<1x64xf32, #tpu.memory_space<vmem>>, vector<1x64xf32>
      %swap3A_86 = vector.shape_cast %swap3A_85 : vector<1x64xf32> to vector<64xf32>
      %swap3A_87 = vector.shape_cast %div3A_82 : vector<64xf32> to vector<1x64xf32>
      tpu.vector_store %arg9[%swap3A_83, %swap3A_84], %swap3A_87 {strides = array<i32>} : memref<1x64xf32, #tpu.memory_space<vmem>>, vector<1x64xf32>,
    } else {
    }
    %get3A_51 = arith.constant 0 : index
    %get3A_52 = arith.constant 0 : index
    %get3A_53 = vector.load %arg9[%get3A_51, %get3A_52] : memref<1x64xf32, #tpu.memory_space<vmem>>, vector<1x64xf32>
    %get3A_54 = vector.shape_cast %get3A_53 : vector<1x64xf32> to vector<64xf32>
    %broadcast_in_dim3A_55 = vector.shape_cast %get3A_54 : vector<64xf32> to vector<1x64xf32>
    %sub3A_56 = vector.broadcast %broadcast_in_dim3A_55 : vector<1x64xf32> to vector<10240x64xf32>
    %sub3A_57 = arith.subf %dot_general3A_48, %sub3A_56 : vector<10240x64xf32>
    %reduce_sum3A = arith.constant dense<0.000000e+00> : vector<64xf32>
    %reduce_sum3A_58 = vector.multi_reduction <add>, %sub3A_57, %reduce_sum3A [0] : vector<10240x64xf32> to vector<64xf32>
    %swap3A = arith.constant 0 : index
    %swap3A_59 = arith.index_cast %arg0 : i32 to index
    %swap3A_60 = arith.constant 0 : index
    %swap3A_61 = vector.load %arg8[%swap3A, %swap3A_59, %swap3A_60] : memref<2x32x64xf32, #tpu.memory_space<vmem>>, vector<1x1x64xf32>
    %swap3A_62 = vector.shape_cast %swap3A_61 : vector<1x1x64xf32> to vector<64xf32>
    %swap3A_63 = vector.shape_cast %reduce_sum3A_58 : vector<64xf32> to vector<1x1x64xf32>
    tpu.vector_store %arg8[%swap3A, %swap3A_59, %swap3A_60], %swap3A_63 {strides = array<i32>} : memref<2x32x64xf32, #tpu.memory_space<vmem>>, vector<1x1x64xf32>,
    %mul3A_64 = arith.mulf %sub3A_57, %sub3A_57 : vector<10240x64xf32>
    %reduce_sum3A_65 = arith.constant dense<0.000000e+00> : vector<64xf32>
    %reduce_sum3A_66 = vector.multi_reduction <add>, %mul3A_64, %reduce_sum3A_65 [0] : vector<10240x64xf32> to vector<64xf32>
    %swap3A_67 = arith.constant 1 : index
    %swap3A_68 = arith.index_cast %arg0 : i32 to index
    %swap3A_69 = arith.constant 0 : index
    %swap3A_70 = vector.load %arg8[%swap3A_67, %swap3A_68, %swap3A_69] : memref<2x32x64xf32, #tpu.memory_space<vmem>>, vector<1x1x64xf32>
    %swap3A_71 = vector.shape_cast %swap3A_70 : vector<1x1x64xf32> to vector<64xf32>
    %swap3A_72 = vector.shape_cast %reduce_sum3A_66 : vector<64xf32> to vector<1x1x64xf32>
    tpu.vector_store %arg8[%swap3A_67, %swap3A_68, %swap3A_69], %swap3A_72 {strides = array<i32>} : memref<2x32x64xf32, #tpu.memory_space<vmem>>, vector<1x1x64xf32>,
    %eq3A_73 = arith.constant 31 : i32
    %eq3A_74 = arith.cmpi eq, %arg0, %eq3A_73 : i32
    %convert_element_type3A_75 = arith.extui %eq3A_74 : i1 to i32
    %cond3A_76 = arith.constant 0 : i32
    %cond3A_77 = arith.cmpi ne, %convert_element_type3A_75, %cond3A_76 : i32
    scf.if %cond3A_77 {
      %get3A_78 = arith.constant 0 : index
      %get3A_79 = arith.constant 0 : index
      %get3A_80 = arith.constant 0 : index
      %get3A_81 = vector.load %arg8[%get3A_78, %get3A_79, %get3A_80] : memref<2x32x64xf32, #tpu.memory_space<vmem>>, vector<1x32x64xf32>
      %get3A_82 = vector.shape_cast %get3A_81 : vector<1x32x64xf32> to vector<32x64xf32>
      %reduce_sum3A_83 = arith.constant dense<0.000000e+00> : vector<64xf32>
      %reduce_sum3A_84 = vector.multi_reduction <add>, %get3A_82, %reduce_sum3A_83 [0] : vector<32x64xf32> to vector<64xf32>
      %get3A_85 = arith.constant 1 : index
      %get3A_86 = arith.constant 0 : index
      %get3A_87 = arith.constant 0 : index
      %get3A_88 = vector.load %arg8[%get3A_85, %get3A_86, %get3A_87] : memref<2x32x64xf32, #tpu.memory_space<vmem>>, vector<1x32x64xf32>
      %get3A_89 = vector.shape_cast %get3A_88 : vector<1x32x64xf32> to vector<32x64xf32>
      %reduce_sum3A_90 = arith.constant dense<0.000000e+00> : vector<64xf32>
      %reduce_sum3A_91 = vector.multi_reduction <add>, %get3A_89, %reduce_sum3A_90 [0] : vector<32x64xf32> to vector<64xf32>
      %div3A_92 = arith.constant 3.276800e+05 : f32
      %div3A_93 = vector.broadcast %div3A_92 : f32 to vector<64xf32>
      %div3A_94 = arith.divf %reduce_sum3A_84, %div3A_93 : vector<64xf32>
      %div3A_95 = arith.constant 3.276800e+05 : f32
      %div3A_96 = vector.broadcast %div3A_95 : f32 to vector<64xf32>
      %div3A_97 = arith.divf %reduce_sum3A_91, %div3A_96 : vector<64xf32>
      %mul3A_98 = arith.mulf %div3A_94, %div3A_94 : vector<64xf32>
      %sub3A_99 = arith.subf %div3A_97, %mul3A_98 : vector<64xf32>
      %max3A = arith.constant 0.000000e+00 : f32
      %max3A_100 = vector.broadcast %max3A : f32 to vector<64xf32>
      %max3A_101 = arith.maximumf %sub3A_99, %max3A_100 : vector<64xf32>
      %add3A_102 = arith.addf %get3A_54, %div3A_94 : vector<64xf32>
      %swap3A_103 = arith.constant 0 : index
      %swap3A_104 = arith.constant 0 : index
      %swap3A_105 = vector.load %arg7[%swap3A_103, %swap3A_104] : memref<2x64xf32, #tpu.memory_space<vmem>>, vector<1x64xf32>
      %swap3A_106 = vector.shape_cast %swap3A_105 : vector<1x64xf32> to vector<64xf32>
      %swap3A_107 = vector.shape_cast %add3A_102 : vector<64xf32> to vector<1x64xf32>
      tpu.vector_store %arg7[%swap3A_103, %swap3A_104], %swap3A_107 {strides = array<i32>} : memref<2x64xf32, #tpu.memory_space<vmem>>, vector<1x64xf32>,
      %add3A_108 = arith.constant 9.99999974E-6 : f32
      %add3A_109 = vector.broadcast %add3A_108 : f32 to vector<64xf32>
      %add3A_110 = arith.addf %max3A_101, %add3A_109 : vector<64xf32>
      %sqrt3A = math.sqrt %add3A_110 : vector<64xf32>
      %swap3A_111 = arith.constant 1 : index
      %swap3A_112 = arith.constant 0 : index
      %swap3A_113 = vector.load %arg7[%swap3A_111, %swap3A_112] : memref<2x64xf32, #tpu.memory_space<vmem>>, vector<1x64xf32>
      %swap3A_114 = vector.shape_cast %swap3A_113 : vector<1x64xf32> to vector<64xf32>
      %swap3A_115 = vector.shape_cast %sqrt3A : vector<64xf32> to vector<1x64xf32>
      tpu.vector_store %arg7[%swap3A_111, %swap3A_112], %swap3A_115 {strides = array<i32>} : memref<2x64xf32, #tpu.memory_space<vmem>>, vector<1x64xf32>,
    } else {
    }
    return
  }
  func.func @transform_0(%arg0: i32) -> (i32, i32) {
    %c0_i32 = arith.constant 0 : i32
    %c0_i32_0 = arith.constant 0 : i32
    return %arg0, %c0_i32 : i32, i32
  }
  func.func @transform_1(%arg0: i32) -> (i32, i32) {
    %c0_i32 = arith.constant 0 : i32
    %c0_i32_0 = arith.constant 0 : i32
    return %arg0, %c0_i32 : i32, i32
  }
  func.func @transform_2(%arg0: i32) -> (i32, i32) {
    %c0_i32 = arith.constant 0 : i32
    %c0_i32_0 = arith.constant 0 : i32
    %c0_i32_1 = arith.constant 0 : i32
    return %c0_i32, %c0_i32_0 : i32, i32
  }
  func.func @transform_3(%arg0: i32) -> (i32, i32) {
    %c0_i32 = arith.constant 0 : i32
    %c0_i32_0 = arith.constant 0 : i32
    %c0_i32_1 = arith.constant 0 : i32
    return %c0_i32, %c0_i32_0 : i32, i32
  }
  func.func @transform_4(%arg0: i32) -> (i32, i32) {
    %c0_i32 = arith.constant 0 : i32
    %c0_i32_0 = arith.constant 0 : i32
    %c0_i32_1 = arith.constant 0 : i32
    return %c0_i32, %c0_i32_0 : i32, i32
  }
  func.func @transform_5(%arg0: i32) -> (i32, i32) {
    %c0_i32 = arith.constant 0 : i32
    %c0_i32_0 = arith.constant 0 : i32
    %c0_i32_1 = arith.constant 0 : i32
    return %c0_i32, %c0_i32_0 : i32, i32
  }
  func.func @transform_6(%arg0: i32) -> (i32, i32) {
    %c0_i32 = arith.constant 0 : i32
    %c0_i32_0 = arith.constant 0 : i32
    %c0_i32_1 = arith.constant 0 : i32
    return %c0_i32, %c0_i32_0 : i32, i32
  }
}

module attributes {stable_mosaic.version = 14 : i64} {
  func.func @_edge_final2_body(%arg0: i32, %arg1: memref<10240x64xf32, #tpu.memory_space<vmem>>, %arg2: memref<512x64xf32, #tpu.memory_space<vmem>>, %arg3: memref<64x128xf32, #tpu.memory_space<vmem>>, %arg4: memref<2x64xf32, #tpu.memory_space<vmem>>, %arg5: memref<2x64xf32, #tpu.memory_space<vmem>>, %arg6: memref<2x64xf32, #tpu.memory_space<vmem>>, %arg7: memref<2x64xf32, #tpu.memory_space<vmem>>, %arg8: memref<64x64xf32, #tpu.memory_space<vmem>>, %arg9: memref<512x64xf32, #tpu.memory_space<vmem>>) attributes {dimension_semantics = [#tpu.dimension_semantics<arbitrary>], iteration_bounds = array<i64: 32>, scalar_prefetch = 0 : i64, scratch_operands = 0 : i64, tpu.core_type = #tpu.core_type<tc>, window_params = [{transform_indices = @transform_0, window_bounds = array<i64: 10240, 64>}, {transform_indices = @transform_1, window_bounds = array<i64: 512, 64>}, {pipeline_mode = #tpu.pipeline_mode<synchronous>, transform_indices = @transform_2, window_bounds = array<i64: 64, 128>}, {pipeline_mode = #tpu.pipeline_mode<synchronous>, transform_indices = @transform_3, window_bounds = array<i64: 2, 64>}, {pipeline_mode = #tpu.pipeline_mode<synchronous>, transform_indices = @transform_4, window_bounds = array<i64: 2, 64>}, {pipeline_mode = #tpu.pipeline_mode<synchronous>, transform_indices = @transform_5, window_bounds = array<i64: 2, 64>}, {pipeline_mode = #tpu.pipeline_mode<synchronous>, transform_indices = @transform_6, window_bounds = array<i64: 2, 64>}, {pipeline_mode = #tpu.pipeline_mode<synchronous>, transform_indices = @transform_7, window_bounds = array<i64: 64, 64>}, {transform_indices = @transform_8, window_bounds = array<i64: 512, 64>}]} {
    %get3A = arith.constant 0 : index
    %get3A_0 = arith.constant 0 : index
    %get3A_1 = vector.load %arg1[%get3A, %get3A_0] : memref<10240x64xf32, #tpu.memory_space<vmem>>, vector<10240x64xf32>
    %reshape3A = vector.shape_cast %get3A_1 : vector<10240x64xf32> to vector<512x20x64xf32>
    %get3A_2 = arith.constant 0 : index
    %get3A_3 = arith.constant 0 : index
    %get3A_4 = vector.load %arg2[%get3A_2, %get3A_3] : memref<512x64xf32, #tpu.memory_space<vmem>>, vector<512x64xf32>
    %broadcast_in_dim3A = vector.shape_cast %get3A_4 : vector<512x64xf32> to vector<512x1x64xf32>
    %sub3A = vector.broadcast %broadcast_in_dim3A : vector<512x1x64xf32> to vector<512x20x64xf32>
    %sub3A_5 = arith.subf %reshape3A, %sub3A : vector<512x20x64xf32>
    %broadcast_in_dim3A_6 = vector.shape_cast %get3A_4 : vector<512x64xf32> to vector<512x1x64xf32>
    %broadcast_in_dim3A_7 = vector.shape_cast %broadcast_in_dim3A_6 : vector<512x1x64xf32> to vector<512x1x64xf32>
    %broadcast_in_dim3A_8 = vector.broadcast %broadcast_in_dim3A_7 : vector<512x1x64xf32> to vector<512x20x64xf32>
    %concatenate3A = tpu.concatenate %sub3A_5, %broadcast_in_dim3A_8 in 2 : vector<512x20x64xf32>, vector<512x20x64xf32> -> vector<512x20x128xf32>
    %reshape3A_9 = vector.shape_cast %concatenate3A : vector<512x20x128xf32> to vector<10240x128xf32>
    %get3A_10 = arith.constant 0 : index
    %get3A_11 = arith.constant 0 : index
    %get3A_12 = vector.load %arg3[%get3A_10, %get3A_11] : memref<64x128xf32, #tpu.memory_space<vmem>>, vector<64x128xf32>
    %dot_general3A = arith.constant dense<0.000000e+00> : vector<10240x64xf32>
    %dot_general3A_13 = tpu.matmul %reshape3A_9, %get3A_12, %dot_general3A {dimension_numbers = #tpu.dot_dimension_numbers<[1], [1], [0], [0], [0, 0, 1, 0], [], []>, transpose_lhs_hint = false} : vector<10240x128xf32>, vector<64x128xf32>, vector<10240x64xf32> -> vector<10240x64xf32>
    %get3A_14 = arith.constant 0 : index
    %get3A_15 = arith.constant 0 : index
    %get3A_16 = vector.load %arg4[%get3A_14, %get3A_15] : memref<2x64xf32, #tpu.memory_space<vmem>>, vector<1x64xf32>
    %get3A_17 = vector.shape_cast %get3A_16 : vector<1x64xf32> to vector<64xf32>
    %broadcast_in_dim3A_18 = vector.shape_cast %get3A_17 : vector<64xf32> to vector<1x64xf32>
    %sub3A_19 = vector.broadcast %broadcast_in_dim3A_18 : vector<1x64xf32> to vector<10240x64xf32>
    %sub3A_20 = arith.subf %dot_general3A_13, %sub3A_19 : vector<10240x64xf32>
    %get3A_21 = arith.constant 1 : index
    %get3A_22 = arith.constant 0 : index
    %get3A_23 = vector.load %arg4[%get3A_21, %get3A_22] : memref<2x64xf32, #tpu.memory_space<vmem>>, vector<1x64xf32>
    %get3A_24 = vector.shape_cast %get3A_23 : vector<1x64xf32> to vector<64xf32>
    %broadcast_in_dim3A_25 = vector.shape_cast %get3A_24 : vector<64xf32> to vector<1x64xf32>
    %div3A = vector.broadcast %broadcast_in_dim3A_25 : vector<1x64xf32> to vector<10240x64xf32>
    %div3A_26 = arith.divf %sub3A_20, %div3A : vector<10240x64xf32>
    %get3A_27 = arith.constant 0 : index
    %get3A_28 = arith.constant 0 : index
    %get3A_29 = vector.load %arg5[%get3A_27, %get3A_28] : memref<2x64xf32, #tpu.memory_space<vmem>>, vector<1x64xf32>
    %get3A_30 = vector.shape_cast %get3A_29 : vector<1x64xf32> to vector<64xf32>
    %broadcast_in_dim3A_31 = vector.shape_cast %get3A_30 : vector<64xf32> to vector<1x64xf32>
    %mul3A = vector.broadcast %broadcast_in_dim3A_31 : vector<1x64xf32> to vector<10240x64xf32>
    %mul3A_32 = arith.mulf %div3A_26, %mul3A : vector<10240x64xf32>
    %get3A_33 = arith.constant 1 : index
    %get3A_34 = arith.constant 0 : index
    %get3A_35 = vector.load %arg5[%get3A_33, %get3A_34] : memref<2x64xf32, #tpu.memory_space<vmem>>, vector<1x64xf32>
    %get3A_36 = vector.shape_cast %get3A_35 : vector<1x64xf32> to vector<64xf32>
    %broadcast_in_dim3A_37 = vector.shape_cast %get3A_36 : vector<64xf32> to vector<1x64xf32>
    %add3A = vector.broadcast %broadcast_in_dim3A_37 : vector<1x64xf32> to vector<10240x64xf32>
    %add3A_38 = arith.addf %mul3A_32, %add3A : vector<10240x64xf32>
    %ge3A = arith.constant 0.000000e+00 : f32
    %ge3A_39 = vector.broadcast %ge3A : f32 to vector<10240x64xf32>
    %ge3A_40 = arith.cmpf oge, %add3A_38, %ge3A_39 : vector<10240x64xf32>
    %mul3A_41 = arith.constant 2.000000e-01 : f32
    %mul3A_42 = vector.broadcast %mul3A_41 : f32 to vector<10240x64xf32>
    %mul3A_43 = arith.mulf %mul3A_42, %add3A_38 : vector<10240x64xf32>
    %select_n3A = arith.select %ge3A_40, %add3A_38, %mul3A_43 : vector<10240x64xi1>, vector<10240x64xf32>
    %get3A_44 = arith.constant 0 : index
    %get3A_45 = arith.constant 0 : index
    %get3A_46 = vector.load %arg8[%get3A_44, %get3A_45] : memref<64x64xf32, #tpu.memory_space<vmem>>, vector<64x64xf32>
    %dot_general3A_47 = arith.constant dense<0.000000e+00> : vector<10240x64xf32>
    %dot_general3A_48 = tpu.matmul %select_n3A, %get3A_46, %dot_general3A_47 {dimension_numbers = #tpu.dot_dimension_numbers<[1], [1], [0], [0], [0, 0, 1, 0], [], []>, transpose_lhs_hint = false} : vector<10240x64xf32>, vector<64x64xf32>, vector<10240x64xf32> -> vector<10240x64xf32>
    %get3A_49 = arith.constant 0 : index
    %get3A_50 = arith.constant 0 : index
    %get3A_51 = vector.load %arg6[%get3A_49, %get3A_50] : memref<2x64xf32, #tpu.memory_space<vmem>>, vector<1x64xf32>
    %get3A_52 = vector.shape_cast %get3A_51 : vector<1x64xf32> to vector<64xf32>
    %broadcast_in_dim3A_53 = vector.shape_cast %get3A_52 : vector<64xf32> to vector<1x64xf32>
    %sub3A_54 = vector.broadcast %broadcast_in_dim3A_53 : vector<1x64xf32> to vector<10240x64xf32>
    %sub3A_55 = arith.subf %dot_general3A_48, %sub3A_54 : vector<10240x64xf32>
    %get3A_56 = arith.constant 1 : index
    %get3A_57 = arith.constant 0 : index
    %get3A_58 = vector.load %arg6[%get3A_56, %get3A_57] : memref<2x64xf32, #tpu.memory_space<vmem>>, vector<1x64xf32>
    %get3A_59 = vector.shape_cast %get3A_58 : vector<1x64xf32> to vector<64xf32>
    %broadcast_in_dim3A_60 = vector.shape_cast %get3A_59 : vector<64xf32> to vector<1x64xf32>
    %div3A_61 = vector.broadcast %broadcast_in_dim3A_60 : vector<1x64xf32> to vector<10240x64xf32>
    %div3A_62 = arith.divf %sub3A_55, %div3A_61 : vector<10240x64xf32>
    %get3A_63 = arith.constant 0 : index
    %get3A_64 = arith.constant 0 : index
    %get3A_65 = vector.load %arg7[%get3A_63, %get3A_64] : memref<2x64xf32, #tpu.memory_space<vmem>>, vector<1x64xf32>
    %get3A_66 = vector.shape_cast %get3A_65 : vector<1x64xf32> to vector<64xf32>
    %broadcast_in_dim3A_67 = vector.shape_cast %get3A_66 : vector<64xf32> to vector<1x64xf32>
    %mul3A_68 = vector.broadcast %broadcast_in_dim3A_67 : vector<1x64xf32> to vector<10240x64xf32>
    %mul3A_69 = arith.mulf %div3A_62, %mul3A_68 : vector<10240x64xf32>
    %get3A_70 = arith.constant 1 : index
    %get3A_71 = arith.constant 0 : index
    %get3A_72 = vector.load %arg7[%get3A_70, %get3A_71] : memref<2x64xf32, #tpu.memory_space<vmem>>, vector<1x64xf32>
    %get3A_73 = vector.shape_cast %get3A_72 : vector<1x64xf32> to vector<64xf32>
    %broadcast_in_dim3A_74 = vector.shape_cast %get3A_73 : vector<64xf32> to vector<1x64xf32>
    %add3A_75 = vector.broadcast %broadcast_in_dim3A_74 : vector<1x64xf32> to vector<10240x64xf32>
    %add3A_76 = arith.addf %mul3A_69, %add3A_75 : vector<10240x64xf32>
    %ge3A_77 = arith.constant 0.000000e+00 : f32
    %ge3A_78 = vector.broadcast %ge3A_77 : f32 to vector<10240x64xf32>
    %ge3A_79 = arith.cmpf oge, %add3A_76, %ge3A_78 : vector<10240x64xf32>
    %mul3A_80 = arith.constant 2.000000e-01 : f32
    %mul3A_81 = vector.broadcast %mul3A_80 : f32 to vector<10240x64xf32>
    %mul3A_82 = arith.mulf %mul3A_81, %add3A_76 : vector<10240x64xf32>
    %select_n3A_83 = arith.select %ge3A_79, %add3A_76, %mul3A_82 : vector<10240x64xi1>, vector<10240x64xf32>
    %reshape3A_84 = vector.shape_cast %select_n3A_83 : vector<10240x64xf32> to vector<512x20x64xf32>
    %reduce_max3A = arith.constant dense<0xFF800000> : vector<512x64xf32>
    %reduce_max3A_85 = vector.multi_reduction <maximumf>, %reshape3A_84, %reduce_max3A [1] : vector<512x20x64xf32> to vector<512x64xf32>
    %swap3A = arith.constant 0 : index
    %swap3A_86 = arith.constant 0 : index
    %swap3A_87 = vector.load %arg9[%swap3A, %swap3A_86] : memref<512x64xf32, #tpu.memory_space<vmem>>, vector<512x64xf32>
    tpu.vector_store %arg9[%swap3A, %swap3A_86], %reduce_max3A_85 {strides = array<i32>} : memref<512x64xf32, #tpu.memory_space<vmem>>, vector<512x64xf32>,
    return
  }
  func.func @transform_0(%arg0: i32) -> (i32, i32) {
    %c0_i32 = arith.constant 0 : i32
    %c0_i32_0 = arith.constant 0 : i32
    return %arg0, %c0_i32 : i32, i32
  }
  func.func @transform_1(%arg0: i32) -> (i32, i32) {
    %c0_i32 = arith.constant 0 : i32
    %c0_i32_0 = arith.constant 0 : i32
    return %arg0, %c0_i32 : i32, i32
  }
  func.func @transform_2(%arg0: i32) -> (i32, i32) {
    %c0_i32 = arith.constant 0 : i32
    %c0_i32_0 = arith.constant 0 : i32
    %c0_i32_1 = arith.constant 0 : i32
    return %c0_i32, %c0_i32_0 : i32, i32
  }
  func.func @transform_3(%arg0: i32) -> (i32, i32) {
    %c0_i32 = arith.constant 0 : i32
    %c0_i32_0 = arith.constant 0 : i32
    %c0_i32_1 = arith.constant 0 : i32
    return %c0_i32, %c0_i32_0 : i32, i32
  }
  func.func @transform_4(%arg0: i32) -> (i32, i32) {
    %c0_i32 = arith.constant 0 : i32
    %c0_i32_0 = arith.constant 0 : i32
    %c0_i32_1 = arith.constant 0 : i32
    return %c0_i32, %c0_i32_0 : i32, i32
  }
  func.func @transform_5(%arg0: i32) -> (i32, i32) {
    %c0_i32 = arith.constant 0 : i32
    %c0_i32_0 = arith.constant 0 : i32
    %c0_i32_1 = arith.constant 0 : i32
    return %c0_i32, %c0_i32_0 : i32, i32
  }
  func.func @transform_6(%arg0: i32) -> (i32, i32) {
    %c0_i32 = arith.constant 0 : i32
    %c0_i32_0 = arith.constant 0 : i32
    %c0_i32_1 = arith.constant 0 : i32
    return %c0_i32, %c0_i32_0 : i32, i32
  }
  func.func @transform_7(%arg0: i32) -> (i32, i32) {
    %c0_i32 = arith.constant 0 : i32
    %c0_i32_0 = arith.constant 0 : i32
    %c0_i32_1 = arith.constant 0 : i32
    return %c0_i32, %c0_i32_0 : i32, i32
  }
  func.func @transform_8(%arg0: i32) -> (i32, i32) {
    %c0_i32 = arith.constant 0 : i32
    %c0_i32_0 = arith.constant 0 : i32
    return %arg0, %c0_i32 : i32, i32
  }
}

module attributes {stable_mosaic.version = 14 : i64} {
  func.func @_edge_final1_body(%arg0: i32, %arg1: memref<10240x64xf32, #tpu.memory_space<vmem>>, %arg2: memref<512x64xf32, #tpu.memory_space<vmem>>, %arg3: memref<64x128xf32, #tpu.memory_space<vmem>>, %arg4: memref<2x64xf32, #tpu.memory_space<vmem>>, %arg5: memref<2x64xf32, #tpu.memory_space<vmem>>, %arg6: memref<512x64xf32, #tpu.memory_space<vmem>>) attributes {dimension_semantics = [#tpu.dimension_semantics<arbitrary>], iteration_bounds = array<i64: 32>, scalar_prefetch = 0 : i64, scratch_operands = 0 : i64, tpu.core_type = #tpu.core_type<tc>, window_params = [{transform_indices = @transform_0, window_bounds = array<i64: 10240, 64>}, {transform_indices = @transform_1, window_bounds = array<i64: 512, 64>}, {pipeline_mode = #tpu.pipeline_mode<synchronous>, transform_indices = @transform_2, window_bounds = array<i64: 64, 128>}, {pipeline_mode = #tpu.pipeline_mode<synchronous>, transform_indices = @transform_3, window_bounds = array<i64: 2, 64>}, {pipeline_mode = #tpu.pipeline_mode<synchronous>, transform_indices = @transform_4, window_bounds = array<i64: 2, 64>}, {transform_indices = @transform_5, window_bounds = array<i64: 512, 64>}]} {
    %get3A = arith.constant 0 : index
    %get3A_0 = arith.constant 0 : index
    %get3A_1 = vector.load %arg1[%get3A, %get3A_0] : memref<10240x64xf32, #tpu.memory_space<vmem>>, vector<10240x64xf32>
    %reshape3A = vector.shape_cast %get3A_1 : vector<10240x64xf32> to vector<512x20x64xf32>
    %get3A_2 = arith.constant 0 : index
    %get3A_3 = arith.constant 0 : index
    %get3A_4 = vector.load %arg2[%get3A_2, %get3A_3] : memref<512x64xf32, #tpu.memory_space<vmem>>, vector<512x64xf32>
    %broadcast_in_dim3A = vector.shape_cast %get3A_4 : vector<512x64xf32> to vector<512x1x64xf32>
    %sub3A = vector.broadcast %broadcast_in_dim3A : vector<512x1x64xf32> to vector<512x20x64xf32>
    %sub3A_5 = arith.subf %reshape3A, %sub3A : vector<512x20x64xf32>
    %broadcast_in_dim3A_6 = vector.shape_cast %get3A_4 : vector<512x64xf32> to vector<512x1x64xf32>
    %broadcast_in_dim3A_7 = vector.shape_cast %broadcast_in_dim3A_6 : vector<512x1x64xf32> to vector<512x1x64xf32>
    %broadcast_in_dim3A_8 = vector.broadcast %broadcast_in_dim3A_7 : vector<512x1x64xf32> to vector<512x20x64xf32>
    %concatenate3A = tpu.concatenate %sub3A_5, %broadcast_in_dim3A_8 in 2 : vector<512x20x64xf32>, vector<512x20x64xf32> -> vector<512x20x128xf32>
    %reshape3A_9 = vector.shape_cast %concatenate3A : vector<512x20x128xf32> to vector<10240x128xf32>
    %get3A_10 = arith.constant 0 : index
    %get3A_11 = arith.constant 0 : index
    %get3A_12 = vector.load %arg3[%get3A_10, %get3A_11] : memref<64x128xf32, #tpu.memory_space<vmem>>, vector<64x128xf32>
    %dot_general3A = arith.constant dense<0.000000e+00> : vector<10240x64xf32>
    %dot_general3A_13 = tpu.matmul %reshape3A_9, %get3A_12, %dot_general3A {dimension_numbers = #tpu.dot_dimension_numbers<[1], [1], [0], [0], [0, 0, 1, 0], [], []>, transpose_lhs_hint = false} : vector<10240x128xf32>, vector<64x128xf32>, vector<10240x64xf32> -> vector<10240x64xf32>
    %get3A_14 = arith.constant 0 : index
    %get3A_15 = arith.constant 0 : index
    %get3A_16 = vector.load %arg4[%get3A_14, %get3A_15] : memref<2x64xf32, #tpu.memory_space<vmem>>, vector<1x64xf32>
    %get3A_17 = vector.shape_cast %get3A_16 : vector<1x64xf32> to vector<64xf32>
    %broadcast_in_dim3A_18 = vector.shape_cast %get3A_17 : vector<64xf32> to vector<1x64xf32>
    %sub3A_19 = vector.broadcast %broadcast_in_dim3A_18 : vector<1x64xf32> to vector<10240x64xf32>
    %sub3A_20 = arith.subf %dot_general3A_13, %sub3A_19 : vector<10240x64xf32>
    %get3A_21 = arith.constant 1 : index
    %get3A_22 = arith.constant 0 : index
    %get3A_23 = vector.load %arg4[%get3A_21, %get3A_22] : memref<2x64xf32, #tpu.memory_space<vmem>>, vector<1x64xf32>
    %get3A_24 = vector.shape_cast %get3A_23 : vector<1x64xf32> to vector<64xf32>
    %broadcast_in_dim3A_25 = vector.shape_cast %get3A_24 : vector<64xf32> to vector<1x64xf32>
    %div3A = vector.broadcast %broadcast_in_dim3A_25 : vector<1x64xf32> to vector<10240x64xf32>
    %div3A_26 = arith.divf %sub3A_20, %div3A : vector<10240x64xf32>
    %get3A_27 = arith.constant 0 : index
    %get3A_28 = arith.constant 0 : index
    %get3A_29 = vector.load %arg5[%get3A_27, %get3A_28] : memref<2x64xf32, #tpu.memory_space<vmem>>, vector<1x64xf32>
    %get3A_30 = vector.shape_cast %get3A_29 : vector<1x64xf32> to vector<64xf32>
    %broadcast_in_dim3A_31 = vector.shape_cast %get3A_30 : vector<64xf32> to vector<1x64xf32>
    %mul3A = vector.broadcast %broadcast_in_dim3A_31 : vector<1x64xf32> to vector<10240x64xf32>
    %mul3A_32 = arith.mulf %div3A_26, %mul3A : vector<10240x64xf32>
    %get3A_33 = arith.constant 1 : index
    %get3A_34 = arith.constant 0 : index
    %get3A_35 = vector.load %arg5[%get3A_33, %get3A_34] : memref<2x64xf32, #tpu.memory_space<vmem>>, vector<1x64xf32>
    %get3A_36 = vector.shape_cast %get3A_35 : vector<1x64xf32> to vector<64xf32>
    %broadcast_in_dim3A_37 = vector.shape_cast %get3A_36 : vector<64xf32> to vector<1x64xf32>
    %add3A = vector.broadcast %broadcast_in_dim3A_37 : vector<1x64xf32> to vector<10240x64xf32>
    %add3A_38 = arith.addf %mul3A_32, %add3A : vector<10240x64xf32>
    %ge3A = arith.constant 0.000000e+00 : f32
    %ge3A_39 = vector.broadcast %ge3A : f32 to vector<10240x64xf32>
    %ge3A_40 = arith.cmpf oge, %add3A_38, %ge3A_39 : vector<10240x64xf32>
    %mul3A_41 = arith.constant 2.000000e-01 : f32
    %mul3A_42 = vector.broadcast %mul3A_41 : f32 to vector<10240x64xf32>
    %mul3A_43 = arith.mulf %mul3A_42, %add3A_38 : vector<10240x64xf32>
    %select_n3A = arith.select %ge3A_40, %add3A_38, %mul3A_43 : vector<10240x64xi1>, vector<10240x64xf32>
    %reshape3A_44 = vector.shape_cast %select_n3A : vector<10240x64xf32> to vector<512x20x64xf32>
    %reduce_max3A = arith.constant dense<0xFF800000> : vector<512x64xf32>
    %reduce_max3A_45 = vector.multi_reduction <maximumf>, %reshape3A_44, %reduce_max3A [1] : vector<512x20x64xf32> to vector<512x64xf32>
    %swap3A = arith.constant 0 : index
    %swap3A_46 = arith.constant 0 : index
    %swap3A_47 = vector.load %arg6[%swap3A, %swap3A_46] : memref<512x64xf32, #tpu.memory_space<vmem>>, vector<512x64xf32>
    tpu.vector_store %arg6[%swap3A, %swap3A_46], %reduce_max3A_45 {strides = array<i32>} : memref<512x64xf32, #tpu.memory_space<vmem>>, vector<512x64xf32>,
    return
  }
  func.func @transform_0(%arg0: i32) -> (i32, i32) {
    %c0_i32 = arith.constant 0 : i32
    %c0_i32_0 = arith.constant 0 : i32
    return %arg0, %c0_i32 : i32, i32
  }
  func.func @transform_1(%arg0: i32) -> (i32, i32) {
    %c0_i32 = arith.constant 0 : i32
    %c0_i32_0 = arith.constant 0 : i32
    return %arg0, %c0_i32 : i32, i32
  }
  func.func @transform_2(%arg0: i32) -> (i32, i32) {
    %c0_i32 = arith.constant 0 : i32
    %c0_i32_0 = arith.constant 0 : i32
    %c0_i32_1 = arith.constant 0 : i32
    return %c0_i32, %c0_i32_0 : i32, i32
  }
  func.func @transform_3(%arg0: i32) -> (i32, i32) {
    %c0_i32 = arith.constant 0 : i32
    %c0_i32_0 = arith.constant 0 : i32
    %c0_i32_1 = arith.constant 0 : i32
    return %c0_i32, %c0_i32_0 : i32, i32
  }
  func.func @transform_4(%arg0: i32) -> (i32, i32) {
    %c0_i32 = arith.constant 0 : i32
    %c0_i32_0 = arith.constant 0 : i32
    %c0_i32_1 = arith.constant 0 : i32
    return %c0_i32, %c0_i32_0 : i32, i32
  }
  func.func @transform_5(%arg0: i32) -> (i32, i32) {
    %c0_i32 = arith.constant 0 : i32
    %c0_i32_0 = arith.constant 0 : i32
    return %arg0, %c0_i32 : i32, i32
  }
}

module attributes {stable_mosaic.version = 14 : i64} {
  func.func @_tail_stats6_body(%arg0: i32, %arg1: memref<1024x64xf32, #tpu.memory_space<vmem>>, %arg2: memref<1024x64xf32, #tpu.memory_space<vmem>>, %arg3: memref<1024x64xf32, #tpu.memory_space<vmem>>, %arg4: memref<1024x192xf32, #tpu.memory_space<vmem>>, %arg5: memref<2x1024xf32, #tpu.memory_space<vmem>>, %arg6: memref<2x16x1024xf32, #tpu.memory_space<vmem>>, %arg7: memref<1x1024xf32, #tpu.memory_space<vmem>>) attributes {dimension_semantics = [#tpu.dimension_semantics<arbitrary>], iteration_bounds = array<i64: 16>, scalar_prefetch = 0 : i64, scratch_operands = 2 : i64, tpu.core_type = #tpu.core_type<tc>, window_params = [{transform_indices = @transform_0, window_bounds = array<i64: 1024, 64>}, {transform_indices = @transform_1, window_bounds = array<i64: 1024, 64>}, {transform_indices = @transform_2, window_bounds = array<i64: 1024, 64>}, {pipeline_mode = #tpu.pipeline_mode<synchronous>, transform_indices = @transform_3, window_bounds = array<i64: 1024, 192>}, {pipeline_mode = #tpu.pipeline_mode<synchronous>, transform_indices = @transform_4, window_bounds = array<i64: 2, 1024>}]} {
    %get3A = arith.constant 0 : index
    %get3A_0 = arith.constant 0 : index
    %get3A_1 = vector.load %arg1[%get3A, %get3A_0] : memref<1024x64xf32, #tpu.memory_space<vmem>>, vector<1024x64xf32>
    %get3A_2 = arith.constant 0 : index
    %get3A_3 = arith.constant 0 : index
    %get3A_4 = vector.load %arg2[%get3A_2, %get3A_3] : memref<1024x64xf32, #tpu.memory_space<vmem>>, vector<1024x64xf32>
    %get3A_5 = arith.constant 0 : index
    %get3A_6 = arith.constant 0 : index
    %get3A_7 = vector.load %arg3[%get3A_5, %get3A_6] : memref<1024x64xf32, #tpu.memory_space<vmem>>, vector<1024x64xf32>
    %concatenate3A = tpu.concatenate %get3A_1, %get3A_4, %get3A_7 in 1 : vector<1024x64xf32>, vector<1024x64xf32>, vector<1024x64xf32> -> vector<1024x192xf32>
    %get3A_8 = arith.constant 0 : index
    %get3A_9 = arith.constant 0 : index
    %get3A_10 = vector.load %arg4[%get3A_8, %get3A_9] : memref<1024x192xf32, #tpu.memory_space<vmem>>, vector<1024x192xf32>
    %dot_general3A = arith.constant dense<0.000000e+00> : vector<1024x1024xf32>
    %dot_general3A_11 = tpu.matmul %concatenate3A, %get3A_10, %dot_general3A {dimension_numbers = #tpu.dot_dimension_numbers<[1], [1], [0], [0], [0, 0, 1, 0], [], []>, transpose_lhs_hint = false} : vector<1024x192xf32>, vector<1024x192xf32>, vector<1024x1024xf32> -> vector<1024x1024xf32>
    %eq3A = arith.constant 0 : i32
    %eq3A_12 = arith.cmpi eq, %arg0, %eq3A : i32
    %convert_element_type3A = arith.extui %eq3A_12 : i1 to i32
    %cond3A = arith.constant 0 : i32
    %cond3A_13 = arith.cmpi ne, %convert_element_type3A, %cond3A : i32
    scf.if %cond3A_13 {
      %reduce_sum3A_38 = arith.constant dense<0.000000e+00> : vector<1024xf32>
      %reduce_sum3A_39 = vector.multi_reduction <add>, %dot_general3A_11, %reduce_sum3A_38 [0] : vector<1024x1024xf32> to vector<1024xf32>
      %div3A = arith.constant 1.024000e+03 : f32
      %div3A_40 = vector.broadcast %div3A : f32 to vector<1024xf32>
      %div3A_41 = arith.divf %reduce_sum3A_39, %div3A_40 : vector<1024xf32>
      %swap3A_42 = arith.constant 0 : index
      %swap3A_43 = arith.constant 0 : index
      %swap3A_44 = vector.load %arg7[%swap3A_42, %swap3A_43] : memref<1x1024xf32, #tpu.memory_space<vmem>>, vector<1x1024xf32>
      %swap3A_45 = vector.shape_cast %swap3A_44 : vector<1x1024xf32> to vector<1024xf32>
      %swap3A_46 = vector.shape_cast %div3A_41 : vector<1024xf32> to vector<1x1024xf32>
      tpu.vector_store %arg7[%swap3A_42, %swap3A_43], %swap3A_46 {strides = array<i32>} : memref<1x1024xf32, #tpu.memory_space<vmem>>, vector<1x1024xf32>,
    } else {
    }
    %get3A_14 = arith.constant 0 : index
    %get3A_15 = arith.constant 0 : index
    %get3A_16 = vector.load %arg7[%get3A_14, %get3A_15] : memref<1x1024xf32, #tpu.memory_space<vmem>>, vector<1x1024xf32>
    %get3A_17 = vector.shape_cast %get3A_16 : vector<1x1024xf32> to vector<1024xf32>
    %broadcast_in_dim3A = vector.shape_cast %get3A_17 : vector<1024xf32> to vector<1x1024xf32>
    %sub3A = vector.broadcast %broadcast_in_dim3A : vector<1x1024xf32> to vector<1024x1024xf32>
    %sub3A_18 = arith.subf %dot_general3A_11, %sub3A : vector<1024x1024xf32>
    %reduce_sum3A = arith.constant dense<0.000000e+00> : vector<1024xf32>
    %reduce_sum3A_19 = vector.multi_reduction <add>, %sub3A_18, %reduce_sum3A [0] : vector<1024x1024xf32> to vector<1024xf32>
    %swap3A = arith.constant 0 : index
    %swap3A_20 = arith.index_cast %arg0 : i32 to index
    %swap3A_21 = arith.constant 0 : index
    %swap3A_22 = vector.load %arg6[%swap3A, %swap3A_20, %swap3A_21] : memref<2x16x1024xf32, #tpu.memory_space<vmem>>, vector<1x1x1024xf32>
    %swap3A_23 = vector.shape_cast %swap3A_22 : vector<1x1x1024xf32> to vector<1024xf32>
    %swap3A_24 = vector.shape_cast %reduce_sum3A_19 : vector<1024xf32> to vector<1x1x1024xf32>
    tpu.vector_store %arg6[%swap3A, %swap3A_20, %swap3A_21], %swap3A_24 {strides = array<i32>} : memref<2x16x1024xf32, #tpu.memory_space<vmem>>, vector<1x1x1024xf32>,
    %mul3A = arith.mulf %sub3A_18, %sub3A_18 : vector<1024x1024xf32>
    %reduce_sum3A_25 = arith.constant dense<0.000000e+00> : vector<1024xf32>
    %reduce_sum3A_26 = vector.multi_reduction <add>, %mul3A, %reduce_sum3A_25 [0] : vector<1024x1024xf32> to vector<1024xf32>
    %swap3A_27 = arith.constant 1 : index
    %swap3A_28 = arith.index_cast %arg0 : i32 to index
    %swap3A_29 = arith.constant 0 : index
    %swap3A_30 = vector.load %arg6[%swap3A_27, %swap3A_28, %swap3A_29] : memref<2x16x1024xf32, #tpu.memory_space<vmem>>, vector<1x1x1024xf32>
    %swap3A_31 = vector.shape_cast %swap3A_30 : vector<1x1x1024xf32> to vector<1024xf32>
    %swap3A_32 = vector.shape_cast %reduce_sum3A_26 : vector<1024xf32> to vector<1x1x1024xf32>
    tpu.vector_store %arg6[%swap3A_27, %swap3A_28, %swap3A_29], %swap3A_32 {strides = array<i32>} : memref<2x16x1024xf32, #tpu.memory_space<vmem>>, vector<1x1x1024xf32>,
    %eq3A_33 = arith.constant 15 : i32
    %eq3A_34 = arith.cmpi eq, %arg0, %eq3A_33 : i32
    %convert_element_type3A_35 = arith.extui %eq3A_34 : i1 to i32
    %cond3A_36 = arith.constant 0 : i32
    %cond3A_37 = arith.cmpi ne, %convert_element_type3A_35, %cond3A_36 : i32
    scf.if %cond3A_37 {
      %get3A_38 = arith.constant 0 : index
      %get3A_39 = arith.constant 0 : index
      %get3A_40 = arith.constant 0 : index
      %get3A_41 = vector.load %arg6[%get3A_38, %get3A_39, %get3A_40] : memref<2x16x1024xf32, #tpu.memory_space<vmem>>, vector<1x16x1024xf32>
      %get3A_42 = vector.shape_cast %get3A_41 : vector<1x16x1024xf32> to vector<16x1024xf32>
      %reduce_sum3A_43 = arith.constant dense<0.000000e+00> : vector<1024xf32>
      %reduce_sum3A_44 = vector.multi_reduction <add>, %get3A_42, %reduce_sum3A_43 [0] : vector<16x1024xf32> to vector<1024xf32>
      %get3A_45 = arith.constant 1 : index
      %get3A_46 = arith.constant 0 : index
      %get3A_47 = arith.constant 0 : index
      %get3A_48 = vector.load %arg6[%get3A_45, %get3A_46, %get3A_47] : memref<2x16x1024xf32, #tpu.memory_space<vmem>>, vector<1x16x1024xf32>
      %get3A_49 = vector.shape_cast %get3A_48 : vector<1x16x1024xf32> to vector<16x1024xf32>
      %reduce_sum3A_50 = arith.constant dense<0.000000e+00> : vector<1024xf32>
      %reduce_sum3A_51 = vector.multi_reduction <add>, %get3A_49, %reduce_sum3A_50 [0] : vector<16x1024xf32> to vector<1024xf32>
      %div3A = arith.constant 1.638400e+04 : f32
      %div3A_52 = vector.broadcast %div3A : f32 to vector<1024xf32>
      %div3A_53 = arith.divf %reduce_sum3A_44, %div3A_52 : vector<1024xf32>
      %div3A_54 = arith.constant 1.638400e+04 : f32
      %div3A_55 = vector.broadcast %div3A_54 : f32 to vector<1024xf32>
      %div3A_56 = arith.divf %reduce_sum3A_51, %div3A_55 : vector<1024xf32>
      %mul3A_57 = arith.mulf %div3A_53, %div3A_53 : vector<1024xf32>
      %sub3A_58 = arith.subf %div3A_56, %mul3A_57 : vector<1024xf32>
      %max3A = arith.constant 0.000000e+00 : f32
      %max3A_59 = vector.broadcast %max3A : f32 to vector<1024xf32>
      %max3A_60 = arith.maximumf %sub3A_58, %max3A_59 : vector<1024xf32>
      %add3A = arith.addf %get3A_17, %div3A_53 : vector<1024xf32>
      %swap3A_61 = arith.constant 0 : index
      %swap3A_62 = arith.constant 0 : index
      %swap3A_63 = vector.load %arg5[%swap3A_61, %swap3A_62] : memref<2x1024xf32, #tpu.memory_space<vmem>>, vector<1x1024xf32>
      %swap3A_64 = vector.shape_cast %swap3A_63 : vector<1x1024xf32> to vector<1024xf32>
      %swap3A_65 = vector.shape_cast %add3A : vector<1024xf32> to vector<1x1024xf32>
      tpu.vector_store %arg5[%swap3A_61, %swap3A_62], %swap3A_65 {strides = array<i32>} : memref<2x1024xf32, #tpu.memory_space<vmem>>, vector<1x1024xf32>,
      %add3A_66 = arith.constant 9.99999974E-6 : f32
      %add3A_67 = vector.broadcast %add3A_66 : f32 to vector<1024xf32>
      %add3A_68 = arith.addf %max3A_60, %add3A_67 : vector<1024xf32>
      %sqrt3A = math.sqrt %add3A_68 : vector<1024xf32>
      %swap3A_69 = arith.constant 1 : index
      %swap3A_70 = arith.constant 0 : index
      %swap3A_71 = vector.load %arg5[%swap3A_69, %swap3A_70] : memref<2x1024xf32, #tpu.memory_space<vmem>>, vector<1x1024xf32>
      %swap3A_72 = vector.shape_cast %swap3A_71 : vector<1x1024xf32> to vector<1024xf32>
      %swap3A_73 = vector.shape_cast %sqrt3A : vector<1024xf32> to vector<1x1024xf32>
      tpu.vector_store %arg5[%swap3A_69, %swap3A_70], %swap3A_73 {strides = array<i32>} : memref<2x1024xf32, #tpu.memory_space<vmem>>, vector<1x1024xf32>,
    } else {
    }
    return
  }
  func.func @transform_0(%arg0: i32) -> (i32, i32) {
    %c0_i32 = arith.constant 0 : i32
    %c0_i32_0 = arith.constant 0 : i32
    return %arg0, %c0_i32 : i32, i32
  }
  func.func @transform_1(%arg0: i32) -> (i32, i32) {
    %c0_i32 = arith.constant 0 : i32
    %c0_i32_0 = arith.constant 0 : i32
    return %arg0, %c0_i32 : i32, i32
  }
  func.func @transform_2(%arg0: i32) -> (i32, i32) {
    %c0_i32 = arith.constant 0 : i32
    %c0_i32_0 = arith.constant 0 : i32
    return %arg0, %c0_i32 : i32, i32
  }
  func.func @transform_3(%arg0: i32) -> (i32, i32) {
    %c0_i32 = arith.constant 0 : i32
    %c0_i32_0 = arith.constant 0 : i32
    %c0_i32_1 = arith.constant 0 : i32
    return %c0_i32, %c0_i32_0 : i32, i32
  }
  func.func @transform_4(%arg0: i32) -> (i32, i32) {
    %c0_i32 = arith.constant 0 : i32
    %c0_i32_0 = arith.constant 0 : i32
    %c0_i32_1 = arith.constant 0 : i32
    return %c0_i32, %c0_i32_0 : i32, i32
  }
}

module attributes {stable_mosaic.version = 14 : i64} {
  func.func @_tail_max6_body(%arg0: i32, %arg1: i32, %arg2: memref<1024x64xf32, #tpu.memory_space<vmem>>, %arg3: memref<1024x64xf32, #tpu.memory_space<vmem>>, %arg4: memref<1024x64xf32, #tpu.memory_space<vmem>>, %arg5: memref<1024x192xf32, #tpu.memory_space<vmem>>, %arg6: memref<2x1024xf32, #tpu.memory_space<vmem>>, %arg7: memref<2x1024xf32, #tpu.memory_space<vmem>>, %arg8: memref<1x1x1024xf32, #tpu.memory_space<vmem>>) attributes {dimension_semantics = [#tpu.dimension_semantics<arbitrary>, #tpu.dimension_semantics<arbitrary>], iteration_bounds = array<i64: 4, 4>, scalar_prefetch = 0 : i64, scratch_operands = 0 : i64, tpu.core_type = #tpu.core_type<tc>, window_params = [{transform_indices = @transform_0, window_bounds = array<i64: 1024, 64>}, {transform_indices = @transform_1, window_bounds = array<i64: 1024, 64>}, {transform_indices = @transform_2, window_bounds = array<i64: 1024, 64>}, {pipeline_mode = #tpu.pipeline_mode<synchronous>, transform_indices = @transform_3, window_bounds = array<i64: 1024, 192>}, {pipeline_mode = #tpu.pipeline_mode<synchronous>, transform_indices = @transform_4, window_bounds = array<i64: 2, 1024>}, {pipeline_mode = #tpu.pipeline_mode<synchronous>, transform_indices = @transform_5, window_bounds = array<i64: 2, 1024>}, {transform_indices = @transform_6, window_bounds = array<i64: 1, 1, 1024>}]} {
    %get3A = arith.constant 0 : index
    %get3A_0 = arith.constant 0 : index
    %get3A_1 = vector.load %arg2[%get3A, %get3A_0] : memref<1024x64xf32, #tpu.memory_space<vmem>>, vector<1024x64xf32>
    %get3A_2 = arith.constant 0 : index
    %get3A_3 = arith.constant 0 : index
    %get3A_4 = vector.load %arg3[%get3A_2, %get3A_3] : memref<1024x64xf32, #tpu.memory_space<vmem>>, vector<1024x64xf32>
    %get3A_5 = arith.constant 0 : index
    %get3A_6 = arith.constant 0 : index
    %get3A_7 = vector.load %arg4[%get3A_5, %get3A_6] : memref<1024x64xf32, #tpu.memory_space<vmem>>, vector<1024x64xf32>
    %concatenate3A = tpu.concatenate %get3A_1, %get3A_4, %get3A_7 in 1 : vector<1024x64xf32>, vector<1024x64xf32>, vector<1024x64xf32> -> vector<1024x192xf32>
    %get3A_8 = arith.constant 0 : index
    %get3A_9 = arith.constant 0 : index
    %get3A_10 = vector.load %arg5[%get3A_8, %get3A_9] : memref<1024x192xf32, #tpu.memory_space<vmem>>, vector<1024x192xf32>
    %dot_general3A = arith.constant dense<0.000000e+00> : vector<1024x1024xf32>
    %dot_general3A_11 = tpu.matmul %concatenate3A, %get3A_10, %dot_general3A {dimension_numbers = #tpu.dot_dimension_numbers<[1], [1], [0], [0], [0, 0, 1, 0], [], []>, transpose_lhs_hint = false} : vector<1024x192xf32>, vector<1024x192xf32>, vector<1024x1024xf32> -> vector<1024x1024xf32>
    %get3A_12 = arith.constant 0 : index
    %get3A_13 = arith.constant 0 : index
    %get3A_14 = vector.load %arg6[%get3A_12, %get3A_13] : memref<2x1024xf32, #tpu.memory_space<vmem>>, vector<1x1024xf32>
    %get3A_15 = vector.shape_cast %get3A_14 : vector<1x1024xf32> to vector<1024xf32>
    %broadcast_in_dim3A = vector.shape_cast %get3A_15 : vector<1024xf32> to vector<1x1024xf32>
    %sub3A = vector.broadcast %broadcast_in_dim3A : vector<1x1024xf32> to vector<1024x1024xf32>
    %sub3A_16 = arith.subf %dot_general3A_11, %sub3A : vector<1024x1024xf32>
    %get3A_17 = arith.constant 1 : index
    %get3A_18 = arith.constant 0 : index
    %get3A_19 = vector.load %arg6[%get3A_17, %get3A_18] : memref<2x1024xf32, #tpu.memory_space<vmem>>, vector<1x1024xf32>
    %get3A_20 = vector.shape_cast %get3A_19 : vector<1x1024xf32> to vector<1024xf32>
    %broadcast_in_dim3A_21 = vector.shape_cast %get3A_20 : vector<1024xf32> to vector<1x1024xf32>
    %div3A = vector.broadcast %broadcast_in_dim3A_21 : vector<1x1024xf32> to vector<1024x1024xf32>
    %div3A_22 = arith.divf %sub3A_16, %div3A : vector<1024x1024xf32>
    %get3A_23 = arith.constant 0 : index
    %get3A_24 = arith.constant 0 : index
    %get3A_25 = vector.load %arg7[%get3A_23, %get3A_24] : memref<2x1024xf32, #tpu.memory_space<vmem>>, vector<1x1024xf32>
    %get3A_26 = vector.shape_cast %get3A_25 : vector<1x1024xf32> to vector<1024xf32>
    %broadcast_in_dim3A_27 = vector.shape_cast %get3A_26 : vector<1024xf32> to vector<1x1024xf32>
    %mul3A = vector.broadcast %broadcast_in_dim3A_27 : vector<1x1024xf32> to vector<1024x1024xf32>
    %mul3A_28 = arith.mulf %div3A_22, %mul3A : vector<1024x1024xf32>
    %get3A_29 = arith.constant 1 : index
    %get3A_30 = arith.constant 0 : index
    %get3A_31 = vector.load %arg7[%get3A_29, %get3A_30] : memref<2x1024xf32, #tpu.memory_space<vmem>>, vector<1x1024xf32>
    %get3A_32 = vector.shape_cast %get3A_31 : vector<1x1024xf32> to vector<1024xf32>
    %broadcast_in_dim3A_33 = vector.shape_cast %get3A_32 : vector<1024xf32> to vector<1x1024xf32>
    %add3A = vector.broadcast %broadcast_in_dim3A_33 : vector<1x1024xf32> to vector<1024x1024xf32>
    %add3A_34 = arith.addf %mul3A_28, %add3A : vector<1024x1024xf32>
    %ge3A = arith.constant 0.000000e+00 : f32
    %ge3A_35 = vector.broadcast %ge3A : f32 to vector<1024x1024xf32>
    %ge3A_36 = arith.cmpf oge, %add3A_34, %ge3A_35 : vector<1024x1024xf32>
    %mul3A_37 = arith.constant 2.000000e-01 : f32
    %mul3A_38 = vector.broadcast %mul3A_37 : f32 to vector<1024x1024xf32>
    %mul3A_39 = arith.mulf %mul3A_38, %add3A_34 : vector<1024x1024xf32>
    %select_n3A = arith.select %ge3A_36, %add3A_34, %mul3A_39 : vector<1024x1024xi1>, vector<1024x1024xf32>
    %eq3A = arith.constant 0 : i32
    %eq3A_40 = arith.cmpi eq, %arg1, %eq3A : i32
    %convert_element_type3A = arith.extui %eq3A_40 : i1 to i32
    %cond3A = arith.constant 0 : i32
    %cond3A_41 = arith.cmpi ne, %convert_element_type3A, %cond3A : i32
    scf.if %cond3A_41 {
      %broadcast_in_dim3A_53 = arith.constant 0xFF800000 : f32
      %broadcast_in_dim3A_54 = vector.broadcast %broadcast_in_dim3A_53 : f32 to vector<1x1x1024xf32>
      %swap3A_55 = arith.constant 0 : index
      %swap3A_56 = arith.constant 0 : index
      %swap3A_57 = arith.constant 0 : index
      %swap3A_58 = vector.load %arg8[%swap3A_55, %swap3A_56, %swap3A_57] : memref<1x1x1024xf32, #tpu.memory_space<vmem>>, vector<1x1x1024xf32>
      tpu.vector_store %arg8[%swap3A_55, %swap3A_56, %swap3A_57], %broadcast_in_dim3A_54 {strides = array<i32>} : memref<1x1x1024xf32, #tpu.memory_space<vmem>>, vector<1x1x1024xf32>,
    } else {
    }
    %get3A_42 = arith.constant 0 : index
    %get3A_43 = arith.constant 0 : index
    %get3A_44 = arith.constant 0 : index
    %get3A_45 = vector.load %arg8[%get3A_42, %get3A_43, %get3A_44] : memref<1x1x1024xf32, #tpu.memory_space<vmem>>, vector<1x1x1024xf32>
    %get3A_46 = vector.shape_cast %get3A_45 : vector<1x1x1024xf32> to vector<1024xf32>
    %reduce_max3A = arith.constant dense<0xFF800000> : vector<1024xf32>
    %reduce_max3A_47 = vector.multi_reduction <maximumf>, %select_n3A, %reduce_max3A [0] : vector<1024x1024xf32> to vector<1024xf32>
    %max3A = arith.maximumf %get3A_46, %reduce_max3A_47 : vector<1024xf32>
    %swap3A = arith.constant 0 : index
    %swap3A_48 = arith.constant 0 : index
    %swap3A_49 = arith.constant 0 : index
    %swap3A_50 = vector.load %arg8[%swap3A, %swap3A_48, %swap3A_49] : memref<1x1x1024xf32, #tpu.memory_space<vmem>>, vector<1x1x1024xf32>
    %swap3A_51 = vector.shape_cast %swap3A_50 : vector<1x1x1024xf32> to vector<1024xf32>
    %swap3A_52 = vector.shape_cast %max3A : vector<1024xf32> to vector<1x1x1024xf32>
    tpu.vector_store %arg8[%swap3A, %swap3A_48, %swap3A_49], %swap3A_52 {strides = array<i32>} : memref<1x1x1024xf32, #tpu.memory_space<vmem>>, vector<1x1x1024xf32>,
    return
  }
  func.func @transform_0(%arg0: i32, %arg1: i32) -> (i32, i32) {
    %mul3A = arith.constant 4 : i32
    %mul3A_0 = arith.muli %arg0, %mul3A : i32
    %add3A = arith.addi %mul3A_0, %arg1 : i32
    %c0_i32 = arith.constant 0 : i32
    %c0_i32_1 = arith.constant 0 : i32
    return %add3A, %c0_i32 : i32, i32
  }
  func.func @transform_1(%arg0: i32, %arg1: i32) -> (i32, i32) {
    %mul3A = arith.constant 4 : i32
    %mul3A_0 = arith.muli %arg0, %mul3A : i32
    %add3A = arith.addi %mul3A_0, %arg1 : i32
    %c0_i32 = arith.constant 0 : i32
    %c0_i32_1 = arith.constant 0 : i32
    return %add3A, %c0_i32 : i32, i32
  }
  func.func @transform_2(%arg0: i32, %arg1: i32) -> (i32, i32) {
    %mul3A = arith.constant 4 : i32
    %mul3A_0 = arith.muli %arg0, %mul3A : i32
    %add3A = arith.addi %mul3A_0, %arg1 : i32
    %c0_i32 = arith.constant 0 : i32
    %c0_i32_1 = arith.constant 0 : i32
    return %add3A, %c0_i32 : i32, i32
  }
  func.func @transform_3(%arg0: i32, %arg1: i32) -> (i32, i32) {
    %c0_i32 = arith.constant 0 : i32
    %c0_i32_0 = arith.constant 0 : i32
    %c0_i32_1 = arith.constant 0 : i32
    return %c0_i32, %c0_i32_0 : i32, i32
  }
  func.func @transform_4(%arg0: i32, %arg1: i32) -> (i32, i32) {
    %c0_i32 = arith.constant 0 : i32
    %c0_i32_0 = arith.constant 0 : i32
    %c0_i32_1 = arith.constant 0 : i32
    return %c0_i32, %c0_i32_0 : i32, i32
  }
  func.func @transform_5(%arg0: i32, %arg1: i32) -> (i32, i32) {
    %c0_i32 = arith.constant 0 : i32
    %c0_i32_0 = arith.constant 0 : i32
    %c0_i32_1 = arith.constant 0 : i32
    return %c0_i32, %c0_i32_0 : i32, i32
  }
  func.func @transform_6(%arg0: i32, %arg1: i32) -> (i32, i32, i32) {
    %c0_i32 = arith.constant 0 : i32
    %c0_i32_0 = arith.constant 0 : i32
    %c0_i32_1 = arith.constant 0 : i32
    return %arg0, %c0_i32, %c0_i32_0 : i32, i32, i32
  }
}

module attributes {stable_mosaic.version = 14 : i64} {
  func.func @_tail_stats7_body(%arg0: i32, %arg1: memref<1024x64xf32, #tpu.memory_space<vmem>>, %arg2: memref<1024x64xf32, #tpu.memory_space<vmem>>, %arg3: memref<1024x64xf32, #tpu.memory_space<vmem>>, %arg4: memref<1x1x1024xf32, #tpu.memory_space<vmem>>, %arg5: memref<512x1024xf32, #tpu.memory_space<vmem>>, %arg6: memref<512x192xf32, #tpu.memory_space<vmem>>, %arg7: memref<2x512xf32, #tpu.memory_space<vmem>>, %arg8: memref<2x16x512xf32, #tpu.memory_space<vmem>>, %arg9: memref<1x512xf32, #tpu.memory_space<vmem>>) attributes {dimension_semantics = [#tpu.dimension_semantics<arbitrary>], iteration_bounds = array<i64: 16>, scalar_prefetch = 0 : i64, scratch_operands = 2 : i64, tpu.core_type = #tpu.core_type<tc>, window_params = [{transform_indices = @transform_0, window_bounds = array<i64: 1024, 64>}, {transform_indices = @transform_1, window_bounds = array<i64: 1024, 64>}, {transform_indices = @transform_2, window_bounds = array<i64: 1024, 64>}, {transform_indices = @transform_3, window_bounds = array<i64: 1, 1, 1024>}, {pipeline_mode = #tpu.pipeline_mode<synchronous>, transform_indices = @transform_4, window_bounds = array<i64: 512, 1024>}, {pipeline_mode = #tpu.pipeline_mode<synchronous>, transform_indices = @transform_5, window_bounds = array<i64: 512, 192>}, {pipeline_mode = #tpu.pipeline_mode<synchronous>, transform_indices = @transform_6, window_bounds = array<i64: 2, 512>}]} {
    %get3A = arith.constant 0 : index
    %get3A_0 = arith.constant 0 : index
    %get3A_1 = vector.load %arg1[%get3A, %get3A_0] : memref<1024x64xf32, #tpu.memory_space<vmem>>, vector<1024x64xf32>
    %get3A_2 = arith.constant 0 : index
    %get3A_3 = arith.constant 0 : index
    %get3A_4 = vector.load %arg2[%get3A_2, %get3A_3] : memref<1024x64xf32, #tpu.memory_space<vmem>>, vector<1024x64xf32>
    %get3A_5 = arith.constant 0 : index
    %get3A_6 = arith.constant 0 : index
    %get3A_7 = vector.load %arg3[%get3A_5, %get3A_6] : memref<1024x64xf32, #tpu.memory_space<vmem>>, vector<1024x64xf32>
    %concatenate3A = tpu.concatenate %get3A_1, %get3A_4, %get3A_7 in 1 : vector<1024x64xf32>, vector<1024x64xf32>, vector<1024x64xf32> -> vector<1024x192xf32>
    %get3A_8 = arith.constant 0 : index
    %get3A_9 = arith.constant 0 : index
    %get3A_10 = arith.constant 0 : index
    %get3A_11 = vector.load %arg4[%get3A_8, %get3A_9, %get3A_10] : memref<1x1x1024xf32, #tpu.memory_space<vmem>>, vector<1x1x1024xf32>
    %get3A_12 = vector.shape_cast %get3A_11 : vector<1x1x1024xf32> to vector<1x1024xf32>
    %get3A_13 = arith.constant 0 : index
    %get3A_14 = arith.constant 0 : index
    %get3A_15 = vector.load %arg5[%get3A_13, %get3A_14] : memref<512x1024xf32, #tpu.memory_space<vmem>>, vector<512x1024xf32>
    %dot_general3A = arith.constant dense<0.000000e+00> : vector<1x512xf32>
    %dot_general3A_16 = tpu.matmul %get3A_12, %get3A_15, %dot_general3A {dimension_numbers = #tpu.dot_dimension_numbers<[1], [1], [0], [0], [0, 0, 1, 0], [], []>, transpose_lhs_hint = false} : vector<1x1024xf32>, vector<512x1024xf32>, vector<1x512xf32> -> vector<1x512xf32>
    %get3A_17 = arith.constant 0 : index
    %get3A_18 = arith.constant 0 : index
    %get3A_19 = vector.load %arg6[%get3A_17, %get3A_18] : memref<512x192xf32, #tpu.memory_space<vmem>>, vector<512x192xf32>
    %dot_general3A_20 = arith.constant dense<0.000000e+00> : vector<1024x512xf32>
    %dot_general3A_21 = tpu.matmul %concatenate3A, %get3A_19, %dot_general3A_20 {dimension_numbers = #tpu.dot_dimension_numbers<[1], [1], [0], [0], [0, 0, 1, 0], [], []>, transpose_lhs_hint = false} : vector<1024x192xf32>, vector<512x192xf32>, vector<1024x512xf32> -> vector<1024x512xf32>
    %add3A = vector.broadcast %dot_general3A_16 : vector<1x512xf32> to vector<1024x512xf32>
    %add3A_22 = arith.addf %dot_general3A_21, %add3A : vector<1024x512xf32>
    %eq3A = arith.constant 0 : i32
    %eq3A_23 = arith.cmpi eq, %arg0, %eq3A : i32
    %convert_element_type3A = arith.extui %eq3A_23 : i1 to i32
    %cond3A = arith.constant 0 : i32
    %cond3A_24 = arith.cmpi ne, %convert_element_type3A, %cond3A : i32
    scf.if %cond3A_24 {
      %reduce_sum3A_49 = arith.constant dense<0.000000e+00> : vector<512xf32>
      %reduce_sum3A_50 = vector.multi_reduction <add>, %add3A_22, %reduce_sum3A_49 [0] : vector<1024x512xf32> to vector<512xf32>
      %div3A = arith.constant 1.024000e+03 : f32
      %div3A_51 = vector.broadcast %div3A : f32 to vector<512xf32>
      %div3A_52 = arith.divf %reduce_sum3A_50, %div3A_51 : vector<512xf32>
      %swap3A_53 = arith.constant 0 : index
      %swap3A_54 = arith.constant 0 : index
      %swap3A_55 = vector.load %arg9[%swap3A_53, %swap3A_54] : memref<1x512xf32, #tpu.memory_space<vmem>>, vector<1x512xf32>
      %swap3A_56 = vector.shape_cast %swap3A_55 : vector<1x512xf32> to vector<512xf32>
      %swap3A_57 = vector.shape_cast %div3A_52 : vector<512xf32> to vector<1x512xf32>
      tpu.vector_store %arg9[%swap3A_53, %swap3A_54], %swap3A_57 {strides = array<i32>} : memref<1x512xf32, #tpu.memory_space<vmem>>, vector<1x512xf32>,
    } else {
    }
    %get3A_25 = arith.constant 0 : index
    %get3A_26 = arith.constant 0 : index
    %get3A_27 = vector.load %arg9[%get3A_25, %get3A_26] : memref<1x512xf32, #tpu.memory_space<vmem>>, vector<1x512xf32>
    %get3A_28 = vector.shape_cast %get3A_27 : vector<1x512xf32> to vector<512xf32>
    %broadcast_in_dim3A = vector.shape_cast %get3A_28 : vector<512xf32> to vector<1x512xf32>
    %sub3A = vector.broadcast %broadcast_in_dim3A : vector<1x512xf32> to vector<1024x512xf32>
    %sub3A_29 = arith.subf %add3A_22, %sub3A : vector<1024x512xf32>
    %reduce_sum3A = arith.constant dense<0.000000e+00> : vector<512xf32>
    %reduce_sum3A_30 = vector.multi_reduction <add>, %sub3A_29, %reduce_sum3A [0] : vector<1024x512xf32> to vector<512xf32>
    %swap3A = arith.constant 0 : index
    %swap3A_31 = arith.index_cast %arg0 : i32 to index
    %swap3A_32 = arith.constant 0 : index
    %swap3A_33 = vector.load %arg8[%swap3A, %swap3A_31, %swap3A_32] : memref<2x16x512xf32, #tpu.memory_space<vmem>>, vector<1x1x512xf32>
    %swap3A_34 = vector.shape_cast %swap3A_33 : vector<1x1x512xf32> to vector<512xf32>
    %swap3A_35 = vector.shape_cast %reduce_sum3A_30 : vector<512xf32> to vector<1x1x512xf32>
    tpu.vector_store %arg8[%swap3A, %swap3A_31, %swap3A_32], %swap3A_35 {strides = array<i32>} : memref<2x16x512xf32, #tpu.memory_space<vmem>>, vector<1x1x512xf32>,
    %mul3A = arith.mulf %sub3A_29, %sub3A_29 : vector<1024x512xf32>
    %reduce_sum3A_36 = arith.constant dense<0.000000e+00> : vector<512xf32>
    %reduce_sum3A_37 = vector.multi_reduction <add>, %mul3A, %reduce_sum3A_36 [0] : vector<1024x512xf32> to vector<512xf32>
    %swap3A_38 = arith.constant 1 : index
    %swap3A_39 = arith.index_cast %arg0 : i32 to index
    %swap3A_40 = arith.constant 0 : index
    %swap3A_41 = vector.load %arg8[%swap3A_38, %swap3A_39, %swap3A_40] : memref<2x16x512xf32, #tpu.memory_space<vmem>>, vector<1x1x512xf32>
    %swap3A_42 = vector.shape_cast %swap3A_41 : vector<1x1x512xf32> to vector<512xf32>
    %swap3A_43 = vector.shape_cast %reduce_sum3A_37 : vector<512xf32> to vector<1x1x512xf32>
    tpu.vector_store %arg8[%swap3A_38, %swap3A_39, %swap3A_40], %swap3A_43 {strides = array<i32>} : memref<2x16x512xf32, #tpu.memory_space<vmem>>, vector<1x1x512xf32>,
    %eq3A_44 = arith.constant 15 : i32
    %eq3A_45 = arith.cmpi eq, %arg0, %eq3A_44 : i32
    %convert_element_type3A_46 = arith.extui %eq3A_45 : i1 to i32
    %cond3A_47 = arith.constant 0 : i32
    %cond3A_48 = arith.cmpi ne, %convert_element_type3A_46, %cond3A_47 : i32
    scf.if %cond3A_48 {
      %get3A_49 = arith.constant 0 : index
      %get3A_50 = arith.constant 0 : index
      %get3A_51 = arith.constant 0 : index
      %get3A_52 = vector.load %arg8[%get3A_49, %get3A_50, %get3A_51] : memref<2x16x512xf32, #tpu.memory_space<vmem>>, vector<1x16x512xf32>
      %get3A_53 = vector.shape_cast %get3A_52 : vector<1x16x512xf32> to vector<16x512xf32>
      %reduce_sum3A_54 = arith.constant dense<0.000000e+00> : vector<512xf32>
      %reduce_sum3A_55 = vector.multi_reduction <add>, %get3A_53, %reduce_sum3A_54 [0] : vector<16x512xf32> to vector<512xf32>
      %get3A_56 = arith.constant 1 : index
      %get3A_57 = arith.constant 0 : index
      %get3A_58 = arith.constant 0 : index
      %get3A_59 = vector.load %arg8[%get3A_56, %get3A_57, %get3A_58] : memref<2x16x512xf32, #tpu.memory_space<vmem>>, vector<1x16x512xf32>
      %get3A_60 = vector.shape_cast %get3A_59 : vector<1x16x512xf32> to vector<16x512xf32>
      %reduce_sum3A_61 = arith.constant dense<0.000000e+00> : vector<512xf32>
      %reduce_sum3A_62 = vector.multi_reduction <add>, %get3A_60, %reduce_sum3A_61 [0] : vector<16x512xf32> to vector<512xf32>
      %div3A = arith.constant 1.638400e+04 : f32
      %div3A_63 = vector.broadcast %div3A : f32 to vector<512xf32>
      %div3A_64 = arith.divf %reduce_sum3A_55, %div3A_63 : vector<512xf32>
      %div3A_65 = arith.constant 1.638400e+04 : f32
      %div3A_66 = vector.broadcast %div3A_65 : f32 to vector<512xf32>
      %div3A_67 = arith.divf %reduce_sum3A_62, %div3A_66 : vector<512xf32>
      %mul3A_68 = arith.mulf %div3A_64, %div3A_64 : vector<512xf32>
      %sub3A_69 = arith.subf %div3A_67, %mul3A_68 : vector<512xf32>
      %max3A = arith.constant 0.000000e+00 : f32
      %max3A_70 = vector.broadcast %max3A : f32 to vector<512xf32>
      %max3A_71 = arith.maximumf %sub3A_69, %max3A_70 : vector<512xf32>
      %add3A_72 = arith.addf %get3A_28, %div3A_64 : vector<512xf32>
      %swap3A_73 = arith.constant 0 : index
      %swap3A_74 = arith.constant 0 : index
      %swap3A_75 = vector.load %arg7[%swap3A_73, %swap3A_74] : memref<2x512xf32, #tpu.memory_space<vmem>>, vector<1x512xf32>
      %swap3A_76 = vector.shape_cast %swap3A_75 : vector<1x512xf32> to vector<512xf32>
      %swap3A_77 = vector.shape_cast %add3A_72 : vector<512xf32> to vector<1x512xf32>
      tpu.vector_store %arg7[%swap3A_73, %swap3A_74], %swap3A_77 {strides = array<i32>} : memref<2x512xf32, #tpu.memory_space<vmem>>, vector<1x512xf32>,
      %add3A_78 = arith.constant 9.99999974E-6 : f32
      %add3A_79 = vector.broadcast %add3A_78 : f32 to vector<512xf32>
      %add3A_80 = arith.addf %max3A_71, %add3A_79 : vector<512xf32>
      %sqrt3A = math.sqrt %add3A_80 : vector<512xf32>
      %swap3A_81 = arith.constant 1 : index
      %swap3A_82 = arith.constant 0 : index
      %swap3A_83 = vector.load %arg7[%swap3A_81, %swap3A_82] : memref<2x512xf32, #tpu.memory_space<vmem>>, vector<1x512xf32>
      %swap3A_84 = vector.shape_cast %swap3A_83 : vector<1x512xf32> to vector<512xf32>
      %swap3A_85 = vector.shape_cast %sqrt3A : vector<512xf32> to vector<1x512xf32>
      tpu.vector_store %arg7[%swap3A_81, %swap3A_82], %swap3A_85 {strides = array<i32>} : memref<2x512xf32, #tpu.memory_space<vmem>>, vector<1x512xf32>,
    } else {
    }
    return
  }
  func.func @transform_0(%arg0: i32) -> (i32, i32) {
    %c0_i32 = arith.constant 0 : i32
    %c0_i32_0 = arith.constant 0 : i32
    return %arg0, %c0_i32 : i32, i32
  }
  func.func @transform_1(%arg0: i32) -> (i32, i32) {
    %c0_i32 = arith.constant 0 : i32
    %c0_i32_0 = arith.constant 0 : i32
    return %arg0, %c0_i32 : i32, i32
  }
  func.func @transform_2(%arg0: i32) -> (i32, i32) {
    %c0_i32 = arith.constant 0 : i32
    %c0_i32_0 = arith.constant 0 : i32
    return %arg0, %c0_i32 : i32, i32
  }
  func.func @transform_3(%arg0: i32) -> (i32, i32, i32) {
    %jit3A = arith.constant 4 : i32
    %div3A = arith.divsi %arg0, %jit3A : i32
    %sign3A = arith.constant 0 : i32
    %sign3A_0 = arith.cmpi sgt, %arg0, %sign3A : i32
    %sign3A_1 = arith.extui %sign3A_0 : i1 to i32
    %sign3A_2 = arith.constant 0 : i32
    %sign3A_3 = arith.cmpi slt, %arg0, %sign3A_2 : i32
    %sign3A_4 = arith.extui %sign3A_3 : i1 to i32
    %sign3A_5 = arith.subi %sign3A_1, %sign3A_4 : i32
    %sign3A_6 = arith.constant 0 : i32
    %sign3A_7 = arith.cmpi sgt, %jit3A, %sign3A_6 : i32
    %sign3A_8 = arith.extui %sign3A_7 : i1 to i32
    %sign3A_9 = arith.constant 0 : i32
    %sign3A_10 = arith.cmpi slt, %jit3A, %sign3A_9 : i32
    %sign3A_11 = arith.extui %sign3A_10 : i1 to i32
    %sign3A_12 = arith.subi %sign3A_8, %sign3A_11 : i32
    %ne3A = arith.cmpi ne, %sign3A_5, %sign3A_12 : i32
    %rem3A = arith.remsi %arg0, %jit3A : i32
    %ne3A_13 = arith.constant 0 : i32
    %ne3A_14 = arith.cmpi ne, %rem3A, %ne3A_13 : i32
    %and3A = arith.andi %ne3A, %ne3A_14 : i1
    %sub3A = arith.constant 1 : i32
    %sub3A_15 = arith.subi %div3A, %sub3A : i32
    %select_n3A = arith.select %and3A, %sub3A_15, %div3A : i32
    %c0_i32 = arith.constant 0 : i32
    %c0_i32_16 = arith.constant 0 : i32
    %c0_i32_17 = arith.constant 0 : i32
    return %select_n3A, %c0_i32, %c0_i32_16 : i32, i32, i32
  }
  func.func @transform_4(%arg0: i32) -> (i32, i32) {
    %c0_i32 = arith.constant 0 : i32
    %c0_i32_0 = arith.constant 0 : i32
    %c0_i32_1 = arith.constant 0 : i32
    return %c0_i32, %c0_i32_0 : i32, i32
  }
  func.func @transform_5(%arg0: i32) -> (i32, i32) {
    %c0_i32 = arith.constant 0 : i32
    %c0_i32_0 = arith.constant 0 : i32
    %c0_i32_1 = arith.constant 0 : i32
    return %c0_i32, %c0_i32_0 : i32, i32
  }
  func.func @transform_6(%arg0: i32) -> (i32, i32) {
    %c0_i32 = arith.constant 0 : i32
    %c0_i32_0 = arith.constant 0 : i32
    %c0_i32_1 = arith.constant 0 : i32
    return %c0_i32, %c0_i32_0 : i32, i32
  }
}

module attributes {stable_mosaic.version = 14 : i64} {
  func.func @_tail_stats8_body(%arg0: i32, %arg1: memref<1024x64xf32, #tpu.memory_space<vmem>>, %arg2: memref<1024x64xf32, #tpu.memory_space<vmem>>, %arg3: memref<1024x64xf32, #tpu.memory_space<vmem>>, %arg4: memref<1x1x1024xf32, #tpu.memory_space<vmem>>, %arg5: memref<512x1024xf32, #tpu.memory_space<vmem>>, %arg6: memref<512x192xf32, #tpu.memory_space<vmem>>, %arg7: memref<2x512xf32, #tpu.memory_space<vmem>>, %arg8: memref<2x512xf32, #tpu.memory_space<vmem>>, %arg9: memref<256x512xf32, #tpu.memory_space<vmem>>, %arg10: memref<2x256xf32, #tpu.memory_space<vmem>>, %arg11: memref<2x16x256xf32, #tpu.memory_space<vmem>>, %arg12: memref<1x256xf32, #tpu.memory_space<vmem>>) attributes {dimension_semantics = [#tpu.dimension_semantics<arbitrary>], iteration_bounds = array<i64: 16>, scalar_prefetch = 0 : i64, scratch_operands = 2 : i64, tpu.core_type = #tpu.core_type<tc>, window_params = [{transform_indices = @transform_0, window_bounds = array<i64: 1024, 64>}, {transform_indices = @transform_1, window_bounds = array<i64: 1024, 64>}, {transform_indices = @transform_2, window_bounds = array<i64: 1024, 64>}, {transform_indices = @transform_3, window_bounds = array<i64: 1, 1, 1024>}, {pipeline_mode = #tpu.pipeline_mode<synchronous>, transform_indices = @transform_4, window_bounds = array<i64: 512, 1024>}, {pipeline_mode = #tpu.pipeline_mode<synchronous>, transform_indices = @transform_5, window_bounds = array<i64: 512, 192>}, {pipeline_mode = #tpu.pipeline_mode<synchronous>, transform_indices = @transform_6, window_bounds = array<i64: 2, 512>}, {pipeline_mode = #tpu.pipeline_mode<synchronous>, transform_indices = @transform_7, window_bounds = array<i64: 2, 512>}, {pipeline_mode = #tpu.pipeline_mode<synchronous>, transform_indices = @transform_8, window_bounds = array<i64: 256, 512>}, {pipeline_mode = #tpu.pipeline_mode<synchronous>, transform_indices = @transform_9, window_bounds = array<i64: 2, 256>}]} {
    %get3A = arith.constant 0 : index
    %get3A_0 = arith.constant 0 : index
    %get3A_1 = vector.load %arg1[%get3A, %get3A_0] : memref<1024x64xf32, #tpu.memory_space<vmem>>, vector<1024x64xf32>
    %get3A_2 = arith.constant 0 : index
    %get3A_3 = arith.constant 0 : index
    %get3A_4 = vector.load %arg2[%get3A_2, %get3A_3] : memref<1024x64xf32, #tpu.memory_space<vmem>>, vector<1024x64xf32>
    %get3A_5 = arith.constant 0 : index
    %get3A_6 = arith.constant 0 : index
    %get3A_7 = vector.load %arg3[%get3A_5, %get3A_6] : memref<1024x64xf32, #tpu.memory_space<vmem>>, vector<1024x64xf32>
    %concatenate3A = tpu.concatenate %get3A_1, %get3A_4, %get3A_7 in 1 : vector<1024x64xf32>, vector<1024x64xf32>, vector<1024x64xf32> -> vector<1024x192xf32>
    %get3A_8 = arith.constant 0 : index
    %get3A_9 = arith.constant 0 : index
    %get3A_10 = arith.constant 0 : index
    %get3A_11 = vector.load %arg4[%get3A_8, %get3A_9, %get3A_10] : memref<1x1x1024xf32, #tpu.memory_space<vmem>>, vector<1x1x1024xf32>
    %get3A_12 = vector.shape_cast %get3A_11 : vector<1x1x1024xf32> to vector<1x1024xf32>
    %get3A_13 = arith.constant 0 : index
    %get3A_14 = arith.constant 0 : index
    %get3A_15 = vector.load %arg5[%get3A_13, %get3A_14] : memref<512x1024xf32, #tpu.memory_space<vmem>>, vector<512x1024xf32>
    %dot_general3A = arith.constant dense<0.000000e+00> : vector<1x512xf32>
    %dot_general3A_16 = tpu.matmul %get3A_12, %get3A_15, %dot_general3A {dimension_numbers = #tpu.dot_dimension_numbers<[1], [1], [0], [0], [0, 0, 1, 0], [], []>, transpose_lhs_hint = false} : vector<1x1024xf32>, vector<512x1024xf32>, vector<1x512xf32> -> vector<1x512xf32>
    %get3A_17 = arith.constant 0 : index
    %get3A_18 = arith.constant 0 : index
    %get3A_19 = vector.load %arg6[%get3A_17, %get3A_18] : memref<512x192xf32, #tpu.memory_space<vmem>>, vector<512x192xf32>
    %dot_general3A_20 = arith.constant dense<0.000000e+00> : vector<1024x512xf32>
    %dot_general3A_21 = tpu.matmul %concatenate3A, %get3A_19, %dot_general3A_20 {dimension_numbers = #tpu.dot_dimension_numbers<[1], [1], [0], [0], [0, 0, 1, 0], [], []>, transpose_lhs_hint = false} : vector<1024x192xf32>, vector<512x192xf32>, vector<1024x512xf32> -> vector<1024x512xf32>
    %add3A = vector.broadcast %dot_general3A_16 : vector<1x512xf32> to vector<1024x512xf32>
    %add3A_22 = arith.addf %dot_general3A_21, %add3A : vector<1024x512xf32>
    %get3A_23 = arith.constant 0 : index
    %get3A_24 = arith.constant 0 : index
    %get3A_25 = vector.load %arg7[%get3A_23, %get3A_24] : memref<2x512xf32, #tpu.memory_space<vmem>>, vector<1x512xf32>
    %get3A_26 = vector.shape_cast %get3A_25 : vector<1x512xf32> to vector<512xf32>
    %broadcast_in_dim3A = vector.shape_cast %get3A_26 : vector<512xf32> to vector<1x512xf32>
    %sub3A = vector.broadcast %broadcast_in_dim3A : vector<1x512xf32> to vector<1024x512xf32>
    %sub3A_27 = arith.subf %add3A_22, %sub3A : vector<1024x512xf32>
    %get3A_28 = arith.constant 1 : index
    %get3A_29 = arith.constant 0 : index
    %get3A_30 = vector.load %arg7[%get3A_28, %get3A_29] : memref<2x512xf32, #tpu.memory_space<vmem>>, vector<1x512xf32>
    %get3A_31 = vector.shape_cast %get3A_30 : vector<1x512xf32> to vector<512xf32>
    %broadcast_in_dim3A_32 = vector.shape_cast %get3A_31 : vector<512xf32> to vector<1x512xf32>
    %div3A = vector.broadcast %broadcast_in_dim3A_32 : vector<1x512xf32> to vector<1024x512xf32>
    %div3A_33 = arith.divf %sub3A_27, %div3A : vector<1024x512xf32>
    %get3A_34 = arith.constant 0 : index
    %get3A_35 = arith.constant 0 : index
    %get3A_36 = vector.load %arg8[%get3A_34, %get3A_35] : memref<2x512xf32, #tpu.memory_space<vmem>>, vector<1x512xf32>
    %get3A_37 = vector.shape_cast %get3A_36 : vector<1x512xf32> to vector<512xf32>
    %broadcast_in_dim3A_38 = vector.shape_cast %get3A_37 : vector<512xf32> to vector<1x512xf32>
    %mul3A = vector.broadcast %broadcast_in_dim3A_38 : vector<1x512xf32> to vector<1024x512xf32>
    %mul3A_39 = arith.mulf %div3A_33, %mul3A : vector<1024x512xf32>
    %get3A_40 = arith.constant 1 : index
    %get3A_41 = arith.constant 0 : index
    %get3A_42 = vector.load %arg8[%get3A_40, %get3A_41] : memref<2x512xf32, #tpu.memory_space<vmem>>, vector<1x512xf32>
    %get3A_43 = vector.shape_cast %get3A_42 : vector<1x512xf32> to vector<512xf32>
    %broadcast_in_dim3A_44 = vector.shape_cast %get3A_43 : vector<512xf32> to vector<1x512xf32>
    %add3A_45 = vector.broadcast %broadcast_in_dim3A_44 : vector<1x512xf32> to vector<1024x512xf32>
    %add3A_46 = arith.addf %mul3A_39, %add3A_45 : vector<1024x512xf32>
    %ge3A = arith.constant 0.000000e+00 : f32
    %ge3A_47 = vector.broadcast %ge3A : f32 to vector<1024x512xf32>
    %ge3A_48 = arith.cmpf oge, %add3A_46, %ge3A_47 : vector<1024x512xf32>
    %mul3A_49 = arith.constant 2.000000e-01 : f32
    %mul3A_50 = vector.broadcast %mul3A_49 : f32 to vector<1024x512xf32>
    %mul3A_51 = arith.mulf %mul3A_50, %add3A_46 : vector<1024x512xf32>
    %select_n3A = arith.select %ge3A_48, %add3A_46, %mul3A_51 : vector<1024x512xi1>, vector<1024x512xf32>
    %get3A_52 = arith.constant 0 : index
    %get3A_53 = arith.constant 0 : index
    %get3A_54 = vector.load %arg9[%get3A_52, %get3A_53] : memref<256x512xf32, #tpu.memory_space<vmem>>, vector<256x512xf32>
    %dot_general3A_55 = arith.constant dense<0.000000e+00> : vector<1024x256xf32>
    %dot_general3A_56 = tpu.matmul %select_n3A, %get3A_54, %dot_general3A_55 {dimension_numbers = #tpu.dot_dimension_numbers<[1], [1], [0], [0], [0, 0, 1, 0], [], []>, transpose_lhs_hint = false} : vector<1024x512xf32>, vector<256x512xf32>, vector<1024x256xf32> -> vector<1024x256xf32>
    %eq3A = arith.constant 0 : i32
    %eq3A_57 = arith.cmpi eq, %arg0, %eq3A : i32
    %convert_element_type3A = arith.extui %eq3A_57 : i1 to i32
    %cond3A = arith.constant 0 : i32
    %cond3A_58 = arith.cmpi ne, %convert_element_type3A, %cond3A : i32
    scf.if %cond3A_58 {
      %reduce_sum3A_86 = arith.constant dense<0.000000e+00> : vector<256xf32>
      %reduce_sum3A_87 = vector.multi_reduction <add>, %dot_general3A_56, %reduce_sum3A_86 [0] : vector<1024x256xf32> to vector<256xf32>
      %div3A_88 = arith.constant 1.024000e+03 : f32
      %div3A_89 = vector.broadcast %div3A_88 : f32 to vector<256xf32>
      %div3A_90 = arith.divf %reduce_sum3A_87, %div3A_89 : vector<256xf32>
      %swap3A_91 = arith.constant 0 : index
      %swap3A_92 = arith.constant 0 : index
      %swap3A_93 = vector.load %arg12[%swap3A_91, %swap3A_92] : memref<1x256xf32, #tpu.memory_space<vmem>>, vector<1x256xf32>
      %swap3A_94 = vector.shape_cast %swap3A_93 : vector<1x256xf32> to vector<256xf32>
      %swap3A_95 = vector.shape_cast %div3A_90 : vector<256xf32> to vector<1x256xf32>
      tpu.vector_store %arg12[%swap3A_91, %swap3A_92], %swap3A_95 {strides = array<i32>} : memref<1x256xf32, #tpu.memory_space<vmem>>, vector<1x256xf32>,
    } else {
    }
    %get3A_59 = arith.constant 0 : index
    %get3A_60 = arith.constant 0 : index
    %get3A_61 = vector.load %arg12[%get3A_59, %get3A_60] : memref<1x256xf32, #tpu.memory_space<vmem>>, vector<1x256xf32>
    %get3A_62 = vector.shape_cast %get3A_61 : vector<1x256xf32> to vector<256xf32>
    %broadcast_in_dim3A_63 = vector.shape_cast %get3A_62 : vector<256xf32> to vector<1x256xf32>
    %sub3A_64 = vector.broadcast %broadcast_in_dim3A_63 : vector<1x256xf32> to vector<1024x256xf32>
    %sub3A_65 = arith.subf %dot_general3A_56, %sub3A_64 : vector<1024x256xf32>
    %reduce_sum3A = arith.constant dense<0.000000e+00> : vector<256xf32>
    %reduce_sum3A_66 = vector.multi_reduction <add>, %sub3A_65, %reduce_sum3A [0] : vector<1024x256xf32> to vector<256xf32>
    %swap3A = arith.constant 0 : index
    %swap3A_67 = arith.index_cast %arg0 : i32 to index
    %swap3A_68 = arith.constant 0 : index
    %swap3A_69 = vector.load %arg11[%swap3A, %swap3A_67, %swap3A_68] : memref<2x16x256xf32, #tpu.memory_space<vmem>>, vector<1x1x256xf32>
    %swap3A_70 = vector.shape_cast %swap3A_69 : vector<1x1x256xf32> to vector<256xf32>
    %swap3A_71 = vector.shape_cast %reduce_sum3A_66 : vector<256xf32> to vector<1x1x256xf32>
    tpu.vector_store %arg11[%swap3A, %swap3A_67, %swap3A_68], %swap3A_71 {strides = array<i32>} : memref<2x16x256xf32, #tpu.memory_space<vmem>>, vector<1x1x256xf32>,
    %mul3A_72 = arith.mulf %sub3A_65, %sub3A_65 : vector<1024x256xf32>
    %reduce_sum3A_73 = arith.constant dense<0.000000e+00> : vector<256xf32>
    %reduce_sum3A_74 = vector.multi_reduction <add>, %mul3A_72, %reduce_sum3A_73 [0] : vector<1024x256xf32> to vector<256xf32>
    %swap3A_75 = arith.constant 1 : index
    %swap3A_76 = arith.index_cast %arg0 : i32 to index
    %swap3A_77 = arith.constant 0 : index
    %swap3A_78 = vector.load %arg11[%swap3A_75, %swap3A_76, %swap3A_77] : memref<2x16x256xf32, #tpu.memory_space<vmem>>, vector<1x1x256xf32>
    %swap3A_79 = vector.shape_cast %swap3A_78 : vector<1x1x256xf32> to vector<256xf32>
    %swap3A_80 = vector.shape_cast %reduce_sum3A_74 : vector<256xf32> to vector<1x1x256xf32>
    tpu.vector_store %arg11[%swap3A_75, %swap3A_76, %swap3A_77], %swap3A_80 {strides = array<i32>} : memref<2x16x256xf32, #tpu.memory_space<vmem>>, vector<1x1x256xf32>,
    %eq3A_81 = arith.constant 15 : i32
    %eq3A_82 = arith.cmpi eq, %arg0, %eq3A_81 : i32
    %convert_element_type3A_83 = arith.extui %eq3A_82 : i1 to i32
    %cond3A_84 = arith.constant 0 : i32
    %cond3A_85 = arith.cmpi ne, %convert_element_type3A_83, %cond3A_84 : i32
    scf.if %cond3A_85 {
      %get3A_86 = arith.constant 0 : index
      %get3A_87 = arith.constant 0 : index
      %get3A_88 = arith.constant 0 : index
      %get3A_89 = vector.load %arg11[%get3A_86, %get3A_87, %get3A_88] : memref<2x16x256xf32, #tpu.memory_space<vmem>>, vector<1x16x256xf32>
      %get3A_90 = vector.shape_cast %get3A_89 : vector<1x16x256xf32> to vector<16x256xf32>
      %reduce_sum3A_91 = arith.constant dense<0.000000e+00> : vector<256xf32>
      %reduce_sum3A_92 = vector.multi_reduction <add>, %get3A_90, %reduce_sum3A_91 [0] : vector<16x256xf32> to vector<256xf32>
      %get3A_93 = arith.constant 1 : index
      %get3A_94 = arith.constant 0 : index
      %get3A_95 = arith.constant 0 : index
      %get3A_96 = vector.load %arg11[%get3A_93, %get3A_94, %get3A_95] : memref<2x16x256xf32, #tpu.memory_space<vmem>>, vector<1x16x256xf32>
      %get3A_97 = vector.shape_cast %get3A_96 : vector<1x16x256xf32> to vector<16x256xf32>
      %reduce_sum3A_98 = arith.constant dense<0.000000e+00> : vector<256xf32>
      %reduce_sum3A_99 = vector.multi_reduction <add>, %get3A_97, %reduce_sum3A_98 [0] : vector<16x256xf32> to vector<256xf32>
      %div3A_100 = arith.constant 1.638400e+04 : f32
      %div3A_101 = vector.broadcast %div3A_100 : f32 to vector<256xf32>
      %div3A_102 = arith.divf %reduce_sum3A_92, %div3A_101 : vector<256xf32>
      %div3A_103 = arith.constant 1.638400e+04 : f32
      %div3A_104 = vector.broadcast %div3A_103 : f32 to vector<256xf32>
      %div3A_105 = arith.divf %reduce_sum3A_99, %div3A_104 : vector<256xf32>
      %mul3A_106 = arith.mulf %div3A_102, %div3A_102 : vector<256xf32>
      %sub3A_107 = arith.subf %div3A_105, %mul3A_106 : vector<256xf32>
      %max3A = arith.constant 0.000000e+00 : f32
      %max3A_108 = vector.broadcast %max3A : f32 to vector<256xf32>
      %max3A_109 = arith.maximumf %sub3A_107, %max3A_108 : vector<256xf32>
      %add3A_110 = arith.addf %get3A_62, %div3A_102 : vector<256xf32>
      %swap3A_111 = arith.constant 0 : index
      %swap3A_112 = arith.constant 0 : index
      %swap3A_113 = vector.load %arg10[%swap3A_111, %swap3A_112] : memref<2x256xf32, #tpu.memory_space<vmem>>, vector<1x256xf32>
      %swap3A_114 = vector.shape_cast %swap3A_113 : vector<1x256xf32> to vector<256xf32>
      %swap3A_115 = vector.shape_cast %add3A_110 : vector<256xf32> to vector<1x256xf32>
      tpu.vector_store %arg10[%swap3A_111, %swap3A_112], %swap3A_115 {strides = array<i32>} : memref<2x256xf32, #tpu.memory_space<vmem>>, vector<1x256xf32>,
      %add3A_116 = arith.constant 9.99999974E-6 : f32
      %add3A_117 = vector.broadcast %add3A_116 : f32 to vector<256xf32>
      %add3A_118 = arith.addf %max3A_109, %add3A_117 : vector<256xf32>
      %sqrt3A = math.sqrt %add3A_118 : vector<256xf32>
      %swap3A_119 = arith.constant 1 : index
      %swap3A_120 = arith.constant 0 : index
      %swap3A_121 = vector.load %arg10[%swap3A_119, %swap3A_120] : memref<2x256xf32, #tpu.memory_space<vmem>>, vector<1x256xf32>
      %swap3A_122 = vector.shape_cast %swap3A_121 : vector<1x256xf32> to vector<256xf32>
      %swap3A_123 = vector.shape_cast %sqrt3A : vector<256xf32> to vector<1x256xf32>
      tpu.vector_store %arg10[%swap3A_119, %swap3A_120], %swap3A_123 {strides = array<i32>} : memref<2x256xf32, #tpu.memory_space<vmem>>, vector<1x256xf32>,
    } else {
    }
    return
  }
  func.func @transform_0(%arg0: i32) -> (i32, i32) {
    %c0_i32 = arith.constant 0 : i32
    %c0_i32_0 = arith.constant 0 : i32
    return %arg0, %c0_i32 : i32, i32
  }
  func.func @transform_1(%arg0: i32) -> (i32, i32) {
    %c0_i32 = arith.constant 0 : i32
    %c0_i32_0 = arith.constant 0 : i32
    return %arg0, %c0_i32 : i32, i32
  }
  func.func @transform_2(%arg0: i32) -> (i32, i32) {
    %c0_i32 = arith.constant 0 : i32
    %c0_i32_0 = arith.constant 0 : i32
    return %arg0, %c0_i32 : i32, i32
  }
  func.func @transform_3(%arg0: i32) -> (i32, i32, i32) {
    %jit3A = arith.constant 4 : i32
    %div3A = arith.divsi %arg0, %jit3A : i32
    %sign3A = arith.constant 0 : i32
    %sign3A_0 = arith.cmpi sgt, %arg0, %sign3A : i32
    %sign3A_1 = arith.extui %sign3A_0 : i1 to i32
    %sign3A_2 = arith.constant 0 : i32
    %sign3A_3 = arith.cmpi slt, %arg0, %sign3A_2 : i32
    %sign3A_4 = arith.extui %sign3A_3 : i1 to i32
    %sign3A_5 = arith.subi %sign3A_1, %sign3A_4 : i32
    %sign3A_6 = arith.constant 0 : i32
    %sign3A_7 = arith.cmpi sgt, %jit3A, %sign3A_6 : i32
    %sign3A_8 = arith.extui %sign3A_7 : i1 to i32
    %sign3A_9 = arith.constant 0 : i32
    %sign3A_10 = arith.cmpi slt, %jit3A, %sign3A_9 : i32
    %sign3A_11 = arith.extui %sign3A_10 : i1 to i32
    %sign3A_12 = arith.subi %sign3A_8, %sign3A_11 : i32
    %ne3A = arith.cmpi ne, %sign3A_5, %sign3A_12 : i32
    %rem3A = arith.remsi %arg0, %jit3A : i32
    %ne3A_13 = arith.constant 0 : i32
    %ne3A_14 = arith.cmpi ne, %rem3A, %ne3A_13 : i32
    %and3A = arith.andi %ne3A, %ne3A_14 : i1
    %sub3A = arith.constant 1 : i32
    %sub3A_15 = arith.subi %div3A, %sub3A : i32
    %select_n3A = arith.select %and3A, %sub3A_15, %div3A : i32
    %c0_i32 = arith.constant 0 : i32
    %c0_i32_16 = arith.constant 0 : i32
    %c0_i32_17 = arith.constant 0 : i32
    return %select_n3A, %c0_i32, %c0_i32_16 : i32, i32, i32
  }
  func.func @transform_4(%arg0: i32) -> (i32, i32) {
    %c0_i32 = arith.constant 0 : i32
    %c0_i32_0 = arith.constant 0 : i32
    %c0_i32_1 = arith.constant 0 : i32
    return %c0_i32, %c0_i32_0 : i32, i32
  }
  func.func @transform_5(%arg0: i32) -> (i32, i32) {
    %c0_i32 = arith.constant 0 : i32
    %c0_i32_0 = arith.constant 0 : i32
    %c0_i32_1 = arith.constant 0 : i32
    return %c0_i32, %c0_i32_0 : i32, i32
  }
  func.func @transform_6(%arg0: i32) -> (i32, i32) {
    %c0_i32 = arith.constant 0 : i32
    %c0_i32_0 = arith.constant 0 : i32
    %c0_i32_1 = arith.constant 0 : i32
    return %c0_i32, %c0_i32_0 : i32, i32
  }
  func.func @transform_7(%arg0: i32) -> (i32, i32) {
    %c0_i32 = arith.constant 0 : i32
    %c0_i32_0 = arith.constant 0 : i32
    %c0_i32_1 = arith.constant 0 : i32
    return %c0_i32, %c0_i32_0 : i32, i32
  }
  func.func @transform_8(%arg0: i32) -> (i32, i32) {
    %c0_i32 = arith.constant 0 : i32
    %c0_i32_0 = arith.constant 0 : i32
    %c0_i32_1 = arith.constant 0 : i32
    return %c0_i32, %c0_i32_0 : i32, i32
  }
  func.func @transform_9(%arg0: i32) -> (i32, i32) {
    %c0_i32 = arith.constant 0 : i32
    %c0_i32_0 = arith.constant 0 : i32
    %c0_i32_1 = arith.constant 0 : i32
    return %c0_i32, %c0_i32_0 : i32, i32
  }
}

module attributes {stable_mosaic.version = 14 : i64} {
  func.func @_tail_out_body(%arg0: i32, %arg1: memref<1024x64xf32, #tpu.memory_space<vmem>>, %arg2: memref<1024x64xf32, #tpu.memory_space<vmem>>, %arg3: memref<1024x64xf32, #tpu.memory_space<vmem>>, %arg4: memref<1x1x1024xf32, #tpu.memory_space<vmem>>, %arg5: memref<512x1024xf32, #tpu.memory_space<vmem>>, %arg6: memref<512x192xf32, #tpu.memory_space<vmem>>, %arg7: memref<2x512xf32, #tpu.memory_space<vmem>>, %arg8: memref<2x512xf32, #tpu.memory_space<vmem>>, %arg9: memref<256x512xf32, #tpu.memory_space<vmem>>, %arg10: memref<2x256xf32, #tpu.memory_space<vmem>>, %arg11: memref<2x256xf32, #tpu.memory_space<vmem>>, %arg12: memref<9x256xf32, #tpu.memory_space<vmem>>, %arg13: memref<1024x9xf32, #tpu.memory_space<vmem>>) attributes {dimension_semantics = [#tpu.dimension_semantics<arbitrary>], iteration_bounds = array<i64: 16>, scalar_prefetch = 0 : i64, scratch_operands = 0 : i64, tpu.core_type = #tpu.core_type<tc>, window_params = [{transform_indices = @transform_0, window_bounds = array<i64: 1024, 64>}, {transform_indices = @transform_1, window_bounds = array<i64: 1024, 64>}, {transform_indices = @transform_2, window_bounds = array<i64: 1024, 64>}, {transform_indices = @transform_3, window_bounds = array<i64: 1, 1, 1024>}, {pipeline_mode = #tpu.pipeline_mode<synchronous>, transform_indices = @transform_4, window_bounds = array<i64: 512, 1024>}, {pipeline_mode = #tpu.pipeline_mode<synchronous>, transform_indices = @transform_5, window_bounds = array<i64: 512, 192>}, {pipeline_mode = #tpu.pipeline_mode<synchronous>, transform_indices = @transform_6, window_bounds = array<i64: 2, 512>}, {pipeline_mode = #tpu.pipeline_mode<synchronous>, transform_indices = @transform_7, window_bounds = array<i64: 2, 512>}, {pipeline_mode = #tpu.pipeline_mode<synchronous>, transform_indices = @transform_8, window_bounds = array<i64: 256, 512>}, {pipeline_mode = #tpu.pipeline_mode<synchronous>, transform_indices = @transform_9, window_bounds = array<i64: 2, 256>}, {pipeline_mode = #tpu.pipeline_mode<synchronous>, transform_indices = @transform_10, window_bounds = array<i64: 2, 256>}, {pipeline_mode = #tpu.pipeline_mode<synchronous>, transform_indices = @transform_11, window_bounds = array<i64: 9, 256>}, {transform_indices = @transform_12, window_bounds = array<i64: 1024, 9>}]} {
    %get3A = arith.constant 0 : index
    %get3A_0 = arith.constant 0 : index
    %get3A_1 = vector.load %arg1[%get3A, %get3A_0] : memref<1024x64xf32, #tpu.memory_space<vmem>>, vector<1024x64xf32>
    %get3A_2 = arith.constant 0 : index
    %get3A_3 = arith.constant 0 : index
    %get3A_4 = vector.load %arg2[%get3A_2, %get3A_3] : memref<1024x64xf32, #tpu.memory_space<vmem>>, vector<1024x64xf32>
    %get3A_5 = arith.constant 0 : index
    %get3A_6 = arith.constant 0 : index
    %get3A_7 = vector.load %arg3[%get3A_5, %get3A_6] : memref<1024x64xf32, #tpu.memory_space<vmem>>, vector<1024x64xf32>
    %concatenate3A = tpu.concatenate %get3A_1, %get3A_4, %get3A_7 in 1 : vector<1024x64xf32>, vector<1024x64xf32>, vector<1024x64xf32> -> vector<1024x192xf32>
    %get3A_8 = arith.constant 0 : index
    %get3A_9 = arith.constant 0 : index
    %get3A_10 = arith.constant 0 : index
    %get3A_11 = vector.load %arg4[%get3A_8, %get3A_9, %get3A_10] : memref<1x1x1024xf32, #tpu.memory_space<vmem>>, vector<1x1x1024xf32>
    %get3A_12 = vector.shape_cast %get3A_11 : vector<1x1x1024xf32> to vector<1x1024xf32>
    %get3A_13 = arith.constant 0 : index
    %get3A_14 = arith.constant 0 : index
    %get3A_15 = vector.load %arg5[%get3A_13, %get3A_14] : memref<512x1024xf32, #tpu.memory_space<vmem>>, vector<512x1024xf32>
    %dot_general3A = arith.constant dense<0.000000e+00> : vector<1x512xf32>
    %dot_general3A_16 = tpu.matmul %get3A_12, %get3A_15, %dot_general3A {dimension_numbers = #tpu.dot_dimension_numbers<[1], [1], [0], [0], [0, 0, 1, 0], [], []>, transpose_lhs_hint = false} : vector<1x1024xf32>, vector<512x1024xf32>, vector<1x512xf32> -> vector<1x512xf32>
    %get3A_17 = arith.constant 0 : index
    %get3A_18 = arith.constant 0 : index
    %get3A_19 = vector.load %arg6[%get3A_17, %get3A_18] : memref<512x192xf32, #tpu.memory_space<vmem>>, vector<512x192xf32>
    %dot_general3A_20 = arith.constant dense<0.000000e+00> : vector<1024x512xf32>
    %dot_general3A_21 = tpu.matmul %concatenate3A, %get3A_19, %dot_general3A_20 {dimension_numbers = #tpu.dot_dimension_numbers<[1], [1], [0], [0], [0, 0, 1, 0], [], []>, transpose_lhs_hint = false} : vector<1024x192xf32>, vector<512x192xf32>, vector<1024x512xf32> -> vector<1024x512xf32>
    %add3A = vector.broadcast %dot_general3A_16 : vector<1x512xf32> to vector<1024x512xf32>
    %add3A_22 = arith.addf %dot_general3A_21, %add3A : vector<1024x512xf32>
    %get3A_23 = arith.constant 0 : index
    %get3A_24 = arith.constant 0 : index
    %get3A_25 = vector.load %arg7[%get3A_23, %get3A_24] : memref<2x512xf32, #tpu.memory_space<vmem>>, vector<1x512xf32>
    %get3A_26 = vector.shape_cast %get3A_25 : vector<1x512xf32> to vector<512xf32>
    %broadcast_in_dim3A = vector.shape_cast %get3A_26 : vector<512xf32> to vector<1x512xf32>
    %sub3A = vector.broadcast %broadcast_in_dim3A : vector<1x512xf32> to vector<1024x512xf32>
    %sub3A_27 = arith.subf %add3A_22, %sub3A : vector<1024x512xf32>
    %get3A_28 = arith.constant 1 : index
    %get3A_29 = arith.constant 0 : index
    %get3A_30 = vector.load %arg7[%get3A_28, %get3A_29] : memref<2x512xf32, #tpu.memory_space<vmem>>, vector<1x512xf32>
    %get3A_31 = vector.shape_cast %get3A_30 : vector<1x512xf32> to vector<512xf32>
    %broadcast_in_dim3A_32 = vector.shape_cast %get3A_31 : vector<512xf32> to vector<1x512xf32>
    %div3A = vector.broadcast %broadcast_in_dim3A_32 : vector<1x512xf32> to vector<1024x512xf32>
    %div3A_33 = arith.divf %sub3A_27, %div3A : vector<1024x512xf32>
    %get3A_34 = arith.constant 0 : index
    %get3A_35 = arith.constant 0 : index
    %get3A_36 = vector.load %arg8[%get3A_34, %get3A_35] : memref<2x512xf32, #tpu.memory_space<vmem>>, vector<1x512xf32>
    %get3A_37 = vector.shape_cast %get3A_36 : vector<1x512xf32> to vector<512xf32>
    %broadcast_in_dim3A_38 = vector.shape_cast %get3A_37 : vector<512xf32> to vector<1x512xf32>
    %mul3A = vector.broadcast %broadcast_in_dim3A_38 : vector<1x512xf32> to vector<1024x512xf32>
    %mul3A_39 = arith.mulf %div3A_33, %mul3A : vector<1024x512xf32>
    %get3A_40 = arith.constant 1 : index
    %get3A_41 = arith.constant 0 : index
    %get3A_42 = vector.load %arg8[%get3A_40, %get3A_41] : memref<2x512xf32, #tpu.memory_space<vmem>>, vector<1x512xf32>
    %get3A_43 = vector.shape_cast %get3A_42 : vector<1x512xf32> to vector<512xf32>
    %broadcast_in_dim3A_44 = vector.shape_cast %get3A_43 : vector<512xf32> to vector<1x512xf32>
    %add3A_45 = vector.broadcast %broadcast_in_dim3A_44 : vector<1x512xf32> to vector<1024x512xf32>
    %add3A_46 = arith.addf %mul3A_39, %add3A_45 : vector<1024x512xf32>
    %ge3A = arith.constant 0.000000e+00 : f32
    %ge3A_47 = vector.broadcast %ge3A : f32 to vector<1024x512xf32>
    %ge3A_48 = arith.cmpf oge, %add3A_46, %ge3A_47 : vector<1024x512xf32>
    %mul3A_49 = arith.constant 2.000000e-01 : f32
    %mul3A_50 = vector.broadcast %mul3A_49 : f32 to vector<1024x512xf32>
    %mul3A_51 = arith.mulf %mul3A_50, %add3A_46 : vector<1024x512xf32>
    %select_n3A = arith.select %ge3A_48, %add3A_46, %mul3A_51 : vector<1024x512xi1>, vector<1024x512xf32>
    %get3A_52 = arith.constant 0 : index
    %get3A_53 = arith.constant 0 : index
    %get3A_54 = vector.load %arg9[%get3A_52, %get3A_53] : memref<256x512xf32, #tpu.memory_space<vmem>>, vector<256x512xf32>
    %dot_general3A_55 = arith.constant dense<0.000000e+00> : vector<1024x256xf32>
    %dot_general3A_56 = tpu.matmul %select_n3A, %get3A_54, %dot_general3A_55 {dimension_numbers = #tpu.dot_dimension_numbers<[1], [1], [0], [0], [0, 0, 1, 0], [], []>, transpose_lhs_hint = false} : vector<1024x512xf32>, vector<256x512xf32>, vector<1024x256xf32> -> vector<1024x256xf32>
    %get3A_57 = arith.constant 0 : index
    %get3A_58 = arith.constant 0 : index
    %get3A_59 = vector.load %arg10[%get3A_57, %get3A_58] : memref<2x256xf32, #tpu.memory_space<vmem>>, vector<1x256xf32>
    %get3A_60 = vector.shape_cast %get3A_59 : vector<1x256xf32> to vector<256xf32>
    %broadcast_in_dim3A_61 = vector.shape_cast %get3A_60 : vector<256xf32> to vector<1x256xf32>
    %sub3A_62 = vector.broadcast %broadcast_in_dim3A_61 : vector<1x256xf32> to vector<1024x256xf32>
    %sub3A_63 = arith.subf %dot_general3A_56, %sub3A_62 : vector<1024x256xf32>
    %get3A_64 = arith.constant 1 : index
    %get3A_65 = arith.constant 0 : index
    %get3A_66 = vector.load %arg10[%get3A_64, %get3A_65] : memref<2x256xf32, #tpu.memory_space<vmem>>, vector<1x256xf32>
    %get3A_67 = vector.shape_cast %get3A_66 : vector<1x256xf32> to vector<256xf32>
    %broadcast_in_dim3A_68 = vector.shape_cast %get3A_67 : vector<256xf32> to vector<1x256xf32>
    %div3A_69 = vector.broadcast %broadcast_in_dim3A_68 : vector<1x256xf32> to vector<1024x256xf32>
    %div3A_70 = arith.divf %sub3A_63, %div3A_69 : vector<1024x256xf32>
    %get3A_71 = arith.constant 0 : index
    %get3A_72 = arith.constant 0 : index
    %get3A_73 = vector.load %arg11[%get3A_71, %get3A_72] : memref<2x256xf32, #tpu.memory_space<vmem>>, vector<1x256xf32>
    %get3A_74 = vector.shape_cast %get3A_73 : vector<1x256xf32> to vector<256xf32>
    %broadcast_in_dim3A_75 = vector.shape_cast %get3A_74 : vector<256xf32> to vector<1x256xf32>
    %mul3A_76 = vector.broadcast %broadcast_in_dim3A_75 : vector<1x256xf32> to vector<1024x256xf32>
    %mul3A_77 = arith.mulf %div3A_70, %mul3A_76 : vector<1024x256xf32>
    %get3A_78 = arith.constant 1 : index
    %get3A_79 = arith.constant 0 : index
    %get3A_80 = vector.load %arg11[%get3A_78, %get3A_79] : memref<2x256xf32, #tpu.memory_space<vmem>>, vector<1x256xf32>
    %get3A_81 = vector.shape_cast %get3A_80 : vector<1x256xf32> to vector<256xf32>
    %broadcast_in_dim3A_82 = vector.shape_cast %get3A_81 : vector<256xf32> to vector<1x256xf32>
    %add3A_83 = vector.broadcast %broadcast_in_dim3A_82 : vector<1x256xf32> to vector<1024x256xf32>
    %add3A_84 = arith.addf %mul3A_77, %add3A_83 : vector<1024x256xf32>
    %ge3A_85 = arith.constant 0.000000e+00 : f32
    %ge3A_86 = vector.broadcast %ge3A_85 : f32 to vector<1024x256xf32>
    %ge3A_87 = arith.cmpf oge, %add3A_84, %ge3A_86 : vector<1024x256xf32>
    %mul3A_88 = arith.constant 2.000000e-01 : f32
    %mul3A_89 = vector.broadcast %mul3A_88 : f32 to vector<1024x256xf32>
    %mul3A_90 = arith.mulf %mul3A_89, %add3A_84 : vector<1024x256xf32>
    %select_n3A_91 = arith.select %ge3A_87, %add3A_84, %mul3A_90 : vector<1024x256xi1>, vector<1024x256xf32>
    %get3A_92 = arith.constant 0 : index
    %get3A_93 = arith.constant 0 : index
    %get3A_94 = vector.load %arg12[%get3A_92, %get3A_93] : memref<9x256xf32, #tpu.memory_space<vmem>>, vector<9x256xf32>
    %dot_general3A_95 = arith.constant dense<0.000000e+00> : vector<1024x9xf32>
    %dot_general3A_96 = tpu.matmul %select_n3A_91, %get3A_94, %dot_general3A_95 {dimension_numbers = #tpu.dot_dimension_numbers<[1], [1], [0], [0], [0, 0, 1, 0], [], []>, transpose_lhs_hint = false} : vector<1024x256xf32>, vector<9x256xf32>, vector<1024x9xf32> -> vector<1024x9xf32>
    %swap3A = arith.constant 0 : index
    %swap3A_97 = arith.constant 0 : index
    %swap3A_98 = vector.load %arg13[%swap3A, %swap3A_97] : memref<1024x9xf32, #tpu.memory_space<vmem>>, vector<1024x9xf32>
    tpu.vector_store %arg13[%swap3A, %swap3A_97], %dot_general3A_96 {strides = array<i32>} : memref<1024x9xf32, #tpu.memory_space<vmem>>, vector<1024x9xf32>,
    return
  }
  func.func @transform_0(%arg0: i32) -> (i32, i32) {
    %c0_i32 = arith.constant 0 : i32
    %c0_i32_0 = arith.constant 0 : i32
    return %arg0, %c0_i32 : i32, i32
  }
  func.func @transform_1(%arg0: i32) -> (i32, i32) {
    %c0_i32 = arith.constant 0 : i32
    %c0_i32_0 = arith.constant 0 : i32
    return %arg0, %c0_i32 : i32, i32
  }
  func.func @transform_2(%arg0: i32) -> (i32, i32) {
    %c0_i32 = arith.constant 0 : i32
    %c0_i32_0 = arith.constant 0 : i32
    return %arg0, %c0_i32 : i32, i32
  }
  func.func @transform_3(%arg0: i32) -> (i32, i32, i32) {
    %jit3A = arith.constant 4 : i32
    %div3A = arith.divsi %arg0, %jit3A : i32
    %sign3A = arith.constant 0 : i32
    %sign3A_0 = arith.cmpi sgt, %arg0, %sign3A : i32
    %sign3A_1 = arith.extui %sign3A_0 : i1 to i32
    %sign3A_2 = arith.constant 0 : i32
    %sign3A_3 = arith.cmpi slt, %arg0, %sign3A_2 : i32
    %sign3A_4 = arith.extui %sign3A_3 : i1 to i32
    %sign3A_5 = arith.subi %sign3A_1, %sign3A_4 : i32
    %sign3A_6 = arith.constant 0 : i32
    %sign3A_7 = arith.cmpi sgt, %jit3A, %sign3A_6 : i32
    %sign3A_8 = arith.extui %sign3A_7 : i1 to i32
    %sign3A_9 = arith.constant 0 : i32
    %sign3A_10 = arith.cmpi slt, %jit3A, %sign3A_9 : i32
    %sign3A_11 = arith.extui %sign3A_10 : i1 to i32
    %sign3A_12 = arith.subi %sign3A_8, %sign3A_11 : i32
    %ne3A = arith.cmpi ne, %sign3A_5, %sign3A_12 : i32
    %rem3A = arith.remsi %arg0, %jit3A : i32
    %ne3A_13 = arith.constant 0 : i32
    %ne3A_14 = arith.cmpi ne, %rem3A, %ne3A_13 : i32
    %and3A = arith.andi %ne3A, %ne3A_14 : i1
    %sub3A = arith.constant 1 : i32
    %sub3A_15 = arith.subi %div3A, %sub3A : i32
    %select_n3A = arith.select %and3A, %sub3A_15, %div3A : i32
    %c0_i32 = arith.constant 0 : i32
    %c0_i32_16 = arith.constant 0 : i32
    %c0_i32_17 = arith.constant 0 : i32
    return %select_n3A, %c0_i32, %c0_i32_16 : i32, i32, i32
  }
  func.func @transform_4(%arg0: i32) -> (i32, i32) {
    %c0_i32 = arith.constant 0 : i32
    %c0_i32_0 = arith.constant 0 : i32
    %c0_i32_1 = arith.constant 0 : i32
    return %c0_i32, %c0_i32_0 : i32, i32
  }
  func.func @transform_5(%arg0: i32) -> (i32, i32) {
    %c0_i32 = arith.constant 0 : i32
    %c0_i32_0 = arith.constant 0 : i32
    %c0_i32_1 = arith.constant 0 : i32
    return %c0_i32, %c0_i32_0 : i32, i32
  }
  func.func @transform_6(%arg0: i32) -> (i32, i32) {
    %c0_i32 = arith.constant 0 : i32
    %c0_i32_0 = arith.constant 0 : i32
    %c0_i32_1 = arith.constant 0 : i32
    return %c0_i32, %c0_i32_0 : i32, i32
  }
  func.func @transform_7(%arg0: i32) -> (i32, i32) {
    %c0_i32 = arith.constant 0 : i32
    %c0_i32_0 = arith.constant 0 : i32
    %c0_i32_1 = arith.constant 0 : i32
    return %c0_i32, %c0_i32_0 : i32, i32
  }
  func.func @transform_8(%arg0: i32) -> (i32, i32) {
    %c0_i32 = arith.constant 0 : i32
    %c0_i32_0 = arith.constant 0 : i32
    %c0_i32_1 = arith.constant 0 : i32
    return %c0_i32, %c0_i32_0 : i32, i32
  }
  func.func @transform_9(%arg0: i32) -> (i32, i32) {
    %c0_i32 = arith.constant 0 : i32
    %c0_i32_0 = arith.constant 0 : i32
    %c0_i32_1 = arith.constant 0 : i32
    return %c0_i32, %c0_i32_0 : i32, i32
  }
  func.func @transform_10(%arg0: i32) -> (i32, i32) {
    %c0_i32 = arith.constant 0 : i32
    %c0_i32_0 = arith.constant 0 : i32
    %c0_i32_1 = arith.constant 0 : i32
    return %c0_i32, %c0_i32_0 : i32, i32
  }
  func.func @transform_11(%arg0: i32) -> (i32, i32) {
    %c0_i32 = arith.constant 0 : i32
    %c0_i32_0 = arith.constant 0 : i32
    %c0_i32_1 = arith.constant 0 : i32
    return %c0_i32, %c0_i32_0 : i32, i32
  }
  func.func @transform_12(%arg0: i32) -> (i32, i32) {
    %c0_i32 = arith.constant 0 : i32
    %c0_i32_0 = arith.constant 0 : i32
    return %arg0, %c0_i32 : i32, i32
  }
}

</mosaic_0001>

<sc_bundles>
// kernel: kernel.21.cloned.1.call-start
scs
__scs_entry_jumppad:
0x0: {  	(pc) =	sbr.rel $0x88, $3  }
0x1: {  	(tag) =	ssettag $0x0;
	lr =	simm.s32 $0x1  }
0x2: {  	[smem:$0x3F87] =	sst lr;
	_ =	strace $0xD0000000  }
0x3: {  	_ = 	snop  }
0x4: {  	_ = 	snop  }
0x5: {  	_ = 	snop  }
0x6: {  	_ = 	snop  }
0x7: {  	_ = 	snop  }
__scs_overlays_trampoline_lowered:
0x8: {  	[smem:$0x3F96] =	sst s0  }
0x9: {  	[smem:$0x3F97] =	sst s1  }
0xa: {  	[smem:$0x3F98] =	sst s2  }
0xb: {  	[smem:$0x3F99] =	sst s3  }
0xc: {  	[smem:$0x3F9A] =	sst s4  }
0xd: {  	[smem:$0x3F9B] =	sst s5  }
0xe: {  	[smem:$0x3F9C] =	sst s6  }
0xf: {  	[smem:$0x3F9D] =	sst s7  }
0x10: {  	[smem:$0x3F9E] =	sst s8  }
0x11: {  	[smem:$0x3F9F] =	sst s9;
	s0 =	simm.s32 @!p0 $0x0  }
0x12: {  	s1 =	sld [smem:$0x3F85];
	s0 =	simm.s32 @p0 $0x1  }
0x13: {  	[smem:$0x3FA0] =	sst s0;
	s0 =	simm.s32 @!p1 $0x0  }
0x14: {  	s2 =	sld [smem:$0x3F84];
	s0 =	simm.s32 @p1 $0x1  }
0x15: {  	[smem:$0x3FA1] =	sst s0;
	s0 =	simm.s32 @!p2 $0x0  }
0x16: {  	s3 =	sld [smem:$0x3FDB];
	s0 =	simm.s32 @p2 $0x1  }
0x17: {  	s4 =	simm.s32 $0x1BF5;
	[smem:$0x3FA3] =	sst s0  }
0x18: {  	s0 =	sld [smem:$0x3F86];
	_ =	swait.ge [sflag:s4], $0x0  }
0x19: {  	s7 =	sld [smem:$0x3F87]  }
0x1a: {  	s8 =	sadd.s32 $0xFFFFE003, lr  }
0x1b: {  	s9 =	sadd.s32 $0xFFFFFEF7, lr;
	s5 =	simm.s32 $0xFFFFFFFF;
	p2 =	slt.u32 s8, $0xFFFFF086  }
0x1c: {  	p1 =	slt.u32 s9, $0xF7A;
	s5 =	simm.s32 @!p2 $0x0  }
0x1d: {  	s5 =	simm.s32 @p1 $0x1;
	p0 =	seq.s32 s7, s2  }
0x1e: {  	s7 =	smul.u32 @!p0 $0xF7A, s2;
	p2 =	seq.s32 @!p0 s5, $0x0  }
0x1f: {  	s9 =	smul.u32 $0xF7A, s1;
	s8 =	simm.s32 @!p0 $0x1BF5;
	p2 =	por !p2, p0  }
0x20: {  	[sflag:s8] =	ssyncset.s32 @!p0 $0xFFFFF086;
	s6 =	sadd.s32 @!p0 s3, s7;
	s7 =	simm.s32 @!p0 $0x108  }
0x21: {  	s3 =	sadd.s32 s3, s9;
	s6 =	sadd.s32 @!p0 $0x88, s6;
	s7 =	simm.s32 @p2 $0x1082  }
0x22: {  	[simem:s7], [sflag:s8] =	dma.local @!p0 [hbm:s6], $0xF7A  }
0x23: {  	s9 =	sor.u32 $0xD0000000, s2;
	s6 =	simm.s32 $0x108;
	_ =	swait.ge @!p0 [sflag:s8], $0x0  }
0x24: {  	s3 =	sadd.s32 $0x88, s3;
	s6 =	simm.s32 @!p1 $0x1082;
	[sflag:s4] =	ssyncset.s32 $0xFFFFF086  }
0x25: {  	[simem:s6], [sflag:s4] =	dma.local [hbm:s3], $0xF7A  }
0x26: {  	[smem:$0x3F87] =	sst s1;
	(tag) =	ssettag s2;
	_ =	strace s9  }
0x27: {  	s1 =	sld [smem:$0x3F97]  }
0x28: {  	s2 =	sld [smem:$0x3F98]  }
0x29: {  	s4 =	sld [smem:$0x3F9A]  }
0x2a: {  	p0 =	seq.s32 s5, $0x0;
	s5 =	sld [smem:$0x3F9B]  }
0x2b: {  	s6 =	sld [smem:$0x3F9C]  }
0x2c: {  	s7 =	sld [smem:$0x3F9D]  }
0x2d: {  	s3 =	simm.s32 $0x108;
	s8 =	sld [smem:$0x3F9E]  }
0x2e: {  	s3 =	simm.s32 @!p0 $0x1082;
	s9 =	sld [smem:$0x3F9F]  }
0x2f: {  	lr =	sadd.s32 s0, s3;
	s0 =	sld [smem:$0x3F96]  }
0x30: {  	s3 =	sld [smem:$0x3F99]  }
0x31: {  	[smem:$0x3FA2] =	sst s10  }
0x32: {  	s10 =	sld [smem:$0x3FA0];
	_ =	sdelay $0x3  }
0x33: {  	p0 =	seq.s32 s10, $0x1;
	s10 =	sld [smem:$0x3FA2];
	_ =	sdelay $0x3  }
0x34: {  	[smem:$0x3FA2] =	sst s10  }
0x35: {  	s10 =	sld [smem:$0x3FA1];
	_ =	sdelay $0x3  }
0x36: {  	p1 =	seq.s32 s10, $0x1;
	s10 =	sld [smem:$0x3FA2];
	_ =	sdelay $0x3  }
0x37: {  	[smem:$0x3FA2] =	sst s10  }
0x38: {  	s10 =	sld [smem:$0x3FA3]  }
0x39: {  	_ = 	snop;
	(pc) =	sbr.ind lr, $3  }
0x3a: {  	_ = 	snop  }
0x3b: {  	_ = 	snop  }
0x3c: {  	p2 =	seq.s32 s10, $0x1;
	s10 =	sld [smem:$0x3FA2]  }
0x3d: {  	_ =	shalt  }
0x3e: {  	_ =	shalt  }
0x3f: {  	_ =	shalt  }
0x40: {  	_ =	shalt  }
0x41: {  	_ =	shalt  }
0x42: {  	_ =	shalt  }
0x43: {  	_ =	shalt  }
0x44: {  	_ =	shalt  }
0x45: {  	_ =	shalt  }
0x46: {  	_ =	shalt  }
0x47: {  	_ =	shalt  }
0x48: {  	_ =	shalt  }
0x49: {  	_ =	shalt  }
0x4a: {  	_ =	shalt  }
0x4b: {  	_ =	shalt  }
0x4c: {  	_ =	shalt  }
0x4d: {  	_ =	shalt  }
0x4e: {  	_ =	shalt  }
0x4f: {  	_ =	shalt  }
0x50: {  	_ =	shalt  }
0x51: {  	_ =	shalt  }
0x52: {  	_ =	shalt  }
0x53: {  	_ =	shalt  }
0x54: {  	_ =	shalt  }
0x55: {  	_ =	shalt  }
0x56: {  	_ =	shalt  }
0x57: {  	_ =	shalt  }
0x58: {  	_ =	shalt  }
0x59: {  	_ =	shalt  }
0x5a: {  	_ =	shalt  }
0x5b: {  	_ =	shalt  }
0x5c: {  	_ =	shalt  }
0x5d: {  	_ =	shalt  }
0x5e: {  	_ =	shalt  }
0x5f: {  	_ =	shalt  }
0x60: {  	_ =	shalt  }
0x61: {  	_ =	shalt  }
0x62: {  	_ =	shalt  }
0x63: {  	_ =	shalt  }
0x64: {  	_ =	shalt  }
0x65: {  	_ =	shalt  }
0x66: {  	_ =	shalt  }
0x67: {  	_ =	shalt  }
0x68: {  	_ =	shalt  }
0x69: {  	_ =	shalt  }
0x6a: {  	_ =	shalt  }
0x6b: {  	_ =	shalt  }
0x6c: {  	_ =	shalt  }
0x6d: {  	_ =	shalt  }
0x6e: {  	_ =	shalt  }
0x6f: {  	_ =	shalt  }
0x70: {  	_ =	shalt  }
0x71: {  	_ =	shalt  }
0x72: {  	_ =	shalt  }
0x73: {  	_ =	shalt  }
0x74: {  	_ =	shalt  }
0x75: {  	_ =	shalt  }
0x76: {  	_ =	shalt  }
0x77: {  	_ =	shalt  }
0x78: {  	_ =	shalt  }
0x79: {  	_ =	shalt  }
0x7a: {  	_ =	shalt  }
0x7b: {  	_ =	shalt  }
0x7c: {  	_ =	shalt  }
0x7d: {  	_ =	shalt  }
0x7e: {  	_ =	shalt  }
0x7f: {  	_ =	shalt  }
0x80: {  	_ =	shalt  }
0x81: {  	_ =	shalt  }
0x82: {  	_ =	shalt  }
0x83: {  	_ =	shalt  }
0x84: {  	_ =	shalt  }
0x85: {  	_ =	shalt  }
0x86: {  	_ =	shalt  }
0x87: {  	_ =	shalt  }
.Lfunc_end0:
.L_simem_size_0:
called_computation_lowered:
.L_overlay_start_0:
0x88: {  	s2 =	sld [smem:$0x3FD9]  }
0x89: {  	s3 =	sld [smem:$0x3FFE];
	_ =	sdelay $0x1  }
0x8a: {  	s1 =	srdreg.scid  }
0x8b: {  	s0 =	sand.u32 $0x1, s1  }
0x8c: {  	s16 =	sshll.u32 s0, $0xA;
	s2 =	sadd.s32 s3, s2  }
0x8d: {  	s2 =	sadd.s32 s2, s16  }
0x8e: {  	[smem:$0x3FAE] =	sst s2  }
0x8f: {  	_ = 	snop  }
0x90: {  	(tm) =	ssettm $0x1  }
0x91: {  	s17 =	sld [smem:$0x3FFB];
	_ =	sdelay $0x3  }
0x92: {  	_ =	strace s17  }
0x93: {  	s2 =	sld [smem:$0x3FFC];
	_ =	sdelay $0x3  }
0x94: {  	_ =	strace s2  }
0x95: {  	s2 =	sld [smem:$0x3FFD];
	_ =	sdelay $0x3  }
0x96: {  	_ =	strace s2  }
0x97: {  	_ =	strace $0x8FFFFFFF  }
0x98: {  	s18 =	sld [smem:$0x3FDB];
	_ =	sdelay $0x1  }
0x99: {  	s19 =	simm.s32 $_scs_section_size  }
0x9a: {  	s4 =	simm.s32 $_size__tile_overlayer_lowered;
	s5 =	simm.s32 $_tile_overlayer_lowered  }
0x9b: {  	s22 =	simm.s32 $0x1BFF;
	s21 =	sshll.u32 s5, $0x1;
	s2 =	sadd.s32 s19, s18  }
0x9c: {  	s6 =	simm.s32 $0x0;
	s20 =	sshll.u32 s4, $0x1;
	s4 =	sadd.s32 s21, s2  }
0x9d: {  	[timem:s6], [sflag:s22] =	dma.local [hbm:s4], s20  }
0x9e: {  	_ =	swait.ge [sflag:s22], s20  }
0x9f: {  	s3 =	ssub.s32 $0x0, s20;
	[sflag:s22] =	ssyncset.done $0x0  }
0xa0: {  	[sflag:s22] =	ssyncadd.s32 s3;
	_ =	sdelay $0x1  }
0xa1: {  	s23 =	simm.s32 $0x1B8B  }
0xa2: {  	_ =	swait.ge [sflag:s23], $0x1  }
0xa3: {  	[sflag:s23] =	ssyncset.done $0x0  }
0xa4: {  	s25 =	simm.s32 $0x1B8E;
	s24 =	sld [smem:$0x3FFE];
	[sflag:s23] =	ssyncadd.s32 $0xFFFFFFFF  }
0xa5: {  	s26 =	simm.s32 $execute0_lowered;
	[smem:$0x3FD2] =	sst s25  }
0xa6: {  	s4 =	sshll.u32 s26, $0x1;
	_ =	strace $0x80000046;
	[dreg:$0x1] =	wrdreg $0xFFFFFFFF  }
0xa7: {  	s28 =	simm.s32 $_size_execute0_lowered;
	s2 =	sadd.s32 s2, s4;
	[dreg:$0x0] =	wrdreg $0x0  }
0xa8: {  	s4 =	sshll.u32 s28, $0x1;
	[dreg:$0x2] =	wrdreg s2  }
0xa9: {  	[dreg:$0x3] =	wrdreg s4  }
0xaa: {  	[dreg:$0x4] =	wrdreg $0xC0  }
0xab: {  	_ =	task [dreg:s6], $0x5FFFF  }
0xac: {  	[dreg:$0x1] =	wrdreg $0xFFFFFFFF  }
0xad: {  	[dreg:$0x0] =	wrdreg $0x60  }
0xae: {  	[dreg:$0x2] =	wrdreg s24  }
0xaf: {  	[dreg:$0x3] =	wrdreg $0x9  }
0xb0: {  	_ =	task.clear_ibuf [dreg:s6], $0x4FFFF;
	_ =	strace $0x90000046  }
0xb1: {  	s29 =	simm.s32 $0x9;
	_ =	strace $0x80000048  }
0xb2: {  	_ =	swait.ge [sflag:s29], $0x1  }
0xb3: {  	[sflag:s29] =	ssyncadd.s32 $0xFFFFFFFF  }
0xb4: {  	_ =	strace $0x90000048  }
0xb5: {  	_ =	sfence  }
0xb6: {  	s30 =	sld [smem:$0x0];
	_ =	sdelay $0x2  }
0xb7: {  	s31 =	sshll.u32 s1, $0xD;
	s1 =	sshrl.u32 s1, $0x2  }
0xb8: {  	s3 =	sand.u32 $0x4000, s31;
	s1 =	sadd.s32 s1, s30  }
0xb9: {  	s0 =	sor.u32 s3, s0;
	s1 =	sshll.u32 s1, $0x11  }
0xba: {  	s0 =	sor.u32 s1, s0  }
0xbb: {  	s0 =	sadd.s32 $0x8F2B, s0  }
0xbc: {  	[sflag:s0] =	ssyncadd.remote.s32 $0x1  }
0xbd: {  	_ =	sfence.sel $0xFFFF  }
0xbe: {  	[dreg:$0x0] =	wrdreg $0xFFFFFFFF;
	(pc) =	sbr.abs _section_cstart, $3  }
0xbf: {  	[dreg:$0x1] =	wrdreg $0xFFFFFFFF  }
0xc0: {  	_ =	task.clear_ibuf [dreg:s6], $0x2FFFF;
	_ =	strace $0x9FFFFFFF  }
0xc1: {  	(tm) =	ssettm $0x7FFFFFFF  }
tec
execute0_lowered:
.L_overlay_start_1:
0x0: {  	(tag) =	ssettag $0x1  }
0x1: {  	s4 =	rddreg [dreg:$0x0]  }
0x2: {  	s0 =	rddreg [dreg:$0x1];
	s2 =	simm.s32 $0x0;
	s1 =	stileid.u32  }
0x3: {  	s3 =	srdreg.scid;
	s10 =	simm.s32 $0x0;
	s6 =	smul.u32 $0x5000, s1  }
0x4: {  	[smem:$0x7FF] =	sst s2;
	s5 =	sand.u32 $0x1, s3;
	s8 =	smul.u32 $0xA000, s1  }
0x5: {  	s3 =	sadd.s32 $0x47400, s4;
	s7 =	smul.u32 $0x2800, s5;
	s9 =	ssub.s32 $0x2, s5  }
0x6: {  	_ =	strace $0x80000047;
	s5 =	smul.u32 $0x5000, s5;
	s31 =	sshrl.u32 s9, $0x1  }
0x7: {  	s8 =	sadd.s32 s8, s4;
	s6 =	sadd.s32 s7, s6;
	s7 =	ssub.s32 s9, s31  }
0x8: {  	s5 =	sadd.s32 s5, s8;
	s8 =	simm.s32 $0x80;
	s6 =	sshrl.u32 s6, $0x3  }
0x9: {  	s9 =	simm.s32 $0x1;
	s5 =	sadd.s32 $0x59400, s5;
	s6 =	sadd.s32 s6, s4  }
0xa: {  	s4 =	smax.u32 s7, $0x1;
	s7 =	simm.s32 $0x2;
	s6 =	sadd.s32 $0x4F400, s6  }
.LBB2_1:
0xb: {  	s11 =	sadd.s32 $0x0, s6  }
0xc: {  	[tilespmem:s2], [sflag:$0x2] =	stream.linear.gather [hbm4b:s11+s2], $0x80, $0x38;
	[tilespmem:$0x880] =	vst v63  }
0xd: {  	_ =	swait.ge [sflag:s7], $0x80  }
0xe: {  	[sflag:s7] =	ssyncset.done $0x0  }
0xf: {  	[sflag:s7] =	ssyncadd.s32 $0xFFFFFF80  }
0x10: {  	[tilespmem:s8], [sflag:$0x1] =	stream.indirect.gather [hbm4b:s3+s8], $0x10, s2, s8, $0xb8;
	[tilespmem:$0x880] =	vst v63  }
0x11: {  	_ =	swait.ge [sflag:s9], $0x800  }
0x12: {  	[sflag:s9] =	ssyncset.done $0x0  }
0x13: {  	[sflag:s9] =	ssyncadd.s32 $0xFFFFF800  }
0x14: {  	[hbm4b:s5+s2] =	stream.linear.scatter [tilespmem:s8], [sflag:$0x2], $0x800, $0x38;
	[tilespmem:$0x880] =	vst v63  }
0x15: {  	s12 =	simm.s32 $0x10;
	_ =	swait.ge [sflag:s7], $0x800  }
0x16: {  	s13 =	simm.s32 $0x20;
	s11 =	sadd.s32 $0x100, s5;
	[sflag:s7] =	ssyncset.done $0x0  }
.LBB2_2:
0x17: {  	s14 =	sadd.s32 s12, s6  }
0x18: {  	[sflag:s7] =	ssyncadd.s32 $0xFFFFF800;
	s12 =	smov.u32 s13;
	s15 =	sadd.s32 $0x10, s13  }
0x19: {  	[tilespmem:s2], [sflag:$0x2] =	stream.linear.gather [hbm4b:s14+s2], $0x80, $0x38;
	[tilespmem:$0x880] =	vst v63  }
0x1a: {  	p0 =	sne.s32 s13, $0x4F0;
	_ =	swait.ge [sflag:s7], $0x80  }
0x1b: {  	[sflag:s7] =	ssyncset.done $0x0  }
0x1c: {  	[sflag:s7] =	ssyncadd.s32 $0xFFFFFF80  }
0x1d: {  	[tilespmem:s8], [sflag:$0x1] =	stream.indirect.gather [hbm4b:s3+s8], $0x10, s2, s8, $0xb8;
	[tilespmem:$0x880] =	vst v63  }
0x1e: {  	_ =	swait.ge [sflag:s9], $0x800  }
.Ltmp0:
0x1f: {  	[sflag:s9] =	ssyncset.done $0x0;
	(pc) =	sbr.rel @p0 .LBB2_2-.Ltmp0, $4  }
0x20: {  	[sflag:s9] =	ssyncadd.s32 $0xFFFFF800  }
0x21: {  	[hbm4b:s11+s2] =	stream.linear.scatter [tilespmem:s8], [sflag:$0x2], $0x800, $0x38;
	[tilespmem:$0x880] =	vst v63  }
0x22: {  	_ =	swait.ge [sflag:s7], $0x800  }
0x23: {  	s13 =	smov.u32 s15;
	s11 =	sadd.s32 $0x100, s11;
	[sflag:s7] =	ssyncset.done $0x0  }
0x24: {  	s12 =	sadd.s32 s12, s6;
	[sflag:s7] =	ssyncadd.s32 $0xFFFFF800  }
0x25: {  	[tilespmem:s2], [sflag:$0x2] =	stream.linear.gather [hbm4b:s12+s2], $0x80, $0x38;
	[tilespmem:$0x880] =	vst v63  }
0x26: {  	_ =	swait.ge [sflag:s7], $0x80  }
0x27: {  	[sflag:s7] =	ssyncset.done $0x0  }
0x28: {  	[sflag:s7] =	ssyncadd.s32 $0xFFFFFF80  }
0x29: {  	[tilespmem:s8], [sflag:$0x1] =	stream.indirect.gather [hbm4b:s3+s8], $0x10, s2, s8, $0xb8;
	[tilespmem:$0x880] =	vst v63  }
0x2a: {  	s10 =	sadd.s32 $0x1, s10;
	_ =	swait.ge [sflag:s9], $0x800  }
0x2b: {  	p0 =	sne.s32 s10, s4;
	[sflag:s9] =	ssyncset.done $0x0  }
.Ltmp1:
0x2c: {  	[sflag:s9] =	ssyncadd.s32 $0xFFFFF800;
	(pc) =	sbr.rel @p0 .LBB2_1-.Ltmp1, $4  }
0x2d: {  	[hbm4b:s11+s2] =	stream.linear.scatter [tilespmem:s8], [sflag:$0x2], $0x800, $0x38;
	[tilespmem:$0x880] =	vst v63  }
0x2e: {  	_ =	swait.ge [sflag:s7], $0x800  }
0x2f: {  	[sflag:s7] =	ssyncset.done $0x0  }
0x30: {  	[sflag:s7] =	ssyncadd.s32 $0xFFFFF800  }
0x31: {  	_ =	sfence.sel $0x180000  }
0x32: {  	[bflag:$0x0] =	sbarrier.arrive $0xFFFF  }
0x33: {  	p0 =	sne.s32 s1, $0x0;
	_ =	strace $0x90000047  }
0x34: {  	s0 =	sadd.s32 @!p0 $0x100000, s0;
	[bflag:$0x2] =	sbarrier.arrive $0xFFFF  }
0x35: {  	[sflag:s0] =	ssyncadd.tile.s32 @!p0 $0x1;
	_ =	shalt  }
.Lfunc_end2:
_tile_overlayer_lowered:
.L_overlay_start_2:
0x36: {  	(tag) =	ssettag $0x2  }
0x37: {  	s0 =	rddreg [dreg:$0x0];
	s2 =	stileid.u32  }
0x38: {  	s1 =	rddreg [dreg:$0x1];
	p0 =	sne.s32 s2, $0x0  }
0x39: {  	s3 =	rddreg [dreg:$0x2];
	[bflag:$0x3] =	sbarrier.arrive $0xFFFF;
	s2 =	simm.s32 @!p0 $0x1C02  }
0x3a: {  	[timem:s3], [sflag:s2] =	dma.local @!p0 [hbm:s0], s1  }
0x3b: {  	s0 =	simm.s32 @!p0 $0x2  }
0x3c: {  	_ =	swait.ge @!p0 [sflag:s0], s1  }
0x3d: {  	s1 =	ssub.s32 @!p0 $0x0, s1;
	[sflag:s0] =	ssyncset.done @!p0 $0x0  }
0x3e: {  	[sflag:s0] =	ssyncadd.s32 @!p0 s1  }
0x3f: {  	[bflag:$0x3] =	sbarrier.arrive $0xFFFF  }
0x40: {  	_ =	shalt  }

// kernel: kernel.24.cloned.1.call-start
scs
__scs_entry_jumppad:
0x0: {  	(pc) =	sbr.rel $0x88, $3  }
0x1: {  	(tag) =	ssettag $0x0;
	lr =	simm.s32 $0x1  }
0x2: {  	[smem:$0x3F87] =	sst lr;
	_ =	strace $0xD0000000  }
0x3: {  	_ = 	snop  }
0x4: {  	_ = 	snop  }
0x5: {  	_ = 	snop  }
0x6: {  	_ = 	snop  }
0x7: {  	_ = 	snop  }
__scs_overlays_trampoline_lowered:
0x8: {  	[smem:$0x3F96] =	sst s0  }
0x9: {  	[smem:$0x3F97] =	sst s1  }
0xa: {  	[smem:$0x3F98] =	sst s2  }
0xb: {  	[smem:$0x3F99] =	sst s3  }
0xc: {  	[smem:$0x3F9A] =	sst s4  }
0xd: {  	[smem:$0x3F9B] =	sst s5  }
0xe: {  	[smem:$0x3F9C] =	sst s6  }
0xf: {  	[smem:$0x3F9D] =	sst s7  }
0x10: {  	[smem:$0x3F9E] =	sst s8  }
0x11: {  	[smem:$0x3F9F] =	sst s9;
	s0 =	simm.s32 @!p0 $0x0  }
0x12: {  	s1 =	sld [smem:$0x3F85];
	s0 =	simm.s32 @p0 $0x1  }
0x13: {  	[smem:$0x3FA0] =	sst s0;
	s0 =	simm.s32 @!p1 $0x0  }
0x14: {  	s2 =	sld [smem:$0x3F84];
	s0 =	simm.s32 @p1 $0x1  }
0x15: {  	[smem:$0x3FA1] =	sst s0;
	s0 =	simm.s32 @!p2 $0x0  }
0x16: {  	s3 =	sld [smem:$0x3FDB];
	s0 =	simm.s32 @p2 $0x1  }
0x17: {  	s4 =	simm.s32 $0x1BF5;
	[smem:$0x3FA3] =	sst s0  }
0x18: {  	s0 =	sld [smem:$0x3F86];
	_ =	swait.ge [sflag:s4], $0x0  }
0x19: {  	s7 =	sld [smem:$0x3F87]  }
0x1a: {  	s8 =	sadd.s32 $0xFFFFE003, lr  }
0x1b: {  	s9 =	sadd.s32 $0xFFFFFEF7, lr;
	s5 =	simm.s32 $0xFFFFFFFF;
	p2 =	slt.u32 s8, $0xFFFFF086  }
0x1c: {  	p1 =	slt.u32 s9, $0xF7A;
	s5 =	simm.s32 @!p2 $0x0  }
0x1d: {  	s5 =	simm.s32 @p1 $0x1;
	p0 =	seq.s32 s7, s2  }
0x1e: {  	s7 =	smul.u32 @!p0 $0xF7A, s2;
	p2 =	seq.s32 @!p0 s5, $0x0  }
0x1f: {  	s9 =	smul.u32 $0xF7A, s1;
	s8 =	simm.s32 @!p0 $0x1BF5;
	p2 =	por !p2, p0  }
0x20: {  	[sflag:s8] =	ssyncset.s32 @!p0 $0xFFFFF086;
	s6 =	sadd.s32 @!p0 s3, s7;
	s7 =	simm.s32 @!p0 $0x108  }
0x21: {  	s3 =	sadd.s32 s3, s9;
	s6 =	sadd.s32 @!p0 $0x88, s6;
	s7 =	simm.s32 @p2 $0x1082  }
0x22: {  	[simem:s7], [sflag:s8] =	dma.local @!p0 [hbm:s6], $0xF7A  }
0x23: {  	s9 =	sor.u32 $0xD0000000, s2;
	s6 =	simm.s32 $0x108;
	_ =	swait.ge @!p0 [sflag:s8], $0x0  }
0x24: {  	s3 =	sadd.s32 $0x88, s3;
	s6 =	simm.s32 @!p1 $0x1082;
	[sflag:s4] =	ssyncset.s32 $0xFFFFF086  }
0x25: {  	[simem:s6], [sflag:s4] =	dma.local [hbm:s3], $0xF7A  }
0x26: {  	[smem:$0x3F87] =	sst s1;
	(tag) =	ssettag s2;
	_ =	strace s9  }
0x27: {  	s1 =	sld [smem:$0x3F97]  }
0x28: {  	s2 =	sld [smem:$0x3F98]  }
0x29: {  	s4 =	sld [smem:$0x3F9A]  }
0x2a: {  	p0 =	seq.s32 s5, $0x0;
	s5 =	sld [smem:$0x3F9B]  }
0x2b: {  	s6 =	sld [smem:$0x3F9C]  }
0x2c: {  	s7 =	sld [smem:$0x3F9D]  }
0x2d: {  	s3 =	simm.s32 $0x108;
	s8 =	sld [smem:$0x3F9E]  }
0x2e: {  	s3 =	simm.s32 @!p0 $0x1082;
	s9 =	sld [smem:$0x3F9F]  }
0x2f: {  	lr =	sadd.s32 s0, s3;
	s0 =	sld [smem:$0x3F96]  }
0x30: {  	s3 =	sld [smem:$0x3F99]  }
0x31: {  	[smem:$0x3FA2] =	sst s10  }
0x32: {  	s10 =	sld [smem:$0x3FA0];
	_ =	sdelay $0x3  }
0x33: {  	p0 =	seq.s32 s10, $0x1;
	s10 =	sld [smem:$0x3FA2];
	_ =	sdelay $0x3  }
0x34: {  	[smem:$0x3FA2] =	sst s10  }
0x35: {  	s10 =	sld [smem:$0x3FA1];
	_ =	sdelay $0x3  }
0x36: {  	p1 =	seq.s32 s10, $0x1;
	s10 =	sld [smem:$0x3FA2];
	_ =	sdelay $0x3  }
0x37: {  	[smem:$0x3FA2] =	sst s10  }
0x38: {  	s10 =	sld [smem:$0x3FA3]  }
0x39: {  	_ = 	snop;
	(pc) =	sbr.ind lr, $3  }
0x3a: {  	_ = 	snop  }
0x3b: {  	_ = 	snop  }
0x3c: {  	p2 =	seq.s32 s10, $0x1;
	s10 =	sld [smem:$0x3FA2]  }
0x3d: {  	_ =	shalt  }
0x3e: {  	_ =	shalt  }
0x3f: {  	_ =	shalt  }
0x40: {  	_ =	shalt  }
0x41: {  	_ =	shalt  }
0x42: {  	_ =	shalt  }
0x43: {  	_ =	shalt  }
0x44: {  	_ =	shalt  }
0x45: {  	_ =	shalt  }
0x46: {  	_ =	shalt  }
0x47: {  	_ =	shalt  }
0x48: {  	_ =	shalt  }
0x49: {  	_ =	shalt  }
0x4a: {  	_ =	shalt  }
0x4b: {  	_ =	shalt  }
0x4c: {  	_ =	shalt  }
0x4d: {  	_ =	shalt  }
0x4e: {  	_ =	shalt  }
0x4f: {  	_ =	shalt  }
0x50: {  	_ =	shalt  }
0x51: {  	_ =	shalt  }
0x52: {  	_ =	shalt  }
0x53: {  	_ =	shalt  }
0x54: {  	_ =	shalt  }
0x55: {  	_ =	shalt  }
0x56: {  	_ =	shalt  }
0x57: {  	_ =	shalt  }
0x58: {  	_ =	shalt  }
0x59: {  	_ =	shalt  }
0x5a: {  	_ =	shalt  }
0x5b: {  	_ =	shalt  }
0x5c: {  	_ =	shalt  }
0x5d: {  	_ =	shalt  }
0x5e: {  	_ =	shalt  }
0x5f: {  	_ =	shalt  }
0x60: {  	_ =	shalt  }
0x61: {  	_ =	shalt  }
0x62: {  	_ =	shalt  }
0x63: {  	_ =	shalt  }
0x64: {  	_ =	shalt  }
0x65: {  	_ =	shalt  }
0x66: {  	_ =	shalt  }
0x67: {  	_ =	shalt  }
0x68: {  	_ =	shalt  }
0x69: {  	_ =	shalt  }
0x6a: {  	_ =	shalt  }
0x6b: {  	_ =	shalt  }
0x6c: {  	_ =	shalt  }
0x6d: {  	_ =	shalt  }
0x6e: {  	_ =	shalt  }
0x6f: {  	_ =	shalt  }
0x70: {  	_ =	shalt  }
0x71: {  	_ =	shalt  }
0x72: {  	_ =	shalt  }
0x73: {  	_ =	shalt  }
0x74: {  	_ =	shalt  }
0x75: {  	_ =	shalt  }
0x76: {  	_ =	shalt  }
0x77: {  	_ =	shalt  }
0x78: {  	_ =	shalt  }
0x79: {  	_ =	shalt  }
0x7a: {  	_ =	shalt  }
0x7b: {  	_ =	shalt  }
0x7c: {  	_ =	shalt  }
0x7d: {  	_ =	shalt  }
0x7e: {  	_ =	shalt  }
0x7f: {  	_ =	shalt  }
0x80: {  	_ =	shalt  }
0x81: {  	_ =	shalt  }
0x82: {  	_ =	shalt  }
0x83: {  	_ =	shalt  }
0x84: {  	_ =	shalt  }
0x85: {  	_ =	shalt  }
0x86: {  	_ =	shalt  }
0x87: {  	_ =	shalt  }
.Lfunc_end0:
.L_simem_size_0:
called_computation.1_lowered:
.L_overlay_start_0:
0x88: {  	s2 =	sld [smem:$0x3FD9]  }
0x89: {  	s3 =	sld [smem:$0x3FFE];
	_ =	sdelay $0x1  }
0x8a: {  	s1 =	srdreg.scid  }
0x8b: {  	s0 =	sand.u32 $0x1, s1  }
0x8c: {  	s16 =	sshll.u32 s0, $0xA;
	s2 =	sadd.s32 s3, s2  }
0x8d: {  	s2 =	sadd.s32 s2, s16  }
0x8e: {  	[smem:$0x3FAE] =	sst s2  }
0x8f: {  	_ = 	snop  }
0x90: {  	(tm) =	ssettm $0x1  }
0x91: {  	s17 =	sld [smem:$0x3FFB];
	_ =	sdelay $0x3  }
0x92: {  	_ =	strace s17  }
0x93: {  	s2 =	sld [smem:$0x3FFC];
	_ =	sdelay $0x3  }
0x94: {  	_ =	strace s2  }
0x95: {  	s2 =	sld [smem:$0x3FFD];
	_ =	sdelay $0x3  }
0x96: {  	_ =	strace s2  }
0x97: {  	_ =	strace $0x8FFFFFFF  }
0x98: {  	s18 =	sld [smem:$0x3FDB];
	_ =	sdelay $0x1  }
0x99: {  	s19 =	simm.s32 $_scs_section_size  }
0x9a: {  	s4 =	simm.s32 $_size__tile_overlayer_lowered;
	s5 =	simm.s32 $_tile_overlayer_lowered  }
0x9b: {  	s22 =	simm.s32 $0x1BFF;
	s21 =	sshll.u32 s5, $0x1;
	s2 =	sadd.s32 s19, s18  }
0x9c: {  	s6 =	simm.s32 $0x0;
	s20 =	sshll.u32 s4, $0x1;
	s4 =	sadd.s32 s21, s2  }
0x9d: {  	[timem:s6], [sflag:s22] =	dma.local [hbm:s4], s20  }
0x9e: {  	_ =	swait.ge [sflag:s22], s20  }
0x9f: {  	s3 =	ssub.s32 $0x0, s20;
	[sflag:s22] =	ssyncset.done $0x0  }
0xa0: {  	[sflag:s22] =	ssyncadd.s32 s3;
	_ =	sdelay $0x1  }
0xa1: {  	s23 =	simm.s32 $0x1B8B  }
0xa2: {  	_ =	swait.ge [sflag:s23], $0x1  }
0xa3: {  	[sflag:s23] =	ssyncset.done $0x0  }
0xa4: {  	s25 =	simm.s32 $0x1B8E;
	s24 =	sld [smem:$0x3FFE];
	[sflag:s23] =	ssyncadd.s32 $0xFFFFFFFF  }
0xa5: {  	s26 =	simm.s32 $execute0_lowered;
	[smem:$0x3FD2] =	sst s25  }
0xa6: {  	s4 =	sshll.u32 s26, $0x1;
	_ =	strace $0x80000049;
	[dreg:$0x1] =	wrdreg $0xFFFFFFFF  }
0xa7: {  	s28 =	simm.s32 $_size_execute0_lowered;
	s2 =	sadd.s32 s2, s4;
	[dreg:$0x0] =	wrdreg $0x0  }
0xa8: {  	s4 =	sshll.u32 s28, $0x1;
	[dreg:$0x2] =	wrdreg s2  }
0xa9: {  	[dreg:$0x3] =	wrdreg s4  }
0xaa: {  	[dreg:$0x4] =	wrdreg $0xC0  }
0xab: {  	_ =	task [dreg:s6], $0x5FFFF  }
0xac: {  	[dreg:$0x1] =	wrdreg $0xFFFFFFFF  }
0xad: {  	[dreg:$0x0] =	wrdreg $0x60  }
0xae: {  	[dreg:$0x2] =	wrdreg s24  }
0xaf: {  	[dreg:$0x3] =	wrdreg $0x9  }
0xb0: {  	_ =	task.clear_ibuf [dreg:s6], $0x4FFFF;
	_ =	strace $0x90000049  }
0xb1: {  	s29 =	simm.s32 $0x9;
	_ =	strace $0x8000004B  }
0xb2: {  	_ =	swait.ge [sflag:s29], $0x1  }
0xb3: {  	[sflag:s29] =	ssyncadd.s32 $0xFFFFFFFF  }
0xb4: {  	_ =	strace $0x9000004B  }
0xb5: {  	_ =	sfence  }
0xb6: {  	s30 =	sld [smem:$0x0];
	_ =	sdelay $0x2  }
0xb7: {  	s31 =	sshll.u32 s1, $0xD;
	s1 =	sshrl.u32 s1, $0x2  }
0xb8: {  	s3 =	sand.u32 $0x4000, s31;
	s1 =	sadd.s32 s1, s30  }
0xb9: {  	s0 =	sor.u32 s3, s0;
	s1 =	sshll.u32 s1, $0x11  }
0xba: {  	s0 =	sor.u32 s1, s0  }
0xbb: {  	s0 =	sadd.s32 $0x8F2B, s0  }
0xbc: {  	[sflag:s0] =	ssyncadd.remote.s32 $0x1  }
0xbd: {  	_ =	sfence.sel $0xFFFF  }
0xbe: {  	[dreg:$0x0] =	wrdreg $0xFFFFFFFF;
	(pc) =	sbr.abs _section_cstart, $3  }
0xbf: {  	[dreg:$0x1] =	wrdreg $0xFFFFFFFF  }
0xc0: {  	_ =	task.clear_ibuf [dreg:s6], $0x2FFFF;
	_ =	strace $0x9FFFFFFF  }
0xc1: {  	(tm) =	ssettm $0x7FFFFFFF  }
tec
execute0_lowered:
.L_overlay_start_1:
0x0: {  	(tag) =	ssettag $0x1  }
0x1: {  	s4 =	rddreg [dreg:$0x0]  }
0x2: {  	s0 =	rddreg [dreg:$0x1];
	s2 =	simm.s32 $0x0;
	s1 =	stileid.u32  }
0x3: {  	s3 =	srdreg.scid;
	s10 =	simm.s32 $0x0;
	s6 =	smul.u32 $0x5000, s1  }
0x4: {  	[smem:$0x7FF] =	sst s2;
	s5 =	sand.u32 $0x1, s3;
	s8 =	smul.u32 $0x28000, s1  }
0x5: {  	s3 =	sadd.s32 $0x47400, s4;
	s7 =	smul.u32 $0x2800, s5;
	s9 =	ssub.s32 $0x2, s5  }
0x6: {  	_ =	strace $0x8000004A;
	s5 =	smul.u32 $0x14000, s5;
	s31 =	sshrl.u32 s9, $0x1  }
0x7: {  	s8 =	sadd.s32 s8, s4;
	s6 =	sadd.s32 s7, s6;
	s7 =	ssub.s32 s9, s31  }
0x8: {  	s5 =	sadd.s32 s5, s8;
	s8 =	simm.s32 $0x80;
	s6 =	sshrl.u32 s6, $0x3  }
0x9: {  	s9 =	simm.s32 $0x1;
	s5 =	sadd.s32 $0x71400, s5;
	s6 =	sadd.s32 s6, s4  }
0xa: {  	s4 =	smax.u32 s7, $0x1;
	s7 =	simm.s32 $0x2;
	s6 =	sadd.s32 $0x67400, s6  }
.LBB2_1:
0xb: {  	s11 =	sadd.s32 $0x0, s6  }
0xc: {  	[tilespmem:s2], [sflag:$0x2] =	stream.linear.gather [hbm4b:s11+s2], $0x80, $0x38;
	[tilespmem:$0x2080] =	vst v63  }
0xd: {  	_ =	swait.ge [sflag:s7], $0x80  }
0xe: {  	[sflag:s7] =	ssyncset.done $0x0  }
0xf: {  	[sflag:s7] =	ssyncadd.s32 $0xFFFFFF80  }
0x10: {  	[tilespmem:s8], [sflag:$0x1] =	stream.indirect.gather [hbm4b:s3+s8], $0x40, s2, s8, $0xb8;
	[tilespmem:$0x2080] =	vst v63  }
0x11: {  	_ =	swait.ge [sflag:s9], $0x2000  }
0x12: {  	[sflag:s9] =	ssyncset.done $0x0  }
0x13: {  	[sflag:s9] =	ssyncadd.s32 $0xFFFFE000  }
0x14: {  	[hbm4b:s5+s2] =	stream.linear.scatter [tilespmem:s8], [sflag:$0x2], $0x2000, $0x38;
	[tilespmem:$0x2080] =	vst v63  }
0x15: {  	s12 =	simm.s32 $0x10;
	_ =	swait.ge [sflag:s7], $0x2000  }
0x16: {  	s13 =	simm.s32 $0x20;
	s11 =	sadd.s32 $0x400, s5;
	[sflag:s7] =	ssyncset.done $0x0  }
.LBB2_2:
0x17: {  	s14 =	sadd.s32 s12, s6  }
0x18: {  	[sflag:s7] =	ssyncadd.s32 $0xFFFFE000;
	s12 =	smov.u32 s13;
	s15 =	sadd.s32 $0x10, s13  }
0x19: {  	[tilespmem:s2], [sflag:$0x2] =	stream.linear.gather [hbm4b:s14+s2], $0x80, $0x38;
	[tilespmem:$0x2080] =	vst v63  }
0x1a: {  	p0 =	sne.s32 s13, $0x4F0;
	_ =	swait.ge [sflag:s7], $0x80  }
0x1b: {  	[sflag:s7] =	ssyncset.done $0x0  }
0x1c: {  	[sflag:s7] =	ssyncadd.s32 $0xFFFFFF80  }
0x1d: {  	[tilespmem:s8], [sflag:$0x1] =	stream.indirect.gather [hbm4b:s3+s8], $0x40, s2, s8, $0xb8;
	[tilespmem:$0x2080] =	vst v63  }
0x1e: {  	_ =	swait.ge [sflag:s9], $0x2000  }
.Ltmp0:
0x1f: {  	[sflag:s9] =	ssyncset.done $0x0;
	(pc) =	sbr.rel @p0 .LBB2_2-.Ltmp0, $4  }
0x20: {  	[sflag:s9] =	ssyncadd.s32 $0xFFFFE000  }
0x21: {  	[hbm4b:s11+s2] =	stream.linear.scatter [tilespmem:s8], [sflag:$0x2], $0x2000, $0x38;
	[tilespmem:$0x2080] =	vst v63  }
0x22: {  	_ =	swait.ge [sflag:s7], $0x2000  }
0x23: {  	s13 =	smov.u32 s15;
	s11 =	sadd.s32 $0x400, s11;
	[sflag:s7] =	ssyncset.done $0x0  }
0x24: {  	s12 =	sadd.s32 s12, s6;
	[sflag:s7] =	ssyncadd.s32 $0xFFFFE000  }
0x25: {  	[tilespmem:s2], [sflag:$0x2] =	stream.linear.gather [hbm4b:s12+s2], $0x80, $0x38;
	[tilespmem:$0x2080] =	vst v63  }
0x26: {  	_ =	swait.ge [sflag:s7], $0x80  }
0x27: {  	[sflag:s7] =	ssyncset.done $0x0  }
0x28: {  	[sflag:s7] =	ssyncadd.s32 $0xFFFFFF80  }
0x29: {  	[tilespmem:s8], [sflag:$0x1] =	stream.indirect.gather [hbm4b:s3+s8], $0x40, s2, s8, $0xb8;
	[tilespmem:$0x2080] =	vst v63  }
0x2a: {  	s10 =	sadd.s32 $0x1, s10;
	_ =	swait.ge [sflag:s9], $0x2000  }
0x2b: {  	p0 =	sne.s32 s10, s4;
	[sflag:s9] =	ssyncset.done $0x0  }
.Ltmp1:
0x2c: {  	[sflag:s9] =	ssyncadd.s32 $0xFFFFE000;
	(pc) =	sbr.rel @p0 .LBB2_1-.Ltmp1, $4  }
0x2d: {  	[hbm4b:s11+s2] =	stream.linear.scatter [tilespmem:s8], [sflag:$0x2], $0x2000, $0x38;
	[tilespmem:$0x2080] =	vst v63  }
0x2e: {  	_ =	swait.ge [sflag:s7], $0x2000  }
0x2f: {  	[sflag:s7] =	ssyncset.done $0x0  }
0x30: {  	[sflag:s7] =	ssyncadd.s32 $0xFFFFE000  }
0x31: {  	_ =	sfence.sel $0x180000  }
0x32: {  	[bflag:$0x0] =	sbarrier.arrive $0xFFFF  }
0x33: {  	p0 =	sne.s32 s1, $0x0;
	_ =	strace $0x9000004A  }
0x34: {  	s0 =	sadd.s32 @!p0 $0x100000, s0;
	[bflag:$0x2] =	sbarrier.arrive $0xFFFF  }
0x35: {  	[sflag:s0] =	ssyncadd.tile.s32 @!p0 $0x1;
	_ =	shalt  }
.Lfunc_end2:
_tile_overlayer_lowered:
.L_overlay_start_2:
0x36: {  	(tag) =	ssettag $0x2  }
0x37: {  	s0 =	rddreg [dreg:$0x0];
	s2 =	stileid.u32  }
0x38: {  	s1 =	rddreg [dreg:$0x1];
	p0 =	sne.s32 s2, $0x0  }
0x39: {  	s3 =	rddreg [dreg:$0x2];
	[bflag:$0x3] =	sbarrier.arrive $0xFFFF;
	s2 =	simm.s32 @!p0 $0x1C02  }
0x3a: {  	[timem:s3], [sflag:s2] =	dma.local @!p0 [hbm:s0], s1  }
0x3b: {  	s0 =	simm.s32 @!p0 $0x2  }
0x3c: {  	_ =	swait.ge @!p0 [sflag:s0], s1  }
0x3d: {  	s1 =	ssub.s32 @!p0 $0x0, s1;
	[sflag:s0] =	ssyncset.done @!p0 $0x0  }
0x3e: {  	[sflag:s0] =	ssyncadd.s32 @!p0 s1  }
0x3f: {  	[bflag:$0x3] =	sbarrier.arrive $0xFFFF  }
0x40: {  	_ =	shalt  }

// kernel: kernel.27.cloned.1.call-start
scs
__scs_entry_jumppad:
0x0: {  	(pc) =	sbr.rel $0x88, $3  }
0x1: {  	(tag) =	ssettag $0x0;
	lr =	simm.s32 $0x1  }
0x2: {  	[smem:$0x3F87] =	sst lr;
	_ =	strace $0xD0000000  }
0x3: {  	_ = 	snop  }
0x4: {  	_ = 	snop  }
0x5: {  	_ = 	snop  }
0x6: {  	_ = 	snop  }
0x7: {  	_ = 	snop  }
__scs_overlays_trampoline_lowered:
0x8: {  	[smem:$0x3F96] =	sst s0  }
0x9: {  	[smem:$0x3F97] =	sst s1  }
0xa: {  	[smem:$0x3F98] =	sst s2  }
0xb: {  	[smem:$0x3F99] =	sst s3  }
0xc: {  	[smem:$0x3F9A] =	sst s4  }
0xd: {  	[smem:$0x3F9B] =	sst s5  }
0xe: {  	[smem:$0x3F9C] =	sst s6  }
0xf: {  	[smem:$0x3F9D] =	sst s7  }
0x10: {  	[smem:$0x3F9E] =	sst s8  }
0x11: {  	[smem:$0x3F9F] =	sst s9;
	s0 =	simm.s32 @!p0 $0x0  }
0x12: {  	s1 =	sld [smem:$0x3F85];
	s0 =	simm.s32 @p0 $0x1  }
0x13: {  	[smem:$0x3FA0] =	sst s0;
	s0 =	simm.s32 @!p1 $0x0  }
0x14: {  	s2 =	sld [smem:$0x3F84];
	s0 =	simm.s32 @p1 $0x1  }
0x15: {  	[smem:$0x3FA1] =	sst s0;
	s0 =	simm.s32 @!p2 $0x0  }
0x16: {  	s3 =	sld [smem:$0x3FDB];
	s0 =	simm.s32 @p2 $0x1  }
0x17: {  	s4 =	simm.s32 $0x1BF5;
	[smem:$0x3FA3] =	sst s0  }
0x18: {  	s0 =	sld [smem:$0x3F86];
	_ =	swait.ge [sflag:s4], $0x0  }
0x19: {  	s7 =	sld [smem:$0x3F87]  }
0x1a: {  	s8 =	sadd.s32 $0xFFFFE003, lr  }
0x1b: {  	s9 =	sadd.s32 $0xFFFFFEF7, lr;
	s5 =	simm.s32 $0xFFFFFFFF;
	p2 =	slt.u32 s8, $0xFFFFF086  }
0x1c: {  	p1 =	slt.u32 s9, $0xF7A;
	s5 =	simm.s32 @!p2 $0x0  }
0x1d: {  	s5 =	simm.s32 @p1 $0x1;
	p0 =	seq.s32 s7, s2  }
0x1e: {  	s7 =	smul.u32 @!p0 $0xF7A, s2;
	p2 =	seq.s32 @!p0 s5, $0x0  }
0x1f: {  	s9 =	smul.u32 $0xF7A, s1;
	s8 =	simm.s32 @!p0 $0x1BF5;
	p2 =	por !p2, p0  }
0x20: {  	[sflag:s8] =	ssyncset.s32 @!p0 $0xFFFFF086;
	s6 =	sadd.s32 @!p0 s3, s7;
	s7 =	simm.s32 @!p0 $0x108  }
0x21: {  	s3 =	sadd.s32 s3, s9;
	s6 =	sadd.s32 @!p0 $0x88, s6;
	s7 =	simm.s32 @p2 $0x1082  }
0x22: {  	[simem:s7], [sflag:s8] =	dma.local @!p0 [hbm:s6], $0xF7A  }
0x23: {  	s9 =	sor.u32 $0xD0000000, s2;
	s6 =	simm.s32 $0x108;
	_ =	swait.ge @!p0 [sflag:s8], $0x0  }
0x24: {  	s3 =	sadd.s32 $0x88, s3;
	s6 =	simm.s32 @!p1 $0x1082;
	[sflag:s4] =	ssyncset.s32 $0xFFFFF086  }
0x25: {  	[simem:s6], [sflag:s4] =	dma.local [hbm:s3], $0xF7A  }
0x26: {  	[smem:$0x3F87] =	sst s1;
	(tag) =	ssettag s2;
	_ =	strace s9  }
0x27: {  	s1 =	sld [smem:$0x3F97]  }
0x28: {  	s2 =	sld [smem:$0x3F98]  }
0x29: {  	s4 =	sld [smem:$0x3F9A]  }
0x2a: {  	p0 =	seq.s32 s5, $0x0;
	s5 =	sld [smem:$0x3F9B]  }
0x2b: {  	s6 =	sld [smem:$0x3F9C]  }
0x2c: {  	s7 =	sld [smem:$0x3F9D]  }
0x2d: {  	s3 =	simm.s32 $0x108;
	s8 =	sld [smem:$0x3F9E]  }
0x2e: {  	s3 =	simm.s32 @!p0 $0x1082;
	s9 =	sld [smem:$0x3F9F]  }
0x2f: {  	lr =	sadd.s32 s0, s3;
	s0 =	sld [smem:$0x3F96]  }
0x30: {  	s3 =	sld [smem:$0x3F99]  }
0x31: {  	[smem:$0x3FA2] =	sst s10  }
0x32: {  	s10 =	sld [smem:$0x3FA0];
	_ =	sdelay $0x3  }
0x33: {  	p0 =	seq.s32 s10, $0x1;
	s10 =	sld [smem:$0x3FA2];
	_ =	sdelay $0x3  }
0x34: {  	[smem:$0x3FA2] =	sst s10  }
0x35: {  	s10 =	sld [smem:$0x3FA1];
	_ =	sdelay $0x3  }
0x36: {  	p1 =	seq.s32 s10, $0x1;
	s10 =	sld [smem:$0x3FA2];
	_ =	sdelay $0x3  }
0x37: {  	[smem:$0x3FA2] =	sst s10  }
0x38: {  	s10 =	sld [smem:$0x3FA3]  }
0x39: {  	_ = 	snop;
	(pc) =	sbr.ind lr, $3  }
0x3a: {  	_ = 	snop  }
0x3b: {  	_ = 	snop  }
0x3c: {  	p2 =	seq.s32 s10, $0x1;
	s10 =	sld [smem:$0x3FA2]  }
0x3d: {  	_ =	shalt  }
0x3e: {  	_ =	shalt  }
0x3f: {  	_ =	shalt  }
0x40: {  	_ =	shalt  }
0x41: {  	_ =	shalt  }
0x42: {  	_ =	shalt  }
0x43: {  	_ =	shalt  }
0x44: {  	_ =	shalt  }
0x45: {  	_ =	shalt  }
0x46: {  	_ =	shalt  }
0x47: {  	_ =	shalt  }
0x48: {  	_ =	shalt  }
0x49: {  	_ =	shalt  }
0x4a: {  	_ =	shalt  }
0x4b: {  	_ =	shalt  }
0x4c: {  	_ =	shalt  }
0x4d: {  	_ =	shalt  }
0x4e: {  	_ =	shalt  }
0x4f: {  	_ =	shalt  }
0x50: {  	_ =	shalt  }
0x51: {  	_ =	shalt  }
0x52: {  	_ =	shalt  }
0x53: {  	_ =	shalt  }
0x54: {  	_ =	shalt  }
0x55: {  	_ =	shalt  }
0x56: {  	_ =	shalt  }
0x57: {  	_ =	shalt  }
0x58: {  	_ =	shalt  }
0x59: {  	_ =	shalt  }
0x5a: {  	_ =	shalt  }
0x5b: {  	_ =	shalt  }
0x5c: {  	_ =	shalt  }
0x5d: {  	_ =	shalt  }
0x5e: {  	_ =	shalt  }
0x5f: {  	_ =	shalt  }
0x60: {  	_ =	shalt  }
0x61: {  	_ =	shalt  }
0x62: {  	_ =	shalt  }
0x63: {  	_ =	shalt  }
0x64: {  	_ =	shalt  }
0x65: {  	_ =	shalt  }
0x66: {  	_ =	shalt  }
0x67: {  	_ =	shalt  }
0x68: {  	_ =	shalt  }
0x69: {  	_ =	shalt  }
0x6a: {  	_ =	shalt  }
0x6b: {  	_ =	shalt  }
0x6c: {  	_ =	shalt  }
0x6d: {  	_ =	shalt  }
0x6e: {  	_ =	shalt  }
0x6f: {  	_ =	shalt  }
0x70: {  	_ =	shalt  }
0x71: {  	_ =	shalt  }
0x72: {  	_ =	shalt  }
0x73: {  	_ =	shalt  }
0x74: {  	_ =	shalt  }
0x75: {  	_ =	shalt  }
0x76: {  	_ =	shalt  }
0x77: {  	_ =	shalt  }
0x78: {  	_ =	shalt  }
0x79: {  	_ =	shalt  }
0x7a: {  	_ =	shalt  }
0x7b: {  	_ =	shalt  }
0x7c: {  	_ =	shalt  }
0x7d: {  	_ =	shalt  }
0x7e: {  	_ =	shalt  }
0x7f: {  	_ =	shalt  }
0x80: {  	_ =	shalt  }
0x81: {  	_ =	shalt  }
0x82: {  	_ =	shalt  }
0x83: {  	_ =	shalt  }
0x84: {  	_ =	shalt  }
0x85: {  	_ =	shalt  }
0x86: {  	_ =	shalt  }
0x87: {  	_ =	shalt  }
.Lfunc_end0:
.L_simem_size_0:
called_computation.2_lowered:
.L_overlay_start_0:
0x88: {  	s2 =	sld [smem:$0x3FD9]  }
0x89: {  	s3 =	sld [smem:$0x3FFE];
	_ =	sdelay $0x1  }
0x8a: {  	s1 =	srdreg.scid  }
0x8b: {  	s0 =	sand.u32 $0x1, s1  }
0x8c: {  	s16 =	sshll.u32 s0, $0xA;
	s2 =	sadd.s32 s3, s2  }
0x8d: {  	s2 =	sadd.s32 s2, s16  }
0x8e: {  	[smem:$0x3FAE] =	sst s2  }
0x8f: {  	_ = 	snop  }
0x90: {  	(tm) =	ssettm $0x1  }
0x91: {  	s17 =	sld [smem:$0x3FFB];
	_ =	sdelay $0x3  }
0x92: {  	_ =	strace s17  }
0x93: {  	s2 =	sld [smem:$0x3FFC];
	_ =	sdelay $0x3  }
0x94: {  	_ =	strace s2  }
0x95: {  	s2 =	sld [smem:$0x3FFD];
	_ =	sdelay $0x3  }
0x96: {  	_ =	strace s2  }
0x97: {  	_ =	strace $0x8FFFFFFF  }
0x98: {  	s18 =	sld [smem:$0x3FDB];
	_ =	sdelay $0x1  }
0x99: {  	s19 =	simm.s32 $_scs_section_size  }
0x9a: {  	s4 =	simm.s32 $_size__tile_overlayer_lowered;
	s5 =	simm.s32 $_tile_overlayer_lowered  }
0x9b: {  	s22 =	simm.s32 $0x1BFF;
	s21 =	sshll.u32 s5, $0x1;
	s2 =	sadd.s32 s19, s18  }
0x9c: {  	s6 =	simm.s32 $0x0;
	s20 =	sshll.u32 s4, $0x1;
	s4 =	sadd.s32 s21, s2  }
0x9d: {  	[timem:s6], [sflag:s22] =	dma.local [hbm:s4], s20  }
0x9e: {  	_ =	swait.ge [sflag:s22], s20  }
0x9f: {  	s3 =	ssub.s32 $0x0, s20;
	[sflag:s22] =	ssyncset.done $0x0  }
0xa0: {  	[sflag:s22] =	ssyncadd.s32 s3;
	_ =	sdelay $0x1  }
0xa1: {  	s23 =	simm.s32 $0x1B8B  }
0xa2: {  	_ =	swait.ge [sflag:s23], $0x1  }
0xa3: {  	[sflag:s23] =	ssyncset.done $0x0  }
0xa4: {  	s25 =	simm.s32 $0x1B8E;
	s24 =	sld [smem:$0x3FFE];
	[sflag:s23] =	ssyncadd.s32 $0xFFFFFFFF  }
0xa5: {  	s26 =	simm.s32 $execute0_lowered;
	[smem:$0x3FD2] =	sst s25  }
0xa6: {  	s4 =	sshll.u32 s26, $0x1;
	_ =	strace $0x8000004C;
	[dreg:$0x1] =	wrdreg $0xFFFFFFFF  }
0xa7: {  	s28 =	simm.s32 $_size_execute0_lowered;
	s2 =	sadd.s32 s2, s4;
	[dreg:$0x0] =	wrdreg $0x0  }
0xa8: {  	s4 =	sshll.u32 s28, $0x1;
	[dreg:$0x2] =	wrdreg s2  }
0xa9: {  	[dreg:$0x3] =	wrdreg s4  }
0xaa: {  	[dreg:$0x4] =	wrdreg $0xC0  }
0xab: {  	_ =	task [dreg:s6], $0x5FFFF  }
0xac: {  	[dreg:$0x1] =	wrdreg $0xFFFFFFFF  }
0xad: {  	[dreg:$0x0] =	wrdreg $0x60  }
0xae: {  	[dreg:$0x2] =	wrdreg s24  }
0xaf: {  	[dreg:$0x3] =	wrdreg $0x9  }
0xb0: {  	_ =	task.clear_ibuf [dreg:s6], $0x4FFFF;
	_ =	strace $0x9000004C  }
0xb1: {  	s29 =	simm.s32 $0x9;
	_ =	strace $0x8000004E  }
0xb2: {  	_ =	swait.ge [sflag:s29], $0x1  }
0xb3: {  	[sflag:s29] =	ssyncadd.s32 $0xFFFFFFFF  }
0xb4: {  	_ =	strace $0x9000004E  }
0xb5: {  	_ =	sfence  }
0xb6: {  	s30 =	sld [smem:$0x0];
	_ =	sdelay $0x2  }
0xb7: {  	s31 =	sshll.u32 s1, $0xD;
	s1 =	sshrl.u32 s1, $0x2  }
0xb8: {  	s3 =	sand.u32 $0x4000, s31;
	s1 =	sadd.s32 s1, s30  }
0xb9: {  	s0 =	sor.u32 s3, s0;
	s1 =	sshll.u32 s1, $0x11  }
0xba: {  	s0 =	sor.u32 s1, s0  }
0xbb: {  	s0 =	sadd.s32 $0x8F2B, s0  }
0xbc: {  	[sflag:s0] =	ssyncadd.remote.s32 $0x1  }
0xbd: {  	_ =	sfence.sel $0xFFFF  }
0xbe: {  	[dreg:$0x0] =	wrdreg $0xFFFFFFFF;
	(pc) =	sbr.abs _section_cstart, $3  }
0xbf: {  	[dreg:$0x1] =	wrdreg $0xFFFFFFFF  }
0xc0: {  	_ =	task.clear_ibuf [dreg:s6], $0x2FFFF;
	_ =	strace $0x9FFFFFFF  }
0xc1: {  	(tm) =	ssettm $0x7FFFFFFF  }
tec
execute0_lowered:
.L_overlay_start_1:
0x0: {  	(tag) =	ssettag $0x1  }
0x1: {  	s4 =	rddreg [dreg:$0x0]  }
0x2: {  	s0 =	rddreg [dreg:$0x1];
	s2 =	simm.s32 $0x0;
	s1 =	stileid.u32  }
0x3: {  	s3 =	srdreg.scid;
	s10 =	simm.s32 $0x0;
	s6 =	smul.u32 $0x5000, s1  }
0x4: {  	[smem:$0x7FF] =	sst s2;
	s5 =	sand.u32 $0x1, s3;
	s8 =	smul.u32 $0x28000, s1  }
0x5: {  	s3 =	sadd.s32 $0x87400, s4;
	s7 =	smul.u32 $0x2800, s5;
	s9 =	ssub.s32 $0x2, s5  }
0x6: {  	_ =	strace $0x8000004D;
	s5 =	smul.u32 $0x14000, s5;
	s31 =	sshrl.u32 s9, $0x1  }
0x7: {  	s8 =	sadd.s32 s8, s4;
	s6 =	sadd.s32 s7, s6;
	s7 =	ssub.s32 s9, s31  }
0x8: {  	s5 =	sadd.s32 s5, s8;
	s8 =	simm.s32 $0x80;
	s6 =	sshrl.u32 s6, $0x3  }
0x9: {  	s9 =	simm.s32 $0x1;
	s5 =	sadd.s32 $0xB1400, s5;
	s6 =	sadd.s32 s6, s4  }
0xa: {  	s4 =	smax.u32 s7, $0x1;
	s7 =	simm.s32 $0x2;
	s6 =	sadd.s32 $0xA7400, s6  }
.LBB2_1:
0xb: {  	s11 =	sadd.s32 $0x0, s6  }
0xc: {  	[tilespmem:s2], [sflag:$0x2] =	stream.linear.gather [hbm4b:s11+s2], $0x80, $0x38;
	[tilespmem:$0x2080] =	vst v63  }
0xd: {  	_ =	swait.ge [sflag:s7], $0x80  }
0xe: {  	[sflag:s7] =	ssyncset.done $0x0  }
0xf: {  	[sflag:s7] =	ssyncadd.s32 $0xFFFFFF80  }
0x10: {  	[tilespmem:s8], [sflag:$0x1] =	stream.indirect.gather [hbm4b:s3+s8], $0x40, s2, s8, $0xb8;
	[tilespmem:$0x2080] =	vst v63  }
0x11: {  	_ =	swait.ge [sflag:s9], $0x2000  }
0x12: {  	[sflag:s9] =	ssyncset.done $0x0  }
0x13: {  	[sflag:s9] =	ssyncadd.s32 $0xFFFFE000  }
0x14: {  	[hbm4b:s5+s2] =	stream.linear.scatter [tilespmem:s8], [sflag:$0x2], $0x2000, $0x38;
	[tilespmem:$0x2080] =	vst v63  }
0x15: {  	s12 =	simm.s32 $0x10;
	_ =	swait.ge [sflag:s7], $0x2000  }
0x16: {  	s13 =	simm.s32 $0x20;
	s11 =	sadd.s32 $0x400, s5;
	[sflag:s7] =	ssyncset.done $0x0  }
.LBB2_2:
0x17: {  	s14 =	sadd.s32 s12, s6  }
0x18: {  	[sflag:s7] =	ssyncadd.s32 $0xFFFFE000;
	s12 =	smov.u32 s13;
	s15 =	sadd.s32 $0x10, s13  }
0x19: {  	[tilespmem:s2], [sflag:$0x2] =	stream.linear.gather [hbm4b:s14+s2], $0x80, $0x38;
	[tilespmem:$0x2080] =	vst v63  }
0x1a: {  	p0 =	sne.s32 s13, $0x4F0;
	_ =	swait.ge [sflag:s7], $0x80  }
0x1b: {  	[sflag:s7] =	ssyncset.done $0x0  }
0x1c: {  	[sflag:s7] =	ssyncadd.s32 $0xFFFFFF80  }
0x1d: {  	[tilespmem:s8], [sflag:$0x1] =	stream.indirect.gather [hbm4b:s3+s8], $0x40, s2, s8, $0xb8;
	[tilespmem:$0x2080] =	vst v63  }
0x1e: {  	_ =	swait.ge [sflag:s9], $0x2000  }
.Ltmp0:
0x1f: {  	[sflag:s9] =	ssyncset.done $0x0;
	(pc) =	sbr.rel @p0 .LBB2_2-.Ltmp0, $4  }
0x20: {  	[sflag:s9] =	ssyncadd.s32 $0xFFFFE000  }
0x21: {  	[hbm4b:s11+s2] =	stream.linear.scatter [tilespmem:s8], [sflag:$0x2], $0x2000, $0x38;
	[tilespmem:$0x2080] =	vst v63  }
0x22: {  	_ =	swait.ge [sflag:s7], $0x2000  }
0x23: {  	s13 =	smov.u32 s15;
	s11 =	sadd.s32 $0x400, s11;
	[sflag:s7] =	ssyncset.done $0x0  }
0x24: {  	s12 =	sadd.s32 s12, s6;
	[sflag:s7] =	ssyncadd.s32 $0xFFFFE000  }
0x25: {  	[tilespmem:s2], [sflag:$0x2] =	stream.linear.gather [hbm4b:s12+s2], $0x80, $0x38;
	[tilespmem:$0x2080] =	vst v63  }
0x26: {  	_ =	swait.ge [sflag:s7], $0x80  }
0x27: {  	[sflag:s7] =	ssyncset.done $0x0  }
0x28: {  	[sflag:s7] =	ssyncadd.s32 $0xFFFFFF80  }
0x29: {  	[tilespmem:s8], [sflag:$0x1] =	stream.indirect.gather [hbm4b:s3+s8], $0x40, s2, s8, $0xb8;
	[tilespmem:$0x2080] =	vst v63  }
0x2a: {  	s10 =	sadd.s32 $0x1, s10;
	_ =	swait.ge [sflag:s9], $0x2000  }
0x2b: {  	p0 =	sne.s32 s10, s4;
	[sflag:s9] =	ssyncset.done $0x0  }
.Ltmp1:
0x2c: {  	[sflag:s9] =	ssyncadd.s32 $0xFFFFE000;
	(pc) =	sbr.rel @p0 .LBB2_1-.Ltmp1, $4  }
0x2d: {  	[hbm4b:s11+s2] =	stream.linear.scatter [tilespmem:s8], [sflag:$0x2], $0x2000, $0x38;
	[tilespmem:$0x2080] =	vst v63  }
0x2e: {  	_ =	swait.ge [sflag:s7], $0x2000  }
0x2f: {  	[sflag:s7] =	ssyncset.done $0x0  }
0x30: {  	[sflag:s7] =	ssyncadd.s32 $0xFFFFE000  }
0x31: {  	_ =	sfence.sel $0x180000  }
0x32: {  	[bflag:$0x0] =	sbarrier.arrive $0xFFFF  }
0x33: {  	p0 =	sne.s32 s1, $0x0;
	_ =	strace $0x9000004D  }
0x34: {  	s0 =	sadd.s32 @!p0 $0x100000, s0;
	[bflag:$0x2] =	sbarrier.arrive $0xFFFF  }
0x35: {  	[sflag:s0] =	ssyncadd.tile.s32 @!p0 $0x1;
	_ =	shalt  }
.Lfunc_end2:
_tile_overlayer_lowered:
.L_overlay_start_2:
0x36: {  	(tag) =	ssettag $0x2  }
0x37: {  	s0 =	rddreg [dreg:$0x0];
	s2 =	stileid.u32  }
0x38: {  	s1 =	rddreg [dreg:$0x1];
	p0 =	sne.s32 s2, $0x0  }
0x39: {  	s3 =	rddreg [dreg:$0x2];
	[bflag:$0x3] =	sbarrier.arrive $0xFFFF;
	s2 =	simm.s32 @!p0 $0x1C02  }
0x3a: {  	[timem:s3], [sflag:s2] =	dma.local @!p0 [hbm:s0], s1  }
0x3b: {  	s0 =	simm.s32 @!p0 $0x2  }
0x3c: {  	_ =	swait.ge @!p0 [sflag:s0], s1  }
0x3d: {  	s1 =	ssub.s32 @!p0 $0x0, s1;
	[sflag:s0] =	ssyncset.done @!p0 $0x0  }
0x3e: {  	[sflag:s0] =	ssyncadd.s32 @!p0 s1  }
0x3f: {  	[bflag:$0x3] =	sbarrier.arrive $0xFFFF  }
0x40: {  	_ =	shalt  }

</sc_bundles>
